<compile_context>
chip_gen: v7x
topology: tpu7x:2x2x1
jax: 0.10.2.dev20260603
libtpu: 0.0.44.dev20260713+nightly
codegen_flags: <defaults>
</compile_context>

<pallas_src>
import jax
import jax.numpy as jnp
from jax import lax
from jax.experimental import pallas as pl
from jax.experimental.pallas import tpu as pltpu
from jax.experimental.pallas import tpu_sc as plsc

NUM_USERS = 10000
NUM_ITEMS = 40000
N = NUM_USERS + NUM_ITEMS
EMB = 64
E = 800000

W = 16
NACC = 50048
TS = 3128
TS_LAST = N - 15 * TS
OUTW = 160
EPAD = 819200
ER = EPAD // 128
ROWS_TILE = ER // 16
CH = 16
NCH = ROWS_TILE // CH
BE = 512
GB = CH * 128 // BE
DEG_CH = 8
DEG_ROWS_TILE = (ER // 2) // 16
DEG_NCH = DEG_ROWS_TILE // DEG_CH
NBUF = 3


def _sc_scatter(xin, srcf, dstf, zrows, ones, out,
                src_v, dst_v, r0_v, r1_v, r2_v, table, acc,
                gsem, ssem):
    c = lax.axis_index("c")
    s = lax.axis_index("s")
    rows = [r0_v, r1_v, r2_v]

    def per_tile_rows(body_fn):
        @pl.when(s < 15)
        def _():
            body_fn(s * TS, TS)

        @pl.when(s == 15)
        def _():
            body_fn(15 * TS, TS_LAST)

    def zero_acc():
        def body(r0, n):
            pltpu.sync_copy(zrows.at[pl.ds(0, n)], acc.at[pl.ds(r0, n)])
        per_tile_rows(body)

    def readback(col):
        def body(r0, n):
            pltpu.sync_copy(acc.at[pl.ds(r0, n)],
                            out.at[pl.ds(r0, n), pl.ds(col, W)])
        per_tile_rows(body)

    def edge_loop(gather):
        base = lax.axis_index("s") * ROWS_TILE

        def body(i, carry):
            e0 = (base + i * CH) * 128
            if gather:
                pltpu.sync_copy(srcf.at[pl.ds(e0, CH * 128)], src_v)
            pltpu.sync_copy(dstf.at[pl.ds(e0, CH * 128)], dst_v)
            g = {}
            sc = {}

            def fire_scatter(b):
                if gather:
                    g[b].wait()
                src_buf = rows[b % NBUF] if gather else r0_v
                sc[b] = pltpu.async_copy(
                    src_buf,
                    acc.at[dst_v.at[pl.ds(b * BE, BE)]], ssem, add=True)

            for b in range(GB):
                if gather:
                    if b >= NBUF:
                        sc[b - NBUF].wait()
                    g[b] = pltpu.async_copy(
                        table.at[src_v.at[pl.ds(b * BE, BE)]],
                        rows[b % NBUF], gsem)
                    if b >= 1:
                        fire_scatter(b - 1)
                else:
                    fire_scatter(b)
            if gather:
                fire_scatter(GB - 1)
                for b in range(max(GB - NBUF, 0), GB):
                    sc[b].wait()
            else:
                for b in range(GB):
                    sc[b].wait()
            return carry

        return body

    def chunk_pass(k):
        def stage(r0, n):
            pltpu.sync_copy(xin.at[pl.ds(r0, n), pl.ds(k * W, W)],
                            table.at[pl.ds(r0, n)])
        per_tile_rows(stage)
        zero_acc()
        plsc.subcore_barrier()
        lax.fori_loop(0, NCH, edge_loop(True), 0)
        plsc.subcore_barrier()
        readback(k * W)

    def deg_pass(col, lo):
        zero_acc()
        pltpu.sync_copy(ones, r0_v)
        plsc.subcore_barrier()
        base = lo + s * DEG_ROWS_TILE

        def body(i, carry):
            e0 = (base + i * DEG_CH) * 128
            pltpu.sync_copy(dstf.at[pl.ds(e0, DEG_CH * 128)],
                            dst_v.at[pl.ds(0, DEG_CH * 128)])
            sc = [pltpu.async_copy(
                      r0_v,
                      acc.at[dst_v.at[pl.ds(b * BE, BE)]], ssem, add=True)
                  for b in range(DEG_CH * 128 // BE)]
            for cp in sc:
                cp.wait()
            return carry

        lax.fori_loop(0, DEG_NCH, body, 0)
        plsc.subcore_barrier()
        readback(col)

    @pl.when(c == 0)
    def _():
        for k in range(4):
            chunk_pass(k)
        deg_pass(128, 0)

    @pl.when(c == 1)
    def _():
        for k in range(4, 8):
            chunk_pass(k)
        deg_pass(144, ER // 2)


def _sc_call(xin, srcf, dstf, zrows, ones):
    f32 = jnp.float32
    mesh = plsc.VectorSubcoreMesh(core_axis_name="c", subcore_axis_name="s")
    kern = pl.kernel(
        _sc_scatter,
        out_type=jax.ShapeDtypeStruct((N, OUTW), f32),
        mesh=mesh,
        compiler_params=pltpu.CompilerParams(use_tc_tiling_on_sc=False),
        scratch_types=[
            pltpu.VMEM((CH * 128,), jnp.int32),
            pltpu.VMEM((CH * 128,), jnp.int32),
            pltpu.VMEM((BE, W), f32),
            pltpu.VMEM((BE, W), f32),
            pltpu.VMEM((BE, W), f32),
            pltpu.VMEM_SHARED((NACC, W), f32),
            pltpu.VMEM_SHARED((NACC, W), f32),
            pltpu.SemaphoreType.DMA,
            pltpu.SemaphoreType.DMA,
        ],
    )
    return kern(xin, srcf, dstf, zrows, ones)


_BLK_I = 2000
_BLK_N = 2000


def _lrelu(x):
    return jnp.where(x >= 0, x, 0.01 * x)


_UB = NUM_USERS // _BLK_I


def _build_body(f0, f1, u0, u1, w0, b0, w1, b1, xin, pres):
    i = pl.program_id(0)

    @pl.when(i < _UB)
    def _():
        v0 = u0[...]
        v1 = u1[...]
        xin[...] = jnp.concatenate([v0, v1], axis=1)
        pres[0] = v0
        pres[1] = v1

    @pl.when(i >= _UB)
    def _():
        a0 = _lrelu(jnp.dot(f0[...], w0[...],
                            preferred_element_type=jnp.float32) + b0[...])
        a1 = _lrelu(jnp.dot(f1[...], w1[...],
                            preferred_element_type=jnp.float32) + b1[...])
        xin[...] = jnp.concatenate([a0, a1], axis=1)
        pres[0] = a0
        pres[1] = a1


def _build(feat0, feat1, upref0, upref1, W0, b0, W1, b1):
    D0 = feat0.shape[1]
    D1 = feat1.shape[1]
    grid = N // _BLK_I
    fspec0 = pl.BlockSpec((_BLK_I, D0),
                          lambda i: (jnp.maximum(i - _UB, 0), 0))
    fspec1 = pl.BlockSpec((_BLK_I, D1),
                          lambda i: (jnp.maximum(i - _UB, 0), 0))
    uspec = pl.BlockSpec((_BLK_I, EMB),
                         lambda i: (jnp.minimum(i, _UB - 1), 0))
    return pl.pallas_call(
        _build_body,
        grid=(grid,),
        in_specs=[
            fspec0, fspec1, uspec, uspec,
            pl.BlockSpec((D0, EMB), lambda i: (0, 0)),
            pl.BlockSpec((1, EMB), lambda i: (0, 0)),
            pl.BlockSpec((D1, EMB), lambda i: (0, 0)),
            pl.BlockSpec((1, EMB), lambda i: (0, 0)),
        ],
        out_specs=[
            pl.BlockSpec((_BLK_I, 2 * EMB), lambda i: (i, 0)),
            pl.BlockSpec((2, _BLK_I, EMB), lambda i: (0, i, 0)),
        ],
        out_shape=[
            jax.ShapeDtypeStruct((N, 2 * EMB), jnp.float32),
            jax.ShapeDtypeStruct((2, N, EMB), jnp.float32),
        ],
    )(feat0, feat1, upref0, upref1,
      W0, b0.reshape(1, EMB), W1, b1.reshape(1, EMB))


def _comb_body(ad, ne, wg0, wg1, wid, out):
    a = ad[...]
    deg = jnp.maximum(a[:, 128:129] + a[:, 144:145], 1.0)
    agg0 = a[:, 0:64] / deg
    agg1 = a[:, 64:128] / deg
    nev = ne[...]
    idp = jnp.dot(nev, wid[...], preferred_element_type=jnp.float32)
    h0 = _lrelu(jnp.dot(agg0, wg0[...], preferred_element_type=jnp.float32) + idp)
    h1 = _lrelu(jnp.dot(agg1, wg1[...], preferred_element_type=jnp.float32) + idp)
    out[...] = h0 + h1 + nev


def _combine(aggdeg, node_emb, Wg0, Wg1, Wid):
    grid = N // _BLK_N
    wspec = pl.BlockSpec((EMB, EMB), lambda i: (0, 0))
    return pl.pallas_call(
        _comb_body,
        grid=(grid,),
        in_specs=[pl.BlockSpec((_BLK_N, OUTW), lambda i: (i, 0)),
                  pl.BlockSpec((_BLK_N, EMB), lambda i: (i, 0)),
                  wspec, wspec, wspec],
        out_specs=pl.BlockSpec((_BLK_N, EMB), lambda i: (i, 0)),
        out_shape=jax.ShapeDtypeStruct((N, EMB), jnp.float32),
    )(aggdeg, node_emb, Wg0, Wg1, Wid)


def kernel(node_emb, feat0, feat1, user_pref0, user_pref1, edge_index,
           W_proj0, b_proj0, W_proj1, b_proj1, W_gcn0, W_gcn1, W_id):
    xin, pres = _build(feat0, feat1, user_pref0, user_pref1,
                       W_proj0, b_proj0, W_proj1, b_proj1)

    npad_e = EPAD - E
    src = jnp.concatenate([edge_index[0], jnp.zeros((npad_e,), jnp.int32)])
    dst = jnp.concatenate([edge_index[1],
                           jnp.full((npad_e,), N, jnp.int32)])

    zrows = jnp.zeros((TS, W), jnp.float32)
    ones = jnp.ones((BE, W), jnp.float32)

    aggdeg = _sc_call(xin, src, dst, zrows, ones)
    emb = _combine(aggdeg, node_emb, W_gcn0, W_gcn1, W_id)
    return emb[:NUM_USERS], emb[NUM_USERS:], node_emb, pres

# --- scband reference (transcript-rebuilt; emitter-appended) ---
"""Pipeline reference for scband-mmgcn-rec-15161234555492 (READ-ONLY COPY).

The authoritative reference and input builder live on the scoring server;
editing this copy changes nothing except your own understanding.
"""

import jax, jax.numpy as jnp
import numpy as np

NUM_USERS = 10000
NUM_ITEMS = 40000
NUM_NODES = NUM_USERS + NUM_ITEMS
EMB = 64
DIM0 = 128
DIM1 = 128
E = 800000


def setup_inputs(seed: int = 0) -> dict:
    key = jax.random.key(seed)
    ks = jax.random.split(key, 14)
    inp = {}
    # id embeddings for all nodes (users + items)
    inp["node_emb"] = jax.random.normal(ks[0], (NUM_NODES, EMB), dtype=jnp.float32) * 0.1
    # modal item features (e.g. visual / textual)
    inp["feat0"] = jax.random.normal(ks[1], (NUM_ITEMS, DIM0), dtype=jnp.float32)
    inp["feat1"] = jax.random.normal(ks[2], (NUM_ITEMS, DIM1), dtype=jnp.float32)
    # per-modality user preference embeddings
    inp["user_pref0"] = jax.random.normal(ks[3], (NUM_USERS, EMB), dtype=jnp.float32) * 0.1
    inp["user_pref1"] = jax.random.normal(ks[4], (NUM_USERS, EMB), dtype=jnp.float32) * 0.1
    # bidirectional user-item interaction edges (already offset, as in build_graph)
    inp["edge_index"] = jax.random.randint(ks[5], (2, E), 0, NUM_NODES, dtype=jnp.int32)
    # learned parameters of Net_rec (per-modality projection + GCN combine + id transform)
    inp["W_proj0"] = jax.random.normal(ks[6], (DIM0, EMB), dtype=jnp.float32) / np.sqrt(DIM0)
    inp["b_proj0"] = jnp.zeros((EMB,), dtype=jnp.float32)
    inp["W_proj1"] = jax.random.normal(ks[7], (DIM1, EMB), dtype=jnp.float32) / np.sqrt(DIM1)
    inp["b_proj1"] = jnp.zeros((EMB,), dtype=jnp.float32)
    inp["W_gcn0"] = jax.random.normal(ks[8], (EMB, EMB), dtype=jnp.float32) / np.sqrt(EMB)
    inp["W_gcn1"] = jax.random.normal(ks[9], (EMB, EMB), dtype=jnp.float32) / np.sqrt(EMB)
    inp["W_id"] = jax.random.normal(ks[10], (EMB, EMB), dtype=jnp.float32) / np.sqrt(EMB)
    return inp


def reference(node_emb, feat0, feat1, user_pref0, user_pref1, edge_index,
              W_proj0, b_proj0, W_proj1, b_proj1, W_gcn0, W_gcn1, W_id):
    src = edge_index[0]
    dst = edge_index[1]
    # in-degree for mean aggregation
    deg = jax.ops.segment_sum(jnp.ones_like(dst, dtype=jnp.float32), dst,
                              num_segments=NUM_NODES)
    deg = jnp.clip(deg, 1.0, None)[:, None]
    id_proj = node_emb @ W_id
    modal_embs = []
    modal_pres = []
    for feat, upref, Wp, bp, Wg in (
        (feat0, user_pref0, W_proj0, b_proj0, W_gcn0),
        (feat1, user_pref1, W_proj1, b_proj1, W_gcn1),
    ):
        # project modal item features to embedding space
        p = jax.nn.leaky_relu(feat @ Wp + bp)
        # full-graph per-modality representation: users then items
        x = jnp.concatenate([upref, p], axis=0)  # [N, EMB]
        # message passing: gather by src, scatter-mean by dst
        msg = x[src]                              # gather  [E, EMB]
        agg = jax.ops.segment_sum(msg, dst, num_segments=NUM_NODES) / deg
        # combine aggregated neighborhood with id embedding
        h = jax.nn.leaky_relu(agg @ Wg + id_proj)
        modal_embs.append(h)
        modal_pres.append(x)
    emb = modal_embs[0] + modal_embs[1] + node_emb  # [N, EMB]
    pres = jnp.stack(modal_pres)                     # [2, N, EMB]
    user_embeddings = emb[:NUM_USERS]
    item_embeddings = emb[NUM_USERS:]
    return user_embeddings, item_embeddings, node_emb, pres

if __name__ == "__main__":
    import jax
    _d = setup_inputs()
    print(jax.jit(kernel)(*tuple(_d.values())))

</pallas_src>

<mosaic_0001>
#map = affine_map<(d0, d1) -> (0, 0)>
#map1 = affine_map<(d0, d1) -> (0)>
module attributes {stable_mosaic.version = 14 : i64} {
  func.func @_sc_scatter(%arg0: i32, %arg1: i32, %arg2: memref<50000x128xf32, #tpu.memory_space<hbm>>, %arg3: memref<819200xi32, #tpu.memory_space<hbm>>, %arg4: memref<819200xi32, #tpu.memory_space<hbm>>, %arg5: memref<3128x16xf32, #tpu.memory_space<hbm>>, %arg6: memref<512x16xf32, #tpu.memory_space<hbm>>, %arg7: memref<50000x160xf32, #tpu.memory_space<hbm>>, %arg8: memref<2048xi32, #tpu.memory_space<vmem>>, %arg9: memref<2048xi32, #tpu.memory_space<vmem>>, %arg10: memref<512x16xf32, #tpu.memory_space<vmem>>, %arg11: memref<512x16xf32, #tpu.memory_space<vmem>>, %arg12: memref<512x16xf32, #tpu.memory_space<vmem>>, %arg13: memref<50048x16xf32, #tpu.memory_space<vmem_shared>>, %arg14: memref<50048x16xf32, #tpu.memory_space<vmem_shared>>, %arg15: memref<!tpu.dma_semaphore, #tpu.memory_space<semaphore_mem>>, %arg16: memref<!tpu.dma_semaphore, #tpu.memory_space<semaphore_mem>>) attributes {dimension_semantics = [#tpu.dimension_semantics<core_parallel>, #tpu.dimension_semantics<subcore_parallel>], iteration_bounds = array<i64: 2, 16>, scalar_prefetch = 0 : i64, scratch_operands = 9 : i64, tpu.core_type = #tpu.core_type<sc_vector_subcore>, window_params = [{transform_indices = #map}, {transform_indices = #map1}, {transform_indices = #map1}, {transform_indices = #map}, {transform_indices = #map}, {transform_indices = #map}]} {
    %eq3A = arith.constant 0 : i32
    %eq3A_0 = arith.cmpi eq, %arg0, %eq3A : i32
    %convert_element_type3A = arith.extui %eq3A_0 : i1 to i32
    %cond3A = arith.constant 0 : i32
    %cond3A_1 = arith.cmpi ne, %convert_element_type3A, %cond3A : i32
    scf.if %cond3A_1 {
      %lt3A = arith.constant 15 : i32
      %lt3A_7 = arith.cmpi slt, %arg1, %lt3A : i32
      %convert_element_type3A_8 = arith.extui %lt3A_7 : i1 to i32
      %cond3A_9 = arith.constant 0 : i32
      %cond3A_10 = arith.cmpi ne, %convert_element_type3A_8, %cond3A_9 : i32
      scf.if %cond3A_10 {
        %mul3A_194 = arith.constant 3128 : i32
        %mul3A_195 = arith.muli %arg1, %mul3A_194 : i32
        "tpu.region"() ({
          %run_scoped3A = tpu.sem_alloc : memref<!tpu.dma_semaphore, #tpu.memory_space<semaphore_mem>>
          %dma_start3A = arith.constant 0 : i32
          %dma_start3A_196 = tpu.memref_slice %arg13[%mul3A_195, %dma_start3A] : memref<50048x16xf32, #tpu.memory_space<vmem_shared>> -> memref<3128x16xf32, #tpu.memory_space<vmem_shared>>
          %dma_start3A_197 = arith.constant 0 : i32
          %dma_start3A_198 = tpu.memref_slice %arg2[%mul3A_195, %dma_start3A_197] : memref<50000x128xf32, #tpu.memory_space<hbm>> -> memref<3128x16xf32, #tpu.memory_space<hbm>>
          tpu.enqueue_dma source(%dma_start3A_198 : memref<3128x16xf32, #tpu.memory_space<hbm>>) target(%dma_start3A_196 : memref<3128x16xf32, #tpu.memory_space<vmem_shared>>) target_semaphore(%run_scoped3A : memref<!tpu.dma_semaphore, #tpu.memory_space<semaphore_mem>>)
          %dma_wait3A = arith.constant 0 : i32
          %dma_wait3A_199 = tpu.memref_slice %arg13[%mul3A_195, %dma_wait3A] : memref<50048x16xf32, #tpu.memory_space<vmem_shared>> -> memref<3128x16xf32, #tpu.memory_space<vmem_shared>>
          %dma_wait3A_200 = arith.constant 0 : i32
          %dma_wait3A_201 = tpu.memref_slice %arg2[%mul3A_195, %dma_wait3A_200] : memref<50000x128xf32, #tpu.memory_space<hbm>> -> memref<3128x16xf32, #tpu.memory_space<hbm>>
          tpu.wait_dma2 semaphore(%run_scoped3A : memref<!tpu.dma_semaphore, #tpu.memory_space<semaphore_mem>>) src(%dma_wait3A_201 : memref<3128x16xf32, #tpu.memory_space<hbm>>) dst(%dma_wait3A_199 : memref<3128x16xf32, #tpu.memory_space<vmem_shared>>)
          tpu.yield
        }) : () -> ()
      } else {
      }
      %eq3A_11 = arith.constant 15 : i32
      %eq3A_12 = arith.cmpi eq, %arg1, %eq3A_11 : i32
      %convert_element_type3A_13 = arith.extui %eq3A_12 : i1 to i32
      %cond3A_14 = arith.constant 0 : i32
      %cond3A_15 = arith.cmpi ne, %convert_element_type3A_13, %cond3A_14 : i32
      scf.if %cond3A_15 {
        "tpu.region"() ({
          %run_scoped3A = tpu.sem_alloc : memref<!tpu.dma_semaphore, #tpu.memory_space<semaphore_mem>>
          %dma_start3A = arith.constant 46920 : i32
          %dma_start3A_194 = arith.constant 0 : i32
          %dma_start3A_195 = tpu.memref_slice %arg13[%dma_start3A, %dma_start3A_194] : memref<50048x16xf32, #tpu.memory_space<vmem_shared>> -> memref<3080x16xf32, #tpu.memory_space<vmem_shared>>
          %dma_start3A_196 = arith.constant 46920 : i32
          %dma_start3A_197 = arith.constant 0 : i32
          %dma_start3A_198 = tpu.memref_slice %arg2[%dma_start3A_196, %dma_start3A_197] : memref<50000x128xf32, #tpu.memory_space<hbm>> -> memref<3080x16xf32, #tpu.memory_space<hbm>>
          tpu.enqueue_dma source(%dma_start3A_198 : memref<3080x16xf32, #tpu.memory_space<hbm>>) target(%dma_start3A_195 : memref<3080x16xf32, #tpu.memory_space<vmem_shared>>) target_semaphore(%run_scoped3A : memref<!tpu.dma_semaphore, #tpu.memory_space<semaphore_mem>>)
          %dma_wait3A = arith.constant 46920 : i32
          %dma_wait3A_199 = arith.constant 0 : i32
          %dma_wait3A_200 = tpu.memref_slice %arg13[%dma_wait3A, %dma_wait3A_199] : memref<50048x16xf32, #tpu.memory_space<vmem_shared>> -> memref<3080x16xf32, #tpu.memory_space<vmem_shared>>
          %dma_wait3A_201 = arith.constant 46920 : i32
          %dma_wait3A_202 = arith.constant 0 : i32
          %dma_wait3A_203 = tpu.memref_slice %arg2[%dma_wait3A_201, %dma_wait3A_202] : memref<50000x128xf32, #tpu.memory_space<hbm>> -> memref<3080x16xf32, #tpu.memory_space<hbm>>
          tpu.wait_dma2 semaphore(%run_scoped3A : memref<!tpu.dma_semaphore, #tpu.memory_space<semaphore_mem>>) src(%dma_wait3A_203 : memref<3080x16xf32, #tpu.memory_space<hbm>>) dst(%dma_wait3A_200 : memref<3080x16xf32, #tpu.memory_space<vmem_shared>>)
          tpu.yield
        }) : () -> ()
      } else {
      }
      %lt3A_16 = arith.constant 15 : i32
      %lt3A_17 = arith.cmpi slt, %arg1, %lt3A_16 : i32
      %convert_element_type3A_18 = arith.extui %lt3A_17 : i1 to i32
      %cond3A_19 = arith.constant 0 : i32
      %cond3A_20 = arith.cmpi ne, %convert_element_type3A_18, %cond3A_19 : i32
      scf.if %cond3A_20 {
        %mul3A_194 = arith.constant 3128 : i32
        %mul3A_195 = arith.muli %arg1, %mul3A_194 : i32
        "tpu.region"() ({
          %run_scoped3A = tpu.sem_alloc : memref<!tpu.dma_semaphore, #tpu.memory_space<semaphore_mem>>
          %dma_start3A = arith.constant 0 : i32
          %dma_start3A_196 = tpu.memref_slice %arg14[%mul3A_195, %dma_start3A] : memref<50048x16xf32, #tpu.memory_space<vmem_shared>> -> memref<3128x16xf32, #tpu.memory_space<vmem_shared>>
          %dma_start3A_197 = arith.constant 0 : i32
          %dma_start3A_198 = arith.constant 0 : i32
          %dma_start3A_199 = tpu.memref_slice %arg5[%dma_start3A_197, %dma_start3A_198] : memref<3128x16xf32, #tpu.memory_space<hbm>> -> memref<3128x16xf32, #tpu.memory_space<hbm>>
          tpu.enqueue_dma source(%dma_start3A_199 : memref<3128x16xf32, #tpu.memory_space<hbm>>) target(%dma_start3A_196 : memref<3128x16xf32, #tpu.memory_space<vmem_shared>>) target_semaphore(%run_scoped3A : memref<!tpu.dma_semaphore, #tpu.memory_space<semaphore_mem>>)
          %dma_wait3A = arith.constant 0 : i32
          %dma_wait3A_200 = tpu.memref_slice %arg14[%mul3A_195, %dma_wait3A] : memref<50048x16xf32, #tpu.memory_space<vmem_shared>> -> memref<3128x16xf32, #tpu.memory_space<vmem_shared>>
          %dma_wait3A_201 = arith.constant 0 : i32
          %dma_wait3A_202 = arith.constant 0 : i32
          %dma_wait3A_203 = tpu.memref_slice %arg5[%dma_wait3A_201, %dma_wait3A_202] : memref<3128x16xf32, #tpu.memory_space<hbm>> -> memref<3128x16xf32, #tpu.memory_space<hbm>>
          tpu.wait_dma2 semaphore(%run_scoped3A : memref<!tpu.dma_semaphore, #tpu.memory_space<semaphore_mem>>) src(%dma_wait3A_203 : memref<3128x16xf32, #tpu.memory_space<hbm>>) dst(%dma_wait3A_200 : memref<3128x16xf32, #tpu.memory_space<vmem_shared>>)
          tpu.yield
        }) : () -> ()
      } else {
      }
      %eq3A_21 = arith.constant 15 : i32
      %eq3A_22 = arith.cmpi eq, %arg1, %eq3A_21 : i32
      %convert_element_type3A_23 = arith.extui %eq3A_22 : i1 to i32
      %cond3A_24 = arith.constant 0 : i32
      %cond3A_25 = arith.cmpi ne, %convert_element_type3A_23, %cond3A_24 : i32
      scf.if %cond3A_25 {
        "tpu.region"() ({
          %run_scoped3A = tpu.sem_alloc : memref<!tpu.dma_semaphore, #tpu.memory_space<semaphore_mem>>
          %dma_start3A = arith.constant 46920 : i32
          %dma_start3A_194 = arith.constant 0 : i32
          %dma_start3A_195 = tpu.memref_slice %arg14[%dma_start3A, %dma_start3A_194] : memref<50048x16xf32, #tpu.memory_space<vmem_shared>> -> memref<3080x16xf32, #tpu.memory_space<vmem_shared>>
          %dma_start3A_196 = arith.constant 0 : i32
          %dma_start3A_197 = arith.constant 0 : i32
          %dma_start3A_198 = tpu.memref_slice %arg5[%dma_start3A_196, %dma_start3A_197] : memref<3128x16xf32, #tpu.memory_space<hbm>> -> memref<3080x16xf32, #tpu.memory_space<hbm>>
          tpu.enqueue_dma source(%dma_start3A_198 : memref<3080x16xf32, #tpu.memory_space<hbm>>) target(%dma_start3A_195 : memref<3080x16xf32, #tpu.memory_space<vmem_shared>>) target_semaphore(%run_scoped3A : memref<!tpu.dma_semaphore, #tpu.memory_space<semaphore_mem>>)
          %dma_wait3A = arith.constant 46920 : i32
          %dma_wait3A_199 = arith.constant 0 : i32
          %dma_wait3A_200 = tpu.memref_slice %arg14[%dma_wait3A, %dma_wait3A_199] : memref<50048x16xf32, #tpu.memory_space<vmem_shared>> -> memref<3080x16xf32, #tpu.memory_space<vmem_shared>>
          %dma_wait3A_201 = arith.constant 0 : i32
          %dma_wait3A_202 = arith.constant 0 : i32
          %dma_wait3A_203 = tpu.memref_slice %arg5[%dma_wait3A_201, %dma_wait3A_202] : memref<3128x16xf32, #tpu.memory_space<hbm>> -> memref<3080x16xf32, #tpu.memory_space<hbm>>
          tpu.wait_dma2 semaphore(%run_scoped3A : memref<!tpu.dma_semaphore, #tpu.memory_space<semaphore_mem>>) src(%dma_wait3A_203 : memref<3080x16xf32, #tpu.memory_space<hbm>>) dst(%dma_wait3A_200 : memref<3080x16xf32, #tpu.memory_space<vmem_shared>>)
          tpu.yield
        }) : () -> ()
      } else {
      }
      %barrier3A = arith.constant 0 : index
      tpu.barrier barrier_id(%barrier3A)
      %mul3A = arith.constant 400 : i32
      %mul3A_26 = arith.muli %arg1, %mul3A : i32
      %scan3A = arith.constant 0 : i32
      %scan3A_27 = arith.constant 0 : i32
      %scan3A_28 = arith.constant 25 : i32
      %scan3A_29 = arith.addi %scan3A_27, %scan3A_28 : i32
      %scan3A_30 = arith.constant 1 : i32
      scf.for %scan3A_194 = %scan3A_27 to %scan3A_29 step %scan3A_30  : i32 {
        %mul3A_195 = arith.constant 16 : i32
        %mul3A_196 = arith.muli %scan3A_194, %mul3A_195 : i32
        %add3A_197 = arith.addi %mul3A_26, %mul3A_196 : i32
        %mul3A_198 = arith.constant 128 : i32
        %mul3A_199 = arith.muli %add3A_197, %mul3A_198 : i32
        "tpu.region"() ({
          %run_scoped3A = tpu.sem_alloc : memref<!tpu.dma_semaphore, #tpu.memory_space<semaphore_mem>>
          %dma_start3A_278 = tpu.memref_slice %arg3[%mul3A_199] : memref<819200xi32, #tpu.memory_space<hbm>> -> memref<2048xi32, #tpu.memory_space<hbm>>
          %dma_start3A_279 = tpu.memref_slice %arg3[%mul3A_199] : memref<819200xi32, #tpu.memory_space<hbm>> -> memref<2048xi32, #tpu.memory_space<hbm>>
          tpu.enqueue_dma source(%dma_start3A_279 : memref<2048xi32, #tpu.memory_space<hbm>>) target(%arg8 : memref<2048xi32, #tpu.memory_space<vmem>>) target_semaphore(%run_scoped3A : memref<!tpu.dma_semaphore, #tpu.memory_space<semaphore_mem>>)
          %dma_wait3A_280 = tpu.memref_slice %arg3[%mul3A_199] : memref<819200xi32, #tpu.memory_space<hbm>> -> memref<2048xi32, #tpu.memory_space<hbm>>
          %dma_wait3A_281 = tpu.memref_slice %arg3[%mul3A_199] : memref<819200xi32, #tpu.memory_space<hbm>> -> memref<2048xi32, #tpu.memory_space<hbm>>
          tpu.wait_dma2 semaphore(%run_scoped3A : memref<!tpu.dma_semaphore, #tpu.memory_space<semaphore_mem>>) src(%dma_wait3A_281 : memref<2048xi32, #tpu.memory_space<hbm>>) dst(%arg8 : memref<2048xi32, #tpu.memory_space<vmem>>)
          tpu.yield
        }) : () -> ()
        "tpu.region"() ({
          %run_scoped3A = tpu.sem_alloc : memref<!tpu.dma_semaphore, #tpu.memory_space<semaphore_mem>>
          %dma_start3A_278 = tpu.memref_slice %arg4[%mul3A_199] : memref<819200xi32, #tpu.memory_space<hbm>> -> memref<2048xi32, #tpu.memory_space<hbm>>
          %dma_start3A_279 = tpu.memref_slice %arg4[%mul3A_199] : memref<819200xi32, #tpu.memory_space<hbm>> -> memref<2048xi32, #tpu.memory_space<hbm>>
          tpu.enqueue_dma source(%dma_start3A_279 : memref<2048xi32, #tpu.memory_space<hbm>>) target(%arg9 : memref<2048xi32, #tpu.memory_space<vmem>>) target_semaphore(%run_scoped3A : memref<!tpu.dma_semaphore, #tpu.memory_space<semaphore_mem>>)
          %dma_wait3A_280 = tpu.memref_slice %arg4[%mul3A_199] : memref<819200xi32, #tpu.memory_space<hbm>> -> memref<2048xi32, #tpu.memory_space<hbm>>
          %dma_wait3A_281 = tpu.memref_slice %arg4[%mul3A_199] : memref<819200xi32, #tpu.memory_space<hbm>> -> memref<2048xi32, #tpu.memory_space<hbm>>
          tpu.wait_dma2 semaphore(%run_scoped3A : memref<!tpu.dma_semaphore, #tpu.memory_space<semaphore_mem>>) src(%dma_wait3A_281 : memref<2048xi32, #tpu.memory_space<hbm>>) dst(%arg9 : memref<2048xi32, #tpu.memory_space<vmem>>)
          tpu.yield
        }) : () -> ()
        %dma_start3A = arith.constant 0 : i32
        %dma_start3A_200 = tpu.memref_slice %arg8[%dma_start3A] : memref<2048xi32, #tpu.memory_space<vmem>> -> memref<512xi32, #tpu.memory_space<vmem>>
        %dma_start3A_201 = arith.constant 0 : i32
        %dma_start3A_202 = arith.constant 0 : i32
        %dma_start3A_203 = tpu.memref_slice %arg13[%dma_start3A_201, %dma_start3A_202] : memref<50048x16xf32, #tpu.memory_space<vmem_shared>> -> memref<50048x16xf32, #tpu.memory_space<vmem_shared>>
        tpu.enqueue_indirect_dma source(%dma_start3A_203 : memref<50048x16xf32, #tpu.memory_space<vmem_shared>>) target(%arg10 : memref<512x16xf32, #tpu.memory_space<vmem>>) offsets(%dma_start3A_200 : memref<512xi32, #tpu.memory_space<vmem>>) semaphore(%arg15 : memref<!tpu.dma_semaphore, #tpu.memory_space<semaphore_mem>>)
        %dma_start3A_204 = arith.constant 512 : i32
        %dma_start3A_205 = tpu.memref_slice %arg8[%dma_start3A_204] : memref<2048xi32, #tpu.memory_space<vmem>> -> memref<512xi32, #tpu.memory_space<vmem>>
        %dma_start3A_206 = arith.constant 0 : i32
        %dma_start3A_207 = arith.constant 0 : i32
        %dma_start3A_208 = tpu.memref_slice %arg13[%dma_start3A_206, %dma_start3A_207] : memref<50048x16xf32, #tpu.memory_space<vmem_shared>> -> memref<50048x16xf32, #tpu.memory_space<vmem_shared>>
        tpu.enqueue_indirect_dma source(%dma_start3A_208 : memref<50048x16xf32, #tpu.memory_space<vmem_shared>>) target(%arg11 : memref<512x16xf32, #tpu.memory_space<vmem>>) offsets(%dma_start3A_205 : memref<512xi32, #tpu.memory_space<vmem>>) semaphore(%arg15 : memref<!tpu.dma_semaphore, #tpu.memory_space<semaphore_mem>>)
        %dma_wait3A = arith.constant 0 : i32
        %dma_wait3A_209 = tpu.memref_slice %arg8[%dma_wait3A] : memref<2048xi32, #tpu.memory_space<vmem>> -> memref<512xi32, #tpu.memory_space<vmem>>
        %dma_wait3A_210 = arith.constant 0 : i32
        %dma_wait3A_211 = arith.constant 0 : i32
        %dma_wait3A_212 = tpu.memref_slice %arg13[%dma_wait3A_210, %dma_wait3A_211] : memref<50048x16xf32, #tpu.memory_space<vmem_shared>> -> memref<50048x16xf32, #tpu.memory_space<vmem_shared>>
        tpu.wait_indirect_dma semaphore(%arg15 : memref<!tpu.dma_semaphore, #tpu.memory_space<semaphore_mem>>) src(%dma_wait3A_212 : memref<50048x16xf32, #tpu.memory_space<vmem_shared>>) dst(%arg10 : memref<512x16xf32, #tpu.memory_space<vmem>>)
        %dma_start3A_213 = arith.constant 0 : i32
        %dma_start3A_214 = tpu.memref_slice %arg9[%dma_start3A_213] : memref<2048xi32, #tpu.memory_space<vmem>> -> memref<512xi32, #tpu.memory_space<vmem>>
        %dma_start3A_215 = arith.constant 0 : i32
        %dma_start3A_216 = arith.constant 0 : i32
        %dma_start3A_217 = tpu.memref_slice %arg14[%dma_start3A_215, %dma_start3A_216] : memref<50048x16xf32, #tpu.memory_space<vmem_shared>> -> memref<50048x16xf32, #tpu.memory_space<vmem_shared>>
        tpu.enqueue_indirect_dma source(%arg10 : memref<512x16xf32, #tpu.memory_space<vmem>>) target(%dma_start3A_217 : memref<50048x16xf32, #tpu.memory_space<vmem_shared>>) offsets(%dma_start3A_214 : memref<512xi32, #tpu.memory_space<vmem>>) semaphore(%arg16 : memref<!tpu.dma_semaphore, #tpu.memory_space<semaphore_mem>>) {add = true}
        %dma_start3A_218 = arith.constant 1024 : i32
        %dma_start3A_219 = tpu.memref_slice %arg8[%dma_start3A_218] : memref<2048xi32, #tpu.memory_space<vmem>> -> memref<512xi32, #tpu.memory_space<vmem>>
        %dma_start3A_220 = arith.constant 0 : i32
        %dma_start3A_221 = arith.constant 0 : i32
        %dma_start3A_222 = tpu.memref_slice %arg13[%dma_start3A_220, %dma_start3A_221] : memref<50048x16xf32, #tpu.memory_space<vmem_shared>> -> memref<50048x16xf32, #tpu.memory_space<vmem_shared>>
        tpu.enqueue_indirect_dma source(%dma_start3A_222 : memref<50048x16xf32, #tpu.memory_space<vmem_shared>>) target(%arg12 : memref<512x16xf32, #tpu.memory_space<vmem>>) offsets(%dma_start3A_219 : memref<512xi32, #tpu.memory_space<vmem>>) semaphore(%arg15 : memref<!tpu.dma_semaphore, #tpu.memory_space<semaphore_mem>>)
        %dma_wait3A_223 = arith.constant 512 : i32
        %dma_wait3A_224 = tpu.memref_slice %arg8[%dma_wait3A_223] : memref<2048xi32, #tpu.memory_space<vmem>> -> memref<512xi32, #tpu.memory_space<vmem>>
        %dma_wait3A_225 = arith.constant 0 : i32
        %dma_wait3A_226 = arith.constant 0 : i32
        %dma_wait3A_227 = tpu.memref_slice %arg13[%dma_wait3A_225, %dma_wait3A_226] : memref<50048x16xf32, #tpu.memory_space<vmem_shared>> -> memref<50048x16xf32, #tpu.memory_space<vmem_shared>>
        tpu.wait_indirect_dma semaphore(%arg15 : memref<!tpu.dma_semaphore, #tpu.memory_space<semaphore_mem>>) src(%dma_wait3A_227 : memref<50048x16xf32, #tpu.memory_space<vmem_shared>>) dst(%arg11 : memref<512x16xf32, #tpu.memory_space<vmem>>)
        %dma_start3A_228 = arith.constant 512 : i32
        %dma_start3A_229 = tpu.memref_slice %arg9[%dma_start3A_228] : memref<2048xi32, #tpu.memory_space<vmem>> -> memref<512xi32, #tpu.memory_space<vmem>>
        %dma_start3A_230 = arith.constant 0 : i32
        %dma_start3A_231 = arith.constant 0 : i32
        %dma_start3A_232 = tpu.memref_slice %arg14[%dma_start3A_230, %dma_start3A_231] : memref<50048x16xf32, #tpu.memory_space<vmem_shared>> -> memref<50048x16xf32, #tpu.memory_space<vmem_shared>>
        tpu.enqueue_indirect_dma source(%arg11 : memref<512x16xf32, #tpu.memory_space<vmem>>) target(%dma_start3A_232 : memref<50048x16xf32, #tpu.memory_space<vmem_shared>>) offsets(%dma_start3A_229 : memref<512xi32, #tpu.memory_space<vmem>>) semaphore(%arg16 : memref<!tpu.dma_semaphore, #tpu.memory_space<semaphore_mem>>) {add = true}
        %dma_wait3A_233 = arith.constant 0 : i32
        %dma_wait3A_234 = tpu.memref_slice %arg9[%dma_wait3A_233] : memref<2048xi32, #tpu.memory_space<vmem>> -> memref<512xi32, #tpu.memory_space<vmem>>
        %dma_wait3A_235 = arith.constant 0 : i32
        %dma_wait3A_236 = arith.constant 0 : i32
        %dma_wait3A_237 = tpu.memref_slice %arg14[%dma_wait3A_235, %dma_wait3A_236] : memref<50048x16xf32, #tpu.memory_space<vmem_shared>> -> memref<50048x16xf32, #tpu.memory_space<vmem_shared>>
        tpu.wait_indirect_dma semaphore(%arg16 : memref<!tpu.dma_semaphore, #tpu.memory_space<semaphore_mem>>) src(%arg10 : memref<512x16xf32, #tpu.memory_space<vmem>>) dst(%dma_wait3A_237 : memref<50048x16xf32, #tpu.memory_space<vmem_shared>>)
        %dma_start3A_238 = arith.constant 1536 : i32
        %dma_start3A_239 = tpu.memref_slice %arg8[%dma_start3A_238] : memref<2048xi32, #tpu.memory_space<vmem>> -> memref<512xi32, #tpu.memory_space<vmem>>
        %dma_start3A_240 = arith.constant 0 : i32
        %dma_start3A_241 = arith.constant 0 : i32
        %dma_start3A_242 = tpu.memref_slice %arg13[%dma_start3A_240, %dma_start3A_241] : memref<50048x16xf32, #tpu.memory_space<vmem_shared>> -> memref<50048x16xf32, #tpu.memory_space<vmem_shared>>
        tpu.enqueue_indirect_dma source(%dma_start3A_242 : memref<50048x16xf32, #tpu.memory_space<vmem_shared>>) target(%arg10 : memref<512x16xf32, #tpu.memory_space<vmem>>) offsets(%dma_start3A_239 : memref<512xi32, #tpu.memory_space<vmem>>) semaphore(%arg15 : memref<!tpu.dma_semaphore, #tpu.memory_space<semaphore_mem>>)
        %dma_wait3A_243 = arith.constant 1024 : i32
        %dma_wait3A_244 = tpu.memref_slice %arg8[%dma_wait3A_243] : memref<2048xi32, #tpu.memory_space<vmem>> -> memref<512xi32, #tpu.memory_space<vmem>>
        %dma_wait3A_245 = arith.constant 0 : i32
        %dma_wait3A_246 = arith.constant 0 : i32
        %dma_wait3A_247 = tpu.memref_slice %arg13[%dma_wait3A_245, %dma_wait3A_246] : memref<50048x16xf32, #tpu.memory_space<vmem_shared>> -> memref<50048x16xf32, #tpu.memory_space<vmem_shared>>
        tpu.wait_indirect_dma semaphore(%arg15 : memref<!tpu.dma_semaphore, #tpu.memory_space<semaphore_mem>>) src(%dma_wait3A_247 : memref<50048x16xf32, #tpu.memory_space<vmem_shared>>) dst(%arg12 : memref<512x16xf32, #tpu.memory_space<vmem>>)
        %dma_start3A_248 = arith.constant 1024 : i32
        %dma_start3A_249 = tpu.memref_slice %arg9[%dma_start3A_248] : memref<2048xi32, #tpu.memory_space<vmem>> -> memref<512xi32, #tpu.memory_space<vmem>>
        %dma_start3A_250 = arith.constant 0 : i32
        %dma_start3A_251 = arith.constant 0 : i32
        %dma_start3A_252 = tpu.memref_slice %arg14[%dma_start3A_250, %dma_start3A_251] : memref<50048x16xf32, #tpu.memory_space<vmem_shared>> -> memref<50048x16xf32, #tpu.memory_space<vmem_shared>>
        tpu.enqueue_indirect_dma source(%arg12 : memref<512x16xf32, #tpu.memory_space<vmem>>) target(%dma_start3A_252 : memref<50048x16xf32, #tpu.memory_space<vmem_shared>>) offsets(%dma_start3A_249 : memref<512xi32, #tpu.memory_space<vmem>>) semaphore(%arg16 : memref<!tpu.dma_semaphore, #tpu.memory_space<semaphore_mem>>) {add = true}
        %dma_wait3A_253 = arith.constant 1536 : i32
        %dma_wait3A_254 = tpu.memref_slice %arg8[%dma_wait3A_253] : memref<2048xi32, #tpu.memory_space<vmem>> -> memref<512xi32, #tpu.memory_space<vmem>>
        %dma_wait3A_255 = arith.constant 0 : i32
        %dma_wait3A_256 = arith.constant 0 : i32
        %dma_wait3A_257 = tpu.memref_slice %arg13[%dma_wait3A_255, %dma_wait3A_256] : memref<50048x16xf32, #tpu.memory_space<vmem_shared>> -> memref<50048x16xf32, #tpu.memory_space<vmem_shared>>
        tpu.wait_indirect_dma semaphore(%arg15 : memref<!tpu.dma_semaphore, #tpu.memory_space<semaphore_mem>>) src(%dma_wait3A_257 : memref<50048x16xf32, #tpu.memory_space<vmem_shared>>) dst(%arg10 : memref<512x16xf32, #tpu.memory_space<vmem>>)
        %dma_start3A_258 = arith.constant 1536 : i32
        %dma_start3A_259 = tpu.memref_slice %arg9[%dma_start3A_258] : memref<2048xi32, #tpu.memory_space<vmem>> -> memref<512xi32, #tpu.memory_space<vmem>>
        %dma_start3A_260 = arith.constant 0 : i32
        %dma_start3A_261 = arith.constant 0 : i32
        %dma_start3A_262 = tpu.memref_slice %arg14[%dma_start3A_260, %dma_start3A_261] : memref<50048x16xf32, #tpu.memory_space<vmem_shared>> -> memref<50048x16xf32, #tpu.memory_space<vmem_shared>>
        tpu.enqueue_indirect_dma source(%arg10 : memref<512x16xf32, #tpu.memory_space<vmem>>) target(%dma_start3A_262 : memref<50048x16xf32, #tpu.memory_space<vmem_shared>>) offsets(%dma_start3A_259 : memref<512xi32, #tpu.memory_space<vmem>>) semaphore(%arg16 : memref<!tpu.dma_semaphore, #tpu.memory_space<semaphore_mem>>) {add = true}
        %dma_wait3A_263 = arith.constant 512 : i32
        %dma_wait3A_264 = tpu.memref_slice %arg9[%dma_wait3A_263] : memref<2048xi32, #tpu.memory_space<vmem>> -> memref<512xi32, #tpu.memory_space<vmem>>
        %dma_wait3A_265 = arith.constant 0 : i32
        %dma_wait3A_266 = arith.constant 0 : i32
        %dma_wait3A_267 = tpu.memref_slice %arg14[%dma_wait3A_265, %dma_wait3A_266] : memref<50048x16xf32, #tpu.memory_space<vmem_shared>> -> memref<50048x16xf32, #tpu.memory_space<vmem_shared>>
        tpu.wait_indirect_dma semaphore(%arg16 : memref<!tpu.dma_semaphore, #tpu.memory_space<semaphore_mem>>) src(%arg11 : memref<512x16xf32, #tpu.memory_space<vmem>>) dst(%dma_wait3A_267 : memref<50048x16xf32, #tpu.memory_space<vmem_shared>>)
        %dma_wait3A_268 = arith.constant 1024 : i32
        %dma_wait3A_269 = tpu.memref_slice %arg9[%dma_wait3A_268] : memref<2048xi32, #tpu.memory_space<vmem>> -> memref<512xi32, #tpu.memory_space<vmem>>
        %dma_wait3A_270 = arith.constant 0 : i32
        %dma_wait3A_271 = arith.constant 0 : i32
        %dma_wait3A_272 = tpu.memref_slice %arg14[%dma_wait3A_270, %dma_wait3A_271] : memref<50048x16xf32, #tpu.memory_space<vmem_shared>> -> memref<50048x16xf32, #tpu.memory_space<vmem_shared>>
        tpu.wait_indirect_dma semaphore(%arg16 : memref<!tpu.dma_semaphore, #tpu.memory_space<semaphore_mem>>) src(%arg12 : memref<512x16xf32, #tpu.memory_space<vmem>>) dst(%dma_wait3A_272 : memref<50048x16xf32, #tpu.memory_space<vmem_shared>>)
        %dma_wait3A_273 = arith.constant 1536 : i32
        %dma_wait3A_274 = tpu.memref_slice %arg9[%dma_wait3A_273] : memref<2048xi32, #tpu.memory_space<vmem>> -> memref<512xi32, #tpu.memory_space<vmem>>
        %dma_wait3A_275 = arith.constant 0 : i32
        %dma_wait3A_276 = arith.constant 0 : i32
        %dma_wait3A_277 = tpu.memref_slice %arg14[%dma_wait3A_275, %dma_wait3A_276] : memref<50048x16xf32, #tpu.memory_space<vmem_shared>> -> memref<50048x16xf32, #tpu.memory_space<vmem_shared>>
        tpu.wait_indirect_dma semaphore(%arg16 : memref<!tpu.dma_semaphore, #tpu.memory_space<semaphore_mem>>) src(%arg10 : memref<512x16xf32, #tpu.memory_space<vmem>>) dst(%dma_wait3A_277 : memref<50048x16xf32, #tpu.memory_space<vmem_shared>>)
      }
      %scan3A_31 = arith.constant 25 : i32
      %barrier3A_32 = arith.constant 0 : index
      tpu.barrier barrier_id(%barrier3A_32)
      %lt3A_33 = arith.constant 15 : i32
      %lt3A_34 = arith.cmpi slt, %arg1, %lt3A_33 : i32
      %convert_element_type3A_35 = arith.extui %lt3A_34 : i1 to i32
      %cond3A_36 = arith.constant 0 : i32
      %cond3A_37 = arith.cmpi ne, %convert_element_type3A_35, %cond3A_36 : i32
      scf.if %cond3A_37 {
        %mul3A_194 = arith.constant 3128 : i32
        %mul3A_195 = arith.muli %arg1, %mul3A_194 : i32
        "tpu.region"() ({
          %run_scoped3A = tpu.sem_alloc : memref<!tpu.dma_semaphore, #tpu.memory_space<semaphore_mem>>
          %dma_start3A = arith.constant 0 : i32
          %dma_start3A_196 = tpu.memref_slice %arg7[%mul3A_195, %dma_start3A] : memref<50000x160xf32, #tpu.memory_space<hbm>> -> memref<3128x16xf32, #tpu.memory_space<hbm>>
          %dma_start3A_197 = arith.constant 0 : i32
          %dma_start3A_198 = tpu.memref_slice %arg14[%mul3A_195, %dma_start3A_197] : memref<50048x16xf32, #tpu.memory_space<vmem_shared>> -> memref<3128x16xf32, #tpu.memory_space<vmem_shared>>
          tpu.enqueue_dma source(%dma_start3A_198 : memref<3128x16xf32, #tpu.memory_space<vmem_shared>>) target(%dma_start3A_196 : memref<3128x16xf32, #tpu.memory_space<hbm>>) target_semaphore(%run_scoped3A : memref<!tpu.dma_semaphore, #tpu.memory_space<semaphore_mem>>)
          %dma_wait3A = arith.constant 0 : i32
          %dma_wait3A_199 = tpu.memref_slice %arg7[%mul3A_195, %dma_wait3A] : memref<50000x160xf32, #tpu.memory_space<hbm>> -> memref<3128x16xf32, #tpu.memory_space<hbm>>
          %dma_wait3A_200 = arith.constant 0 : i32
          %dma_wait3A_201 = tpu.memref_slice %arg14[%mul3A_195, %dma_wait3A_200] : memref<50048x16xf32, #tpu.memory_space<vmem_shared>> -> memref<3128x16xf32, #tpu.memory_space<vmem_shared>>
          tpu.wait_dma2 semaphore(%run_scoped3A : memref<!tpu.dma_semaphore, #tpu.memory_space<semaphore_mem>>) src(%dma_wait3A_201 : memref<3128x16xf32, #tpu.memory_space<vmem_shared>>) dst(%dma_wait3A_199 : memref<3128x16xf32, #tpu.memory_space<hbm>>)
          tpu.yield
        }) : () -> ()
      } else {
      }
      %eq3A_38 = arith.constant 15 : i32
      %eq3A_39 = arith.cmpi eq, %arg1, %eq3A_38 : i32
      %convert_element_type3A_40 = arith.extui %eq3A_39 : i1 to i32
      %cond3A_41 = arith.constant 0 : i32
      %cond3A_42 = arith.cmpi ne, %convert_element_type3A_40, %cond3A_41 : i32
      scf.if %cond3A_42 {
        "tpu.region"() ({
          %run_scoped3A = tpu.sem_alloc : memref<!tpu.dma_semaphore, #tpu.memory_space<semaphore_mem>>
          %dma_start3A = arith.constant 46920 : i32
          %dma_start3A_194 = arith.constant 0 : i32
          %dma_start3A_195 = tpu.memref_slice %arg7[%dma_start3A, %dma_start3A_194] : memref<50000x160xf32, #tpu.memory_space<hbm>> -> memref<3080x16xf32, #tpu.memory_space<hbm>>
          %dma_start3A_196 = arith.constant 46920 : i32
          %dma_start3A_197 = arith.constant 0 : i32
          %dma_start3A_198 = tpu.memref_slice %arg14[%dma_start3A_196, %dma_start3A_197] : memref<50048x16xf32, #tpu.memory_space<vmem_shared>> -> memref<3080x16xf32, #tpu.memory_space<vmem_shared>>
          tpu.enqueue_dma source(%dma_start3A_198 : memref<3080x16xf32, #tpu.memory_space<vmem_shared>>) target(%dma_start3A_195 : memref<3080x16xf32, #tpu.memory_space<hbm>>) target_semaphore(%run_scoped3A : memref<!tpu.dma_semaphore, #tpu.memory_space<semaphore_mem>>)
          %dma_wait3A = arith.constant 46920 : i32
          %dma_wait3A_199 = arith.constant 0 : i32
          %dma_wait3A_200 = tpu.memref_slice %arg7[%dma_wait3A, %dma_wait3A_199] : memref<50000x160xf32, #tpu.memory_space<hbm>> -> memref<3080x16xf32, #tpu.memory_space<hbm>>
          %dma_wait3A_201 = arith.constant 46920 : i32
          %dma_wait3A_202 = arith.constant 0 : i32
          %dma_wait3A_203 = tpu.memref_slice %arg14[%dma_wait3A_201, %dma_wait3A_202] : memref<50048x16xf32, #tpu.memory_space<vmem_shared>> -> memref<3080x16xf32, #tpu.memory_space<vmem_shared>>
          tpu.wait_dma2 semaphore(%run_scoped3A : memref<!tpu.dma_semaphore, #tpu.memory_space<semaphore_mem>>) src(%dma_wait3A_203 : memref<3080x16xf32, #tpu.memory_space<vmem_shared>>) dst(%dma_wait3A_200 : memref<3080x16xf32, #tpu.memory_space<hbm>>)
          tpu.yield
        }) : () -> ()
      } else {
      }
      %lt3A_43 = arith.constant 15 : i32
      %lt3A_44 = arith.cmpi slt, %arg1, %lt3A_43 : i32
      %convert_element_type3A_45 = arith.extui %lt3A_44 : i1 to i32
      %cond3A_46 = arith.constant 0 : i32
      %cond3A_47 = arith.cmpi ne, %convert_element_type3A_45, %cond3A_46 : i32
      scf.if %cond3A_47 {
        %mul3A_194 = arith.constant 3128 : i32
        %mul3A_195 = arith.muli %arg1, %mul3A_194 : i32
        "tpu.region"() ({
          %run_scoped3A = tpu.sem_alloc : memref<!tpu.dma_semaphore, #tpu.memory_space<semaphore_mem>>
          %dma_start3A = arith.constant 0 : i32
          %dma_start3A_196 = tpu.memref_slice %arg13[%mul3A_195, %dma_start3A] : memref<50048x16xf32, #tpu.memory_space<vmem_shared>> -> memref<3128x16xf32, #tpu.memory_space<vmem_shared>>
          %dma_start3A_197 = arith.constant 16 : i32
          %dma_start3A_198 = tpu.memref_slice %arg2[%mul3A_195, %dma_start3A_197] : memref<50000x128xf32, #tpu.memory_space<hbm>> -> memref<3128x16xf32, #tpu.memory_space<hbm>>
          tpu.enqueue_dma source(%dma_start3A_198 : memref<3128x16xf32, #tpu.memory_space<hbm>>) target(%dma_start3A_196 : memref<3128x16xf32, #tpu.memory_space<vmem_shared>>) target_semaphore(%run_scoped3A : memref<!tpu.dma_semaphore, #tpu.memory_space<semaphore_mem>>)
          %dma_wait3A = arith.constant 0 : i32
          %dma_wait3A_199 = tpu.memref_slice %arg13[%mul3A_195, %dma_wait3A] : memref<50048x16xf32, #tpu.memory_space<vmem_shared>> -> memref<3128x16xf32, #tpu.memory_space<vmem_shared>>
          %dma_wait3A_200 = arith.constant 16 : i32
          %dma_wait3A_201 = tpu.memref_slice %arg2[%mul3A_195, %dma_wait3A_200] : memref<50000x128xf32, #tpu.memory_space<hbm>> -> memref<3128x16xf32, #tpu.memory_space<hbm>>
          tpu.wait_dma2 semaphore(%run_scoped3A : memref<!tpu.dma_semaphore, #tpu.memory_space<semaphore_mem>>) src(%dma_wait3A_201 : memref<3128x16xf32, #tpu.memory_space<hbm>>) dst(%dma_wait3A_199 : memref<3128x16xf32, #tpu.memory_space<vmem_shared>>)
          tpu.yield
        }) : () -> ()
      } else {
      }
      %eq3A_48 = arith.constant 15 : i32
      %eq3A_49 = arith.cmpi eq, %arg1, %eq3A_48 : i32
      %convert_element_type3A_50 = arith.extui %eq3A_49 : i1 to i32
      %cond3A_51 = arith.constant 0 : i32
      %cond3A_52 = arith.cmpi ne, %convert_element_type3A_50, %cond3A_51 : i32
      scf.if %cond3A_52 {
        "tpu.region"() ({
          %run_scoped3A = tpu.sem_alloc : memref<!tpu.dma_semaphore, #tpu.memory_space<semaphore_mem>>
          %dma_start3A = arith.constant 46920 : i32
          %dma_start3A_194 = arith.constant 0 : i32
          %dma_start3A_195 = tpu.memref_slice %arg13[%dma_start3A, %dma_start3A_194] : memref<50048x16xf32, #tpu.memory_space<vmem_shared>> -> memref<3080x16xf32, #tpu.memory_space<vmem_shared>>
          %dma_start3A_196 = arith.constant 46920 : i32
          %dma_start3A_197 = arith.constant 16 : i32
          %dma_start3A_198 = tpu.memref_slice %arg2[%dma_start3A_196, %dma_start3A_197] : memref<50000x128xf32, #tpu.memory_space<hbm>> -> memref<3080x16xf32, #tpu.memory_space<hbm>>
          tpu.enqueue_dma source(%dma_start3A_198 : memref<3080x16xf32, #tpu.memory_space<hbm>>) target(%dma_start3A_195 : memref<3080x16xf32, #tpu.memory_space<vmem_shared>>) target_semaphore(%run_scoped3A : memref<!tpu.dma_semaphore, #tpu.memory_space<semaphore_mem>>)
          %dma_wait3A = arith.constant 46920 : i32
          %dma_wait3A_199 = arith.constant 0 : i32
          %dma_wait3A_200 = tpu.memref_slice %arg13[%dma_wait3A, %dma_wait3A_199] : memref<50048x16xf32, #tpu.memory_space<vmem_shared>> -> memref<3080x16xf32, #tpu.memory_space<vmem_shared>>
          %dma_wait3A_201 = arith.constant 46920 : i32
          %dma_wait3A_202 = arith.constant 16 : i32
          %dma_wait3A_203 = tpu.memref_slice %arg2[%dma_wait3A_201, %dma_wait3A_202] : memref<50000x128xf32, #tpu.memory_space<hbm>> -> memref<3080x16xf32, #tpu.memory_space<hbm>>
          tpu.wait_dma2 semaphore(%run_scoped3A : memref<!tpu.dma_semaphore, #tpu.memory_space<semaphore_mem>>) src(%dma_wait3A_203 : memref<3080x16xf32, #tpu.memory_space<hbm>>) dst(%dma_wait3A_200 : memref<3080x16xf32, #tpu.memory_space<vmem_shared>>)
          tpu.yield
        }) : () -> ()
      } else {
      }
      %lt3A_53 = arith.constant 15 : i32
      %lt3A_54 = arith.cmpi slt, %arg1, %lt3A_53 : i32
      %convert_element_type3A_55 = arith.extui %lt3A_54 : i1 to i32
      %cond3A_56 = arith.constant 0 : i32
      %cond3A_57 = arith.cmpi ne, %convert_element_type3A_55, %cond3A_56 : i32
      scf.if %cond3A_57 {
        %mul3A_194 = arith.constant 3128 : i32
        %mul3A_195 = arith.muli %arg1, %mul3A_194 : i32
        "tpu.region"() ({
          %run_scoped3A = tpu.sem_alloc : memref<!tpu.dma_semaphore, #tpu.memory_space<semaphore_mem>>
          %dma_start3A = arith.constant 0 : i32
          %dma_start3A_196 = tpu.memref_slice %arg14[%mul3A_195, %dma_start3A] : memref<50048x16xf32, #tpu.memory_space<vmem_shared>> -> memref<3128x16xf32, #tpu.memory_space<vmem_shared>>
          %dma_start3A_197 = arith.constant 0 : i32
          %dma_start3A_198 = arith.constant 0 : i32
          %dma_start3A_199 = tpu.memref_slice %arg5[%dma_start3A_197, %dma_start3A_198] : memref<3128x16xf32, #tpu.memory_space<hbm>> -> memref<3128x16xf32, #tpu.memory_space<hbm>>
          tpu.enqueue_dma source(%dma_start3A_199 : memref<3128x16xf32, #tpu.memory_space<hbm>>) target(%dma_start3A_196 : memref<3128x16xf32, #tpu.memory_space<vmem_shared>>) target_semaphore(%run_scoped3A : memref<!tpu.dma_semaphore, #tpu.memory_space<semaphore_mem>>)
          %dma_wait3A = arith.constant 0 : i32
          %dma_wait3A_200 = tpu.memref_slice %arg14[%mul3A_195, %dma_wait3A] : memref<50048x16xf32, #tpu.memory_space<vmem_shared>> -> memref<3128x16xf32, #tpu.memory_space<vmem_shared>>
          %dma_wait3A_201 = arith.constant 0 : i32
          %dma_wait3A_202 = arith.constant 0 : i32
          %dma_wait3A_203 = tpu.memref_slice %arg5[%dma_wait3A_201, %dma_wait3A_202] : memref<3128x16xf32, #tpu.memory_space<hbm>> -> memref<3128x16xf32, #tpu.memory_space<hbm>>
          tpu.wait_dma2 semaphore(%run_scoped3A : memref<!tpu.dma_semaphore, #tpu.memory_space<semaphore_mem>>) src(%dma_wait3A_203 : memref<3128x16xf32, #tpu.memory_space<hbm>>) dst(%dma_wait3A_200 : memref<3128x16xf32, #tpu.memory_space<vmem_shared>>)
          tpu.yield
        }) : () -> ()
      } else {
      }
      %eq3A_58 = arith.constant 15 : i32
      %eq3A_59 = arith.cmpi eq, %arg1, %eq3A_58 : i32
      %convert_element_type3A_60 = arith.extui %eq3A_59 : i1 to i32
      %cond3A_61 = arith.constant 0 : i32
      %cond3A_62 = arith.cmpi ne, %convert_element_type3A_60, %cond3A_61 : i32
      scf.if %cond3A_62 {
        "tpu.region"() ({
          %run_scoped3A = tpu.sem_alloc : memref<!tpu.dma_semaphore, #tpu.memory_space<semaphore_mem>>
          %dma_start3A = arith.constant 46920 : i32
          %dma_start3A_194 = arith.constant 0 : i32
          %dma_start3A_195 = tpu.memref_slice %arg14[%dma_start3A, %dma_start3A_194] : memref<50048x16xf32, #tpu.memory_space<vmem_shared>> -> memref<3080x16xf32, #tpu.memory_space<vmem_shared>>
          %dma_start3A_196 = arith.constant 0 : i32
          %dma_start3A_197 = arith.constant 0 : i32
          %dma_start3A_198 = tpu.memref_slice %arg5[%dma_start3A_196, %dma_start3A_197] : memref<3128x16xf32, #tpu.memory_space<hbm>> -> memref<3080x16xf32, #tpu.memory_space<hbm>>
          tpu.enqueue_dma source(%dma_start3A_198 : memref<3080x16xf32, #tpu.memory_space<hbm>>) target(%dma_start3A_195 : memref<3080x16xf32, #tpu.memory_space<vmem_shared>>) target_semaphore(%run_scoped3A : memref<!tpu.dma_semaphore, #tpu.memory_space<semaphore_mem>>)
          %dma_wait3A = arith.constant 46920 : i32
          %dma_wait3A_199 = arith.constant 0 : i32
          %dma_wait3A_200 = tpu.memref_slice %arg14[%dma_wait3A, %dma_wait3A_199] : memref<50048x16xf32, #tpu.memory_space<vmem_shared>> -> memref<3080x16xf32, #tpu.memory_space<vmem_shared>>
          %dma_wait3A_201 = arith.constant 0 : i32
          %dma_wait3A_202 = arith.constant 0 : i32
          %dma_wait3A_203 = tpu.memref_slice %arg5[%dma_wait3A_201, %dma_wait3A_202] : memref<3128x16xf32, #tpu.memory_space<hbm>> -> memref<3080x16xf32, #tpu.memory_space<hbm>>
          tpu.wait_dma2 semaphore(%run_scoped3A : memref<!tpu.dma_semaphore, #tpu.memory_space<semaphore_mem>>) src(%dma_wait3A_203 : memref<3080x16xf32, #tpu.memory_space<hbm>>) dst(%dma_wait3A_200 : memref<3080x16xf32, #tpu.memory_space<vmem_shared>>)
          tpu.yield
        }) : () -> ()
      } else {
      }
      %barrier3A_63 = arith.constant 0 : index
      tpu.barrier barrier_id(%barrier3A_63)
      %mul3A_64 = arith.constant 400 : i32
      %mul3A_65 = arith.muli %arg1, %mul3A_64 : i32
      %scan3A_66 = arith.constant 0 : i32
      %scan3A_67 = arith.constant 0 : i32
      %scan3A_68 = arith.constant 25 : i32
      %scan3A_69 = arith.addi %scan3A_67, %scan3A_68 : i32
      %scan3A_70 = arith.constant 1 : i32
      scf.for %scan3A_194 = %scan3A_67 to %scan3A_69 step %scan3A_70  : i32 {
        %mul3A_195 = arith.constant 16 : i32
        %mul3A_196 = arith.muli %scan3A_194, %mul3A_195 : i32
        %add3A_197 = arith.addi %mul3A_65, %mul3A_196 : i32
        %mul3A_198 = arith.constant 128 : i32
        %mul3A_199 = arith.muli %add3A_197, %mul3A_198 : i32
        "tpu.region"() ({
          %run_scoped3A = tpu.sem_alloc : memref<!tpu.dma_semaphore, #tpu.memory_space<semaphore_mem>>
          %dma_start3A_278 = tpu.memref_slice %arg3[%mul3A_199] : memref<819200xi32, #tpu.memory_space<hbm>> -> memref<2048xi32, #tpu.memory_space<hbm>>
          %dma_start3A_279 = tpu.memref_slice %arg3[%mul3A_199] : memref<819200xi32, #tpu.memory_space<hbm>> -> memref<2048xi32, #tpu.memory_space<hbm>>
          tpu.enqueue_dma source(%dma_start3A_279 : memref<2048xi32, #tpu.memory_space<hbm>>) target(%arg8 : memref<2048xi32, #tpu.memory_space<vmem>>) target_semaphore(%run_scoped3A : memref<!tpu.dma_semaphore, #tpu.memory_space<semaphore_mem>>)
          %dma_wait3A_280 = tpu.memref_slice %arg3[%mul3A_199] : memref<819200xi32, #tpu.memory_space<hbm>> -> memref<2048xi32, #tpu.memory_space<hbm>>
          %dma_wait3A_281 = tpu.memref_slice %arg3[%mul3A_199] : memref<819200xi32, #tpu.memory_space<hbm>> -> memref<2048xi32, #tpu.memory_space<hbm>>
          tpu.wait_dma2 semaphore(%run_scoped3A : memref<!tpu.dma_semaphore, #tpu.memory_space<semaphore_mem>>) src(%dma_wait3A_281 : memref<2048xi32, #tpu.memory_space<hbm>>) dst(%arg8 : memref<2048xi32, #tpu.memory_space<vmem>>)
          tpu.yield
        }) : () -> ()
        "tpu.region"() ({
          %run_scoped3A = tpu.sem_alloc : memref<!tpu.dma_semaphore, #tpu.memory_space<semaphore_mem>>
          %dma_start3A_278 = tpu.memref_slice %arg4[%mul3A_199] : memref<819200xi32, #tpu.memory_space<hbm>> -> memref<2048xi32, #tpu.memory_space<hbm>>
          %dma_start3A_279 = tpu.memref_slice %arg4[%mul3A_199] : memref<819200xi32, #tpu.memory_space<hbm>> -> memref<2048xi32, #tpu.memory_space<hbm>>
          tpu.enqueue_dma source(%dma_start3A_279 : memref<2048xi32, #tpu.memory_space<hbm>>) target(%arg9 : memref<2048xi32, #tpu.memory_space<vmem>>) target_semaphore(%run_scoped3A : memref<!tpu.dma_semaphore, #tpu.memory_space<semaphore_mem>>)
          %dma_wait3A_280 = tpu.memref_slice %arg4[%mul3A_199] : memref<819200xi32, #tpu.memory_space<hbm>> -> memref<2048xi32, #tpu.memory_space<hbm>>
          %dma_wait3A_281 = tpu.memref_slice %arg4[%mul3A_199] : memref<819200xi32, #tpu.memory_space<hbm>> -> memref<2048xi32, #tpu.memory_space<hbm>>
          tpu.wait_dma2 semaphore(%run_scoped3A : memref<!tpu.dma_semaphore, #tpu.memory_space<semaphore_mem>>) src(%dma_wait3A_281 : memref<2048xi32, #tpu.memory_space<hbm>>) dst(%arg9 : memref<2048xi32, #tpu.memory_space<vmem>>)
          tpu.yield
        }) : () -> ()
        %dma_start3A = arith.constant 0 : i32
        %dma_start3A_200 = tpu.memref_slice %arg8[%dma_start3A] : memref<2048xi32, #tpu.memory_space<vmem>> -> memref<512xi32, #tpu.memory_space<vmem>>
        %dma_start3A_201 = arith.constant 0 : i32
        %dma_start3A_202 = arith.constant 0 : i32
        %dma_start3A_203 = tpu.memref_slice %arg13[%dma_start3A_201, %dma_start3A_202] : memref<50048x16xf32, #tpu.memory_space<vmem_shared>> -> memref<50048x16xf32, #tpu.memory_space<vmem_shared>>
        tpu.enqueue_indirect_dma source(%dma_start3A_203 : memref<50048x16xf32, #tpu.memory_space<vmem_shared>>) target(%arg10 : memref<512x16xf32, #tpu.memory_space<vmem>>) offsets(%dma_start3A_200 : memref<512xi32, #tpu.memory_space<vmem>>) semaphore(%arg15 : memref<!tpu.dma_semaphore, #tpu.memory_space<semaphore_mem>>)
        %dma_start3A_204 = arith.constant 512 : i32
        %dma_start3A_205 = tpu.memref_slice %arg8[%dma_start3A_204] : memref<2048xi32, #tpu.memory_space<vmem>> -> memref<512xi32, #tpu.memory_space<vmem>>
        %dma_start3A_206 = arith.constant 0 : i32
        %dma_start3A_207 = arith.constant 0 : i32
        %dma_start3A_208 = tpu.memref_slice %arg13[%dma_start3A_206, %dma_start3A_207] : memref<50048x16xf32, #tpu.memory_space<vmem_shared>> -> memref<50048x16xf32, #tpu.memory_space<vmem_shared>>
        tpu.enqueue_indirect_dma source(%dma_start3A_208 : memref<50048x16xf32, #tpu.memory_space<vmem_shared>>) target(%arg11 : memref<512x16xf32, #tpu.memory_space<vmem>>) offsets(%dma_start3A_205 : memref<512xi32, #tpu.memory_space<vmem>>) semaphore(%arg15 : memref<!tpu.dma_semaphore, #tpu.memory_space<semaphore_mem>>)
        %dma_wait3A = arith.constant 0 : i32
        %dma_wait3A_209 = tpu.memref_slice %arg8[%dma_wait3A] : memref<2048xi32, #tpu.memory_space<vmem>> -> memref<512xi32, #tpu.memory_space<vmem>>
        %dma_wait3A_210 = arith.constant 0 : i32
        %dma_wait3A_211 = arith.constant 0 : i32
        %dma_wait3A_212 = tpu.memref_slice %arg13[%dma_wait3A_210, %dma_wait3A_211] : memref<50048x16xf32, #tpu.memory_space<vmem_shared>> -> memref<50048x16xf32, #tpu.memory_space<vmem_shared>>
        tpu.wait_indirect_dma semaphore(%arg15 : memref<!tpu.dma_semaphore, #tpu.memory_space<semaphore_mem>>) src(%dma_wait3A_212 : memref<50048x16xf32, #tpu.memory_space<vmem_shared>>) dst(%arg10 : memref<512x16xf32, #tpu.memory_space<vmem>>)
        %dma_start3A_213 = arith.constant 0 : i32
        %dma_start3A_214 = tpu.memref_slice %arg9[%dma_start3A_213] : memref<2048xi32, #tpu.memory_space<vmem>> -> memref<512xi32, #tpu.memory_space<vmem>>
        %dma_start3A_215 = arith.constant 0 : i32
        %dma_start3A_216 = arith.constant 0 : i32
        %dma_start3A_217 = tpu.memref_slice %arg14[%dma_start3A_215, %dma_start3A_216] : memref<50048x16xf32, #tpu.memory_space<vmem_shared>> -> memref<50048x16xf32, #tpu.memory_space<vmem_shared>>
        tpu.enqueue_indirect_dma source(%arg10 : memref<512x16xf32, #tpu.memory_space<vmem>>) target(%dma_start3A_217 : memref<50048x16xf32, #tpu.memory_space<vmem_shared>>) offsets(%dma_start3A_214 : memref<512xi32, #tpu.memory_space<vmem>>) semaphore(%arg16 : memref<!tpu.dma_semaphore, #tpu.memory_space<semaphore_mem>>) {add = true}
        %dma_start3A_218 = arith.constant 1024 : i32
        %dma_start3A_219 = tpu.memref_slice %arg8[%dma_start3A_218] : memref<2048xi32, #tpu.memory_space<vmem>> -> memref<512xi32, #tpu.memory_space<vmem>>
        %dma_start3A_220 = arith.constant 0 : i32
        %dma_start3A_221 = arith.constant 0 : i32
        %dma_start3A_222 = tpu.memref_slice %arg13[%dma_start3A_220, %dma_start3A_221] : memref<50048x16xf32, #tpu.memory_space<vmem_shared>> -> memref<50048x16xf32, #tpu.memory_space<vmem_shared>>
        tpu.enqueue_indirect_dma source(%dma_start3A_222 : memref<50048x16xf32, #tpu.memory_space<vmem_shared>>) target(%arg12 : memref<512x16xf32, #tpu.memory_space<vmem>>) offsets(%dma_start3A_219 : memref<512xi32, #tpu.memory_space<vmem>>) semaphore(%arg15 : memref<!tpu.dma_semaphore, #tpu.memory_space<semaphore_mem>>)
        %dma_wait3A_223 = arith.constant 512 : i32
        %dma_wait3A_224 = tpu.memref_slice %arg8[%dma_wait3A_223] : memref<2048xi32, #tpu.memory_space<vmem>> -> memref<512xi32, #tpu.memory_space<vmem>>
        %dma_wait3A_225 = arith.constant 0 : i32
        %dma_wait3A_226 = arith.constant 0 : i32
        %dma_wait3A_227 = tpu.memref_slice %arg13[%dma_wait3A_225, %dma_wait3A_226] : memref<50048x16xf32, #tpu.memory_space<vmem_shared>> -> memref<50048x16xf32, #tpu.memory_space<vmem_shared>>
        tpu.wait_indirect_dma semaphore(%arg15 : memref<!tpu.dma_semaphore, #tpu.memory_space<semaphore_mem>>) src(%dma_wait3A_227 : memref<50048x16xf32, #tpu.memory_space<vmem_shared>>) dst(%arg11 : memref<512x16xf32, #tpu.memory_space<vmem>>)
        %dma_start3A_228 = arith.constant 512 : i32
        %dma_start3A_229 = tpu.memref_slice %arg9[%dma_start3A_228] : memref<2048xi32, #tpu.memory_space<vmem>> -> memref<512xi32, #tpu.memory_space<vmem>>
        %dma_start3A_230 = arith.constant 0 : i32
        %dma_start3A_231 = arith.constant 0 : i32
        %dma_start3A_232 = tpu.memref_slice %arg14[%dma_start3A_230, %dma_start3A_231] : memref<50048x16xf32, #tpu.memory_space<vmem_shared>> -> memref<50048x16xf32, #tpu.memory_space<vmem_shared>>
        tpu.enqueue_indirect_dma source(%arg11 : memref<512x16xf32, #tpu.memory_space<vmem>>) target(%dma_start3A_232 : memref<50048x16xf32, #tpu.memory_space<vmem_shared>>) offsets(%dma_start3A_229 : memref<512xi32, #tpu.memory_space<vmem>>) semaphore(%arg16 : memref<!tpu.dma_semaphore, #tpu.memory_space<semaphore_mem>>) {add = true}
        %dma_wait3A_233 = arith.constant 0 : i32
        %dma_wait3A_234 = tpu.memref_slice %arg9[%dma_wait3A_233] : memref<2048xi32, #tpu.memory_space<vmem>> -> memref<512xi32, #tpu.memory_space<vmem>>
        %dma_wait3A_235 = arith.constant 0 : i32
        %dma_wait3A_236 = arith.constant 0 : i32
        %dma_wait3A_237 = tpu.memref_slice %arg14[%dma_wait3A_235, %dma_wait3A_236] : memref<50048x16xf32, #tpu.memory_space<vmem_shared>> -> memref<50048x16xf32, #tpu.memory_space<vmem_shared>>
        tpu.wait_indirect_dma semaphore(%arg16 : memref<!tpu.dma_semaphore, #tpu.memory_space<semaphore_mem>>) src(%arg10 : memref<512x16xf32, #tpu.memory_space<vmem>>) dst(%dma_wait3A_237 : memref<50048x16xf32, #tpu.memory_space<vmem_shared>>)
        %dma_start3A_238 = arith.constant 1536 : i32
        %dma_start3A_239 = tpu.memref_slice %arg8[%dma_start3A_238] : memref<2048xi32, #tpu.memory_space<vmem>> -> memref<512xi32, #tpu.memory_space<vmem>>
        %dma_start3A_240 = arith.constant 0 : i32
        %dma_start3A_241 = arith.constant 0 : i32
        %dma_start3A_242 = tpu.memref_slice %arg13[%dma_start3A_240, %dma_start3A_241] : memref<50048x16xf32, #tpu.memory_space<vmem_shared>> -> memref<50048x16xf32, #tpu.memory_space<vmem_shared>>
        tpu.enqueue_indirect_dma source(%dma_start3A_242 : memref<50048x16xf32, #tpu.memory_space<vmem_shared>>) target(%arg10 : memref<512x16xf32, #tpu.memory_space<vmem>>) offsets(%dma_start3A_239 : memref<512xi32, #tpu.memory_space<vmem>>) semaphore(%arg15 : memref<!tpu.dma_semaphore, #tpu.memory_space<semaphore_mem>>)
        %dma_wait3A_243 = arith.constant 1024 : i32
        %dma_wait3A_244 = tpu.memref_slice %arg8[%dma_wait3A_243] : memref<2048xi32, #tpu.memory_space<vmem>> -> memref<512xi32, #tpu.memory_space<vmem>>
        %dma_wait3A_245 = arith.constant 0 : i32
        %dma_wait3A_246 = arith.constant 0 : i32
        %dma_wait3A_247 = tpu.memref_slice %arg13[%dma_wait3A_245, %dma_wait3A_246] : memref<50048x16xf32, #tpu.memory_space<vmem_shared>> -> memref<50048x16xf32, #tpu.memory_space<vmem_shared>>
        tpu.wait_indirect_dma semaphore(%arg15 : memref<!tpu.dma_semaphore, #tpu.memory_space<semaphore_mem>>) src(%dma_wait3A_247 : memref<50048x16xf32, #tpu.memory_space<vmem_shared>>) dst(%arg12 : memref<512x16xf32, #tpu.memory_space<vmem>>)
        %dma_start3A_248 = arith.constant 1024 : i32
        %dma_start3A_249 = tpu.memref_slice %arg9[%dma_start3A_248] : memref<2048xi32, #tpu.memory_space<vmem>> -> memref<512xi32, #tpu.memory_space<vmem>>
        %dma_start3A_250 = arith.constant 0 : i32
        %dma_start3A_251 = arith.constant 0 : i32
        %dma_start3A_252 = tpu.memref_slice %arg14[%dma_start3A_250, %dma_start3A_251] : memref<50048x16xf32, #tpu.memory_space<vmem_shared>> -> memref<50048x16xf32, #tpu.memory_space<vmem_shared>>
        tpu.enqueue_indirect_dma source(%arg12 : memref<512x16xf32, #tpu.memory_space<vmem>>) target(%dma_start3A_252 : memref<50048x16xf32, #tpu.memory_space<vmem_shared>>) offsets(%dma_start3A_249 : memref<512xi32, #tpu.memory_space<vmem>>) semaphore(%arg16 : memref<!tpu.dma_semaphore, #tpu.memory_space<semaphore_mem>>) {add = true}
        %dma_wait3A_253 = arith.constant 1536 : i32
        %dma_wait3A_254 = tpu.memref_slice %arg8[%dma_wait3A_253] : memref<2048xi32, #tpu.memory_space<vmem>> -> memref<512xi32, #tpu.memory_space<vmem>>
        %dma_wait3A_255 = arith.constant 0 : i32
        %dma_wait3A_256 = arith.constant 0 : i32
        %dma_wait3A_257 = tpu.memref_slice %arg13[%dma_wait3A_255, %dma_wait3A_256] : memref<50048x16xf32, #tpu.memory_space<vmem_shared>> -> memref<50048x16xf32, #tpu.memory_space<vmem_shared>>
        tpu.wait_indirect_dma semaphore(%arg15 : memref<!tpu.dma_semaphore, #tpu.memory_space<semaphore_mem>>) src(%dma_wait3A_257 : memref<50048x16xf32, #tpu.memory_space<vmem_shared>>) dst(%arg10 : memref<512x16xf32, #tpu.memory_space<vmem>>)
        %dma_start3A_258 = arith.constant 1536 : i32
        %dma_start3A_259 = tpu.memref_slice %arg9[%dma_start3A_258] : memref<2048xi32, #tpu.memory_space<vmem>> -> memref<512xi32, #tpu.memory_space<vmem>>
        %dma_start3A_260 = arith.constant 0 : i32
        %dma_start3A_261 = arith.constant 0 : i32
        %dma_start3A_262 = tpu.memref_slice %arg14[%dma_start3A_260, %dma_start3A_261] : memref<50048x16xf32, #tpu.memory_space<vmem_shared>> -> memref<50048x16xf32, #tpu.memory_space<vmem_shared>>
        tpu.enqueue_indirect_dma source(%arg10 : memref<512x16xf32, #tpu.memory_space<vmem>>) target(%dma_start3A_262 : memref<50048x16xf32, #tpu.memory_space<vmem_shared>>) offsets(%dma_start3A_259 : memref<512xi32, #tpu.memory_space<vmem>>) semaphore(%arg16 : memref<!tpu.dma_semaphore, #tpu.memory_space<semaphore_mem>>) {add = true}
        %dma_wait3A_263 = arith.constant 512 : i32
        %dma_wait3A_264 = tpu.memref_slice %arg9[%dma_wait3A_263] : memref<2048xi32, #tpu.memory_space<vmem>> -> memref<512xi32, #tpu.memory_space<vmem>>
        %dma_wait3A_265 = arith.constant 0 : i32
        %dma_wait3A_266 = arith.constant 0 : i32
        %dma_wait3A_267 = tpu.memref_slice %arg14[%dma_wait3A_265, %dma_wait3A_266] : memref<50048x16xf32, #tpu.memory_space<vmem_shared>> -> memref<50048x16xf32, #tpu.memory_space<vmem_shared>>
        tpu.wait_indirect_dma semaphore(%arg16 : memref<!tpu.dma_semaphore, #tpu.memory_space<semaphore_mem>>) src(%arg11 : memref<512x16xf32, #tpu.memory_space<vmem>>) dst(%dma_wait3A_267 : memref<50048x16xf32, #tpu.memory_space<vmem_shared>>)
        %dma_wait3A_268 = arith.constant 1024 : i32
        %dma_wait3A_269 = tpu.memref_slice %arg9[%dma_wait3A_268] : memref<2048xi32, #tpu.memory_space<vmem>> -> memref<512xi32, #tpu.memory_space<vmem>>
        %dma_wait3A_270 = arith.constant 0 : i32
        %dma_wait3A_271 = arith.constant 0 : i32
        %dma_wait3A_272 = tpu.memref_slice %arg14[%dma_wait3A_270, %dma_wait3A_271] : memref<50048x16xf32, #tpu.memory_space<vmem_shared>> -> memref<50048x16xf32, #tpu.memory_space<vmem_shared>>
        tpu.wait_indirect_dma semaphore(%arg16 : memref<!tpu.dma_semaphore, #tpu.memory_space<semaphore_mem>>) src(%arg12 : memref<512x16xf32, #tpu.memory_space<vmem>>) dst(%dma_wait3A_272 : memref<50048x16xf32, #tpu.memory_space<vmem_shared>>)
        %dma_wait3A_273 = arith.constant 1536 : i32
        %dma_wait3A_274 = tpu.memref_slice %arg9[%dma_wait3A_273] : memref<2048xi32, #tpu.memory_space<vmem>> -> memref<512xi32, #tpu.memory_space<vmem>>
        %dma_wait3A_275 = arith.constant 0 : i32
        %dma_wait3A_276 = arith.constant 0 : i32
        %dma_wait3A_277 = tpu.memref_slice %arg14[%dma_wait3A_275, %dma_wait3A_276] : memref<50048x16xf32, #tpu.memory_space<vmem_shared>> -> memref<50048x16xf32, #tpu.memory_space<vmem_shared>>
        tpu.wait_indirect_dma semaphore(%arg16 : memref<!tpu.dma_semaphore, #tpu.memory_space<semaphore_mem>>) src(%arg10 : memref<512x16xf32, #tpu.memory_space<vmem>>) dst(%dma_wait3A_277 : memref<50048x16xf32, #tpu.memory_space<vmem_shared>>)
      }
      %scan3A_71 = arith.constant 25 : i32
      %barrier3A_72 = arith.constant 0 : index
      tpu.barrier barrier_id(%barrier3A_72)
      %lt3A_73 = arith.constant 15 : i32
      %lt3A_74 = arith.cmpi slt, %arg1, %lt3A_73 : i32
      %convert_element_type3A_75 = arith.extui %lt3A_74 : i1 to i32
      %cond3A_76 = arith.constant 0 : i32
      %cond3A_77 = arith.cmpi ne, %convert_element_type3A_75, %cond3A_76 : i32
      scf.if %cond3A_77 {
        %mul3A_194 = arith.constant 3128 : i32
        %mul3A_195 = arith.muli %arg1, %mul3A_194 : i32
        "tpu.region"() ({
          %run_scoped3A = tpu.sem_alloc : memref<!tpu.dma_semaphore, #tpu.memory_space<semaphore_mem>>
          %dma_start3A = arith.constant 16 : i32
          %dma_start3A_196 = tpu.memref_slice %arg7[%mul3A_195, %dma_start3A] : memref<50000x160xf32, #tpu.memory_space<hbm>> -> memref<3128x16xf32, #tpu.memory_space<hbm>>
          %dma_start3A_197 = arith.constant 0 : i32
          %dma_start3A_198 = tpu.memref_slice %arg14[%mul3A_195, %dma_start3A_197] : memref<50048x16xf32, #tpu.memory_space<vmem_shared>> -> memref<3128x16xf32, #tpu.memory_space<vmem_shared>>
          tpu.enqueue_dma source(%dma_start3A_198 : memref<3128x16xf32, #tpu.memory_space<vmem_shared>>) target(%dma_start3A_196 : memref<3128x16xf32, #tpu.memory_space<hbm>>) target_semaphore(%run_scoped3A : memref<!tpu.dma_semaphore, #tpu.memory_space<semaphore_mem>>)
          %dma_wait3A = arith.constant 16 : i32
          %dma_wait3A_199 = tpu.memref_slice %arg7[%mul3A_195, %dma_wait3A] : memref<50000x160xf32, #tpu.memory_space<hbm>> -> memref<3128x16xf32, #tpu.memory_space<hbm>>
          %dma_wait3A_200 = arith.constant 0 : i32
          %dma_wait3A_201 = tpu.memref_slice %arg14[%mul3A_195, %dma_wait3A_200] : memref<50048x16xf32, #tpu.memory_space<vmem_shared>> -> memref<3128x16xf32, #tpu.memory_space<vmem_shared>>
          tpu.wait_dma2 semaphore(%run_scoped3A : memref<!tpu.dma_semaphore, #tpu.memory_space<semaphore_mem>>) src(%dma_wait3A_201 : memref<3128x16xf32, #tpu.memory_space<vmem_shared>>) dst(%dma_wait3A_199 : memref<3128x16xf32, #tpu.memory_space<hbm>>)
          tpu.yield
        }) : () -> ()
      } else {
      }
      %eq3A_78 = arith.constant 15 : i32
      %eq3A_79 = arith.cmpi eq, %arg1, %eq3A_78 : i32
      %convert_element_type3A_80 = arith.extui %eq3A_79 : i1 to i32
      %cond3A_81 = arith.constant 0 : i32
      %cond3A_82 = arith.cmpi ne, %convert_element_type3A_80, %cond3A_81 : i32
      scf.if %cond3A_82 {
        "tpu.region"() ({
          %run_scoped3A = tpu.sem_alloc : memref<!tpu.dma_semaphore, #tpu.memory_space<semaphore_mem>>
          %dma_start3A = arith.constant 46920 : i32
          %dma_start3A_194 = arith.constant 16 : i32
          %dma_start3A_195 = tpu.memref_slice %arg7[%dma_start3A, %dma_start3A_194] : memref<50000x160xf32, #tpu.memory_space<hbm>> -> memref<3080x16xf32, #tpu.memory_space<hbm>>
          %dma_start3A_196 = arith.constant 46920 : i32
          %dma_start3A_197 = arith.constant 0 : i32
          %dma_start3A_198 = tpu.memref_slice %arg14[%dma_start3A_196, %dma_start3A_197] : memref<50048x16xf32, #tpu.memory_space<vmem_shared>> -> memref<3080x16xf32, #tpu.memory_space<vmem_shared>>
          tpu.enqueue_dma source(%dma_start3A_198 : memref<3080x16xf32, #tpu.memory_space<vmem_shared>>) target(%dma_start3A_195 : memref<3080x16xf32, #tpu.memory_space<hbm>>) target_semaphore(%run_scoped3A : memref<!tpu.dma_semaphore, #tpu.memory_space<semaphore_mem>>)
          %dma_wait3A = arith.constant 46920 : i32
          %dma_wait3A_199 = arith.constant 16 : i32
          %dma_wait3A_200 = tpu.memref_slice %arg7[%dma_wait3A, %dma_wait3A_199] : memref<50000x160xf32, #tpu.memory_space<hbm>> -> memref<3080x16xf32, #tpu.memory_space<hbm>>
          %dma_wait3A_201 = arith.constant 46920 : i32
          %dma_wait3A_202 = arith.constant 0 : i32
          %dma_wait3A_203 = tpu.memref_slice %arg14[%dma_wait3A_201, %dma_wait3A_202] : memref<50048x16xf32, #tpu.memory_space<vmem_shared>> -> memref<3080x16xf32, #tpu.memory_space<vmem_shared>>
          tpu.wait_dma2 semaphore(%run_scoped3A : memref<!tpu.dma_semaphore, #tpu.memory_space<semaphore_mem>>) src(%dma_wait3A_203 : memref<3080x16xf32, #tpu.memory_space<vmem_shared>>) dst(%dma_wait3A_200 : memref<3080x16xf32, #tpu.memory_space<hbm>>)
          tpu.yield
        }) : () -> ()
      } else {
      }
      %lt3A_83 = arith.constant 15 : i32
      %lt3A_84 = arith.cmpi slt, %arg1, %lt3A_83 : i32
      %convert_element_type3A_85 = arith.extui %lt3A_84 : i1 to i32
      %cond3A_86 = arith.constant 0 : i32
      %cond3A_87 = arith.cmpi ne, %convert_element_type3A_85, %cond3A_86 : i32
      scf.if %cond3A_87 {
        %mul3A_194 = arith.constant 3128 : i32
        %mul3A_195 = arith.muli %arg1, %mul3A_194 : i32
        "tpu.region"() ({
          %run_scoped3A = tpu.sem_alloc : memref<!tpu.dma_semaphore, #tpu.memory_space<semaphore_mem>>
          %dma_start3A = arith.constant 0 : i32
          %dma_start3A_196 = tpu.memref_slice %arg13[%mul3A_195, %dma_start3A] : memref<50048x16xf32, #tpu.memory_space<vmem_shared>> -> memref<3128x16xf32, #tpu.memory_space<vmem_shared>>
          %dma_start3A_197 = arith.constant 32 : i32
          %dma_start3A_198 = tpu.memref_slice %arg2[%mul3A_195, %dma_start3A_197] : memref<50000x128xf32, #tpu.memory_space<hbm>> -> memref<3128x16xf32, #tpu.memory_space<hbm>>
          tpu.enqueue_dma source(%dma_start3A_198 : memref<3128x16xf32, #tpu.memory_space<hbm>>) target(%dma_start3A_196 : memref<3128x16xf32, #tpu.memory_space<vmem_shared>>) target_semaphore(%run_scoped3A : memref<!tpu.dma_semaphore, #tpu.memory_space<semaphore_mem>>)
          %dma_wait3A = arith.constant 0 : i32
          %dma_wait3A_199 = tpu.memref_slice %arg13[%mul3A_195, %dma_wait3A] : memref<50048x16xf32, #tpu.memory_space<vmem_shared>> -> memref<3128x16xf32, #tpu.memory_space<vmem_shared>>
          %dma_wait3A_200 = arith.constant 32 : i32
          %dma_wait3A_201 = tpu.memref_slice %arg2[%mul3A_195, %dma_wait3A_200] : memref<50000x128xf32, #tpu.memory_space<hbm>> -> memref<3128x16xf32, #tpu.memory_space<hbm>>
          tpu.wait_dma2 semaphore(%run_scoped3A : memref<!tpu.dma_semaphore, #tpu.memory_space<semaphore_mem>>) src(%dma_wait3A_201 : memref<3128x16xf32, #tpu.memory_space<hbm>>) dst(%dma_wait3A_199 : memref<3128x16xf32, #tpu.memory_space<vmem_shared>>)
          tpu.yield
        }) : () -> ()
      } else {
      }
      %eq3A_88 = arith.constant 15 : i32
      %eq3A_89 = arith.cmpi eq, %arg1, %eq3A_88 : i32
      %convert_element_type3A_90 = arith.extui %eq3A_89 : i1 to i32
      %cond3A_91 = arith.constant 0 : i32
      %cond3A_92 = arith.cmpi ne, %convert_element_type3A_90, %cond3A_91 : i32
      scf.if %cond3A_92 {
        "tpu.region"() ({
          %run_scoped3A = tpu.sem_alloc : memref<!tpu.dma_semaphore, #tpu.memory_space<semaphore_mem>>
          %dma_start3A = arith.constant 46920 : i32
          %dma_start3A_194 = arith.constant 0 : i32
          %dma_start3A_195 = tpu.memref_slice %arg13[%dma_start3A, %dma_start3A_194] : memref<50048x16xf32, #tpu.memory_space<vmem_shared>> -> memref<3080x16xf32, #tpu.memory_space<vmem_shared>>
          %dma_start3A_196 = arith.constant 46920 : i32
          %dma_start3A_197 = arith.constant 32 : i32
          %dma_start3A_198 = tpu.memref_slice %arg2[%dma_start3A_196, %dma_start3A_197] : memref<50000x128xf32, #tpu.memory_space<hbm>> -> memref<3080x16xf32, #tpu.memory_space<hbm>>
          tpu.enqueue_dma source(%dma_start3A_198 : memref<3080x16xf32, #tpu.memory_space<hbm>>) target(%dma_start3A_195 : memref<3080x16xf32, #tpu.memory_space<vmem_shared>>) target_semaphore(%run_scoped3A : memref<!tpu.dma_semaphore, #tpu.memory_space<semaphore_mem>>)
          %dma_wait3A = arith.constant 46920 : i32
          %dma_wait3A_199 = arith.constant 0 : i32
          %dma_wait3A_200 = tpu.memref_slice %arg13[%dma_wait3A, %dma_wait3A_199] : memref<50048x16xf32, #tpu.memory_space<vmem_shared>> -> memref<3080x16xf32, #tpu.memory_space<vmem_shared>>
          %dma_wait3A_201 = arith.constant 46920 : i32
          %dma_wait3A_202 = arith.constant 32 : i32
          %dma_wait3A_203 = tpu.memref_slice %arg2[%dma_wait3A_201, %dma_wait3A_202] : memref<50000x128xf32, #tpu.memory_space<hbm>> -> memref<3080x16xf32, #tpu.memory_space<hbm>>
          tpu.wait_dma2 semaphore(%run_scoped3A : memref<!tpu.dma_semaphore, #tpu.memory_space<semaphore_mem>>) src(%dma_wait3A_203 : memref<3080x16xf32, #tpu.memory_space<hbm>>) dst(%dma_wait3A_200 : memref<3080x16xf32, #tpu.memory_space<vmem_shared>>)
          tpu.yield
        }) : () -> ()
      } else {
      }
      %lt3A_93 = arith.constant 15 : i32
      %lt3A_94 = arith.cmpi slt, %arg1, %lt3A_93 : i32
      %convert_element_type3A_95 = arith.extui %lt3A_94 : i1 to i32
      %cond3A_96 = arith.constant 0 : i32
      %cond3A_97 = arith.cmpi ne, %convert_element_type3A_95, %cond3A_96 : i32
      scf.if %cond3A_97 {
        %mul3A_194 = arith.constant 3128 : i32
        %mul3A_195 = arith.muli %arg1, %mul3A_194 : i32
        "tpu.region"() ({
          %run_scoped3A = tpu.sem_alloc : memref<!tpu.dma_semaphore, #tpu.memory_space<semaphore_mem>>
          %dma_start3A = arith.constant 0 : i32
          %dma_start3A_196 = tpu.memref_slice %arg14[%mul3A_195, %dma_start3A] : memref<50048x16xf32, #tpu.memory_space<vmem_shared>> -> memref<3128x16xf32, #tpu.memory_space<vmem_shared>>
          %dma_start3A_197 = arith.constant 0 : i32
          %dma_start3A_198 = arith.constant 0 : i32
          %dma_start3A_199 = tpu.memref_slice %arg5[%dma_start3A_197, %dma_start3A_198] : memref<3128x16xf32, #tpu.memory_space<hbm>> -> memref<3128x16xf32, #tpu.memory_space<hbm>>
          tpu.enqueue_dma source(%dma_start3A_199 : memref<3128x16xf32, #tpu.memory_space<hbm>>) target(%dma_start3A_196 : memref<3128x16xf32, #tpu.memory_space<vmem_shared>>) target_semaphore(%run_scoped3A : memref<!tpu.dma_semaphore, #tpu.memory_space<semaphore_mem>>)
          %dma_wait3A = arith.constant 0 : i32
          %dma_wait3A_200 = tpu.memref_slice %arg14[%mul3A_195, %dma_wait3A] : memref<50048x16xf32, #tpu.memory_space<vmem_shared>> -> memref<3128x16xf32, #tpu.memory_space<vmem_shared>>
          %dma_wait3A_201 = arith.constant 0 : i32
          %dma_wait3A_202 = arith.constant 0 : i32
          %dma_wait3A_203 = tpu.memref_slice %arg5[%dma_wait3A_201, %dma_wait3A_202] : memref<3128x16xf32, #tpu.memory_space<hbm>> -> memref<3128x16xf32, #tpu.memory_space<hbm>>
          tpu.wait_dma2 semaphore(%run_scoped3A : memref<!tpu.dma_semaphore, #tpu.memory_space<semaphore_mem>>) src(%dma_wait3A_203 : memref<3128x16xf32, #tpu.memory_space<hbm>>) dst(%dma_wait3A_200 : memref<3128x16xf32, #tpu.memory_space<vmem_shared>>)
          tpu.yield
        }) : () -> ()
      } else {
      }
      %eq3A_98 = arith.constant 15 : i32
      %eq3A_99 = arith.cmpi eq, %arg1, %eq3A_98 : i32
      %convert_element_type3A_100 = arith.extui %eq3A_99 : i1 to i32
      %cond3A_101 = arith.constant 0 : i32
      %cond3A_102 = arith.cmpi ne, %convert_element_type3A_100, %cond3A_101 : i32
      scf.if %cond3A_102 {
        "tpu.region"() ({
          %run_scoped3A = tpu.sem_alloc : memref<!tpu.dma_semaphore, #tpu.memory_space<semaphore_mem>>
          %dma_start3A = arith.constant 46920 : i32
          %dma_start3A_194 = arith.constant 0 : i32
          %dma_start3A_195 = tpu.memref_slice %arg14[%dma_start3A, %dma_start3A_194] : memref<50048x16xf32, #tpu.memory_space<vmem_shared>> -> memref<3080x16xf32, #tpu.memory_space<vmem_shared>>
          %dma_start3A_196 = arith.constant 0 : i32
          %dma_start3A_197 = arith.constant 0 : i32
          %dma_start3A_198 = tpu.memref_slice %arg5[%dma_start3A_196, %dma_start3A_197] : memref<3128x16xf32, #tpu.memory_space<hbm>> -> memref<3080x16xf32, #tpu.memory_space<hbm>>
          tpu.enqueue_dma source(%dma_start3A_198 : memref<3080x16xf32, #tpu.memory_space<hbm>>) target(%dma_start3A_195 : memref<3080x16xf32, #tpu.memory_space<vmem_shared>>) target_semaphore(%run_scoped3A : memref<!tpu.dma_semaphore, #tpu.memory_space<semaphore_mem>>)
          %dma_wait3A = arith.constant 46920 : i32
          %dma_wait3A_199 = arith.constant 0 : i32
          %dma_wait3A_200 = tpu.memref_slice %arg14[%dma_wait3A, %dma_wait3A_199] : memref<50048x16xf32, #tpu.memory_space<vmem_shared>> -> memref<3080x16xf32, #tpu.memory_space<vmem_shared>>
          %dma_wait3A_201 = arith.constant 0 : i32
          %dma_wait3A_202 = arith.constant 0 : i32
          %dma_wait3A_203 = tpu.memref_slice %arg5[%dma_wait3A_201, %dma_wait3A_202] : memref<3128x16xf32, #tpu.memory_space<hbm>> -> memref<3080x16xf32, #tpu.memory_space<hbm>>
          tpu.wait_dma2 semaphore(%run_scoped3A : memref<!tpu.dma_semaphore, #tpu.memory_space<semaphore_mem>>) src(%dma_wait3A_203 : memref<3080x16xf32, #tpu.memory_space<hbm>>) dst(%dma_wait3A_200 : memref<3080x16xf32, #tpu.memory_space<vmem_shared>>)
          tpu.yield
        }) : () -> ()
      } else {
      }
      %barrier3A_103 = arith.constant 0 : index
      tpu.barrier barrier_id(%barrier3A_103)
      %mul3A_104 = arith.constant 400 : i32
      %mul3A_105 = arith.muli %arg1, %mul3A_104 : i32
      %scan3A_106 = arith.constant 0 : i32
      %scan3A_107 = arith.constant 0 : i32
      %scan3A_108 = arith.constant 25 : i32
      %scan3A_109 = arith.addi %scan3A_107, %scan3A_108 : i32
      %scan3A_110 = arith.constant 1 : i32
      scf.for %scan3A_194 = %scan3A_107 to %scan3A_109 step %scan3A_110  : i32 {
        %mul3A_195 = arith.constant 16 : i32
        %mul3A_196 = arith.muli %scan3A_194, %mul3A_195 : i32
        %add3A_197 = arith.addi %mul3A_105, %mul3A_196 : i32
        %mul3A_198 = arith.constant 128 : i32
        %mul3A_199 = arith.muli %add3A_197, %mul3A_198 : i32
        "tpu.region"() ({
          %run_scoped3A = tpu.sem_alloc : memref<!tpu.dma_semaphore, #tpu.memory_space<semaphore_mem>>
          %dma_start3A_278 = tpu.memref_slice %arg3[%mul3A_199] : memref<819200xi32, #tpu.memory_space<hbm>> -> memref<2048xi32, #tpu.memory_space<hbm>>
          %dma_start3A_279 = tpu.memref_slice %arg3[%mul3A_199] : memref<819200xi32, #tpu.memory_space<hbm>> -> memref<2048xi32, #tpu.memory_space<hbm>>
          tpu.enqueue_dma source(%dma_start3A_279 : memref<2048xi32, #tpu.memory_space<hbm>>) target(%arg8 : memref<2048xi32, #tpu.memory_space<vmem>>) target_semaphore(%run_scoped3A : memref<!tpu.dma_semaphore, #tpu.memory_space<semaphore_mem>>)
          %dma_wait3A_280 = tpu.memref_slice %arg3[%mul3A_199] : memref<819200xi32, #tpu.memory_space<hbm>> -> memref<2048xi32, #tpu.memory_space<hbm>>
          %dma_wait3A_281 = tpu.memref_slice %arg3[%mul3A_199] : memref<819200xi32, #tpu.memory_space<hbm>> -> memref<2048xi32, #tpu.memory_space<hbm>>
          tpu.wait_dma2 semaphore(%run_scoped3A : memref<!tpu.dma_semaphore, #tpu.memory_space<semaphore_mem>>) src(%dma_wait3A_281 : memref<2048xi32, #tpu.memory_space<hbm>>) dst(%arg8 : memref<2048xi32, #tpu.memory_space<vmem>>)
          tpu.yield
        }) : () -> ()
        "tpu.region"() ({
          %run_scoped3A = tpu.sem_alloc : memref<!tpu.dma_semaphore, #tpu.memory_space<semaphore_mem>>
          %dma_start3A_278 = tpu.memref_slice %arg4[%mul3A_199] : memref<819200xi32, #tpu.memory_space<hbm>> -> memref<2048xi32, #tpu.memory_space<hbm>>
          %dma_start3A_279 = tpu.memref_slice %arg4[%mul3A_199] : memref<819200xi32, #tpu.memory_space<hbm>> -> memref<2048xi32, #tpu.memory_space<hbm>>
          tpu.enqueue_dma source(%dma_start3A_279 : memref<2048xi32, #tpu.memory_space<hbm>>) target(%arg9 : memref<2048xi32, #tpu.memory_space<vmem>>) target_semaphore(%run_scoped3A : memref<!tpu.dma_semaphore, #tpu.memory_space<semaphore_mem>>)
          %dma_wait3A_280 = tpu.memref_slice %arg4[%mul3A_199] : memref<819200xi32, #tpu.memory_space<hbm>> -> memref<2048xi32, #tpu.memory_space<hbm>>
          %dma_wait3A_281 = tpu.memref_slice %arg4[%mul3A_199] : memref<819200xi32, #tpu.memory_space<hbm>> -> memref<2048xi32, #tpu.memory_space<hbm>>
          tpu.wait_dma2 semaphore(%run_scoped3A : memref<!tpu.dma_semaphore, #tpu.memory_space<semaphore_mem>>) src(%dma_wait3A_281 : memref<2048xi32, #tpu.memory_space<hbm>>) dst(%arg9 : memref<2048xi32, #tpu.memory_space<vmem>>)
          tpu.yield
        }) : () -> ()
        %dma_start3A = arith.constant 0 : i32
        %dma_start3A_200 = tpu.memref_slice %arg8[%dma_start3A] : memref<2048xi32, #tpu.memory_space<vmem>> -> memref<512xi32, #tpu.memory_space<vmem>>
        %dma_start3A_201 = arith.constant 0 : i32
        %dma_start3A_202 = arith.constant 0 : i32
        %dma_start3A_203 = tpu.memref_slice %arg13[%dma_start3A_201, %dma_start3A_202] : memref<50048x16xf32, #tpu.memory_space<vmem_shared>> -> memref<50048x16xf32, #tpu.memory_space<vmem_shared>>
        tpu.enqueue_indirect_dma source(%dma_start3A_203 : memref<50048x16xf32, #tpu.memory_space<vmem_shared>>) target(%arg10 : memref<512x16xf32, #tpu.memory_space<vmem>>) offsets(%dma_start3A_200 : memref<512xi32, #tpu.memory_space<vmem>>) semaphore(%arg15 : memref<!tpu.dma_semaphore, #tpu.memory_space<semaphore_mem>>)
        %dma_start3A_204 = arith.constant 512 : i32
        %dma_start3A_205 = tpu.memref_slice %arg8[%dma_start3A_204] : memref<2048xi32, #tpu.memory_space<vmem>> -> memref<512xi32, #tpu.memory_space<vmem>>
        %dma_start3A_206 = arith.constant 0 : i32
        %dma_start3A_207 = arith.constant 0 : i32
        %dma_start3A_208 = tpu.memref_slice %arg13[%dma_start3A_206, %dma_start3A_207] : memref<50048x16xf32, #tpu.memory_space<vmem_shared>> -> memref<50048x16xf32, #tpu.memory_space<vmem_shared>>
        tpu.enqueue_indirect_dma source(%dma_start3A_208 : memref<50048x16xf32, #tpu.memory_space<vmem_shared>>) target(%arg11 : memref<512x16xf32, #tpu.memory_space<vmem>>) offsets(%dma_start3A_205 : memref<512xi32, #tpu.memory_space<vmem>>) semaphore(%arg15 : memref<!tpu.dma_semaphore, #tpu.memory_space<semaphore_mem>>)
        %dma_wait3A = arith.constant 0 : i32
        %dma_wait3A_209 = tpu.memref_slice %arg8[%dma_wait3A] : memref<2048xi32, #tpu.memory_space<vmem>> -> memref<512xi32, #tpu.memory_space<vmem>>
        %dma_wait3A_210 = arith.constant 0 : i32
        %dma_wait3A_211 = arith.constant 0 : i32
        %dma_wait3A_212 = tpu.memref_slice %arg13[%dma_wait3A_210, %dma_wait3A_211] : memref<50048x16xf32, #tpu.memory_space<vmem_shared>> -> memref<50048x16xf32, #tpu.memory_space<vmem_shared>>
        tpu.wait_indirect_dma semaphore(%arg15 : memref<!tpu.dma_semaphore, #tpu.memory_space<semaphore_mem>>) src(%dma_wait3A_212 : memref<50048x16xf32, #tpu.memory_space<vmem_shared>>) dst(%arg10 : memref<512x16xf32, #tpu.memory_space<vmem>>)
        %dma_start3A_213 = arith.constant 0 : i32
        %dma_start3A_214 = tpu.memref_slice %arg9[%dma_start3A_213] : memref<2048xi32, #tpu.memory_space<vmem>> -> memref<512xi32, #tpu.memory_space<vmem>>
        %dma_start3A_215 = arith.constant 0 : i32
        %dma_start3A_216 = arith.constant 0 : i32
        %dma_start3A_217 = tpu.memref_slice %arg14[%dma_start3A_215, %dma_start3A_216] : memref<50048x16xf32, #tpu.memory_space<vmem_shared>> -> memref<50048x16xf32, #tpu.memory_space<vmem_shared>>
        tpu.enqueue_indirect_dma source(%arg10 : memref<512x16xf32, #tpu.memory_space<vmem>>) target(%dma_start3A_217 : memref<50048x16xf32, #tpu.memory_space<vmem_shared>>) offsets(%dma_start3A_214 : memref<512xi32, #tpu.memory_space<vmem>>) semaphore(%arg16 : memref<!tpu.dma_semaphore, #tpu.memory_space<semaphore_mem>>) {add = true}
        %dma_start3A_218 = arith.constant 1024 : i32
        %dma_start3A_219 = tpu.memref_slice %arg8[%dma_start3A_218] : memref<2048xi32, #tpu.memory_space<vmem>> -> memref<512xi32, #tpu.memory_space<vmem>>
        %dma_start3A_220 = arith.constant 0 : i32
        %dma_start3A_221 = arith.constant 0 : i32
        %dma_start3A_222 = tpu.memref_slice %arg13[%dma_start3A_220, %dma_start3A_221] : memref<50048x16xf32, #tpu.memory_space<vmem_shared>> -> memref<50048x16xf32, #tpu.memory_space<vmem_shared>>
        tpu.enqueue_indirect_dma source(%dma_start3A_222 : memref<50048x16xf32, #tpu.memory_space<vmem_shared>>) target(%arg12 : memref<512x16xf32, #tpu.memory_space<vmem>>) offsets(%dma_start3A_219 : memref<512xi32, #tpu.memory_space<vmem>>) semaphore(%arg15 : memref<!tpu.dma_semaphore, #tpu.memory_space<semaphore_mem>>)
        %dma_wait3A_223 = arith.constant 512 : i32
        %dma_wait3A_224 = tpu.memref_slice %arg8[%dma_wait3A_223] : memref<2048xi32, #tpu.memory_space<vmem>> -> memref<512xi32, #tpu.memory_space<vmem>>
        %dma_wait3A_225 = arith.constant 0 : i32
        %dma_wait3A_226 = arith.constant 0 : i32
        %dma_wait3A_227 = tpu.memref_slice %arg13[%dma_wait3A_225, %dma_wait3A_226] : memref<50048x16xf32, #tpu.memory_space<vmem_shared>> -> memref<50048x16xf32, #tpu.memory_space<vmem_shared>>
        tpu.wait_indirect_dma semaphore(%arg15 : memref<!tpu.dma_semaphore, #tpu.memory_space<semaphore_mem>>) src(%dma_wait3A_227 : memref<50048x16xf32, #tpu.memory_space<vmem_shared>>) dst(%arg11 : memref<512x16xf32, #tpu.memory_space<vmem>>)
        %dma_start3A_228 = arith.constant 512 : i32
        %dma_start3A_229 = tpu.memref_slice %arg9[%dma_start3A_228] : memref<2048xi32, #tpu.memory_space<vmem>> -> memref<512xi32, #tpu.memory_space<vmem>>
        %dma_start3A_230 = arith.constant 0 : i32
        %dma_start3A_231 = arith.constant 0 : i32
        %dma_start3A_232 = tpu.memref_slice %arg14[%dma_start3A_230, %dma_start3A_231] : memref<50048x16xf32, #tpu.memory_space<vmem_shared>> -> memref<50048x16xf32, #tpu.memory_space<vmem_shared>>
        tpu.enqueue_indirect_dma source(%arg11 : memref<512x16xf32, #tpu.memory_space<vmem>>) target(%dma_start3A_232 : memref<50048x16xf32, #tpu.memory_space<vmem_shared>>) offsets(%dma_start3A_229 : memref<512xi32, #tpu.memory_space<vmem>>) semaphore(%arg16 : memref<!tpu.dma_semaphore, #tpu.memory_space<semaphore_mem>>) {add = true}
        %dma_wait3A_233 = arith.constant 0 : i32
        %dma_wait3A_234 = tpu.memref_slice %arg9[%dma_wait3A_233] : memref<2048xi32, #tpu.memory_space<vmem>> -> memref<512xi32, #tpu.memory_space<vmem>>
        %dma_wait3A_235 = arith.constant 0 : i32
        %dma_wait3A_236 = arith.constant 0 : i32
        %dma_wait3A_237 = tpu.memref_slice %arg14[%dma_wait3A_235, %dma_wait3A_236] : memref<50048x16xf32, #tpu.memory_space<vmem_shared>> -> memref<50048x16xf32, #tpu.memory_space<vmem_shared>>
        tpu.wait_indirect_dma semaphore(%arg16 : memref<!tpu.dma_semaphore, #tpu.memory_space<semaphore_mem>>) src(%arg10 : memref<512x16xf32, #tpu.memory_space<vmem>>) dst(%dma_wait3A_237 : memref<50048x16xf32, #tpu.memory_space<vmem_shared>>)
        %dma_start3A_238 = arith.constant 1536 : i32
        %dma_start3A_239 = tpu.memref_slice %arg8[%dma_start3A_238] : memref<2048xi32, #tpu.memory_space<vmem>> -> memref<512xi32, #tpu.memory_space<vmem>>
        %dma_start3A_240 = arith.constant 0 : i32
        %dma_start3A_241 = arith.constant 0 : i32
        %dma_start3A_242 = tpu.memref_slice %arg13[%dma_start3A_240, %dma_start3A_241] : memref<50048x16xf32, #tpu.memory_space<vmem_shared>> -> memref<50048x16xf32, #tpu.memory_space<vmem_shared>>
        tpu.enqueue_indirect_dma source(%dma_start3A_242 : memref<50048x16xf32, #tpu.memory_space<vmem_shared>>) target(%arg10 : memref<512x16xf32, #tpu.memory_space<vmem>>) offsets(%dma_start3A_239 : memref<512xi32, #tpu.memory_space<vmem>>) semaphore(%arg15 : memref<!tpu.dma_semaphore, #tpu.memory_space<semaphore_mem>>)
        %dma_wait3A_243 = arith.constant 1024 : i32
        %dma_wait3A_244 = tpu.memref_slice %arg8[%dma_wait3A_243] : memref<2048xi32, #tpu.memory_space<vmem>> -> memref<512xi32, #tpu.memory_space<vmem>>
        %dma_wait3A_245 = arith.constant 0 : i32
        %dma_wait3A_246 = arith.constant 0 : i32
        %dma_wait3A_247 = tpu.memref_slice %arg13[%dma_wait3A_245, %dma_wait3A_246] : memref<50048x16xf32, #tpu.memory_space<vmem_shared>> -> memref<50048x16xf32, #tpu.memory_space<vmem_shared>>
        tpu.wait_indirect_dma semaphore(%arg15 : memref<!tpu.dma_semaphore, #tpu.memory_space<semaphore_mem>>) src(%dma_wait3A_247 : memref<50048x16xf32, #tpu.memory_space<vmem_shared>>) dst(%arg12 : memref<512x16xf32, #tpu.memory_space<vmem>>)
        %dma_start3A_248 = arith.constant 1024 : i32
        %dma_start3A_249 = tpu.memref_slice %arg9[%dma_start3A_248] : memref<2048xi32, #tpu.memory_space<vmem>> -> memref<512xi32, #tpu.memory_space<vmem>>
        %dma_start3A_250 = arith.constant 0 : i32
        %dma_start3A_251 = arith.constant 0 : i32
        %dma_start3A_252 = tpu.memref_slice %arg14[%dma_start3A_250, %dma_start3A_251] : memref<50048x16xf32, #tpu.memory_space<vmem_shared>> -> memref<50048x16xf32, #tpu.memory_space<vmem_shared>>
        tpu.enqueue_indirect_dma source(%arg12 : memref<512x16xf32, #tpu.memory_space<vmem>>) target(%dma_start3A_252 : memref<50048x16xf32, #tpu.memory_space<vmem_shared>>) offsets(%dma_start3A_249 : memref<512xi32, #tpu.memory_space<vmem>>) semaphore(%arg16 : memref<!tpu.dma_semaphore, #tpu.memory_space<semaphore_mem>>) {add = true}
        %dma_wait3A_253 = arith.constant 1536 : i32
        %dma_wait3A_254 = tpu.memref_slice %arg8[%dma_wait3A_253] : memref<2048xi32, #tpu.memory_space<vmem>> -> memref<512xi32, #tpu.memory_space<vmem>>
        %dma_wait3A_255 = arith.constant 0 : i32
        %dma_wait3A_256 = arith.constant 0 : i32
        %dma_wait3A_257 = tpu.memref_slice %arg13[%dma_wait3A_255, %dma_wait3A_256] : memref<50048x16xf32, #tpu.memory_space<vmem_shared>> -> memref<50048x16xf32, #tpu.memory_space<vmem_shared>>
        tpu.wait_indirect_dma semaphore(%arg15 : memref<!tpu.dma_semaphore, #tpu.memory_space<semaphore_mem>>) src(%dma_wait3A_257 : memref<50048x16xf32, #tpu.memory_space<vmem_shared>>) dst(%arg10 : memref<512x16xf32, #tpu.memory_space<vmem>>)
        %dma_start3A_258 = arith.constant 1536 : i32
        %dma_start3A_259 = tpu.memref_slice %arg9[%dma_start3A_258] : memref<2048xi32, #tpu.memory_space<vmem>> -> memref<512xi32, #tpu.memory_space<vmem>>
        %dma_start3A_260 = arith.constant 0 : i32
        %dma_start3A_261 = arith.constant 0 : i32
        %dma_start3A_262 = tpu.memref_slice %arg14[%dma_start3A_260, %dma_start3A_261] : memref<50048x16xf32, #tpu.memory_space<vmem_shared>> -> memref<50048x16xf32, #tpu.memory_space<vmem_shared>>
        tpu.enqueue_indirect_dma source(%arg10 : memref<512x16xf32, #tpu.memory_space<vmem>>) target(%dma_start3A_262 : memref<50048x16xf32, #tpu.memory_space<vmem_shared>>) offsets(%dma_start3A_259 : memref<512xi32, #tpu.memory_space<vmem>>) semaphore(%arg16 : memref<!tpu.dma_semaphore, #tpu.memory_space<semaphore_mem>>) {add = true}
        %dma_wait3A_263 = arith.constant 512 : i32
        %dma_wait3A_264 = tpu.memref_slice %arg9[%dma_wait3A_263] : memref<2048xi32, #tpu.memory_space<vmem>> -> memref<512xi32, #tpu.memory_space<vmem>>
        %dma_wait3A_265 = arith.constant 0 : i32
        %dma_wait3A_266 = arith.constant 0 : i32
        %dma_wait3A_267 = tpu.memref_slice %arg14[%dma_wait3A_265, %dma_wait3A_266] : memref<50048x16xf32, #tpu.memory_space<vmem_shared>> -> memref<50048x16xf32, #tpu.memory_space<vmem_shared>>
        tpu.wait_indirect_dma semaphore(%arg16 : memref<!tpu.dma_semaphore, #tpu.memory_space<semaphore_mem>>) src(%arg11 : memref<512x16xf32, #tpu.memory_space<vmem>>) dst(%dma_wait3A_267 : memref<50048x16xf32, #tpu.memory_space<vmem_shared>>)
        %dma_wait3A_268 = arith.constant 1024 : i32
        %dma_wait3A_269 = tpu.memref_slice %arg9[%dma_wait3A_268] : memref<2048xi32, #tpu.memory_space<vmem>> -> memref<512xi32, #tpu.memory_space<vmem>>
        %dma_wait3A_270 = arith.constant 0 : i32
        %dma_wait3A_271 = arith.constant 0 : i32
        %dma_wait3A_272 = tpu.memref_slice %arg14[%dma_wait3A_270, %dma_wait3A_271] : memref<50048x16xf32, #tpu.memory_space<vmem_shared>> -> memref<50048x16xf32, #tpu.memory_space<vmem_shared>>
        tpu.wait_indirect_dma semaphore(%arg16 : memref<!tpu.dma_semaphore, #tpu.memory_space<semaphore_mem>>) src(%arg12 : memref<512x16xf32, #tpu.memory_space<vmem>>) dst(%dma_wait3A_272 : memref<50048x16xf32, #tpu.memory_space<vmem_shared>>)
        %dma_wait3A_273 = arith.constant 1536 : i32
        %dma_wait3A_274 = tpu.memref_slice %arg9[%dma_wait3A_273] : memref<2048xi32, #tpu.memory_space<vmem>> -> memref<512xi32, #tpu.memory_space<vmem>>
        %dma_wait3A_275 = arith.constant 0 : i32
        %dma_wait3A_276 = arith.constant 0 : i32
        %dma_wait3A_277 = tpu.memref_slice %arg14[%dma_wait3A_275, %dma_wait3A_276] : memref<50048x16xf32, #tpu.memory_space<vmem_shared>> -> memref<50048x16xf32, #tpu.memory_space<vmem_shared>>
        tpu.wait_indirect_dma semaphore(%arg16 : memref<!tpu.dma_semaphore, #tpu.memory_space<semaphore_mem>>) src(%arg10 : memref<512x16xf32, #tpu.memory_space<vmem>>) dst(%dma_wait3A_277 : memref<50048x16xf32, #tpu.memory_space<vmem_shared>>)
      }
      %scan3A_111 = arith.constant 25 : i32
      %barrier3A_112 = arith.constant 0 : index
      tpu.barrier barrier_id(%barrier3A_112)
      %lt3A_113 = arith.constant 15 : i32
      %lt3A_114 = arith.cmpi slt, %arg1, %lt3A_113 : i32
      %convert_element_type3A_115 = arith.extui %lt3A_114 : i1 to i32
      %cond3A_116 = arith.constant 0 : i32
      %cond3A_117 = arith.cmpi ne, %convert_element_type3A_115, %cond3A_116 : i32
      scf.if %cond3A_117 {
        %mul3A_194 = arith.constant 3128 : i32
        %mul3A_195 = arith.muli %arg1, %mul3A_194 : i32
        "tpu.region"() ({
          %run_scoped3A = tpu.sem_alloc : memref<!tpu.dma_semaphore, #tpu.memory_space<semaphore_mem>>
          %dma_start3A = arith.constant 32 : i32
          %dma_start3A_196 = tpu.memref_slice %arg7[%mul3A_195, %dma_start3A] : memref<50000x160xf32, #tpu.memory_space<hbm>> -> memref<3128x16xf32, #tpu.memory_space<hbm>>
          %dma_start3A_197 = arith.constant 0 : i32
          %dma_start3A_198 = tpu.memref_slice %arg14[%mul3A_195, %dma_start3A_197] : memref<50048x16xf32, #tpu.memory_space<vmem_shared>> -> memref<3128x16xf32, #tpu.memory_space<vmem_shared>>
          tpu.enqueue_dma source(%dma_start3A_198 : memref<3128x16xf32, #tpu.memory_space<vmem_shared>>) target(%dma_start3A_196 : memref<3128x16xf32, #tpu.memory_space<hbm>>) target_semaphore(%run_scoped3A : memref<!tpu.dma_semaphore, #tpu.memory_space<semaphore_mem>>)
          %dma_wait3A = arith.constant 32 : i32
          %dma_wait3A_199 = tpu.memref_slice %arg7[%mul3A_195, %dma_wait3A] : memref<50000x160xf32, #tpu.memory_space<hbm>> -> memref<3128x16xf32, #tpu.memory_space<hbm>>
          %dma_wait3A_200 = arith.constant 0 : i32
          %dma_wait3A_201 = tpu.memref_slice %arg14[%mul3A_195, %dma_wait3A_200] : memref<50048x16xf32, #tpu.memory_space<vmem_shared>> -> memref<3128x16xf32, #tpu.memory_space<vmem_shared>>
          tpu.wait_dma2 semaphore(%run_scoped3A : memref<!tpu.dma_semaphore, #tpu.memory_space<semaphore_mem>>) src(%dma_wait3A_201 : memref<3128x16xf32, #tpu.memory_space<vmem_shared>>) dst(%dma_wait3A_199 : memref<3128x16xf32, #tpu.memory_space<hbm>>)
          tpu.yield
        }) : () -> ()
      } else {
      }
      %eq3A_118 = arith.constant 15 : i32
      %eq3A_119 = arith.cmpi eq, %arg1, %eq3A_118 : i32
      %convert_element_type3A_120 = arith.extui %eq3A_119 : i1 to i32
      %cond3A_121 = arith.constant 0 : i32
      %cond3A_122 = arith.cmpi ne, %convert_element_type3A_120, %cond3A_121 : i32
      scf.if %cond3A_122 {
        "tpu.region"() ({
          %run_scoped3A = tpu.sem_alloc : memref<!tpu.dma_semaphore, #tpu.memory_space<semaphore_mem>>
          %dma_start3A = arith.constant 46920 : i32
          %dma_start3A_194 = arith.constant 32 : i32
          %dma_start3A_195 = tpu.memref_slice %arg7[%dma_start3A, %dma_start3A_194] : memref<50000x160xf32, #tpu.memory_space<hbm>> -> memref<3080x16xf32, #tpu.memory_space<hbm>>
          %dma_start3A_196 = arith.constant 46920 : i32
          %dma_start3A_197 = arith.constant 0 : i32
          %dma_start3A_198 = tpu.memref_slice %arg14[%dma_start3A_196, %dma_start3A_197] : memref<50048x16xf32, #tpu.memory_space<vmem_shared>> -> memref<3080x16xf32, #tpu.memory_space<vmem_shared>>
          tpu.enqueue_dma source(%dma_start3A_198 : memref<3080x16xf32, #tpu.memory_space<vmem_shared>>) target(%dma_start3A_195 : memref<3080x16xf32, #tpu.memory_space<hbm>>) target_semaphore(%run_scoped3A : memref<!tpu.dma_semaphore, #tpu.memory_space<semaphore_mem>>)
          %dma_wait3A = arith.constant 46920 : i32
          %dma_wait3A_199 = arith.constant 32 : i32
          %dma_wait3A_200 = tpu.memref_slice %arg7[%dma_wait3A, %dma_wait3A_199] : memref<50000x160xf32, #tpu.memory_space<hbm>> -> memref<3080x16xf32, #tpu.memory_space<hbm>>
          %dma_wait3A_201 = arith.constant 46920 : i32
          %dma_wait3A_202 = arith.constant 0 : i32
          %dma_wait3A_203 = tpu.memref_slice %arg14[%dma_wait3A_201, %dma_wait3A_202] : memref<50048x16xf32, #tpu.memory_space<vmem_shared>> -> memref<3080x16xf32, #tpu.memory_space<vmem_shared>>
          tpu.wait_dma2 semaphore(%run_scoped3A : memref<!tpu.dma_semaphore, #tpu.memory_space<semaphore_mem>>) src(%dma_wait3A_203 : memref<3080x16xf32, #tpu.memory_space<vmem_shared>>) dst(%dma_wait3A_200 : memref<3080x16xf32, #tpu.memory_space<hbm>>)
          tpu.yield
        }) : () -> ()
      } else {
      }
      %lt3A_123 = arith.constant 15 : i32
      %lt3A_124 = arith.cmpi slt, %arg1, %lt3A_123 : i32
      %convert_element_type3A_125 = arith.extui %lt3A_124 : i1 to i32
      %cond3A_126 = arith.constant 0 : i32
      %cond3A_127 = arith.cmpi ne, %convert_element_type3A_125, %cond3A_126 : i32
      scf.if %cond3A_127 {
        %mul3A_194 = arith.constant 3128 : i32
        %mul3A_195 = arith.muli %arg1, %mul3A_194 : i32
        "tpu.region"() ({
          %run_scoped3A = tpu.sem_alloc : memref<!tpu.dma_semaphore, #tpu.memory_space<semaphore_mem>>
          %dma_start3A = arith.constant 0 : i32
          %dma_start3A_196 = tpu.memref_slice %arg13[%mul3A_195, %dma_start3A] : memref<50048x16xf32, #tpu.memory_space<vmem_shared>> -> memref<3128x16xf32, #tpu.memory_space<vmem_shared>>
          %dma_start3A_197 = arith.constant 48 : i32
          %dma_start3A_198 = tpu.memref_slice %arg2[%mul3A_195, %dma_start3A_197] : memref<50000x128xf32, #tpu.memory_space<hbm>> -> memref<3128x16xf32, #tpu.memory_space<hbm>>
          tpu.enqueue_dma source(%dma_start3A_198 : memref<3128x16xf32, #tpu.memory_space<hbm>>) target(%dma_start3A_196 : memref<3128x16xf32, #tpu.memory_space<vmem_shared>>) target_semaphore(%run_scoped3A : memref<!tpu.dma_semaphore, #tpu.memory_space<semaphore_mem>>)
          %dma_wait3A = arith.constant 0 : i32
          %dma_wait3A_199 = tpu.memref_slice %arg13[%mul3A_195, %dma_wait3A] : memref<50048x16xf32, #tpu.memory_space<vmem_shared>> -> memref<3128x16xf32, #tpu.memory_space<vmem_shared>>
          %dma_wait3A_200 = arith.constant 48 : i32
          %dma_wait3A_201 = tpu.memref_slice %arg2[%mul3A_195, %dma_wait3A_200] : memref<50000x128xf32, #tpu.memory_space<hbm>> -> memref<3128x16xf32, #tpu.memory_space<hbm>>
          tpu.wait_dma2 semaphore(%run_scoped3A : memref<!tpu.dma_semaphore, #tpu.memory_space<semaphore_mem>>) src(%dma_wait3A_201 : memref<3128x16xf32, #tpu.memory_space<hbm>>) dst(%dma_wait3A_199 : memref<3128x16xf32, #tpu.memory_space<vmem_shared>>)
          tpu.yield
        }) : () -> ()
      } else {
      }
      %eq3A_128 = arith.constant 15 : i32
      %eq3A_129 = arith.cmpi eq, %arg1, %eq3A_128 : i32
      %convert_element_type3A_130 = arith.extui %eq3A_129 : i1 to i32
      %cond3A_131 = arith.constant 0 : i32
      %cond3A_132 = arith.cmpi ne, %convert_element_type3A_130, %cond3A_131 : i32
      scf.if %cond3A_132 {
        "tpu.region"() ({
          %run_scoped3A = tpu.sem_alloc : memref<!tpu.dma_semaphore, #tpu.memory_space<semaphore_mem>>
          %dma_start3A = arith.constant 46920 : i32
          %dma_start3A_194 = arith.constant 0 : i32
          %dma_start3A_195 = tpu.memref_slice %arg13[%dma_start3A, %dma_start3A_194] : memref<50048x16xf32, #tpu.memory_space<vmem_shared>> -> memref<3080x16xf32, #tpu.memory_space<vmem_shared>>
          %dma_start3A_196 = arith.constant 46920 : i32
          %dma_start3A_197 = arith.constant 48 : i32
          %dma_start3A_198 = tpu.memref_slice %arg2[%dma_start3A_196, %dma_start3A_197] : memref<50000x128xf32, #tpu.memory_space<hbm>> -> memref<3080x16xf32, #tpu.memory_space<hbm>>
          tpu.enqueue_dma source(%dma_start3A_198 : memref<3080x16xf32, #tpu.memory_space<hbm>>) target(%dma_start3A_195 : memref<3080x16xf32, #tpu.memory_space<vmem_shared>>) target_semaphore(%run_scoped3A : memref<!tpu.dma_semaphore, #tpu.memory_space<semaphore_mem>>)
          %dma_wait3A = arith.constant 46920 : i32
          %dma_wait3A_199 = arith.constant 0 : i32
          %dma_wait3A_200 = tpu.memref_slice %arg13[%dma_wait3A, %dma_wait3A_199] : memref<50048x16xf32, #tpu.memory_space<vmem_shared>> -> memref<3080x16xf32, #tpu.memory_space<vmem_shared>>
          %dma_wait3A_201 = arith.constant 46920 : i32
          %dma_wait3A_202 = arith.constant 48 : i32
          %dma_wait3A_203 = tpu.memref_slice %arg2[%dma_wait3A_201, %dma_wait3A_202] : memref<50000x128xf32, #tpu.memory_space<hbm>> -> memref<3080x16xf32, #tpu.memory_space<hbm>>
          tpu.wait_dma2 semaphore(%run_scoped3A : memref<!tpu.dma_semaphore, #tpu.memory_space<semaphore_mem>>) src(%dma_wait3A_203 : memref<3080x16xf32, #tpu.memory_space<hbm>>) dst(%dma_wait3A_200 : memref<3080x16xf32, #tpu.memory_space<vmem_shared>>)
          tpu.yield
        }) : () -> ()
      } else {
      }
      %lt3A_133 = arith.constant 15 : i32
      %lt3A_134 = arith.cmpi slt, %arg1, %lt3A_133 : i32
      %convert_element_type3A_135 = arith.extui %lt3A_134 : i1 to i32
      %cond3A_136 = arith.constant 0 : i32
      %cond3A_137 = arith.cmpi ne, %convert_element_type3A_135, %cond3A_136 : i32
      scf.if %cond3A_137 {
        %mul3A_194 = arith.constant 3128 : i32
        %mul3A_195 = arith.muli %arg1, %mul3A_194 : i32
        "tpu.region"() ({
          %run_scoped3A = tpu.sem_alloc : memref<!tpu.dma_semaphore, #tpu.memory_space<semaphore_mem>>
          %dma_start3A = arith.constant 0 : i32
          %dma_start3A_196 = tpu.memref_slice %arg14[%mul3A_195, %dma_start3A] : memref<50048x16xf32, #tpu.memory_space<vmem_shared>> -> memref<3128x16xf32, #tpu.memory_space<vmem_shared>>
          %dma_start3A_197 = arith.constant 0 : i32
          %dma_start3A_198 = arith.constant 0 : i32
          %dma_start3A_199 = tpu.memref_slice %arg5[%dma_start3A_197, %dma_start3A_198] : memref<3128x16xf32, #tpu.memory_space<hbm>> -> memref<3128x16xf32, #tpu.memory_space<hbm>>
          tpu.enqueue_dma source(%dma_start3A_199 : memref<3128x16xf32, #tpu.memory_space<hbm>>) target(%dma_start3A_196 : memref<3128x16xf32, #tpu.memory_space<vmem_shared>>) target_semaphore(%run_scoped3A : memref<!tpu.dma_semaphore, #tpu.memory_space<semaphore_mem>>)
          %dma_wait3A = arith.constant 0 : i32
          %dma_wait3A_200 = tpu.memref_slice %arg14[%mul3A_195, %dma_wait3A] : memref<50048x16xf32, #tpu.memory_space<vmem_shared>> -> memref<3128x16xf32, #tpu.memory_space<vmem_shared>>
          %dma_wait3A_201 = arith.constant 0 : i32
          %dma_wait3A_202 = arith.constant 0 : i32
          %dma_wait3A_203 = tpu.memref_slice %arg5[%dma_wait3A_201, %dma_wait3A_202] : memref<3128x16xf32, #tpu.memory_space<hbm>> -> memref<3128x16xf32, #tpu.memory_space<hbm>>
          tpu.wait_dma2 semaphore(%run_scoped3A : memref<!tpu.dma_semaphore, #tpu.memory_space<semaphore_mem>>) src(%dma_wait3A_203 : memref<3128x16xf32, #tpu.memory_space<hbm>>) dst(%dma_wait3A_200 : memref<3128x16xf32, #tpu.memory_space<vmem_shared>>)
          tpu.yield
        }) : () -> ()
      } else {
      }
      %eq3A_138 = arith.constant 15 : i32
      %eq3A_139 = arith.cmpi eq, %arg1, %eq3A_138 : i32
      %convert_element_type3A_140 = arith.extui %eq3A_139 : i1 to i32
      %cond3A_141 = arith.constant 0 : i32
      %cond3A_142 = arith.cmpi ne, %convert_element_type3A_140, %cond3A_141 : i32
      scf.if %cond3A_142 {
        "tpu.region"() ({
          %run_scoped3A = tpu.sem_alloc : memref<!tpu.dma_semaphore, #tpu.memory_space<semaphore_mem>>
          %dma_start3A = arith.constant 46920 : i32
          %dma_start3A_194 = arith.constant 0 : i32
          %dma_start3A_195 = tpu.memref_slice %arg14[%dma_start3A, %dma_start3A_194] : memref<50048x16xf32, #tpu.memory_space<vmem_shared>> -> memref<3080x16xf32, #tpu.memory_space<vmem_shared>>
          %dma_start3A_196 = arith.constant 0 : i32
          %dma_start3A_197 = arith.constant 0 : i32
          %dma_start3A_198 = tpu.memref_slice %arg5[%dma_start3A_196, %dma_start3A_197] : memref<3128x16xf32, #tpu.memory_space<hbm>> -> memref<3080x16xf32, #tpu.memory_space<hbm>>
          tpu.enqueue_dma source(%dma_start3A_198 : memref<3080x16xf32, #tpu.memory_space<hbm>>) target(%dma_start3A_195 : memref<3080x16xf32, #tpu.memory_space<vmem_shared>>) target_semaphore(%run_scoped3A : memref<!tpu.dma_semaphore, #tpu.memory_space<semaphore_mem>>)
          %dma_wait3A = arith.constant 46920 : i32
          %dma_wait3A_199 = arith.constant 0 : i32
          %dma_wait3A_200 = tpu.memref_slice %arg14[%dma_wait3A, %dma_wait3A_199] : memref<50048x16xf32, #tpu.memory_space<vmem_shared>> -> memref<3080x16xf32, #tpu.memory_space<vmem_shared>>
          %dma_wait3A_201 = arith.constant 0 : i32
          %dma_wait3A_202 = arith.constant 0 : i32
          %dma_wait3A_203 = tpu.memref_slice %arg5[%dma_wait3A_201, %dma_wait3A_202] : memref<3128x16xf32, #tpu.memory_space<hbm>> -> memref<3080x16xf32, #tpu.memory_space<hbm>>
          tpu.wait_dma2 semaphore(%run_scoped3A : memref<!tpu.dma_semaphore, #tpu.memory_space<semaphore_mem>>) src(%dma_wait3A_203 : memref<3080x16xf32, #tpu.memory_space<hbm>>) dst(%dma_wait3A_200 : memref<3080x16xf32, #tpu.memory_space<vmem_shared>>)
          tpu.yield
        }) : () -> ()
      } else {
      }
      %barrier3A_143 = arith.constant 0 : index
      tpu.barrier barrier_id(%barrier3A_143)
      %mul3A_144 = arith.constant 400 : i32
      %mul3A_145 = arith.muli %arg1, %mul3A_144 : i32
      %scan3A_146 = arith.constant 0 : i32
      %scan3A_147 = arith.constant 0 : i32
      %scan3A_148 = arith.constant 25 : i32
      %scan3A_149 = arith.addi %scan3A_147, %scan3A_148 : i32
      %scan3A_150 = arith.constant 1 : i32
      scf.for %scan3A_194 = %scan3A_147 to %scan3A_149 step %scan3A_150  : i32 {
        %mul3A_195 = arith.constant 16 : i32
        %mul3A_196 = arith.muli %scan3A_194, %mul3A_195 : i32
        %add3A_197 = arith.addi %mul3A_145, %mul3A_196 : i32
        %mul3A_198 = arith.constant 128 : i32
        %mul3A_199 = arith.muli %add3A_197, %mul3A_198 : i32
        "tpu.region"() ({
          %run_scoped3A = tpu.sem_alloc : memref<!tpu.dma_semaphore, #tpu.memory_space<semaphore_mem>>
          %dma_start3A_278 = tpu.memref_slice %arg3[%mul3A_199] : memref<819200xi32, #tpu.memory_space<hbm>> -> memref<2048xi32, #tpu.memory_space<hbm>>
          %dma_start3A_279 = tpu.memref_slice %arg3[%mul3A_199] : memref<819200xi32, #tpu.memory_space<hbm>> -> memref<2048xi32, #tpu.memory_space<hbm>>
          tpu.enqueue_dma source(%dma_start3A_279 : memref<2048xi32, #tpu.memory_space<hbm>>) target(%arg8 : memref<2048xi32, #tpu.memory_space<vmem>>) target_semaphore(%run_scoped3A : memref<!tpu.dma_semaphore, #tpu.memory_space<semaphore_mem>>)
          %dma_wait3A_280 = tpu.memref_slice %arg3[%mul3A_199] : memref<819200xi32, #tpu.memory_space<hbm>> -> memref<2048xi32, #tpu.memory_space<hbm>>
          %dma_wait3A_281 = tpu.memref_slice %arg3[%mul3A_199] : memref<819200xi32, #tpu.memory_space<hbm>> -> memref<2048xi32, #tpu.memory_space<hbm>>
          tpu.wait_dma2 semaphore(%run_scoped3A : memref<!tpu.dma_semaphore, #tpu.memory_space<semaphore_mem>>) src(%dma_wait3A_281 : memref<2048xi32, #tpu.memory_space<hbm>>) dst(%arg8 : memref<2048xi32, #tpu.memory_space<vmem>>)
          tpu.yield
        }) : () -> ()
        "tpu.region"() ({
          %run_scoped3A = tpu.sem_alloc : memref<!tpu.dma_semaphore, #tpu.memory_space<semaphore_mem>>
          %dma_start3A_278 = tpu.memref_slice %arg4[%mul3A_199] : memref<819200xi32, #tpu.memory_space<hbm>> -> memref<2048xi32, #tpu.memory_space<hbm>>
          %dma_start3A_279 = tpu.memref_slice %arg4[%mul3A_199] : memref<819200xi32, #tpu.memory_space<hbm>> -> memref<2048xi32, #tpu.memory_space<hbm>>
          tpu.enqueue_dma source(%dma_start3A_279 : memref<2048xi32, #tpu.memory_space<hbm>>) target(%arg9 : memref<2048xi32, #tpu.memory_space<vmem>>) target_semaphore(%run_scoped3A : memref<!tpu.dma_semaphore, #tpu.memory_space<semaphore_mem>>)
          %dma_wait3A_280 = tpu.memref_slice %arg4[%mul3A_199] : memref<819200xi32, #tpu.memory_space<hbm>> -> memref<2048xi32, #tpu.memory_space<hbm>>
          %dma_wait3A_281 = tpu.memref_slice %arg4[%mul3A_199] : memref<819200xi32, #tpu.memory_space<hbm>> -> memref<2048xi32, #tpu.memory_space<hbm>>
          tpu.wait_dma2 semaphore(%run_scoped3A : memref<!tpu.dma_semaphore, #tpu.memory_space<semaphore_mem>>) src(%dma_wait3A_281 : memref<2048xi32, #tpu.memory_space<hbm>>) dst(%arg9 : memref<2048xi32, #tpu.memory_space<vmem>>)
          tpu.yield
        }) : () -> ()
        %dma_start3A = arith.constant 0 : i32
        %dma_start3A_200 = tpu.memref_slice %arg8[%dma_start3A] : memref<2048xi32, #tpu.memory_space<vmem>> -> memref<512xi32, #tpu.memory_space<vmem>>
        %dma_start3A_201 = arith.constant 0 : i32
        %dma_start3A_202 = arith.constant 0 : i32
        %dma_start3A_203 = tpu.memref_slice %arg13[%dma_start3A_201, %dma_start3A_202] : memref<50048x16xf32, #tpu.memory_space<vmem_shared>> -> memref<50048x16xf32, #tpu.memory_space<vmem_shared>>
        tpu.enqueue_indirect_dma source(%dma_start3A_203 : memref<50048x16xf32, #tpu.memory_space<vmem_shared>>) target(%arg10 : memref<512x16xf32, #tpu.memory_space<vmem>>) offsets(%dma_start3A_200 : memref<512xi32, #tpu.memory_space<vmem>>) semaphore(%arg15 : memref<!tpu.dma_semaphore, #tpu.memory_space<semaphore_mem>>)
        %dma_start3A_204 = arith.constant 512 : i32
        %dma_start3A_205 = tpu.memref_slice %arg8[%dma_start3A_204] : memref<2048xi32, #tpu.memory_space<vmem>> -> memref<512xi32, #tpu.memory_space<vmem>>
        %dma_start3A_206 = arith.constant 0 : i32
        %dma_start3A_207 = arith.constant 0 : i32
        %dma_start3A_208 = tpu.memref_slice %arg13[%dma_start3A_206, %dma_start3A_207] : memref<50048x16xf32, #tpu.memory_space<vmem_shared>> -> memref<50048x16xf32, #tpu.memory_space<vmem_shared>>
        tpu.enqueue_indirect_dma source(%dma_start3A_208 : memref<50048x16xf32, #tpu.memory_space<vmem_shared>>) target(%arg11 : memref<512x16xf32, #tpu.memory_space<vmem>>) offsets(%dma_start3A_205 : memref<512xi32, #tpu.memory_space<vmem>>) semaphore(%arg15 : memref<!tpu.dma_semaphore, #tpu.memory_space<semaphore_mem>>)
        %dma_wait3A = arith.constant 0 : i32
        %dma_wait3A_209 = tpu.memref_slice %arg8[%dma_wait3A] : memref<2048xi32, #tpu.memory_space<vmem>> -> memref<512xi32, #tpu.memory_space<vmem>>
        %dma_wait3A_210 = arith.constant 0 : i32
        %dma_wait3A_211 = arith.constant 0 : i32
        %dma_wait3A_212 = tpu.memref_slice %arg13[%dma_wait3A_210, %dma_wait3A_211] : memref<50048x16xf32, #tpu.memory_space<vmem_shared>> -> memref<50048x16xf32, #tpu.memory_space<vmem_shared>>
        tpu.wait_indirect_dma semaphore(%arg15 : memref<!tpu.dma_semaphore, #tpu.memory_space<semaphore_mem>>) src(%dma_wait3A_212 : memref<50048x16xf32, #tpu.memory_space<vmem_shared>>) dst(%arg10 : memref<512x16xf32, #tpu.memory_space<vmem>>)
        %dma_start3A_213 = arith.constant 0 : i32
        %dma_start3A_214 = tpu.memref_slice %arg9[%dma_start3A_213] : memref<2048xi32, #tpu.memory_space<vmem>> -> memref<512xi32, #tpu.memory_space<vmem>>
        %dma_start3A_215 = arith.constant 0 : i32
        %dma_start3A_216 = arith.constant 0 : i32
        %dma_start3A_217 = tpu.memref_slice %arg14[%dma_start3A_215, %dma_start3A_216] : memref<50048x16xf32, #tpu.memory_space<vmem_shared>> -> memref<50048x16xf32, #tpu.memory_space<vmem_shared>>
        tpu.enqueue_indirect_dma source(%arg10 : memref<512x16xf32, #tpu.memory_space<vmem>>) target(%dma_start3A_217 : memref<50048x16xf32, #tpu.memory_space<vmem_shared>>) offsets(%dma_start3A_214 : memref<512xi32, #tpu.memory_space<vmem>>) semaphore(%arg16 : memref<!tpu.dma_semaphore, #tpu.memory_space<semaphore_mem>>) {add = true}
        %dma_start3A_218 = arith.constant 1024 : i32
        %dma_start3A_219 = tpu.memref_slice %arg8[%dma_start3A_218] : memref<2048xi32, #tpu.memory_space<vmem>> -> memref<512xi32, #tpu.memory_space<vmem>>
        %dma_start3A_220 = arith.constant 0 : i32
        %dma_start3A_221 = arith.constant 0 : i32
        %dma_start3A_222 = tpu.memref_slice %arg13[%dma_start3A_220, %dma_start3A_221] : memref<50048x16xf32, #tpu.memory_space<vmem_shared>> -> memref<50048x16xf32, #tpu.memory_space<vmem_shared>>
        tpu.enqueue_indirect_dma source(%dma_start3A_222 : memref<50048x16xf32, #tpu.memory_space<vmem_shared>>) target(%arg12 : memref<512x16xf32, #tpu.memory_space<vmem>>) offsets(%dma_start3A_219 : memref<512xi32, #tpu.memory_space<vmem>>) semaphore(%arg15 : memref<!tpu.dma_semaphore, #tpu.memory_space<semaphore_mem>>)
        %dma_wait3A_223 = arith.constant 512 : i32
        %dma_wait3A_224 = tpu.memref_slice %arg8[%dma_wait3A_223] : memref<2048xi32, #tpu.memory_space<vmem>> -> memref<512xi32, #tpu.memory_space<vmem>>
        %dma_wait3A_225 = arith.constant 0 : i32
        %dma_wait3A_226 = arith.constant 0 : i32
        %dma_wait3A_227 = tpu.memref_slice %arg13[%dma_wait3A_225, %dma_wait3A_226] : memref<50048x16xf32, #tpu.memory_space<vmem_shared>> -> memref<50048x16xf32, #tpu.memory_space<vmem_shared>>
        tpu.wait_indirect_dma semaphore(%arg15 : memref<!tpu.dma_semaphore, #tpu.memory_space<semaphore_mem>>) src(%dma_wait3A_227 : memref<50048x16xf32, #tpu.memory_space<vmem_shared>>) dst(%arg11 : memref<512x16xf32, #tpu.memory_space<vmem>>)
        %dma_start3A_228 = arith.constant 512 : i32
        %dma_start3A_229 = tpu.memref_slice %arg9[%dma_start3A_228] : memref<2048xi32, #tpu.memory_space<vmem>> -> memref<512xi32, #tpu.memory_space<vmem>>
        %dma_start3A_230 = arith.constant 0 : i32
        %dma_start3A_231 = arith.constant 0 : i32
        %dma_start3A_232 = tpu.memref_slice %arg14[%dma_start3A_230, %dma_start3A_231] : memref<50048x16xf32, #tpu.memory_space<vmem_shared>> -> memref<50048x16xf32, #tpu.memory_space<vmem_shared>>
        tpu.enqueue_indirect_dma source(%arg11 : memref<512x16xf32, #tpu.memory_space<vmem>>) target(%dma_start3A_232 : memref<50048x16xf32, #tpu.memory_space<vmem_shared>>) offsets(%dma_start3A_229 : memref<512xi32, #tpu.memory_space<vmem>>) semaphore(%arg16 : memref<!tpu.dma_semaphore, #tpu.memory_space<semaphore_mem>>) {add = true}
        %dma_wait3A_233 = arith.constant 0 : i32
        %dma_wait3A_234 = tpu.memref_slice %arg9[%dma_wait3A_233] : memref<2048xi32, #tpu.memory_space<vmem>> -> memref<512xi32, #tpu.memory_space<vmem>>
        %dma_wait3A_235 = arith.constant 0 : i32
        %dma_wait3A_236 = arith.constant 0 : i32
        %dma_wait3A_237 = tpu.memref_slice %arg14[%dma_wait3A_235, %dma_wait3A_236] : memref<50048x16xf32, #tpu.memory_space<vmem_shared>> -> memref<50048x16xf32, #tpu.memory_space<vmem_shared>>
        tpu.wait_indirect_dma semaphore(%arg16 : memref<!tpu.dma_semaphore, #tpu.memory_space<semaphore_mem>>) src(%arg10 : memref<512x16xf32, #tpu.memory_space<vmem>>) dst(%dma_wait3A_237 : memref<50048x16xf32, #tpu.memory_space<vmem_shared>>)
        %dma_start3A_238 = arith.constant 1536 : i32
        %dma_start3A_239 = tpu.memref_slice %arg8[%dma_start3A_238] : memref<2048xi32, #tpu.memory_space<vmem>> -> memref<512xi32, #tpu.memory_space<vmem>>
        %dma_start3A_240 = arith.constant 0 : i32
        %dma_start3A_241 = arith.constant 0 : i32
        %dma_start3A_242 = tpu.memref_slice %arg13[%dma_start3A_240, %dma_start3A_241] : memref<50048x16xf32, #tpu.memory_space<vmem_shared>> -> memref<50048x16xf32, #tpu.memory_space<vmem_shared>>
        tpu.enqueue_indirect_dma source(%dma_start3A_242 : memref<50048x16xf32, #tpu.memory_space<vmem_shared>>) target(%arg10 : memref<512x16xf32, #tpu.memory_space<vmem>>) offsets(%dma_start3A_239 : memref<512xi32, #tpu.memory_space<vmem>>) semaphore(%arg15 : memref<!tpu.dma_semaphore, #tpu.memory_space<semaphore_mem>>)
        %dma_wait3A_243 = arith.constant 1024 : i32
        %dma_wait3A_244 = tpu.memref_slice %arg8[%dma_wait3A_243] : memref<2048xi32, #tpu.memory_space<vmem>> -> memref<512xi32, #tpu.memory_space<vmem>>
        %dma_wait3A_245 = arith.constant 0 : i32
        %dma_wait3A_246 = arith.constant 0 : i32
        %dma_wait3A_247 = tpu.memref_slice %arg13[%dma_wait3A_245, %dma_wait3A_246] : memref<50048x16xf32, #tpu.memory_space<vmem_shared>> -> memref<50048x16xf32, #tpu.memory_space<vmem_shared>>
        tpu.wait_indirect_dma semaphore(%arg15 : memref<!tpu.dma_semaphore, #tpu.memory_space<semaphore_mem>>) src(%dma_wait3A_247 : memref<50048x16xf32, #tpu.memory_space<vmem_shared>>) dst(%arg12 : memref<512x16xf32, #tpu.memory_space<vmem>>)
        %dma_start3A_248 = arith.constant 1024 : i32
        %dma_start3A_249 = tpu.memref_slice %arg9[%dma_start3A_248] : memref<2048xi32, #tpu.memory_space<vmem>> -> memref<512xi32, #tpu.memory_space<vmem>>
        %dma_start3A_250 = arith.constant 0 : i32
        %dma_start3A_251 = arith.constant 0 : i32
        %dma_start3A_252 = tpu.memref_slice %arg14[%dma_start3A_250, %dma_start3A_251] : memref<50048x16xf32, #tpu.memory_space<vmem_shared>> -> memref<50048x16xf32, #tpu.memory_space<vmem_shared>>
        tpu.enqueue_indirect_dma source(%arg12 : memref<512x16xf32, #tpu.memory_space<vmem>>) target(%dma_start3A_252 : memref<50048x16xf32, #tpu.memory_space<vmem_shared>>) offsets(%dma_start3A_249 : memref<512xi32, #tpu.memory_space<vmem>>) semaphore(%arg16 : memref<!tpu.dma_semaphore, #tpu.memory_space<semaphore_mem>>) {add = true}
        %dma_wait3A_253 = arith.constant 1536 : i32
        %dma_wait3A_254 = tpu.memref_slice %arg8[%dma_wait3A_253] : memref<2048xi32, #tpu.memory_space<vmem>> -> memref<512xi32, #tpu.memory_space<vmem>>
        %dma_wait3A_255 = arith.constant 0 : i32
        %dma_wait3A_256 = arith.constant 0 : i32
        %dma_wait3A_257 = tpu.memref_slice %arg13[%dma_wait3A_255, %dma_wait3A_256] : memref<50048x16xf32, #tpu.memory_space<vmem_shared>> -> memref<50048x16xf32, #tpu.memory_space<vmem_shared>>
        tpu.wait_indirect_dma semaphore(%arg15 : memref<!tpu.dma_semaphore, #tpu.memory_space<semaphore_mem>>) src(%dma_wait3A_257 : memref<50048x16xf32, #tpu.memory_space<vmem_shared>>) dst(%arg10 : memref<512x16xf32, #tpu.memory_space<vmem>>)
        %dma_start3A_258 = arith.constant 1536 : i32
        %dma_start3A_259 = tpu.memref_slice %arg9[%dma_start3A_258] : memref<2048xi32, #tpu.memory_space<vmem>> -> memref<512xi32, #tpu.memory_space<vmem>>
        %dma_start3A_260 = arith.constant 0 : i32
        %dma_start3A_261 = arith.constant 0 : i32
        %dma_start3A_262 = tpu.memref_slice %arg14[%dma_start3A_260, %dma_start3A_261] : memref<50048x16xf32, #tpu.memory_space<vmem_shared>> -> memref<50048x16xf32, #tpu.memory_space<vmem_shared>>
        tpu.enqueue_indirect_dma source(%arg10 : memref<512x16xf32, #tpu.memory_space<vmem>>) target(%dma_start3A_262 : memref<50048x16xf32, #tpu.memory_space<vmem_shared>>) offsets(%dma_start3A_259 : memref<512xi32, #tpu.memory_space<vmem>>) semaphore(%arg16 : memref<!tpu.dma_semaphore, #tpu.memory_space<semaphore_mem>>) {add = true}
        %dma_wait3A_263 = arith.constant 512 : i32
        %dma_wait3A_264 = tpu.memref_slice %arg9[%dma_wait3A_263] : memref<2048xi32, #tpu.memory_space<vmem>> -> memref<512xi32, #tpu.memory_space<vmem>>
        %dma_wait3A_265 = arith.constant 0 : i32
        %dma_wait3A_266 = arith.constant 0 : i32
        %dma_wait3A_267 = tpu.memref_slice %arg14[%dma_wait3A_265, %dma_wait3A_266] : memref<50048x16xf32, #tpu.memory_space<vmem_shared>> -> memref<50048x16xf32, #tpu.memory_space<vmem_shared>>
        tpu.wait_indirect_dma semaphore(%arg16 : memref<!tpu.dma_semaphore, #tpu.memory_space<semaphore_mem>>) src(%arg11 : memref<512x16xf32, #tpu.memory_space<vmem>>) dst(%dma_wait3A_267 : memref<50048x16xf32, #tpu.memory_space<vmem_shared>>)
        %dma_wait3A_268 = arith.constant 1024 : i32
        %dma_wait3A_269 = tpu.memref_slice %arg9[%dma_wait3A_268] : memref<2048xi32, #tpu.memory_space<vmem>> -> memref<512xi32, #tpu.memory_space<vmem>>
        %dma_wait3A_270 = arith.constant 0 : i32
        %dma_wait3A_271 = arith.constant 0 : i32
        %dma_wait3A_272 = tpu.memref_slice %arg14[%dma_wait3A_270, %dma_wait3A_271] : memref<50048x16xf32, #tpu.memory_space<vmem_shared>> -> memref<50048x16xf32, #tpu.memory_space<vmem_shared>>
        tpu.wait_indirect_dma semaphore(%arg16 : memref<!tpu.dma_semaphore, #tpu.memory_space<semaphore_mem>>) src(%arg12 : memref<512x16xf32, #tpu.memory_space<vmem>>) dst(%dma_wait3A_272 : memref<50048x16xf32, #tpu.memory_space<vmem_shared>>)
        %dma_wait3A_273 = arith.constant 1536 : i32
        %dma_wait3A_274 = tpu.memref_slice %arg9[%dma_wait3A_273] : memref<2048xi32, #tpu.memory_space<vmem>> -> memref<512xi32, #tpu.memory_space<vmem>>
        %dma_wait3A_275 = arith.constant 0 : i32
        %dma_wait3A_276 = arith.constant 0 : i32
        %dma_wait3A_277 = tpu.memref_slice %arg14[%dma_wait3A_275, %dma_wait3A_276] : memref<50048x16xf32, #tpu.memory_space<vmem_shared>> -> memref<50048x16xf32, #tpu.memory_space<vmem_shared>>
        tpu.wait_indirect_dma semaphore(%arg16 : memref<!tpu.dma_semaphore, #tpu.memory_space<semaphore_mem>>) src(%arg10 : memref<512x16xf32, #tpu.memory_space<vmem>>) dst(%dma_wait3A_277 : memref<50048x16xf32, #tpu.memory_space<vmem_shared>>)
      }
      %scan3A_151 = arith.constant 25 : i32
      %barrier3A_152 = arith.constant 0 : index
      tpu.barrier barrier_id(%barrier3A_152)
      %lt3A_153 = arith.constant 15 : i32
      %lt3A_154 = arith.cmpi slt, %arg1, %lt3A_153 : i32
      %convert_element_type3A_155 = arith.extui %lt3A_154 : i1 to i32
      %cond3A_156 = arith.constant 0 : i32
      %cond3A_157 = arith.cmpi ne, %convert_element_type3A_155, %cond3A_156 : i32
      scf.if %cond3A_157 {
        %mul3A_194 = arith.constant 3128 : i32
        %mul3A_195 = arith.muli %arg1, %mul3A_194 : i32
        "tpu.region"() ({
          %run_scoped3A = tpu.sem_alloc : memref<!tpu.dma_semaphore, #tpu.memory_space<semaphore_mem>>
          %dma_start3A = arith.constant 48 : i32
          %dma_start3A_196 = tpu.memref_slice %arg7[%mul3A_195, %dma_start3A] : memref<50000x160xf32, #tpu.memory_space<hbm>> -> memref<3128x16xf32, #tpu.memory_space<hbm>>
          %dma_start3A_197 = arith.constant 0 : i32
          %dma_start3A_198 = tpu.memref_slice %arg14[%mul3A_195, %dma_start3A_197] : memref<50048x16xf32, #tpu.memory_space<vmem_shared>> -> memref<3128x16xf32, #tpu.memory_space<vmem_shared>>
          tpu.enqueue_dma source(%dma_start3A_198 : memref<3128x16xf32, #tpu.memory_space<vmem_shared>>) target(%dma_start3A_196 : memref<3128x16xf32, #tpu.memory_space<hbm>>) target_semaphore(%run_scoped3A : memref<!tpu.dma_semaphore, #tpu.memory_space<semaphore_mem>>)
          %dma_wait3A = arith.constant 48 : i32
          %dma_wait3A_199 = tpu.memref_slice %arg7[%mul3A_195, %dma_wait3A] : memref<50000x160xf32, #tpu.memory_space<hbm>> -> memref<3128x16xf32, #tpu.memory_space<hbm>>
          %dma_wait3A_200 = arith.constant 0 : i32
          %dma_wait3A_201 = tpu.memref_slice %arg14[%mul3A_195, %dma_wait3A_200] : memref<50048x16xf32, #tpu.memory_space<vmem_shared>> -> memref<3128x16xf32, #tpu.memory_space<vmem_shared>>
          tpu.wait_dma2 semaphore(%run_scoped3A : memref<!tpu.dma_semaphore, #tpu.memory_space<semaphore_mem>>) src(%dma_wait3A_201 : memref<3128x16xf32, #tpu.memory_space<vmem_shared>>) dst(%dma_wait3A_199 : memref<3128x16xf32, #tpu.memory_space<hbm>>)
          tpu.yield
        }) : () -> ()
      } else {
      }
      %eq3A_158 = arith.constant 15 : i32
      %eq3A_159 = arith.cmpi eq, %arg1, %eq3A_158 : i32
      %convert_element_type3A_160 = arith.extui %eq3A_159 : i1 to i32
      %cond3A_161 = arith.constant 0 : i32
      %cond3A_162 = arith.cmpi ne, %convert_element_type3A_160, %cond3A_161 : i32
      scf.if %cond3A_162 {
        "tpu.region"() ({
          %run_scoped3A = tpu.sem_alloc : memref<!tpu.dma_semaphore, #tpu.memory_space<semaphore_mem>>
          %dma_start3A = arith.constant 46920 : i32
          %dma_start3A_194 = arith.constant 48 : i32
          %dma_start3A_195 = tpu.memref_slice %arg7[%dma_start3A, %dma_start3A_194] : memref<50000x160xf32, #tpu.memory_space<hbm>> -> memref<3080x16xf32, #tpu.memory_space<hbm>>
          %dma_start3A_196 = arith.constant 46920 : i32
          %dma_start3A_197 = arith.constant 0 : i32
          %dma_start3A_198 = tpu.memref_slice %arg14[%dma_start3A_196, %dma_start3A_197] : memref<50048x16xf32, #tpu.memory_space<vmem_shared>> -> memref<3080x16xf32, #tpu.memory_space<vmem_shared>>
          tpu.enqueue_dma source(%dma_start3A_198 : memref<3080x16xf32, #tpu.memory_space<vmem_shared>>) target(%dma_start3A_195 : memref<3080x16xf32, #tpu.memory_space<hbm>>) target_semaphore(%run_scoped3A : memref<!tpu.dma_semaphore, #tpu.memory_space<semaphore_mem>>)
          %dma_wait3A = arith.constant 46920 : i32
          %dma_wait3A_199 = arith.constant 48 : i32
          %dma_wait3A_200 = tpu.memref_slice %arg7[%dma_wait3A, %dma_wait3A_199] : memref<50000x160xf32, #tpu.memory_space<hbm>> -> memref<3080x16xf32, #tpu.memory_space<hbm>>
          %dma_wait3A_201 = arith.constant 46920 : i32
          %dma_wait3A_202 = arith.constant 0 : i32
          %dma_wait3A_203 = tpu.memref_slice %arg14[%dma_wait3A_201, %dma_wait3A_202] : memref<50048x16xf32, #tpu.memory_space<vmem_shared>> -> memref<3080x16xf32, #tpu.memory_space<vmem_shared>>
          tpu.wait_dma2 semaphore(%run_scoped3A : memref<!tpu.dma_semaphore, #tpu.memory_space<semaphore_mem>>) src(%dma_wait3A_203 : memref<3080x16xf32, #tpu.memory_space<vmem_shared>>) dst(%dma_wait3A_200 : memref<3080x16xf32, #tpu.memory_space<hbm>>)
          tpu.yield
        }) : () -> ()
      } else {
      }
      %lt3A_163 = arith.constant 15 : i32
      %lt3A_164 = arith.cmpi slt, %arg1, %lt3A_163 : i32
      %convert_element_type3A_165 = arith.extui %lt3A_164 : i1 to i32
      %cond3A_166 = arith.constant 0 : i32
      %cond3A_167 = arith.cmpi ne, %convert_element_type3A_165, %cond3A_166 : i32
      scf.if %cond3A_167 {
        %mul3A_194 = arith.constant 3128 : i32
        %mul3A_195 = arith.muli %arg1, %mul3A_194 : i32
        "tpu.region"() ({
          %run_scoped3A = tpu.sem_alloc : memref<!tpu.dma_semaphore, #tpu.memory_space<semaphore_mem>>
          %dma_start3A = arith.constant 0 : i32
          %dma_start3A_196 = tpu.memref_slice %arg14[%mul3A_195, %dma_start3A] : memref<50048x16xf32, #tpu.memory_space<vmem_shared>> -> memref<3128x16xf32, #tpu.memory_space<vmem_shared>>
          %dma_start3A_197 = arith.constant 0 : i32
          %dma_start3A_198 = arith.constant 0 : i32
          %dma_start3A_199 = tpu.memref_slice %arg5[%dma_start3A_197, %dma_start3A_198] : memref<3128x16xf32, #tpu.memory_space<hbm>> -> memref<3128x16xf32, #tpu.memory_space<hbm>>
          tpu.enqueue_dma source(%dma_start3A_199 : memref<3128x16xf32, #tpu.memory_space<hbm>>) target(%dma_start3A_196 : memref<3128x16xf32, #tpu.memory_space<vmem_shared>>) target_semaphore(%run_scoped3A : memref<!tpu.dma_semaphore, #tpu.memory_space<semaphore_mem>>)
          %dma_wait3A = arith.constant 0 : i32
          %dma_wait3A_200 = tpu.memref_slice %arg14[%mul3A_195, %dma_wait3A] : memref<50048x16xf32, #tpu.memory_space<vmem_shared>> -> memref<3128x16xf32, #tpu.memory_space<vmem_shared>>
          %dma_wait3A_201 = arith.constant 0 : i32
          %dma_wait3A_202 = arith.constant 0 : i32
          %dma_wait3A_203 = tpu.memref_slice %arg5[%dma_wait3A_201, %dma_wait3A_202] : memref<3128x16xf32, #tpu.memory_space<hbm>> -> memref<3128x16xf32, #tpu.memory_space<hbm>>
          tpu.wait_dma2 semaphore(%run_scoped3A : memref<!tpu.dma_semaphore, #tpu.memory_space<semaphore_mem>>) src(%dma_wait3A_203 : memref<3128x16xf32, #tpu.memory_space<hbm>>) dst(%dma_wait3A_200 : memref<3128x16xf32, #tpu.memory_space<vmem_shared>>)
          tpu.yield
        }) : () -> ()
      } else {
      }
      %eq3A_168 = arith.constant 15 : i32
      %eq3A_169 = arith.cmpi eq, %arg1, %eq3A_168 : i32
      %convert_element_type3A_170 = arith.extui %eq3A_169 : i1 to i32
      %cond3A_171 = arith.constant 0 : i32
      %cond3A_172 = arith.cmpi ne, %convert_element_type3A_170, %cond3A_171 : i32
      scf.if %cond3A_172 {
        "tpu.region"() ({
          %run_scoped3A = tpu.sem_alloc : memref<!tpu.dma_semaphore, #tpu.memory_space<semaphore_mem>>
          %dma_start3A = arith.constant 46920 : i32
          %dma_start3A_194 = arith.constant 0 : i32
          %dma_start3A_195 = tpu.memref_slice %arg14[%dma_start3A, %dma_start3A_194] : memref<50048x16xf32, #tpu.memory_space<vmem_shared>> -> memref<3080x16xf32, #tpu.memory_space<vmem_shared>>
          %dma_start3A_196 = arith.constant 0 : i32
          %dma_start3A_197 = arith.constant 0 : i32
          %dma_start3A_198 = tpu.memref_slice %arg5[%dma_start3A_196, %dma_start3A_197] : memref<3128x16xf32, #tpu.memory_space<hbm>> -> memref<3080x16xf32, #tpu.memory_space<hbm>>
          tpu.enqueue_dma source(%dma_start3A_198 : memref<3080x16xf32, #tpu.memory_space<hbm>>) target(%dma_start3A_195 : memref<3080x16xf32, #tpu.memory_space<vmem_shared>>) target_semaphore(%run_scoped3A : memref<!tpu.dma_semaphore, #tpu.memory_space<semaphore_mem>>)
          %dma_wait3A = arith.constant 46920 : i32
          %dma_wait3A_199 = arith.constant 0 : i32
          %dma_wait3A_200 = tpu.memref_slice %arg14[%dma_wait3A, %dma_wait3A_199] : memref<50048x16xf32, #tpu.memory_space<vmem_shared>> -> memref<3080x16xf32, #tpu.memory_space<vmem_shared>>
          %dma_wait3A_201 = arith.constant 0 : i32
          %dma_wait3A_202 = arith.constant 0 : i32
          %dma_wait3A_203 = tpu.memref_slice %arg5[%dma_wait3A_201, %dma_wait3A_202] : memref<3128x16xf32, #tpu.memory_space<hbm>> -> memref<3080x16xf32, #tpu.memory_space<hbm>>
          tpu.wait_dma2 semaphore(%run_scoped3A : memref<!tpu.dma_semaphore, #tpu.memory_space<semaphore_mem>>) src(%dma_wait3A_203 : memref<3080x16xf32, #tpu.memory_space<hbm>>) dst(%dma_wait3A_200 : memref<3080x16xf32, #tpu.memory_space<vmem_shared>>)
          tpu.yield
        }) : () -> ()
      } else {
      }
      "tpu.region"() ({
        %run_scoped3A = tpu.sem_alloc : memref<!tpu.dma_semaphore, #tpu.memory_space<semaphore_mem>>
        tpu.enqueue_dma source(%arg6 : memref<512x16xf32, #tpu.memory_space<hbm>>) target(%arg10 : memref<512x16xf32, #tpu.memory_space<vmem>>) target_semaphore(%run_scoped3A : memref<!tpu.dma_semaphore, #tpu.memory_space<semaphore_mem>>)
        tpu.wait_dma2 semaphore(%run_scoped3A : memref<!tpu.dma_semaphore, #tpu.memory_space<semaphore_mem>>) src(%arg6 : memref<512x16xf32, #tpu.memory_space<hbm>>) dst(%arg10 : memref<512x16xf32, #tpu.memory_space<vmem>>)
        tpu.yield
      }) : () -> ()
      %barrier3A_173 = arith.constant 0 : index
      tpu.barrier barrier_id(%barrier3A_173)
      %mul3A_174 = arith.constant 200 : i32
      %mul3A_175 = arith.muli %arg1, %mul3A_174 : i32
      %add3A = arith.constant 0 : i32
      %add3A_176 = arith.addi %add3A, %mul3A_175 : i32
      %scan3A_177 = arith.constant 0 : i32
      %scan3A_178 = arith.constant 0 : i32
      %scan3A_179 = arith.constant 25 : i32
      %scan3A_180 = arith.addi %scan3A_178, %scan3A_179 : i32
      %scan3A_181 = arith.constant 1 : i32
      scf.for %scan3A_194 = %scan3A_178 to %scan3A_180 step %scan3A_181  : i32 {
        %mul3A_195 = arith.constant 8 : i32
        %mul3A_196 = arith.muli %scan3A_194, %mul3A_195 : i32
        %add3A_197 = arith.addi %add3A_176, %mul3A_196 : i32
        %mul3A_198 = arith.constant 128 : i32
        %mul3A_199 = arith.muli %add3A_197, %mul3A_198 : i32
        "tpu.region"() ({
          %run_scoped3A = tpu.sem_alloc : memref<!tpu.dma_semaphore, #tpu.memory_space<semaphore_mem>>
          %dma_start3A_218 = arith.constant 0 : i32
          %dma_start3A_219 = tpu.memref_slice %arg9[%dma_start3A_218] : memref<2048xi32, #tpu.memory_space<vmem>> -> memref<1024xi32, #tpu.memory_space<vmem>>
          %dma_start3A_220 = tpu.memref_slice %arg4[%mul3A_199] : memref<819200xi32, #tpu.memory_space<hbm>> -> memref<1024xi32, #tpu.memory_space<hbm>>
          %dma_start3A_221 = arith.constant 0 : i32
          %dma_start3A_222 = tpu.memref_slice %arg9[%dma_start3A_221] : memref<2048xi32, #tpu.memory_space<vmem>> -> memref<1024xi32, #tpu.memory_space<vmem>>
          %dma_start3A_223 = tpu.memref_slice %arg4[%mul3A_199] : memref<819200xi32, #tpu.memory_space<hbm>> -> memref<1024xi32, #tpu.memory_space<hbm>>
          tpu.enqueue_dma source(%dma_start3A_223 : memref<1024xi32, #tpu.memory_space<hbm>>) target(%dma_start3A_222 : memref<1024xi32, #tpu.memory_space<vmem>>) target_semaphore(%run_scoped3A : memref<!tpu.dma_semaphore, #tpu.memory_space<semaphore_mem>>)
          %dma_wait3A_224 = arith.constant 0 : i32
          %dma_wait3A_225 = tpu.memref_slice %arg9[%dma_wait3A_224] : memref<2048xi32, #tpu.memory_space<vmem>> -> memref<1024xi32, #tpu.memory_space<vmem>>
          %dma_wait3A_226 = tpu.memref_slice %arg4[%mul3A_199] : memref<819200xi32, #tpu.memory_space<hbm>> -> memref<1024xi32, #tpu.memory_space<hbm>>
          %dma_wait3A_227 = arith.constant 0 : i32
          %dma_wait3A_228 = tpu.memref_slice %arg9[%dma_wait3A_227] : memref<2048xi32, #tpu.memory_space<vmem>> -> memref<1024xi32, #tpu.memory_space<vmem>>
          %dma_wait3A_229 = tpu.memref_slice %arg4[%mul3A_199] : memref<819200xi32, #tpu.memory_space<hbm>> -> memref<1024xi32, #tpu.memory_space<hbm>>
          tpu.wait_dma2 semaphore(%run_scoped3A : memref<!tpu.dma_semaphore, #tpu.memory_space<semaphore_mem>>) src(%dma_wait3A_229 : memref<1024xi32, #tpu.memory_space<hbm>>) dst(%dma_wait3A_228 : memref<1024xi32, #tpu.memory_space<vmem>>)
          tpu.yield
        }) : () -> ()
        %dma_start3A = arith.constant 0 : i32
        %dma_start3A_200 = tpu.memref_slice %arg9[%dma_start3A] : memref<2048xi32, #tpu.memory_space<vmem>> -> memref<512xi32, #tpu.memory_space<vmem>>
        %dma_start3A_201 = arith.constant 0 : i32
        %dma_start3A_202 = arith.constant 0 : i32
        %dma_start3A_203 = tpu.memref_slice %arg14[%dma_start3A_201, %dma_start3A_202] : memref<50048x16xf32, #tpu.memory_space<vmem_shared>> -> memref<50048x16xf32, #tpu.memory_space<vmem_shared>>
        tpu.enqueue_indirect_dma source(%arg10 : memref<512x16xf32, #tpu.memory_space<vmem>>) target(%dma_start3A_203 : memref<50048x16xf32, #tpu.memory_space<vmem_shared>>) offsets(%dma_start3A_200 : memref<512xi32, #tpu.memory_space<vmem>>) semaphore(%arg16 : memref<!tpu.dma_semaphore, #tpu.memory_space<semaphore_mem>>) {add = true}
        %dma_start3A_204 = arith.constant 512 : i32
        %dma_start3A_205 = tpu.memref_slice %arg9[%dma_start3A_204] : memref<2048xi32, #tpu.memory_space<vmem>> -> memref<512xi32, #tpu.memory_space<vmem>>
        %dma_start3A_206 = arith.constant 0 : i32
        %dma_start3A_207 = arith.constant 0 : i32
        %dma_start3A_208 = tpu.memref_slice %arg14[%dma_start3A_206, %dma_start3A_207] : memref<50048x16xf32, #tpu.memory_space<vmem_shared>> -> memref<50048x16xf32, #tpu.memory_space<vmem_shared>>
        tpu.enqueue_indirect_dma source(%arg10 : memref<512x16xf32, #tpu.memory_space<vmem>>) target(%dma_start3A_208 : memref<50048x16xf32, #tpu.memory_space<vmem_shared>>) offsets(%dma_start3A_205 : memref<512xi32, #tpu.memory_space<vmem>>) semaphore(%arg16 : memref<!tpu.dma_semaphore, #tpu.memory_space<semaphore_mem>>) {add = true}
        %dma_wait3A = arith.constant 0 : i32
        %dma_wait3A_209 = tpu.memref_slice %arg9[%dma_wait3A] : memref<2048xi32, #tpu.memory_space<vmem>> -> memref<512xi32, #tpu.memory_space<vmem>>
        %dma_wait3A_210 = arith.constant 0 : i32
        %dma_wait3A_211 = arith.constant 0 : i32
        %dma_wait3A_212 = tpu.memref_slice %arg14[%dma_wait3A_210, %dma_wait3A_211] : memref<50048x16xf32, #tpu.memory_space<vmem_shared>> -> memref<50048x16xf32, #tpu.memory_space<vmem_shared>>
        tpu.wait_indirect_dma semaphore(%arg16 : memref<!tpu.dma_semaphore, #tpu.memory_space<semaphore_mem>>) src(%arg10 : memref<512x16xf32, #tpu.memory_space<vmem>>) dst(%dma_wait3A_212 : memref<50048x16xf32, #tpu.memory_space<vmem_shared>>)
        %dma_wait3A_213 = arith.constant 512 : i32
        %dma_wait3A_214 = tpu.memref_slice %arg9[%dma_wait3A_213] : memref<2048xi32, #tpu.memory_space<vmem>> -> memref<512xi32, #tpu.memory_space<vmem>>
        %dma_wait3A_215 = arith.constant 0 : i32
        %dma_wait3A_216 = arith.constant 0 : i32
        %dma_wait3A_217 = tpu.memref_slice %arg14[%dma_wait3A_215, %dma_wait3A_216] : memref<50048x16xf32, #tpu.memory_space<vmem_shared>> -> memref<50048x16xf32, #tpu.memory_space<vmem_shared>>
        tpu.wait_indirect_dma semaphore(%arg16 : memref<!tpu.dma_semaphore, #tpu.memory_space<semaphore_mem>>) src(%arg10 : memref<512x16xf32, #tpu.memory_space<vmem>>) dst(%dma_wait3A_217 : memref<50048x16xf32, #tpu.memory_space<vmem_shared>>)
      }
      %scan3A_182 = arith.constant 25 : i32
      %barrier3A_183 = arith.constant 0 : index
      tpu.barrier barrier_id(%barrier3A_183)
      %lt3A_184 = arith.constant 15 : i32
      %lt3A_185 = arith.cmpi slt, %arg1, %lt3A_184 : i32
      %convert_element_type3A_186 = arith.extui %lt3A_185 : i1 to i32
      %cond3A_187 = arith.constant 0 : i32
      %cond3A_188 = arith.cmpi ne, %convert_element_type3A_186, %cond3A_187 : i32
      scf.if %cond3A_188 {
        %mul3A_194 = arith.constant 3128 : i32
        %mul3A_195 = arith.muli %arg1, %mul3A_194 : i32
        "tpu.region"() ({
          %run_scoped3A = tpu.sem_alloc : memref<!tpu.dma_semaphore, #tpu.memory_space<semaphore_mem>>
          %dma_start3A = arith.constant 128 : i32
          %dma_start3A_196 = tpu.memref_slice %arg7[%mul3A_195, %dma_start3A] : memref<50000x160xf32, #tpu.memory_space<hbm>> -> memref<3128x16xf32, #tpu.memory_space<hbm>>
          %dma_start3A_197 = arith.constant 0 : i32
          %dma_start3A_198 = tpu.memref_slice %arg14[%mul3A_195, %dma_start3A_197] : memref<50048x16xf32, #tpu.memory_space<vmem_shared>> -> memref<3128x16xf32, #tpu.memory_space<vmem_shared>>
          tpu.enqueue_dma source(%dma_start3A_198 : memref<3128x16xf32, #tpu.memory_space<vmem_shared>>) target(%dma_start3A_196 : memref<3128x16xf32, #tpu.memory_space<hbm>>) target_semaphore(%run_scoped3A : memref<!tpu.dma_semaphore, #tpu.memory_space<semaphore_mem>>)
          %dma_wait3A = arith.constant 128 : i32
          %dma_wait3A_199 = tpu.memref_slice %arg7[%mul3A_195, %dma_wait3A] : memref<50000x160xf32, #tpu.memory_space<hbm>> -> memref<3128x16xf32, #tpu.memory_space<hbm>>
          %dma_wait3A_200 = arith.constant 0 : i32
          %dma_wait3A_201 = tpu.memref_slice %arg14[%mul3A_195, %dma_wait3A_200] : memref<50048x16xf32, #tpu.memory_space<vmem_shared>> -> memref<3128x16xf32, #tpu.memory_space<vmem_shared>>
          tpu.wait_dma2 semaphore(%run_scoped3A : memref<!tpu.dma_semaphore, #tpu.memory_space<semaphore_mem>>) src(%dma_wait3A_201 : memref<3128x16xf32, #tpu.memory_space<vmem_shared>>) dst(%dma_wait3A_199 : memref<3128x16xf32, #tpu.memory_space<hbm>>)
          tpu.yield
        }) : () -> ()
      } else {
      }
      %eq3A_189 = arith.constant 15 : i32
      %eq3A_190 = arith.cmpi eq, %arg1, %eq3A_189 : i32
      %convert_element_type3A_191 = arith.extui %eq3A_190 : i1 to i32
      %cond3A_192 = arith.constant 0 : i32
      %cond3A_193 = arith.cmpi ne, %convert_element_type3A_191, %cond3A_192 : i32
      scf.if %cond3A_193 {
        "tpu.region"() ({
          %run_scoped3A = tpu.sem_alloc : memref<!tpu.dma_semaphore, #tpu.memory_space<semaphore_mem>>
          %dma_start3A = arith.constant 46920 : i32
          %dma_start3A_194 = arith.constant 128 : i32
          %dma_start3A_195 = tpu.memref_slice %arg7[%dma_start3A, %dma_start3A_194] : memref<50000x160xf32, #tpu.memory_space<hbm>> -> memref<3080x16xf32, #tpu.memory_space<hbm>>
          %dma_start3A_196 = arith.constant 46920 : i32
          %dma_start3A_197 = arith.constant 0 : i32
          %dma_start3A_198 = tpu.memref_slice %arg14[%dma_start3A_196, %dma_start3A_197] : memref<50048x16xf32, #tpu.memory_space<vmem_shared>> -> memref<3080x16xf32, #tpu.memory_space<vmem_shared>>
          tpu.enqueue_dma source(%dma_start3A_198 : memref<3080x16xf32, #tpu.memory_space<vmem_shared>>) target(%dma_start3A_195 : memref<3080x16xf32, #tpu.memory_space<hbm>>) target_semaphore(%run_scoped3A : memref<!tpu.dma_semaphore, #tpu.memory_space<semaphore_mem>>)
          %dma_wait3A = arith.constant 46920 : i32
          %dma_wait3A_199 = arith.constant 128 : i32
          %dma_wait3A_200 = tpu.memref_slice %arg7[%dma_wait3A, %dma_wait3A_199] : memref<50000x160xf32, #tpu.memory_space<hbm>> -> memref<3080x16xf32, #tpu.memory_space<hbm>>
          %dma_wait3A_201 = arith.constant 46920 : i32
          %dma_wait3A_202 = arith.constant 0 : i32
          %dma_wait3A_203 = tpu.memref_slice %arg14[%dma_wait3A_201, %dma_wait3A_202] : memref<50048x16xf32, #tpu.memory_space<vmem_shared>> -> memref<3080x16xf32, #tpu.memory_space<vmem_shared>>
          tpu.wait_dma2 semaphore(%run_scoped3A : memref<!tpu.dma_semaphore, #tpu.memory_space<semaphore_mem>>) src(%dma_wait3A_203 : memref<3080x16xf32, #tpu.memory_space<vmem_shared>>) dst(%dma_wait3A_200 : memref<3080x16xf32, #tpu.memory_space<hbm>>)
          tpu.yield
        }) : () -> ()
      } else {
      }
    } else {
    }
    %eq3A_2 = arith.constant 1 : i32
    %eq3A_3 = arith.cmpi eq, %arg0, %eq3A_2 : i32
    %convert_element_type3A_4 = arith.extui %eq3A_3 : i1 to i32
    %cond3A_5 = arith.constant 0 : i32
    %cond3A_6 = arith.cmpi ne, %convert_element_type3A_4, %cond3A_5 : i32
    scf.if %cond3A_6 {
      %lt3A = arith.constant 15 : i32
      %lt3A_7 = arith.cmpi slt, %arg1, %lt3A : i32
      %convert_element_type3A_8 = arith.extui %lt3A_7 : i1 to i32
      %cond3A_9 = arith.constant 0 : i32
      %cond3A_10 = arith.cmpi ne, %convert_element_type3A_8, %cond3A_9 : i32
      scf.if %cond3A_10 {
        %mul3A_194 = arith.constant 3128 : i32
        %mul3A_195 = arith.muli %arg1, %mul3A_194 : i32
        "tpu.region"() ({
          %run_scoped3A = tpu.sem_alloc : memref<!tpu.dma_semaphore, #tpu.memory_space<semaphore_mem>>
          %dma_start3A = arith.constant 0 : i32
          %dma_start3A_196 = tpu.memref_slice %arg13[%mul3A_195, %dma_start3A] : memref<50048x16xf32, #tpu.memory_space<vmem_shared>> -> memref<3128x16xf32, #tpu.memory_space<vmem_shared>>
          %dma_start3A_197 = arith.constant 64 : i32
          %dma_start3A_198 = tpu.memref_slice %arg2[%mul3A_195, %dma_start3A_197] : memref<50000x128xf32, #tpu.memory_space<hbm>> -> memref<3128x16xf32, #tpu.memory_space<hbm>>
          tpu.enqueue_dma source(%dma_start3A_198 : memref<3128x16xf32, #tpu.memory_space<hbm>>) target(%dma_start3A_196 : memref<3128x16xf32, #tpu.memory_space<vmem_shared>>) target_semaphore(%run_scoped3A : memref<!tpu.dma_semaphore, #tpu.memory_space<semaphore_mem>>)
          %dma_wait3A = arith.constant 0 : i32
          %dma_wait3A_199 = tpu.memref_slice %arg13[%mul3A_195, %dma_wait3A] : memref<50048x16xf32, #tpu.memory_space<vmem_shared>> -> memref<3128x16xf32, #tpu.memory_space<vmem_shared>>
          %dma_wait3A_200 = arith.constant 64 : i32
          %dma_wait3A_201 = tpu.memref_slice %arg2[%mul3A_195, %dma_wait3A_200] : memref<50000x128xf32, #tpu.memory_space<hbm>> -> memref<3128x16xf32, #tpu.memory_space<hbm>>
          tpu.wait_dma2 semaphore(%run_scoped3A : memref<!tpu.dma_semaphore, #tpu.memory_space<semaphore_mem>>) src(%dma_wait3A_201 : memref<3128x16xf32, #tpu.memory_space<hbm>>) dst(%dma_wait3A_199 : memref<3128x16xf32, #tpu.memory_space<vmem_shared>>)
          tpu.yield
        }) : () -> ()
      } else {
      }
      %eq3A_11 = arith.constant 15 : i32
      %eq3A_12 = arith.cmpi eq, %arg1, %eq3A_11 : i32
      %convert_element_type3A_13 = arith.extui %eq3A_12 : i1 to i32
      %cond3A_14 = arith.constant 0 : i32
      %cond3A_15 = arith.cmpi ne, %convert_element_type3A_13, %cond3A_14 : i32
      scf.if %cond3A_15 {
        "tpu.region"() ({
          %run_scoped3A = tpu.sem_alloc : memref<!tpu.dma_semaphore, #tpu.memory_space<semaphore_mem>>
          %dma_start3A = arith.constant 46920 : i32
          %dma_start3A_194 = arith.constant 0 : i32
          %dma_start3A_195 = tpu.memref_slice %arg13[%dma_start3A, %dma_start3A_194] : memref<50048x16xf32, #tpu.memory_space<vmem_shared>> -> memref<3080x16xf32, #tpu.memory_space<vmem_shared>>
          %dma_start3A_196 = arith.constant 46920 : i32
          %dma_start3A_197 = arith.constant 64 : i32
          %dma_start3A_198 = tpu.memref_slice %arg2[%dma_start3A_196, %dma_start3A_197] : memref<50000x128xf32, #tpu.memory_space<hbm>> -> memref<3080x16xf32, #tpu.memory_space<hbm>>
          tpu.enqueue_dma source(%dma_start3A_198 : memref<3080x16xf32, #tpu.memory_space<hbm>>) target(%dma_start3A_195 : memref<3080x16xf32, #tpu.memory_space<vmem_shared>>) target_semaphore(%run_scoped3A : memref<!tpu.dma_semaphore, #tpu.memory_space<semaphore_mem>>)
          %dma_wait3A = arith.constant 46920 : i32
          %dma_wait3A_199 = arith.constant 0 : i32
          %dma_wait3A_200 = tpu.memref_slice %arg13[%dma_wait3A, %dma_wait3A_199] : memref<50048x16xf32, #tpu.memory_space<vmem_shared>> -> memref<3080x16xf32, #tpu.memory_space<vmem_shared>>
          %dma_wait3A_201 = arith.constant 46920 : i32
          %dma_wait3A_202 = arith.constant 64 : i32
          %dma_wait3A_203 = tpu.memref_slice %arg2[%dma_wait3A_201, %dma_wait3A_202] : memref<50000x128xf32, #tpu.memory_space<hbm>> -> memref<3080x16xf32, #tpu.memory_space<hbm>>
          tpu.wait_dma2 semaphore(%run_scoped3A : memref<!tpu.dma_semaphore, #tpu.memory_space<semaphore_mem>>) src(%dma_wait3A_203 : memref<3080x16xf32, #tpu.memory_space<hbm>>) dst(%dma_wait3A_200 : memref<3080x16xf32, #tpu.memory_space<vmem_shared>>)
          tpu.yield
        }) : () -> ()
      } else {
      }
      %lt3A_16 = arith.constant 15 : i32
      %lt3A_17 = arith.cmpi slt, %arg1, %lt3A_16 : i32
      %convert_element_type3A_18 = arith.extui %lt3A_17 : i1 to i32
      %cond3A_19 = arith.constant 0 : i32
      %cond3A_20 = arith.cmpi ne, %convert_element_type3A_18, %cond3A_19 : i32
      scf.if %cond3A_20 {
        %mul3A_194 = arith.constant 3128 : i32
        %mul3A_195 = arith.muli %arg1, %mul3A_194 : i32
        "tpu.region"() ({
          %run_scoped3A = tpu.sem_alloc : memref<!tpu.dma_semaphore, #tpu.memory_space<semaphore_mem>>
          %dma_start3A = arith.constant 0 : i32
          %dma_start3A_196 = tpu.memref_slice %arg14[%mul3A_195, %dma_start3A] : memref<50048x16xf32, #tpu.memory_space<vmem_shared>> -> memref<3128x16xf32, #tpu.memory_space<vmem_shared>>
          %dma_start3A_197 = arith.constant 0 : i32
          %dma_start3A_198 = arith.constant 0 : i32
          %dma_start3A_199 = tpu.memref_slice %arg5[%dma_start3A_197, %dma_start3A_198] : memref<3128x16xf32, #tpu.memory_space<hbm>> -> memref<3128x16xf32, #tpu.memory_space<hbm>>
          tpu.enqueue_dma source(%dma_start3A_199 : memref<3128x16xf32, #tpu.memory_space<hbm>>) target(%dma_start3A_196 : memref<3128x16xf32, #tpu.memory_space<vmem_shared>>) target_semaphore(%run_scoped3A : memref<!tpu.dma_semaphore, #tpu.memory_space<semaphore_mem>>)
          %dma_wait3A = arith.constant 0 : i32
          %dma_wait3A_200 = tpu.memref_slice %arg14[%mul3A_195, %dma_wait3A] : memref<50048x16xf32, #tpu.memory_space<vmem_shared>> -> memref<3128x16xf32, #tpu.memory_space<vmem_shared>>
          %dma_wait3A_201 = arith.constant 0 : i32
          %dma_wait3A_202 = arith.constant 0 : i32
          %dma_wait3A_203 = tpu.memref_slice %arg5[%dma_wait3A_201, %dma_wait3A_202] : memref<3128x16xf32, #tpu.memory_space<hbm>> -> memref<3128x16xf32, #tpu.memory_space<hbm>>
          tpu.wait_dma2 semaphore(%run_scoped3A : memref<!tpu.dma_semaphore, #tpu.memory_space<semaphore_mem>>) src(%dma_wait3A_203 : memref<3128x16xf32, #tpu.memory_space<hbm>>) dst(%dma_wait3A_200 : memref<3128x16xf32, #tpu.memory_space<vmem_shared>>)
          tpu.yield
        }) : () -> ()
      } else {
      }
      %eq3A_21 = arith.constant 15 : i32
      %eq3A_22 = arith.cmpi eq, %arg1, %eq3A_21 : i32
      %convert_element_type3A_23 = arith.extui %eq3A_22 : i1 to i32
      %cond3A_24 = arith.constant 0 : i32
      %cond3A_25 = arith.cmpi ne, %convert_element_type3A_23, %cond3A_24 : i32
      scf.if %cond3A_25 {
        "tpu.region"() ({
          %run_scoped3A = tpu.sem_alloc : memref<!tpu.dma_semaphore, #tpu.memory_space<semaphore_mem>>
          %dma_start3A = arith.constant 46920 : i32
          %dma_start3A_194 = arith.constant 0 : i32
          %dma_start3A_195 = tpu.memref_slice %arg14[%dma_start3A, %dma_start3A_194] : memref<50048x16xf32, #tpu.memory_space<vmem_shared>> -> memref<3080x16xf32, #tpu.memory_space<vmem_shared>>
          %dma_start3A_196 = arith.constant 0 : i32
          %dma_start3A_197 = arith.constant 0 : i32
          %dma_start3A_198 = tpu.memref_slice %arg5[%dma_start3A_196, %dma_start3A_197] : memref<3128x16xf32, #tpu.memory_space<hbm>> -> memref<3080x16xf32, #tpu.memory_space<hbm>>
          tpu.enqueue_dma source(%dma_start3A_198 : memref<3080x16xf32, #tpu.memory_space<hbm>>) target(%dma_start3A_195 : memref<3080x16xf32, #tpu.memory_space<vmem_shared>>) target_semaphore(%run_scoped3A : memref<!tpu.dma_semaphore, #tpu.memory_space<semaphore_mem>>)
          %dma_wait3A = arith.constant 46920 : i32
          %dma_wait3A_199 = arith.constant 0 : i32
          %dma_wait3A_200 = tpu.memref_slice %arg14[%dma_wait3A, %dma_wait3A_199] : memref<50048x16xf32, #tpu.memory_space<vmem_shared>> -> memref<3080x16xf32, #tpu.memory_space<vmem_shared>>
          %dma_wait3A_201 = arith.constant 0 : i32
          %dma_wait3A_202 = arith.constant 0 : i32
          %dma_wait3A_203 = tpu.memref_slice %arg5[%dma_wait3A_201, %dma_wait3A_202] : memref<3128x16xf32, #tpu.memory_space<hbm>> -> memref<3080x16xf32, #tpu.memory_space<hbm>>
          tpu.wait_dma2 semaphore(%run_scoped3A : memref<!tpu.dma_semaphore, #tpu.memory_space<semaphore_mem>>) src(%dma_wait3A_203 : memref<3080x16xf32, #tpu.memory_space<hbm>>) dst(%dma_wait3A_200 : memref<3080x16xf32, #tpu.memory_space<vmem_shared>>)
          tpu.yield
        }) : () -> ()
      } else {
      }
      %barrier3A = arith.constant 0 : index
      tpu.barrier barrier_id(%barrier3A)
      %mul3A = arith.constant 400 : i32
      %mul3A_26 = arith.muli %arg1, %mul3A : i32
      %scan3A = arith.constant 0 : i32
      %scan3A_27 = arith.constant 0 : i32
      %scan3A_28 = arith.constant 25 : i32
      %scan3A_29 = arith.addi %scan3A_27, %scan3A_28 : i32
      %scan3A_30 = arith.constant 1 : i32
      scf.for %scan3A_194 = %scan3A_27 to %scan3A_29 step %scan3A_30  : i32 {
        %mul3A_195 = arith.constant 16 : i32
        %mul3A_196 = arith.muli %scan3A_194, %mul3A_195 : i32
        %add3A_197 = arith.addi %mul3A_26, %mul3A_196 : i32
        %mul3A_198 = arith.constant 128 : i32
        %mul3A_199 = arith.muli %add3A_197, %mul3A_198 : i32
        "tpu.region"() ({
          %run_scoped3A = tpu.sem_alloc : memref<!tpu.dma_semaphore, #tpu.memory_space<semaphore_mem>>
          %dma_start3A_278 = tpu.memref_slice %arg3[%mul3A_199] : memref<819200xi32, #tpu.memory_space<hbm>> -> memref<2048xi32, #tpu.memory_space<hbm>>
          %dma_start3A_279 = tpu.memref_slice %arg3[%mul3A_199] : memref<819200xi32, #tpu.memory_space<hbm>> -> memref<2048xi32, #tpu.memory_space<hbm>>
          tpu.enqueue_dma source(%dma_start3A_279 : memref<2048xi32, #tpu.memory_space<hbm>>) target(%arg8 : memref<2048xi32, #tpu.memory_space<vmem>>) target_semaphore(%run_scoped3A : memref<!tpu.dma_semaphore, #tpu.memory_space<semaphore_mem>>)
          %dma_wait3A_280 = tpu.memref_slice %arg3[%mul3A_199] : memref<819200xi32, #tpu.memory_space<hbm>> -> memref<2048xi32, #tpu.memory_space<hbm>>
          %dma_wait3A_281 = tpu.memref_slice %arg3[%mul3A_199] : memref<819200xi32, #tpu.memory_space<hbm>> -> memref<2048xi32, #tpu.memory_space<hbm>>
          tpu.wait_dma2 semaphore(%run_scoped3A : memref<!tpu.dma_semaphore, #tpu.memory_space<semaphore_mem>>) src(%dma_wait3A_281 : memref<2048xi32, #tpu.memory_space<hbm>>) dst(%arg8 : memref<2048xi32, #tpu.memory_space<vmem>>)
          tpu.yield
        }) : () -> ()
        "tpu.region"() ({
          %run_scoped3A = tpu.sem_alloc : memref<!tpu.dma_semaphore, #tpu.memory_space<semaphore_mem>>
          %dma_start3A_278 = tpu.memref_slice %arg4[%mul3A_199] : memref<819200xi32, #tpu.memory_space<hbm>> -> memref<2048xi32, #tpu.memory_space<hbm>>
          %dma_start3A_279 = tpu.memref_slice %arg4[%mul3A_199] : memref<819200xi32, #tpu.memory_space<hbm>> -> memref<2048xi32, #tpu.memory_space<hbm>>
          tpu.enqueue_dma source(%dma_start3A_279 : memref<2048xi32, #tpu.memory_space<hbm>>) target(%arg9 : memref<2048xi32, #tpu.memory_space<vmem>>) target_semaphore(%run_scoped3A : memref<!tpu.dma_semaphore, #tpu.memory_space<semaphore_mem>>)
          %dma_wait3A_280 = tpu.memref_slice %arg4[%mul3A_199] : memref<819200xi32, #tpu.memory_space<hbm>> -> memref<2048xi32, #tpu.memory_space<hbm>>
          %dma_wait3A_281 = tpu.memref_slice %arg4[%mul3A_199] : memref<819200xi32, #tpu.memory_space<hbm>> -> memref<2048xi32, #tpu.memory_space<hbm>>
          tpu.wait_dma2 semaphore(%run_scoped3A : memref<!tpu.dma_semaphore, #tpu.memory_space<semaphore_mem>>) src(%dma_wait3A_281 : memref<2048xi32, #tpu.memory_space<hbm>>) dst(%arg9 : memref<2048xi32, #tpu.memory_space<vmem>>)
          tpu.yield
        }) : () -> ()
        %dma_start3A = arith.constant 0 : i32
        %dma_start3A_200 = tpu.memref_slice %arg8[%dma_start3A] : memref<2048xi32, #tpu.memory_space<vmem>> -> memref<512xi32, #tpu.memory_space<vmem>>
        %dma_start3A_201 = arith.constant 0 : i32
        %dma_start3A_202 = arith.constant 0 : i32
        %dma_start3A_203 = tpu.memref_slice %arg13[%dma_start3A_201, %dma_start3A_202] : memref<50048x16xf32, #tpu.memory_space<vmem_shared>> -> memref<50048x16xf32, #tpu.memory_space<vmem_shared>>
        tpu.enqueue_indirect_dma source(%dma_start3A_203 : memref<50048x16xf32, #tpu.memory_space<vmem_shared>>) target(%arg10 : memref<512x16xf32, #tpu.memory_space<vmem>>) offsets(%dma_start3A_200 : memref<512xi32, #tpu.memory_space<vmem>>) semaphore(%arg15 : memref<!tpu.dma_semaphore, #tpu.memory_space<semaphore_mem>>)
        %dma_start3A_204 = arith.constant 512 : i32
        %dma_start3A_205 = tpu.memref_slice %arg8[%dma_start3A_204] : memref<2048xi32, #tpu.memory_space<vmem>> -> memref<512xi32, #tpu.memory_space<vmem>>
        %dma_start3A_206 = arith.constant 0 : i32
        %dma_start3A_207 = arith.constant 0 : i32
        %dma_start3A_208 = tpu.memref_slice %arg13[%dma_start3A_206, %dma_start3A_207] : memref<50048x16xf32, #tpu.memory_space<vmem_shared>> -> memref<50048x16xf32, #tpu.memory_space<vmem_shared>>
        tpu.enqueue_indirect_dma source(%dma_start3A_208 : memref<50048x16xf32, #tpu.memory_space<vmem_shared>>) target(%arg11 : memref<512x16xf32, #tpu.memory_space<vmem>>) offsets(%dma_start3A_205 : memref<512xi32, #tpu.memory_space<vmem>>) semaphore(%arg15 : memref<!tpu.dma_semaphore, #tpu.memory_space<semaphore_mem>>)
        %dma_wait3A = arith.constant 0 : i32
        %dma_wait3A_209 = tpu.memref_slice %arg8[%dma_wait3A] : memref<2048xi32, #tpu.memory_space<vmem>> -> memref<512xi32, #tpu.memory_space<vmem>>
        %dma_wait3A_210 = arith.constant 0 : i32
        %dma_wait3A_211 = arith.constant 0 : i32
        %dma_wait3A_212 = tpu.memref_slice %arg13[%dma_wait3A_210, %dma_wait3A_211] : memref<50048x16xf32, #tpu.memory_space<vmem_shared>> -> memref<50048x16xf32, #tpu.memory_space<vmem_shared>>
        tpu.wait_indirect_dma semaphore(%arg15 : memref<!tpu.dma_semaphore, #tpu.memory_space<semaphore_mem>>) src(%dma_wait3A_212 : memref<50048x16xf32, #tpu.memory_space<vmem_shared>>) dst(%arg10 : memref<512x16xf32, #tpu.memory_space<vmem>>)
        %dma_start3A_213 = arith.constant 0 : i32
        %dma_start3A_214 = tpu.memref_slice %arg9[%dma_start3A_213] : memref<2048xi32, #tpu.memory_space<vmem>> -> memref<512xi32, #tpu.memory_space<vmem>>
        %dma_start3A_215 = arith.constant 0 : i32
        %dma_start3A_216 = arith.constant 0 : i32
        %dma_start3A_217 = tpu.memref_slice %arg14[%dma_start3A_215, %dma_start3A_216] : memref<50048x16xf32, #tpu.memory_space<vmem_shared>> -> memref<50048x16xf32, #tpu.memory_space<vmem_shared>>
        tpu.enqueue_indirect_dma source(%arg10 : memref<512x16xf32, #tpu.memory_space<vmem>>) target(%dma_start3A_217 : memref<50048x16xf32, #tpu.memory_space<vmem_shared>>) offsets(%dma_start3A_214 : memref<512xi32, #tpu.memory_space<vmem>>) semaphore(%arg16 : memref<!tpu.dma_semaphore, #tpu.memory_space<semaphore_mem>>) {add = true}
        %dma_start3A_218 = arith.constant 1024 : i32
        %dma_start3A_219 = tpu.memref_slice %arg8[%dma_start3A_218] : memref<2048xi32, #tpu.memory_space<vmem>> -> memref<512xi32, #tpu.memory_space<vmem>>
        %dma_start3A_220 = arith.constant 0 : i32
        %dma_start3A_221 = arith.constant 0 : i32
        %dma_start3A_222 = tpu.memref_slice %arg13[%dma_start3A_220, %dma_start3A_221] : memref<50048x16xf32, #tpu.memory_space<vmem_shared>> -> memref<50048x16xf32, #tpu.memory_space<vmem_shared>>
        tpu.enqueue_indirect_dma source(%dma_start3A_222 : memref<50048x16xf32, #tpu.memory_space<vmem_shared>>) target(%arg12 : memref<512x16xf32, #tpu.memory_space<vmem>>) offsets(%dma_start3A_219 : memref<512xi32, #tpu.memory_space<vmem>>) semaphore(%arg15 : memref<!tpu.dma_semaphore, #tpu.memory_space<semaphore_mem>>)
        %dma_wait3A_223 = arith.constant 512 : i32
        %dma_wait3A_224 = tpu.memref_slice %arg8[%dma_wait3A_223] : memref<2048xi32, #tpu.memory_space<vmem>> -> memref<512xi32, #tpu.memory_space<vmem>>
        %dma_wait3A_225 = arith.constant 0 : i32
        %dma_wait3A_226 = arith.constant 0 : i32
        %dma_wait3A_227 = tpu.memref_slice %arg13[%dma_wait3A_225, %dma_wait3A_226] : memref<50048x16xf32, #tpu.memory_space<vmem_shared>> -> memref<50048x16xf32, #tpu.memory_space<vmem_shared>>
        tpu.wait_indirect_dma semaphore(%arg15 : memref<!tpu.dma_semaphore, #tpu.memory_space<semaphore_mem>>) src(%dma_wait3A_227 : memref<50048x16xf32, #tpu.memory_space<vmem_shared>>) dst(%arg11 : memref<512x16xf32, #tpu.memory_space<vmem>>)
        %dma_start3A_228 = arith.constant 512 : i32
        %dma_start3A_229 = tpu.memref_slice %arg9[%dma_start3A_228] : memref<2048xi32, #tpu.memory_space<vmem>> -> memref<512xi32, #tpu.memory_space<vmem>>
        %dma_start3A_230 = arith.constant 0 : i32
        %dma_start3A_231 = arith.constant 0 : i32
        %dma_start3A_232 = tpu.memref_slice %arg14[%dma_start3A_230, %dma_start3A_231] : memref<50048x16xf32, #tpu.memory_space<vmem_shared>> -> memref<50048x16xf32, #tpu.memory_space<vmem_shared>>
        tpu.enqueue_indirect_dma source(%arg11 : memref<512x16xf32, #tpu.memory_space<vmem>>) target(%dma_start3A_232 : memref<50048x16xf32, #tpu.memory_space<vmem_shared>>) offsets(%dma_start3A_229 : memref<512xi32, #tpu.memory_space<vmem>>) semaphore(%arg16 : memref<!tpu.dma_semaphore, #tpu.memory_space<semaphore_mem>>) {add = true}
        %dma_wait3A_233 = arith.constant 0 : i32
        %dma_wait3A_234 = tpu.memref_slice %arg9[%dma_wait3A_233] : memref<2048xi32, #tpu.memory_space<vmem>> -> memref<512xi32, #tpu.memory_space<vmem>>
        %dma_wait3A_235 = arith.constant 0 : i32
        %dma_wait3A_236 = arith.constant 0 : i32
        %dma_wait3A_237 = tpu.memref_slice %arg14[%dma_wait3A_235, %dma_wait3A_236] : memref<50048x16xf32, #tpu.memory_space<vmem_shared>> -> memref<50048x16xf32, #tpu.memory_space<vmem_shared>>
        tpu.wait_indirect_dma semaphore(%arg16 : memref<!tpu.dma_semaphore, #tpu.memory_space<semaphore_mem>>) src(%arg10 : memref<512x16xf32, #tpu.memory_space<vmem>>) dst(%dma_wait3A_237 : memref<50048x16xf32, #tpu.memory_space<vmem_shared>>)
        %dma_start3A_238 = arith.constant 1536 : i32
        %dma_start3A_239 = tpu.memref_slice %arg8[%dma_start3A_238] : memref<2048xi32, #tpu.memory_space<vmem>> -> memref<512xi32, #tpu.memory_space<vmem>>
        %dma_start3A_240 = arith.constant 0 : i32
        %dma_start3A_241 = arith.constant 0 : i32
        %dma_start3A_242 = tpu.memref_slice %arg13[%dma_start3A_240, %dma_start3A_241] : memref<50048x16xf32, #tpu.memory_space<vmem_shared>> -> memref<50048x16xf32, #tpu.memory_space<vmem_shared>>
        tpu.enqueue_indirect_dma source(%dma_start3A_242 : memref<50048x16xf32, #tpu.memory_space<vmem_shared>>) target(%arg10 : memref<512x16xf32, #tpu.memory_space<vmem>>) offsets(%dma_start3A_239 : memref<512xi32, #tpu.memory_space<vmem>>) semaphore(%arg15 : memref<!tpu.dma_semaphore, #tpu.memory_space<semaphore_mem>>)
        %dma_wait3A_243 = arith.constant 1024 : i32
        %dma_wait3A_244 = tpu.memref_slice %arg8[%dma_wait3A_243] : memref<2048xi32, #tpu.memory_space<vmem>> -> memref<512xi32, #tpu.memory_space<vmem>>
        %dma_wait3A_245 = arith.constant 0 : i32
        %dma_wait3A_246 = arith.constant 0 : i32
        %dma_wait3A_247 = tpu.memref_slice %arg13[%dma_wait3A_245, %dma_wait3A_246] : memref<50048x16xf32, #tpu.memory_space<vmem_shared>> -> memref<50048x16xf32, #tpu.memory_space<vmem_shared>>
        tpu.wait_indirect_dma semaphore(%arg15 : memref<!tpu.dma_semaphore, #tpu.memory_space<semaphore_mem>>) src(%dma_wait3A_247 : memref<50048x16xf32, #tpu.memory_space<vmem_shared>>) dst(%arg12 : memref<512x16xf32, #tpu.memory_space<vmem>>)
        %dma_start3A_248 = arith.constant 1024 : i32
        %dma_start3A_249 = tpu.memref_slice %arg9[%dma_start3A_248] : memref<2048xi32, #tpu.memory_space<vmem>> -> memref<512xi32, #tpu.memory_space<vmem>>
        %dma_start3A_250 = arith.constant 0 : i32
        %dma_start3A_251 = arith.constant 0 : i32
        %dma_start3A_252 = tpu.memref_slice %arg14[%dma_start3A_250, %dma_start3A_251] : memref<50048x16xf32, #tpu.memory_space<vmem_shared>> -> memref<50048x16xf32, #tpu.memory_space<vmem_shared>>
        tpu.enqueue_indirect_dma source(%arg12 : memref<512x16xf32, #tpu.memory_space<vmem>>) target(%dma_start3A_252 : memref<50048x16xf32, #tpu.memory_space<vmem_shared>>) offsets(%dma_start3A_249 : memref<512xi32, #tpu.memory_space<vmem>>) semaphore(%arg16 : memref<!tpu.dma_semaphore, #tpu.memory_space<semaphore_mem>>) {add = true}
        %dma_wait3A_253 = arith.constant 1536 : i32
        %dma_wait3A_254 = tpu.memref_slice %arg8[%dma_wait3A_253] : memref<2048xi32, #tpu.memory_space<vmem>> -> memref<512xi32, #tpu.memory_space<vmem>>
        %dma_wait3A_255 = arith.constant 0 : i32
        %dma_wait3A_256 = arith.constant 0 : i32
        %dma_wait3A_257 = tpu.memref_slice %arg13[%dma_wait3A_255, %dma_wait3A_256] : memref<50048x16xf32, #tpu.memory_space<vmem_shared>> -> memref<50048x16xf32, #tpu.memory_space<vmem_shared>>
        tpu.wait_indirect_dma semaphore(%arg15 : memref<!tpu.dma_semaphore, #tpu.memory_space<semaphore_mem>>) src(%dma_wait3A_257 : memref<50048x16xf32, #tpu.memory_space<vmem_shared>>) dst(%arg10 : memref<512x16xf32, #tpu.memory_space<vmem>>)
        %dma_start3A_258 = arith.constant 1536 : i32
        %dma_start3A_259 = tpu.memref_slice %arg9[%dma_start3A_258] : memref<2048xi32, #tpu.memory_space<vmem>> -> memref<512xi32, #tpu.memory_space<vmem>>
        %dma_start3A_260 = arith.constant 0 : i32
        %dma_start3A_261 = arith.constant 0 : i32
        %dma_start3A_262 = tpu.memref_slice %arg14[%dma_start3A_260, %dma_start3A_261] : memref<50048x16xf32, #tpu.memory_space<vmem_shared>> -> memref<50048x16xf32, #tpu.memory_space<vmem_shared>>
        tpu.enqueue_indirect_dma source(%arg10 : memref<512x16xf32, #tpu.memory_space<vmem>>) target(%dma_start3A_262 : memref<50048x16xf32, #tpu.memory_space<vmem_shared>>) offsets(%dma_start3A_259 : memref<512xi32, #tpu.memory_space<vmem>>) semaphore(%arg16 : memref<!tpu.dma_semaphore, #tpu.memory_space<semaphore_mem>>) {add = true}
        %dma_wait3A_263 = arith.constant 512 : i32
        %dma_wait3A_264 = tpu.memref_slice %arg9[%dma_wait3A_263] : memref<2048xi32, #tpu.memory_space<vmem>> -> memref<512xi32, #tpu.memory_space<vmem>>
        %dma_wait3A_265 = arith.constant 0 : i32
        %dma_wait3A_266 = arith.constant 0 : i32
        %dma_wait3A_267 = tpu.memref_slice %arg14[%dma_wait3A_265, %dma_wait3A_266] : memref<50048x16xf32, #tpu.memory_space<vmem_shared>> -> memref<50048x16xf32, #tpu.memory_space<vmem_shared>>
        tpu.wait_indirect_dma semaphore(%arg16 : memref<!tpu.dma_semaphore, #tpu.memory_space<semaphore_mem>>) src(%arg11 : memref<512x16xf32, #tpu.memory_space<vmem>>) dst(%dma_wait3A_267 : memref<50048x16xf32, #tpu.memory_space<vmem_shared>>)
        %dma_wait3A_268 = arith.constant 1024 : i32
        %dma_wait3A_269 = tpu.memref_slice %arg9[%dma_wait3A_268] : memref<2048xi32, #tpu.memory_space<vmem>> -> memref<512xi32, #tpu.memory_space<vmem>>
        %dma_wait3A_270 = arith.constant 0 : i32
        %dma_wait3A_271 = arith.constant 0 : i32
        %dma_wait3A_272 = tpu.memref_slice %arg14[%dma_wait3A_270, %dma_wait3A_271] : memref<50048x16xf32, #tpu.memory_space<vmem_shared>> -> memref<50048x16xf32, #tpu.memory_space<vmem_shared>>
        tpu.wait_indirect_dma semaphore(%arg16 : memref<!tpu.dma_semaphore, #tpu.memory_space<semaphore_mem>>) src(%arg12 : memref<512x16xf32, #tpu.memory_space<vmem>>) dst(%dma_wait3A_272 : memref<50048x16xf32, #tpu.memory_space<vmem_shared>>)
        %dma_wait3A_273 = arith.constant 1536 : i32
        %dma_wait3A_274 = tpu.memref_slice %arg9[%dma_wait3A_273] : memref<2048xi32, #tpu.memory_space<vmem>> -> memref<512xi32, #tpu.memory_space<vmem>>
        %dma_wait3A_275 = arith.constant 0 : i32
        %dma_wait3A_276 = arith.constant 0 : i32
        %dma_wait3A_277 = tpu.memref_slice %arg14[%dma_wait3A_275, %dma_wait3A_276] : memref<50048x16xf32, #tpu.memory_space<vmem_shared>> -> memref<50048x16xf32, #tpu.memory_space<vmem_shared>>
        tpu.wait_indirect_dma semaphore(%arg16 : memref<!tpu.dma_semaphore, #tpu.memory_space<semaphore_mem>>) src(%arg10 : memref<512x16xf32, #tpu.memory_space<vmem>>) dst(%dma_wait3A_277 : memref<50048x16xf32, #tpu.memory_space<vmem_shared>>)
      }
      %scan3A_31 = arith.constant 25 : i32
      %barrier3A_32 = arith.constant 0 : index
      tpu.barrier barrier_id(%barrier3A_32)
      %lt3A_33 = arith.constant 15 : i32
      %lt3A_34 = arith.cmpi slt, %arg1, %lt3A_33 : i32
      %convert_element_type3A_35 = arith.extui %lt3A_34 : i1 to i32
      %cond3A_36 = arith.constant 0 : i32
      %cond3A_37 = arith.cmpi ne, %convert_element_type3A_35, %cond3A_36 : i32
      scf.if %cond3A_37 {
        %mul3A_194 = arith.constant 3128 : i32
        %mul3A_195 = arith.muli %arg1, %mul3A_194 : i32
        "tpu.region"() ({
          %run_scoped3A = tpu.sem_alloc : memref<!tpu.dma_semaphore, #tpu.memory_space<semaphore_mem>>
          %dma_start3A = arith.constant 64 : i32
          %dma_start3A_196 = tpu.memref_slice %arg7[%mul3A_195, %dma_start3A] : memref<50000x160xf32, #tpu.memory_space<hbm>> -> memref<3128x16xf32, #tpu.memory_space<hbm>>
          %dma_start3A_197 = arith.constant 0 : i32
          %dma_start3A_198 = tpu.memref_slice %arg14[%mul3A_195, %dma_start3A_197] : memref<50048x16xf32, #tpu.memory_space<vmem_shared>> -> memref<3128x16xf32, #tpu.memory_space<vmem_shared>>
          tpu.enqueue_dma source(%dma_start3A_198 : memref<3128x16xf32, #tpu.memory_space<vmem_shared>>) target(%dma_start3A_196 : memref<3128x16xf32, #tpu.memory_space<hbm>>) target_semaphore(%run_scoped3A : memref<!tpu.dma_semaphore, #tpu.memory_space<semaphore_mem>>)
          %dma_wait3A = arith.constant 64 : i32
          %dma_wait3A_199 = tpu.memref_slice %arg7[%mul3A_195, %dma_wait3A] : memref<50000x160xf32, #tpu.memory_space<hbm>> -> memref<3128x16xf32, #tpu.memory_space<hbm>>
          %dma_wait3A_200 = arith.constant 0 : i32
          %dma_wait3A_201 = tpu.memref_slice %arg14[%mul3A_195, %dma_wait3A_200] : memref<50048x16xf32, #tpu.memory_space<vmem_shared>> -> memref<3128x16xf32, #tpu.memory_space<vmem_shared>>
          tpu.wait_dma2 semaphore(%run_scoped3A : memref<!tpu.dma_semaphore, #tpu.memory_space<semaphore_mem>>) src(%dma_wait3A_201 : memref<3128x16xf32, #tpu.memory_space<vmem_shared>>) dst(%dma_wait3A_199 : memref<3128x16xf32, #tpu.memory_space<hbm>>)
          tpu.yield
        }) : () -> ()
      } else {
      }
      %eq3A_38 = arith.constant 15 : i32
      %eq3A_39 = arith.cmpi eq, %arg1, %eq3A_38 : i32
      %convert_element_type3A_40 = arith.extui %eq3A_39 : i1 to i32
      %cond3A_41 = arith.constant 0 : i32
      %cond3A_42 = arith.cmpi ne, %convert_element_type3A_40, %cond3A_41 : i32
      scf.if %cond3A_42 {
        "tpu.region"() ({
          %run_scoped3A = tpu.sem_alloc : memref<!tpu.dma_semaphore, #tpu.memory_space<semaphore_mem>>
          %dma_start3A = arith.constant 46920 : i32
          %dma_start3A_194 = arith.constant 64 : i32
          %dma_start3A_195 = tpu.memref_slice %arg7[%dma_start3A, %dma_start3A_194] : memref<50000x160xf32, #tpu.memory_space<hbm>> -> memref<3080x16xf32, #tpu.memory_space<hbm>>
          %dma_start3A_196 = arith.constant 46920 : i32
          %dma_start3A_197 = arith.constant 0 : i32
          %dma_start3A_198 = tpu.memref_slice %arg14[%dma_start3A_196, %dma_start3A_197] : memref<50048x16xf32, #tpu.memory_space<vmem_shared>> -> memref<3080x16xf32, #tpu.memory_space<vmem_shared>>
          tpu.enqueue_dma source(%dma_start3A_198 : memref<3080x16xf32, #tpu.memory_space<vmem_shared>>) target(%dma_start3A_195 : memref<3080x16xf32, #tpu.memory_space<hbm>>) target_semaphore(%run_scoped3A : memref<!tpu.dma_semaphore, #tpu.memory_space<semaphore_mem>>)
          %dma_wait3A = arith.constant 46920 : i32
          %dma_wait3A_199 = arith.constant 64 : i32
          %dma_wait3A_200 = tpu.memref_slice %arg7[%dma_wait3A, %dma_wait3A_199] : memref<50000x160xf32, #tpu.memory_space<hbm>> -> memref<3080x16xf32, #tpu.memory_space<hbm>>
          %dma_wait3A_201 = arith.constant 46920 : i32
          %dma_wait3A_202 = arith.constant 0 : i32
          %dma_wait3A_203 = tpu.memref_slice %arg14[%dma_wait3A_201, %dma_wait3A_202] : memref<50048x16xf32, #tpu.memory_space<vmem_shared>> -> memref<3080x16xf32, #tpu.memory_space<vmem_shared>>
          tpu.wait_dma2 semaphore(%run_scoped3A : memref<!tpu.dma_semaphore, #tpu.memory_space<semaphore_mem>>) src(%dma_wait3A_203 : memref<3080x16xf32, #tpu.memory_space<vmem_shared>>) dst(%dma_wait3A_200 : memref<3080x16xf32, #tpu.memory_space<hbm>>)
          tpu.yield
        }) : () -> ()
      } else {
      }
      %lt3A_43 = arith.constant 15 : i32
      %lt3A_44 = arith.cmpi slt, %arg1, %lt3A_43 : i32
      %convert_element_type3A_45 = arith.extui %lt3A_44 : i1 to i32
      %cond3A_46 = arith.constant 0 : i32
      %cond3A_47 = arith.cmpi ne, %convert_element_type3A_45, %cond3A_46 : i32
      scf.if %cond3A_47 {
        %mul3A_194 = arith.constant 3128 : i32
        %mul3A_195 = arith.muli %arg1, %mul3A_194 : i32
        "tpu.region"() ({
          %run_scoped3A = tpu.sem_alloc : memref<!tpu.dma_semaphore, #tpu.memory_space<semaphore_mem>>
          %dma_start3A = arith.constant 0 : i32
          %dma_start3A_196 = tpu.memref_slice %arg13[%mul3A_195, %dma_start3A] : memref<50048x16xf32, #tpu.memory_space<vmem_shared>> -> memref<3128x16xf32, #tpu.memory_space<vmem_shared>>
          %dma_start3A_197 = arith.constant 80 : i32
          %dma_start3A_198 = tpu.memref_slice %arg2[%mul3A_195, %dma_start3A_197] : memref<50000x128xf32, #tpu.memory_space<hbm>> -> memref<3128x16xf32, #tpu.memory_space<hbm>>
          tpu.enqueue_dma source(%dma_start3A_198 : memref<3128x16xf32, #tpu.memory_space<hbm>>) target(%dma_start3A_196 : memref<3128x16xf32, #tpu.memory_space<vmem_shared>>) target_semaphore(%run_scoped3A : memref<!tpu.dma_semaphore, #tpu.memory_space<semaphore_mem>>)
          %dma_wait3A = arith.constant 0 : i32
          %dma_wait3A_199 = tpu.memref_slice %arg13[%mul3A_195, %dma_wait3A] : memref<50048x16xf32, #tpu.memory_space<vmem_shared>> -> memref<3128x16xf32, #tpu.memory_space<vmem_shared>>
          %dma_wait3A_200 = arith.constant 80 : i32
          %dma_wait3A_201 = tpu.memref_slice %arg2[%mul3A_195, %dma_wait3A_200] : memref<50000x128xf32, #tpu.memory_space<hbm>> -> memref<3128x16xf32, #tpu.memory_space<hbm>>
          tpu.wait_dma2 semaphore(%run_scoped3A : memref<!tpu.dma_semaphore, #tpu.memory_space<semaphore_mem>>) src(%dma_wait3A_201 : memref<3128x16xf32, #tpu.memory_space<hbm>>) dst(%dma_wait3A_199 : memref<3128x16xf32, #tpu.memory_space<vmem_shared>>)
          tpu.yield
        }) : () -> ()
      } else {
      }
      %eq3A_48 = arith.constant 15 : i32
      %eq3A_49 = arith.cmpi eq, %arg1, %eq3A_48 : i32
      %convert_element_type3A_50 = arith.extui %eq3A_49 : i1 to i32
      %cond3A_51 = arith.constant 0 : i32
      %cond3A_52 = arith.cmpi ne, %convert_element_type3A_50, %cond3A_51 : i32
      scf.if %cond3A_52 {
        "tpu.region"() ({
          %run_scoped3A = tpu.sem_alloc : memref<!tpu.dma_semaphore, #tpu.memory_space<semaphore_mem>>
          %dma_start3A = arith.constant 46920 : i32
          %dma_start3A_194 = arith.constant 0 : i32
          %dma_start3A_195 = tpu.memref_slice %arg13[%dma_start3A, %dma_start3A_194] : memref<50048x16xf32, #tpu.memory_space<vmem_shared>> -> memref<3080x16xf32, #tpu.memory_space<vmem_shared>>
          %dma_start3A_196 = arith.constant 46920 : i32
          %dma_start3A_197 = arith.constant 80 : i32
          %dma_start3A_198 = tpu.memref_slice %arg2[%dma_start3A_196, %dma_start3A_197] : memref<50000x128xf32, #tpu.memory_space<hbm>> -> memref<3080x16xf32, #tpu.memory_space<hbm>>
          tpu.enqueue_dma source(%dma_start3A_198 : memref<3080x16xf32, #tpu.memory_space<hbm>>) target(%dma_start3A_195 : memref<3080x16xf32, #tpu.memory_space<vmem_shared>>) target_semaphore(%run_scoped3A : memref<!tpu.dma_semaphore, #tpu.memory_space<semaphore_mem>>)
          %dma_wait3A = arith.constant 46920 : i32
          %dma_wait3A_199 = arith.constant 0 : i32
          %dma_wait3A_200 = tpu.memref_slice %arg13[%dma_wait3A, %dma_wait3A_199] : memref<50048x16xf32, #tpu.memory_space<vmem_shared>> -> memref<3080x16xf32, #tpu.memory_space<vmem_shared>>
          %dma_wait3A_201 = arith.constant 46920 : i32
          %dma_wait3A_202 = arith.constant 80 : i32
          %dma_wait3A_203 = tpu.memref_slice %arg2[%dma_wait3A_201, %dma_wait3A_202] : memref<50000x128xf32, #tpu.memory_space<hbm>> -> memref<3080x16xf32, #tpu.memory_space<hbm>>
          tpu.wait_dma2 semaphore(%run_scoped3A : memref<!tpu.dma_semaphore, #tpu.memory_space<semaphore_mem>>) src(%dma_wait3A_203 : memref<3080x16xf32, #tpu.memory_space<hbm>>) dst(%dma_wait3A_200 : memref<3080x16xf32, #tpu.memory_space<vmem_shared>>)
          tpu.yield
        }) : () -> ()
      } else {
      }
      %lt3A_53 = arith.constant 15 : i32
      %lt3A_54 = arith.cmpi slt, %arg1, %lt3A_53 : i32
      %convert_element_type3A_55 = arith.extui %lt3A_54 : i1 to i32
      %cond3A_56 = arith.constant 0 : i32
      %cond3A_57 = arith.cmpi ne, %convert_element_type3A_55, %cond3A_56 : i32
      scf.if %cond3A_57 {
        %mul3A_194 = arith.constant 3128 : i32
        %mul3A_195 = arith.muli %arg1, %mul3A_194 : i32
        "tpu.region"() ({
          %run_scoped3A = tpu.sem_alloc : memref<!tpu.dma_semaphore, #tpu.memory_space<semaphore_mem>>
          %dma_start3A = arith.constant 0 : i32
          %dma_start3A_196 = tpu.memref_slice %arg14[%mul3A_195, %dma_start3A] : memref<50048x16xf32, #tpu.memory_space<vmem_shared>> -> memref<3128x16xf32, #tpu.memory_space<vmem_shared>>
          %dma_start3A_197 = arith.constant 0 : i32
          %dma_start3A_198 = arith.constant 0 : i32
          %dma_start3A_199 = tpu.memref_slice %arg5[%dma_start3A_197, %dma_start3A_198] : memref<3128x16xf32, #tpu.memory_space<hbm>> -> memref<3128x16xf32, #tpu.memory_space<hbm>>
          tpu.enqueue_dma source(%dma_start3A_199 : memref<3128x16xf32, #tpu.memory_space<hbm>>) target(%dma_start3A_196 : memref<3128x16xf32, #tpu.memory_space<vmem_shared>>) target_semaphore(%run_scoped3A : memref<!tpu.dma_semaphore, #tpu.memory_space<semaphore_mem>>)
          %dma_wait3A = arith.constant 0 : i32
          %dma_wait3A_200 = tpu.memref_slice %arg14[%mul3A_195, %dma_wait3A] : memref<50048x16xf32, #tpu.memory_space<vmem_shared>> -> memref<3128x16xf32, #tpu.memory_space<vmem_shared>>
          %dma_wait3A_201 = arith.constant 0 : i32
          %dma_wait3A_202 = arith.constant 0 : i32
          %dma_wait3A_203 = tpu.memref_slice %arg5[%dma_wait3A_201, %dma_wait3A_202] : memref<3128x16xf32, #tpu.memory_space<hbm>> -> memref<3128x16xf32, #tpu.memory_space<hbm>>
          tpu.wait_dma2 semaphore(%run_scoped3A : memref<!tpu.dma_semaphore, #tpu.memory_space<semaphore_mem>>) src(%dma_wait3A_203 : memref<3128x16xf32, #tpu.memory_space<hbm>>) dst(%dma_wait3A_200 : memref<3128x16xf32, #tpu.memory_space<vmem_shared>>)
          tpu.yield
        }) : () -> ()
      } else {
      }
      %eq3A_58 = arith.constant 15 : i32
      %eq3A_59 = arith.cmpi eq, %arg1, %eq3A_58 : i32
      %convert_element_type3A_60 = arith.extui %eq3A_59 : i1 to i32
      %cond3A_61 = arith.constant 0 : i32
      %cond3A_62 = arith.cmpi ne, %convert_element_type3A_60, %cond3A_61 : i32
      scf.if %cond3A_62 {
        "tpu.region"() ({
          %run_scoped3A = tpu.sem_alloc : memref<!tpu.dma_semaphore, #tpu.memory_space<semaphore_mem>>
          %dma_start3A = arith.constant 46920 : i32
          %dma_start3A_194 = arith.constant 0 : i32
          %dma_start3A_195 = tpu.memref_slice %arg14[%dma_start3A, %dma_start3A_194] : memref<50048x16xf32, #tpu.memory_space<vmem_shared>> -> memref<3080x16xf32, #tpu.memory_space<vmem_shared>>
          %dma_start3A_196 = arith.constant 0 : i32
          %dma_start3A_197 = arith.constant 0 : i32
          %dma_start3A_198 = tpu.memref_slice %arg5[%dma_start3A_196, %dma_start3A_197] : memref<3128x16xf32, #tpu.memory_space<hbm>> -> memref<3080x16xf32, #tpu.memory_space<hbm>>
          tpu.enqueue_dma source(%dma_start3A_198 : memref<3080x16xf32, #tpu.memory_space<hbm>>) target(%dma_start3A_195 : memref<3080x16xf32, #tpu.memory_space<vmem_shared>>) target_semaphore(%run_scoped3A : memref<!tpu.dma_semaphore, #tpu.memory_space<semaphore_mem>>)
          %dma_wait3A = arith.constant 46920 : i32
          %dma_wait3A_199 = arith.constant 0 : i32
          %dma_wait3A_200 = tpu.memref_slice %arg14[%dma_wait3A, %dma_wait3A_199] : memref<50048x16xf32, #tpu.memory_space<vmem_shared>> -> memref<3080x16xf32, #tpu.memory_space<vmem_shared>>
          %dma_wait3A_201 = arith.constant 0 : i32
          %dma_wait3A_202 = arith.constant 0 : i32
          %dma_wait3A_203 = tpu.memref_slice %arg5[%dma_wait3A_201, %dma_wait3A_202] : memref<3128x16xf32, #tpu.memory_space<hbm>> -> memref<3080x16xf32, #tpu.memory_space<hbm>>
          tpu.wait_dma2 semaphore(%run_scoped3A : memref<!tpu.dma_semaphore, #tpu.memory_space<semaphore_mem>>) src(%dma_wait3A_203 : memref<3080x16xf32, #tpu.memory_space<hbm>>) dst(%dma_wait3A_200 : memref<3080x16xf32, #tpu.memory_space<vmem_shared>>)
          tpu.yield
        }) : () -> ()
      } else {
      }
      %barrier3A_63 = arith.constant 0 : index
      tpu.barrier barrier_id(%barrier3A_63)
      %mul3A_64 = arith.constant 400 : i32
      %mul3A_65 = arith.muli %arg1, %mul3A_64 : i32
      %scan3A_66 = arith.constant 0 : i32
      %scan3A_67 = arith.constant 0 : i32
      %scan3A_68 = arith.constant 25 : i32
      %scan3A_69 = arith.addi %scan3A_67, %scan3A_68 : i32
      %scan3A_70 = arith.constant 1 : i32
      scf.for %scan3A_194 = %scan3A_67 to %scan3A_69 step %scan3A_70  : i32 {
        %mul3A_195 = arith.constant 16 : i32
        %mul3A_196 = arith.muli %scan3A_194, %mul3A_195 : i32
        %add3A_197 = arith.addi %mul3A_65, %mul3A_196 : i32
        %mul3A_198 = arith.constant 128 : i32
        %mul3A_199 = arith.muli %add3A_197, %mul3A_198 : i32
        "tpu.region"() ({
          %run_scoped3A = tpu.sem_alloc : memref<!tpu.dma_semaphore, #tpu.memory_space<semaphore_mem>>
          %dma_start3A_278 = tpu.memref_slice %arg3[%mul3A_199] : memref<819200xi32, #tpu.memory_space<hbm>> -> memref<2048xi32, #tpu.memory_space<hbm>>
          %dma_start3A_279 = tpu.memref_slice %arg3[%mul3A_199] : memref<819200xi32, #tpu.memory_space<hbm>> -> memref<2048xi32, #tpu.memory_space<hbm>>
          tpu.enqueue_dma source(%dma_start3A_279 : memref<2048xi32, #tpu.memory_space<hbm>>) target(%arg8 : memref<2048xi32, #tpu.memory_space<vmem>>) target_semaphore(%run_scoped3A : memref<!tpu.dma_semaphore, #tpu.memory_space<semaphore_mem>>)
          %dma_wait3A_280 = tpu.memref_slice %arg3[%mul3A_199] : memref<819200xi32, #tpu.memory_space<hbm>> -> memref<2048xi32, #tpu.memory_space<hbm>>
          %dma_wait3A_281 = tpu.memref_slice %arg3[%mul3A_199] : memref<819200xi32, #tpu.memory_space<hbm>> -> memref<2048xi32, #tpu.memory_space<hbm>>
          tpu.wait_dma2 semaphore(%run_scoped3A : memref<!tpu.dma_semaphore, #tpu.memory_space<semaphore_mem>>) src(%dma_wait3A_281 : memref<2048xi32, #tpu.memory_space<hbm>>) dst(%arg8 : memref<2048xi32, #tpu.memory_space<vmem>>)
          tpu.yield
        }) : () -> ()
        "tpu.region"() ({
          %run_scoped3A = tpu.sem_alloc : memref<!tpu.dma_semaphore, #tpu.memory_space<semaphore_mem>>
          %dma_start3A_278 = tpu.memref_slice %arg4[%mul3A_199] : memref<819200xi32, #tpu.memory_space<hbm>> -> memref<2048xi32, #tpu.memory_space<hbm>>
          %dma_start3A_279 = tpu.memref_slice %arg4[%mul3A_199] : memref<819200xi32, #tpu.memory_space<hbm>> -> memref<2048xi32, #tpu.memory_space<hbm>>
          tpu.enqueue_dma source(%dma_start3A_279 : memref<2048xi32, #tpu.memory_space<hbm>>) target(%arg9 : memref<2048xi32, #tpu.memory_space<vmem>>) target_semaphore(%run_scoped3A : memref<!tpu.dma_semaphore, #tpu.memory_space<semaphore_mem>>)
          %dma_wait3A_280 = tpu.memref_slice %arg4[%mul3A_199] : memref<819200xi32, #tpu.memory_space<hbm>> -> memref<2048xi32, #tpu.memory_space<hbm>>
          %dma_wait3A_281 = tpu.memref_slice %arg4[%mul3A_199] : memref<819200xi32, #tpu.memory_space<hbm>> -> memref<2048xi32, #tpu.memory_space<hbm>>
          tpu.wait_dma2 semaphore(%run_scoped3A : memref<!tpu.dma_semaphore, #tpu.memory_space<semaphore_mem>>) src(%dma_wait3A_281 : memref<2048xi32, #tpu.memory_space<hbm>>) dst(%arg9 : memref<2048xi32, #tpu.memory_space<vmem>>)
          tpu.yield
        }) : () -> ()
        %dma_start3A = arith.constant 0 : i32
        %dma_start3A_200 = tpu.memref_slice %arg8[%dma_start3A] : memref<2048xi32, #tpu.memory_space<vmem>> -> memref<512xi32, #tpu.memory_space<vmem>>
        %dma_start3A_201 = arith.constant 0 : i32
        %dma_start3A_202 = arith.constant 0 : i32
        %dma_start3A_203 = tpu.memref_slice %arg13[%dma_start3A_201, %dma_start3A_202] : memref<50048x16xf32, #tpu.memory_space<vmem_shared>> -> memref<50048x16xf32, #tpu.memory_space<vmem_shared>>
        tpu.enqueue_indirect_dma source(%dma_start3A_203 : memref<50048x16xf32, #tpu.memory_space<vmem_shared>>) target(%arg10 : memref<512x16xf32, #tpu.memory_space<vmem>>) offsets(%dma_start3A_200 : memref<512xi32, #tpu.memory_space<vmem>>) semaphore(%arg15 : memref<!tpu.dma_semaphore, #tpu.memory_space<semaphore_mem>>)
        %dma_start3A_204 = arith.constant 512 : i32
        %dma_start3A_205 = tpu.memref_slice %arg8[%dma_start3A_204] : memref<2048xi32, #tpu.memory_space<vmem>> -> memref<512xi32, #tpu.memory_space<vmem>>
        %dma_start3A_206 = arith.constant 0 : i32
        %dma_start3A_207 = arith.constant 0 : i32
        %dma_start3A_208 = tpu.memref_slice %arg13[%dma_start3A_206, %dma_start3A_207] : memref<50048x16xf32, #tpu.memory_space<vmem_shared>> -> memref<50048x16xf32, #tpu.memory_space<vmem_shared>>
        tpu.enqueue_indirect_dma source(%dma_start3A_208 : memref<50048x16xf32, #tpu.memory_space<vmem_shared>>) target(%arg11 : memref<512x16xf32, #tpu.memory_space<vmem>>) offsets(%dma_start3A_205 : memref<512xi32, #tpu.memory_space<vmem>>) semaphore(%arg15 : memref<!tpu.dma_semaphore, #tpu.memory_space<semaphore_mem>>)
        %dma_wait3A = arith.constant 0 : i32
        %dma_wait3A_209 = tpu.memref_slice %arg8[%dma_wait3A] : memref<2048xi32, #tpu.memory_space<vmem>> -> memref<512xi32, #tpu.memory_space<vmem>>
        %dma_wait3A_210 = arith.constant 0 : i32
        %dma_wait3A_211 = arith.constant 0 : i32
        %dma_wait3A_212 = tpu.memref_slice %arg13[%dma_wait3A_210, %dma_wait3A_211] : memref<50048x16xf32, #tpu.memory_space<vmem_shared>> -> memref<50048x16xf32, #tpu.memory_space<vmem_shared>>
        tpu.wait_indirect_dma semaphore(%arg15 : memref<!tpu.dma_semaphore, #tpu.memory_space<semaphore_mem>>) src(%dma_wait3A_212 : memref<50048x16xf32, #tpu.memory_space<vmem_shared>>) dst(%arg10 : memref<512x16xf32, #tpu.memory_space<vmem>>)
        %dma_start3A_213 = arith.constant 0 : i32
        %dma_start3A_214 = tpu.memref_slice %arg9[%dma_start3A_213] : memref<2048xi32, #tpu.memory_space<vmem>> -> memref<512xi32, #tpu.memory_space<vmem>>
        %dma_start3A_215 = arith.constant 0 : i32
        %dma_start3A_216 = arith.constant 0 : i32
        %dma_start3A_217 = tpu.memref_slice %arg14[%dma_start3A_215, %dma_start3A_216] : memref<50048x16xf32, #tpu.memory_space<vmem_shared>> -> memref<50048x16xf32, #tpu.memory_space<vmem_shared>>
        tpu.enqueue_indirect_dma source(%arg10 : memref<512x16xf32, #tpu.memory_space<vmem>>) target(%dma_start3A_217 : memref<50048x16xf32, #tpu.memory_space<vmem_shared>>) offsets(%dma_start3A_214 : memref<512xi32, #tpu.memory_space<vmem>>) semaphore(%arg16 : memref<!tpu.dma_semaphore, #tpu.memory_space<semaphore_mem>>) {add = true}
        %dma_start3A_218 = arith.constant 1024 : i32
        %dma_start3A_219 = tpu.memref_slice %arg8[%dma_start3A_218] : memref<2048xi32, #tpu.memory_space<vmem>> -> memref<512xi32, #tpu.memory_space<vmem>>
        %dma_start3A_220 = arith.constant 0 : i32
        %dma_start3A_221 = arith.constant 0 : i32
        %dma_start3A_222 = tpu.memref_slice %arg13[%dma_start3A_220, %dma_start3A_221] : memref<50048x16xf32, #tpu.memory_space<vmem_shared>> -> memref<50048x16xf32, #tpu.memory_space<vmem_shared>>
        tpu.enqueue_indirect_dma source(%dma_start3A_222 : memref<50048x16xf32, #tpu.memory_space<vmem_shared>>) target(%arg12 : memref<512x16xf32, #tpu.memory_space<vmem>>) offsets(%dma_start3A_219 : memref<512xi32, #tpu.memory_space<vmem>>) semaphore(%arg15 : memref<!tpu.dma_semaphore, #tpu.memory_space<semaphore_mem>>)
        %dma_wait3A_223 = arith.constant 512 : i32
        %dma_wait3A_224 = tpu.memref_slice %arg8[%dma_wait3A_223] : memref<2048xi32, #tpu.memory_space<vmem>> -> memref<512xi32, #tpu.memory_space<vmem>>
        %dma_wait3A_225 = arith.constant 0 : i32
        %dma_wait3A_226 = arith.constant 0 : i32
        %dma_wait3A_227 = tpu.memref_slice %arg13[%dma_wait3A_225, %dma_wait3A_226] : memref<50048x16xf32, #tpu.memory_space<vmem_shared>> -> memref<50048x16xf32, #tpu.memory_space<vmem_shared>>
        tpu.wait_indirect_dma semaphore(%arg15 : memref<!tpu.dma_semaphore, #tpu.memory_space<semaphore_mem>>) src(%dma_wait3A_227 : memref<50048x16xf32, #tpu.memory_space<vmem_shared>>) dst(%arg11 : memref<512x16xf32, #tpu.memory_space<vmem>>)
        %dma_start3A_228 = arith.constant 512 : i32
        %dma_start3A_229 = tpu.memref_slice %arg9[%dma_start3A_228] : memref<2048xi32, #tpu.memory_space<vmem>> -> memref<512xi32, #tpu.memory_space<vmem>>
        %dma_start3A_230 = arith.constant 0 : i32
        %dma_start3A_231 = arith.constant 0 : i32
        %dma_start3A_232 = tpu.memref_slice %arg14[%dma_start3A_230, %dma_start3A_231] : memref<50048x16xf32, #tpu.memory_space<vmem_shared>> -> memref<50048x16xf32, #tpu.memory_space<vmem_shared>>
        tpu.enqueue_indirect_dma source(%arg11 : memref<512x16xf32, #tpu.memory_space<vmem>>) target(%dma_start3A_232 : memref<50048x16xf32, #tpu.memory_space<vmem_shared>>) offsets(%dma_start3A_229 : memref<512xi32, #tpu.memory_space<vmem>>) semaphore(%arg16 : memref<!tpu.dma_semaphore, #tpu.memory_space<semaphore_mem>>) {add = true}
        %dma_wait3A_233 = arith.constant 0 : i32
        %dma_wait3A_234 = tpu.memref_slice %arg9[%dma_wait3A_233] : memref<2048xi32, #tpu.memory_space<vmem>> -> memref<512xi32, #tpu.memory_space<vmem>>
        %dma_wait3A_235 = arith.constant 0 : i32
        %dma_wait3A_236 = arith.constant 0 : i32
        %dma_wait3A_237 = tpu.memref_slice %arg14[%dma_wait3A_235, %dma_wait3A_236] : memref<50048x16xf32, #tpu.memory_space<vmem_shared>> -> memref<50048x16xf32, #tpu.memory_space<vmem_shared>>
        tpu.wait_indirect_dma semaphore(%arg16 : memref<!tpu.dma_semaphore, #tpu.memory_space<semaphore_mem>>) src(%arg10 : memref<512x16xf32, #tpu.memory_space<vmem>>) dst(%dma_wait3A_237 : memref<50048x16xf32, #tpu.memory_space<vmem_shared>>)
        %dma_start3A_238 = arith.constant 1536 : i32
        %dma_start3A_239 = tpu.memref_slice %arg8[%dma_start3A_238] : memref<2048xi32, #tpu.memory_space<vmem>> -> memref<512xi32, #tpu.memory_space<vmem>>
        %dma_start3A_240 = arith.constant 0 : i32
        %dma_start3A_241 = arith.constant 0 : i32
        %dma_start3A_242 = tpu.memref_slice %arg13[%dma_start3A_240, %dma_start3A_241] : memref<50048x16xf32, #tpu.memory_space<vmem_shared>> -> memref<50048x16xf32, #tpu.memory_space<vmem_shared>>
        tpu.enqueue_indirect_dma source(%dma_start3A_242 : memref<50048x16xf32, #tpu.memory_space<vmem_shared>>) target(%arg10 : memref<512x16xf32, #tpu.memory_space<vmem>>) offsets(%dma_start3A_239 : memref<512xi32, #tpu.memory_space<vmem>>) semaphore(%arg15 : memref<!tpu.dma_semaphore, #tpu.memory_space<semaphore_mem>>)
        %dma_wait3A_243 = arith.constant 1024 : i32
        %dma_wait3A_244 = tpu.memref_slice %arg8[%dma_wait3A_243] : memref<2048xi32, #tpu.memory_space<vmem>> -> memref<512xi32, #tpu.memory_space<vmem>>
        %dma_wait3A_245 = arith.constant 0 : i32
        %dma_wait3A_246 = arith.constant 0 : i32
        %dma_wait3A_247 = tpu.memref_slice %arg13[%dma_wait3A_245, %dma_wait3A_246] : memref<50048x16xf32, #tpu.memory_space<vmem_shared>> -> memref<50048x16xf32, #tpu.memory_space<vmem_shared>>
        tpu.wait_indirect_dma semaphore(%arg15 : memref<!tpu.dma_semaphore, #tpu.memory_space<semaphore_mem>>) src(%dma_wait3A_247 : memref<50048x16xf32, #tpu.memory_space<vmem_shared>>) dst(%arg12 : memref<512x16xf32, #tpu.memory_space<vmem>>)
        %dma_start3A_248 = arith.constant 1024 : i32
        %dma_start3A_249 = tpu.memref_slice %arg9[%dma_start3A_248] : memref<2048xi32, #tpu.memory_space<vmem>> -> memref<512xi32, #tpu.memory_space<vmem>>
        %dma_start3A_250 = arith.constant 0 : i32
        %dma_start3A_251 = arith.constant 0 : i32
        %dma_start3A_252 = tpu.memref_slice %arg14[%dma_start3A_250, %dma_start3A_251] : memref<50048x16xf32, #tpu.memory_space<vmem_shared>> -> memref<50048x16xf32, #tpu.memory_space<vmem_shared>>
        tpu.enqueue_indirect_dma source(%arg12 : memref<512x16xf32, #tpu.memory_space<vmem>>) target(%dma_start3A_252 : memref<50048x16xf32, #tpu.memory_space<vmem_shared>>) offsets(%dma_start3A_249 : memref<512xi32, #tpu.memory_space<vmem>>) semaphore(%arg16 : memref<!tpu.dma_semaphore, #tpu.memory_space<semaphore_mem>>) {add = true}
        %dma_wait3A_253 = arith.constant 1536 : i32
        %dma_wait3A_254 = tpu.memref_slice %arg8[%dma_wait3A_253] : memref<2048xi32, #tpu.memory_space<vmem>> -> memref<512xi32, #tpu.memory_space<vmem>>
        %dma_wait3A_255 = arith.constant 0 : i32
        %dma_wait3A_256 = arith.constant 0 : i32
        %dma_wait3A_257 = tpu.memref_slice %arg13[%dma_wait3A_255, %dma_wait3A_256] : memref<50048x16xf32, #tpu.memory_space<vmem_shared>> -> memref<50048x16xf32, #tpu.memory_space<vmem_shared>>
        tpu.wait_indirect_dma semaphore(%arg15 : memref<!tpu.dma_semaphore, #tpu.memory_space<semaphore_mem>>) src(%dma_wait3A_257 : memref<50048x16xf32, #tpu.memory_space<vmem_shared>>) dst(%arg10 : memref<512x16xf32, #tpu.memory_space<vmem>>)
        %dma_start3A_258 = arith.constant 1536 : i32
        %dma_start3A_259 = tpu.memref_slice %arg9[%dma_start3A_258] : memref<2048xi32, #tpu.memory_space<vmem>> -> memref<512xi32, #tpu.memory_space<vmem>>
        %dma_start3A_260 = arith.constant 0 : i32
        %dma_start3A_261 = arith.constant 0 : i32
        %dma_start3A_262 = tpu.memref_slice %arg14[%dma_start3A_260, %dma_start3A_261] : memref<50048x16xf32, #tpu.memory_space<vmem_shared>> -> memref<50048x16xf32, #tpu.memory_space<vmem_shared>>
        tpu.enqueue_indirect_dma source(%arg10 : memref<512x16xf32, #tpu.memory_space<vmem>>) target(%dma_start3A_262 : memref<50048x16xf32, #tpu.memory_space<vmem_shared>>) offsets(%dma_start3A_259 : memref<512xi32, #tpu.memory_space<vmem>>) semaphore(%arg16 : memref<!tpu.dma_semaphore, #tpu.memory_space<semaphore_mem>>) {add = true}
        %dma_wait3A_263 = arith.constant 512 : i32
        %dma_wait3A_264 = tpu.memref_slice %arg9[%dma_wait3A_263] : memref<2048xi32, #tpu.memory_space<vmem>> -> memref<512xi32, #tpu.memory_space<vmem>>
        %dma_wait3A_265 = arith.constant 0 : i32
        %dma_wait3A_266 = arith.constant 0 : i32
        %dma_wait3A_267 = tpu.memref_slice %arg14[%dma_wait3A_265, %dma_wait3A_266] : memref<50048x16xf32, #tpu.memory_space<vmem_shared>> -> memref<50048x16xf32, #tpu.memory_space<vmem_shared>>
        tpu.wait_indirect_dma semaphore(%arg16 : memref<!tpu.dma_semaphore, #tpu.memory_space<semaphore_mem>>) src(%arg11 : memref<512x16xf32, #tpu.memory_space<vmem>>) dst(%dma_wait3A_267 : memref<50048x16xf32, #tpu.memory_space<vmem_shared>>)
        %dma_wait3A_268 = arith.constant 1024 : i32
        %dma_wait3A_269 = tpu.memref_slice %arg9[%dma_wait3A_268] : memref<2048xi32, #tpu.memory_space<vmem>> -> memref<512xi32, #tpu.memory_space<vmem>>
        %dma_wait3A_270 = arith.constant 0 : i32
        %dma_wait3A_271 = arith.constant 0 : i32
        %dma_wait3A_272 = tpu.memref_slice %arg14[%dma_wait3A_270, %dma_wait3A_271] : memref<50048x16xf32, #tpu.memory_space<vmem_shared>> -> memref<50048x16xf32, #tpu.memory_space<vmem_shared>>
        tpu.wait_indirect_dma semaphore(%arg16 : memref<!tpu.dma_semaphore, #tpu.memory_space<semaphore_mem>>) src(%arg12 : memref<512x16xf32, #tpu.memory_space<vmem>>) dst(%dma_wait3A_272 : memref<50048x16xf32, #tpu.memory_space<vmem_shared>>)
        %dma_wait3A_273 = arith.constant 1536 : i32
        %dma_wait3A_274 = tpu.memref_slice %arg9[%dma_wait3A_273] : memref<2048xi32, #tpu.memory_space<vmem>> -> memref<512xi32, #tpu.memory_space<vmem>>
        %dma_wait3A_275 = arith.constant 0 : i32
        %dma_wait3A_276 = arith.constant 0 : i32
        %dma_wait3A_277 = tpu.memref_slice %arg14[%dma_wait3A_275, %dma_wait3A_276] : memref<50048x16xf32, #tpu.memory_space<vmem_shared>> -> memref<50048x16xf32, #tpu.memory_space<vmem_shared>>
        tpu.wait_indirect_dma semaphore(%arg16 : memref<!tpu.dma_semaphore, #tpu.memory_space<semaphore_mem>>) src(%arg10 : memref<512x16xf32, #tpu.memory_space<vmem>>) dst(%dma_wait3A_277 : memref<50048x16xf32, #tpu.memory_space<vmem_shared>>)
      }
      %scan3A_71 = arith.constant 25 : i32
      %barrier3A_72 = arith.constant 0 : index
      tpu.barrier barrier_id(%barrier3A_72)
      %lt3A_73 = arith.constant 15 : i32
      %lt3A_74 = arith.cmpi slt, %arg1, %lt3A_73 : i32
      %convert_element_type3A_75 = arith.extui %lt3A_74 : i1 to i32
      %cond3A_76 = arith.constant 0 : i32
      %cond3A_77 = arith.cmpi ne, %convert_element_type3A_75, %cond3A_76 : i32
      scf.if %cond3A_77 {
        %mul3A_194 = arith.constant 3128 : i32
        %mul3A_195 = arith.muli %arg1, %mul3A_194 : i32
        "tpu.region"() ({
          %run_scoped3A = tpu.sem_alloc : memref<!tpu.dma_semaphore, #tpu.memory_space<semaphore_mem>>
          %dma_start3A = arith.constant 80 : i32
          %dma_start3A_196 = tpu.memref_slice %arg7[%mul3A_195, %dma_start3A] : memref<50000x160xf32, #tpu.memory_space<hbm>> -> memref<3128x16xf32, #tpu.memory_space<hbm>>
          %dma_start3A_197 = arith.constant 0 : i32
          %dma_start3A_198 = tpu.memref_slice %arg14[%mul3A_195, %dma_start3A_197] : memref<50048x16xf32, #tpu.memory_space<vmem_shared>> -> memref<3128x16xf32, #tpu.memory_space<vmem_shared>>
          tpu.enqueue_dma source(%dma_start3A_198 : memref<3128x16xf32, #tpu.memory_space<vmem_shared>>) target(%dma_start3A_196 : memref<3128x16xf32, #tpu.memory_space<hbm>>) target_semaphore(%run_scoped3A : memref<!tpu.dma_semaphore, #tpu.memory_space<semaphore_mem>>)
          %dma_wait3A = arith.constant 80 : i32
          %dma_wait3A_199 = tpu.memref_slice %arg7[%mul3A_195, %dma_wait3A] : memref<50000x160xf32, #tpu.memory_space<hbm>> -> memref<3128x16xf32, #tpu.memory_space<hbm>>
          %dma_wait3A_200 = arith.constant 0 : i32
          %dma_wait3A_201 = tpu.memref_slice %arg14[%mul3A_195, %dma_wait3A_200] : memref<50048x16xf32, #tpu.memory_space<vmem_shared>> -> memref<3128x16xf32, #tpu.memory_space<vmem_shared>>
          tpu.wait_dma2 semaphore(%run_scoped3A : memref<!tpu.dma_semaphore, #tpu.memory_space<semaphore_mem>>) src(%dma_wait3A_201 : memref<3128x16xf32, #tpu.memory_space<vmem_shared>>) dst(%dma_wait3A_199 : memref<3128x16xf32, #tpu.memory_space<hbm>>)
          tpu.yield
        }) : () -> ()
      } else {
      }
      %eq3A_78 = arith.constant 15 : i32
      %eq3A_79 = arith.cmpi eq, %arg1, %eq3A_78 : i32
      %convert_element_type3A_80 = arith.extui %eq3A_79 : i1 to i32
      %cond3A_81 = arith.constant 0 : i32
      %cond3A_82 = arith.cmpi ne, %convert_element_type3A_80, %cond3A_81 : i32
      scf.if %cond3A_82 {
        "tpu.region"() ({
          %run_scoped3A = tpu.sem_alloc : memref<!tpu.dma_semaphore, #tpu.memory_space<semaphore_mem>>
          %dma_start3A = arith.constant 46920 : i32
          %dma_start3A_194 = arith.constant 80 : i32
          %dma_start3A_195 = tpu.memref_slice %arg7[%dma_start3A, %dma_start3A_194] : memref<50000x160xf32, #tpu.memory_space<hbm>> -> memref<3080x16xf32, #tpu.memory_space<hbm>>
          %dma_start3A_196 = arith.constant 46920 : i32
          %dma_start3A_197 = arith.constant 0 : i32
          %dma_start3A_198 = tpu.memref_slice %arg14[%dma_start3A_196, %dma_start3A_197] : memref<50048x16xf32, #tpu.memory_space<vmem_shared>> -> memref<3080x16xf32, #tpu.memory_space<vmem_shared>>
          tpu.enqueue_dma source(%dma_start3A_198 : memref<3080x16xf32, #tpu.memory_space<vmem_shared>>) target(%dma_start3A_195 : memref<3080x16xf32, #tpu.memory_space<hbm>>) target_semaphore(%run_scoped3A : memref<!tpu.dma_semaphore, #tpu.memory_space<semaphore_mem>>)
          %dma_wait3A = arith.constant 46920 : i32
          %dma_wait3A_199 = arith.constant 80 : i32
          %dma_wait3A_200 = tpu.memref_slice %arg7[%dma_wait3A, %dma_wait3A_199] : memref<50000x160xf32, #tpu.memory_space<hbm>> -> memref<3080x16xf32, #tpu.memory_space<hbm>>
          %dma_wait3A_201 = arith.constant 46920 : i32
          %dma_wait3A_202 = arith.constant 0 : i32
          %dma_wait3A_203 = tpu.memref_slice %arg14[%dma_wait3A_201, %dma_wait3A_202] : memref<50048x16xf32, #tpu.memory_space<vmem_shared>> -> memref<3080x16xf32, #tpu.memory_space<vmem_shared>>
          tpu.wait_dma2 semaphore(%run_scoped3A : memref<!tpu.dma_semaphore, #tpu.memory_space<semaphore_mem>>) src(%dma_wait3A_203 : memref<3080x16xf32, #tpu.memory_space<vmem_shared>>) dst(%dma_wait3A_200 : memref<3080x16xf32, #tpu.memory_space<hbm>>)
          tpu.yield
        }) : () -> ()
      } else {
      }
      %lt3A_83 = arith.constant 15 : i32
      %lt3A_84 = arith.cmpi slt, %arg1, %lt3A_83 : i32
      %convert_element_type3A_85 = arith.extui %lt3A_84 : i1 to i32
      %cond3A_86 = arith.constant 0 : i32
      %cond3A_87 = arith.cmpi ne, %convert_element_type3A_85, %cond3A_86 : i32
      scf.if %cond3A_87 {
        %mul3A_194 = arith.constant 3128 : i32
        %mul3A_195 = arith.muli %arg1, %mul3A_194 : i32
        "tpu.region"() ({
          %run_scoped3A = tpu.sem_alloc : memref<!tpu.dma_semaphore, #tpu.memory_space<semaphore_mem>>
          %dma_start3A = arith.constant 0 : i32
          %dma_start3A_196 = tpu.memref_slice %arg13[%mul3A_195, %dma_start3A] : memref<50048x16xf32, #tpu.memory_space<vmem_shared>> -> memref<3128x16xf32, #tpu.memory_space<vmem_shared>>
          %dma_start3A_197 = arith.constant 96 : i32
          %dma_start3A_198 = tpu.memref_slice %arg2[%mul3A_195, %dma_start3A_197] : memref<50000x128xf32, #tpu.memory_space<hbm>> -> memref<3128x16xf32, #tpu.memory_space<hbm>>
          tpu.enqueue_dma source(%dma_start3A_198 : memref<3128x16xf32, #tpu.memory_space<hbm>>) target(%dma_start3A_196 : memref<3128x16xf32, #tpu.memory_space<vmem_shared>>) target_semaphore(%run_scoped3A : memref<!tpu.dma_semaphore, #tpu.memory_space<semaphore_mem>>)
          %dma_wait3A = arith.constant 0 : i32
          %dma_wait3A_199 = tpu.memref_slice %arg13[%mul3A_195, %dma_wait3A] : memref<50048x16xf32, #tpu.memory_space<vmem_shared>> -> memref<3128x16xf32, #tpu.memory_space<vmem_shared>>
          %dma_wait3A_200 = arith.constant 96 : i32
          %dma_wait3A_201 = tpu.memref_slice %arg2[%mul3A_195, %dma_wait3A_200] : memref<50000x128xf32, #tpu.memory_space<hbm>> -> memref<3128x16xf32, #tpu.memory_space<hbm>>
          tpu.wait_dma2 semaphore(%run_scoped3A : memref<!tpu.dma_semaphore, #tpu.memory_space<semaphore_mem>>) src(%dma_wait3A_201 : memref<3128x16xf32, #tpu.memory_space<hbm>>) dst(%dma_wait3A_199 : memref<3128x16xf32, #tpu.memory_space<vmem_shared>>)
          tpu.yield
        }) : () -> ()
      } else {
      }
      %eq3A_88 = arith.constant 15 : i32
      %eq3A_89 = arith.cmpi eq, %arg1, %eq3A_88 : i32
      %convert_element_type3A_90 = arith.extui %eq3A_89 : i1 to i32
      %cond3A_91 = arith.constant 0 : i32
      %cond3A_92 = arith.cmpi ne, %convert_element_type3A_90, %cond3A_91 : i32
      scf.if %cond3A_92 {
        "tpu.region"() ({
          %run_scoped3A = tpu.sem_alloc : memref<!tpu.dma_semaphore, #tpu.memory_space<semaphore_mem>>
          %dma_start3A = arith.constant 46920 : i32
          %dma_start3A_194 = arith.constant 0 : i32
          %dma_start3A_195 = tpu.memref_slice %arg13[%dma_start3A, %dma_start3A_194] : memref<50048x16xf32, #tpu.memory_space<vmem_shared>> -> memref<3080x16xf32, #tpu.memory_space<vmem_shared>>
          %dma_start3A_196 = arith.constant 46920 : i32
          %dma_start3A_197 = arith.constant 96 : i32
          %dma_start3A_198 = tpu.memref_slice %arg2[%dma_start3A_196, %dma_start3A_197] : memref<50000x128xf32, #tpu.memory_space<hbm>> -> memref<3080x16xf32, #tpu.memory_space<hbm>>
          tpu.enqueue_dma source(%dma_start3A_198 : memref<3080x16xf32, #tpu.memory_space<hbm>>) target(%dma_start3A_195 : memref<3080x16xf32, #tpu.memory_space<vmem_shared>>) target_semaphore(%run_scoped3A : memref<!tpu.dma_semaphore, #tpu.memory_space<semaphore_mem>>)
          %dma_wait3A = arith.constant 46920 : i32
          %dma_wait3A_199 = arith.constant 0 : i32
          %dma_wait3A_200 = tpu.memref_slice %arg13[%dma_wait3A, %dma_wait3A_199] : memref<50048x16xf32, #tpu.memory_space<vmem_shared>> -> memref<3080x16xf32, #tpu.memory_space<vmem_shared>>
          %dma_wait3A_201 = arith.constant 46920 : i32
          %dma_wait3A_202 = arith.constant 96 : i32
          %dma_wait3A_203 = tpu.memref_slice %arg2[%dma_wait3A_201, %dma_wait3A_202] : memref<50000x128xf32, #tpu.memory_space<hbm>> -> memref<3080x16xf32, #tpu.memory_space<hbm>>
          tpu.wait_dma2 semaphore(%run_scoped3A : memref<!tpu.dma_semaphore, #tpu.memory_space<semaphore_mem>>) src(%dma_wait3A_203 : memref<3080x16xf32, #tpu.memory_space<hbm>>) dst(%dma_wait3A_200 : memref<3080x16xf32, #tpu.memory_space<vmem_shared>>)
          tpu.yield
        }) : () -> ()
      } else {
      }
      %lt3A_93 = arith.constant 15 : i32
      %lt3A_94 = arith.cmpi slt, %arg1, %lt3A_93 : i32
      %convert_element_type3A_95 = arith.extui %lt3A_94 : i1 to i32
      %cond3A_96 = arith.constant 0 : i32
      %cond3A_97 = arith.cmpi ne, %convert_element_type3A_95, %cond3A_96 : i32
      scf.if %cond3A_97 {
        %mul3A_194 = arith.constant 3128 : i32
        %mul3A_195 = arith.muli %arg1, %mul3A_194 : i32
        "tpu.region"() ({
          %run_scoped3A = tpu.sem_alloc : memref<!tpu.dma_semaphore, #tpu.memory_space<semaphore_mem>>
          %dma_start3A = arith.constant 0 : i32
          %dma_start3A_196 = tpu.memref_slice %arg14[%mul3A_195, %dma_start3A] : memref<50048x16xf32, #tpu.memory_space<vmem_shared>> -> memref<3128x16xf32, #tpu.memory_space<vmem_shared>>
          %dma_start3A_197 = arith.constant 0 : i32
          %dma_start3A_198 = arith.constant 0 : i32
          %dma_start3A_199 = tpu.memref_slice %arg5[%dma_start3A_197, %dma_start3A_198] : memref<3128x16xf32, #tpu.memory_space<hbm>> -> memref<3128x16xf32, #tpu.memory_space<hbm>>
          tpu.enqueue_dma source(%dma_start3A_199 : memref<3128x16xf32, #tpu.memory_space<hbm>>) target(%dma_start3A_196 : memref<3128x16xf32, #tpu.memory_space<vmem_shared>>) target_semaphore(%run_scoped3A : memref<!tpu.dma_semaphore, #tpu.memory_space<semaphore_mem>>)
          %dma_wait3A = arith.constant 0 : i32
          %dma_wait3A_200 = tpu.memref_slice %arg14[%mul3A_195, %dma_wait3A] : memref<50048x16xf32, #tpu.memory_space<vmem_shared>> -> memref<3128x16xf32, #tpu.memory_space<vmem_shared>>
          %dma_wait3A_201 = arith.constant 0 : i32
          %dma_wait3A_202 = arith.constant 0 : i32
          %dma_wait3A_203 = tpu.memref_slice %arg5[%dma_wait3A_201, %dma_wait3A_202] : memref<3128x16xf32, #tpu.memory_space<hbm>> -> memref<3128x16xf32, #tpu.memory_space<hbm>>
          tpu.wait_dma2 semaphore(%run_scoped3A : memref<!tpu.dma_semaphore, #tpu.memory_space<semaphore_mem>>) src(%dma_wait3A_203 : memref<3128x16xf32, #tpu.memory_space<hbm>>) dst(%dma_wait3A_200 : memref<3128x16xf32, #tpu.memory_space<vmem_shared>>)
          tpu.yield
        }) : () -> ()
      } else {
      }
      %eq3A_98 = arith.constant 15 : i32
      %eq3A_99 = arith.cmpi eq, %arg1, %eq3A_98 : i32
      %convert_element_type3A_100 = arith.extui %eq3A_99 : i1 to i32
      %cond3A_101 = arith.constant 0 : i32
      %cond3A_102 = arith.cmpi ne, %convert_element_type3A_100, %cond3A_101 : i32
      scf.if %cond3A_102 {
        "tpu.region"() ({
          %run_scoped3A = tpu.sem_alloc : memref<!tpu.dma_semaphore, #tpu.memory_space<semaphore_mem>>
          %dma_start3A = arith.constant 46920 : i32
          %dma_start3A_194 = arith.constant 0 : i32
          %dma_start3A_195 = tpu.memref_slice %arg14[%dma_start3A, %dma_start3A_194] : memref<50048x16xf32, #tpu.memory_space<vmem_shared>> -> memref<3080x16xf32, #tpu.memory_space<vmem_shared>>
          %dma_start3A_196 = arith.constant 0 : i32
          %dma_start3A_197 = arith.constant 0 : i32
          %dma_start3A_198 = tpu.memref_slice %arg5[%dma_start3A_196, %dma_start3A_197] : memref<3128x16xf32, #tpu.memory_space<hbm>> -> memref<3080x16xf32, #tpu.memory_space<hbm>>
          tpu.enqueue_dma source(%dma_start3A_198 : memref<3080x16xf32, #tpu.memory_space<hbm>>) target(%dma_start3A_195 : memref<3080x16xf32, #tpu.memory_space<vmem_shared>>) target_semaphore(%run_scoped3A : memref<!tpu.dma_semaphore, #tpu.memory_space<semaphore_mem>>)
          %dma_wait3A = arith.constant 46920 : i32
          %dma_wait3A_199 = arith.constant 0 : i32
          %dma_wait3A_200 = tpu.memref_slice %arg14[%dma_wait3A, %dma_wait3A_199] : memref<50048x16xf32, #tpu.memory_space<vmem_shared>> -> memref<3080x16xf32, #tpu.memory_space<vmem_shared>>
          %dma_wait3A_201 = arith.constant 0 : i32
          %dma_wait3A_202 = arith.constant 0 : i32
          %dma_wait3A_203 = tpu.memref_slice %arg5[%dma_wait3A_201, %dma_wait3A_202] : memref<3128x16xf32, #tpu.memory_space<hbm>> -> memref<3080x16xf32, #tpu.memory_space<hbm>>
          tpu.wait_dma2 semaphore(%run_scoped3A : memref<!tpu.dma_semaphore, #tpu.memory_space<semaphore_mem>>) src(%dma_wait3A_203 : memref<3080x16xf32, #tpu.memory_space<hbm>>) dst(%dma_wait3A_200 : memref<3080x16xf32, #tpu.memory_space<vmem_shared>>)
          tpu.yield
        }) : () -> ()
      } else {
      }
      %barrier3A_103 = arith.constant 0 : index
      tpu.barrier barrier_id(%barrier3A_103)
      %mul3A_104 = arith.constant 400 : i32
      %mul3A_105 = arith.muli %arg1, %mul3A_104 : i32
      %scan3A_106 = arith.constant 0 : i32
      %scan3A_107 = arith.constant 0 : i32
      %scan3A_108 = arith.constant 25 : i32
      %scan3A_109 = arith.addi %scan3A_107, %scan3A_108 : i32
      %scan3A_110 = arith.constant 1 : i32
      scf.for %scan3A_194 = %scan3A_107 to %scan3A_109 step %scan3A_110  : i32 {
        %mul3A_195 = arith.constant 16 : i32
        %mul3A_196 = arith.muli %scan3A_194, %mul3A_195 : i32
        %add3A_197 = arith.addi %mul3A_105, %mul3A_196 : i32
        %mul3A_198 = arith.constant 128 : i32
        %mul3A_199 = arith.muli %add3A_197, %mul3A_198 : i32
        "tpu.region"() ({
          %run_scoped3A = tpu.sem_alloc : memref<!tpu.dma_semaphore, #tpu.memory_space<semaphore_mem>>
          %dma_start3A_278 = tpu.memref_slice %arg3[%mul3A_199] : memref<819200xi32, #tpu.memory_space<hbm>> -> memref<2048xi32, #tpu.memory_space<hbm>>
          %dma_start3A_279 = tpu.memref_slice %arg3[%mul3A_199] : memref<819200xi32, #tpu.memory_space<hbm>> -> memref<2048xi32, #tpu.memory_space<hbm>>
          tpu.enqueue_dma source(%dma_start3A_279 : memref<2048xi32, #tpu.memory_space<hbm>>) target(%arg8 : memref<2048xi32, #tpu.memory_space<vmem>>) target_semaphore(%run_scoped3A : memref<!tpu.dma_semaphore, #tpu.memory_space<semaphore_mem>>)
          %dma_wait3A_280 = tpu.memref_slice %arg3[%mul3A_199] : memref<819200xi32, #tpu.memory_space<hbm>> -> memref<2048xi32, #tpu.memory_space<hbm>>
          %dma_wait3A_281 = tpu.memref_slice %arg3[%mul3A_199] : memref<819200xi32, #tpu.memory_space<hbm>> -> memref<2048xi32, #tpu.memory_space<hbm>>
          tpu.wait_dma2 semaphore(%run_scoped3A : memref<!tpu.dma_semaphore, #tpu.memory_space<semaphore_mem>>) src(%dma_wait3A_281 : memref<2048xi32, #tpu.memory_space<hbm>>) dst(%arg8 : memref<2048xi32, #tpu.memory_space<vmem>>)
          tpu.yield
        }) : () -> ()
        "tpu.region"() ({
          %run_scoped3A = tpu.sem_alloc : memref<!tpu.dma_semaphore, #tpu.memory_space<semaphore_mem>>
          %dma_start3A_278 = tpu.memref_slice %arg4[%mul3A_199] : memref<819200xi32, #tpu.memory_space<hbm>> -> memref<2048xi32, #tpu.memory_space<hbm>>
          %dma_start3A_279 = tpu.memref_slice %arg4[%mul3A_199] : memref<819200xi32, #tpu.memory_space<hbm>> -> memref<2048xi32, #tpu.memory_space<hbm>>
          tpu.enqueue_dma source(%dma_start3A_279 : memref<2048xi32, #tpu.memory_space<hbm>>) target(%arg9 : memref<2048xi32, #tpu.memory_space<vmem>>) target_semaphore(%run_scoped3A : memref<!tpu.dma_semaphore, #tpu.memory_space<semaphore_mem>>)
          %dma_wait3A_280 = tpu.memref_slice %arg4[%mul3A_199] : memref<819200xi32, #tpu.memory_space<hbm>> -> memref<2048xi32, #tpu.memory_space<hbm>>
          %dma_wait3A_281 = tpu.memref_slice %arg4[%mul3A_199] : memref<819200xi32, #tpu.memory_space<hbm>> -> memref<2048xi32, #tpu.memory_space<hbm>>
          tpu.wait_dma2 semaphore(%run_scoped3A : memref<!tpu.dma_semaphore, #tpu.memory_space<semaphore_mem>>) src(%dma_wait3A_281 : memref<2048xi32, #tpu.memory_space<hbm>>) dst(%arg9 : memref<2048xi32, #tpu.memory_space<vmem>>)
          tpu.yield
        }) : () -> ()
        %dma_start3A = arith.constant 0 : i32
        %dma_start3A_200 = tpu.memref_slice %arg8[%dma_start3A] : memref<2048xi32, #tpu.memory_space<vmem>> -> memref<512xi32, #tpu.memory_space<vmem>>
        %dma_start3A_201 = arith.constant 0 : i32
        %dma_start3A_202 = arith.constant 0 : i32
        %dma_start3A_203 = tpu.memref_slice %arg13[%dma_start3A_201, %dma_start3A_202] : memref<50048x16xf32, #tpu.memory_space<vmem_shared>> -> memref<50048x16xf32, #tpu.memory_space<vmem_shared>>
        tpu.enqueue_indirect_dma source(%dma_start3A_203 : memref<50048x16xf32, #tpu.memory_space<vmem_shared>>) target(%arg10 : memref<512x16xf32, #tpu.memory_space<vmem>>) offsets(%dma_start3A_200 : memref<512xi32, #tpu.memory_space<vmem>>) semaphore(%arg15 : memref<!tpu.dma_semaphore, #tpu.memory_space<semaphore_mem>>)
        %dma_start3A_204 = arith.constant 512 : i32
        %dma_start3A_205 = tpu.memref_slice %arg8[%dma_start3A_204] : memref<2048xi32, #tpu.memory_space<vmem>> -> memref<512xi32, #tpu.memory_space<vmem>>
        %dma_start3A_206 = arith.constant 0 : i32
        %dma_start3A_207 = arith.constant 0 : i32
        %dma_start3A_208 = tpu.memref_slice %arg13[%dma_start3A_206, %dma_start3A_207] : memref<50048x16xf32, #tpu.memory_space<vmem_shared>> -> memref<50048x16xf32, #tpu.memory_space<vmem_shared>>
        tpu.enqueue_indirect_dma source(%dma_start3A_208 : memref<50048x16xf32, #tpu.memory_space<vmem_shared>>) target(%arg11 : memref<512x16xf32, #tpu.memory_space<vmem>>) offsets(%dma_start3A_205 : memref<512xi32, #tpu.memory_space<vmem>>) semaphore(%arg15 : memref<!tpu.dma_semaphore, #tpu.memory_space<semaphore_mem>>)
        %dma_wait3A = arith.constant 0 : i32
        %dma_wait3A_209 = tpu.memref_slice %arg8[%dma_wait3A] : memref<2048xi32, #tpu.memory_space<vmem>> -> memref<512xi32, #tpu.memory_space<vmem>>
        %dma_wait3A_210 = arith.constant 0 : i32
        %dma_wait3A_211 = arith.constant 0 : i32
        %dma_wait3A_212 = tpu.memref_slice %arg13[%dma_wait3A_210, %dma_wait3A_211] : memref<50048x16xf32, #tpu.memory_space<vmem_shared>> -> memref<50048x16xf32, #tpu.memory_space<vmem_shared>>
        tpu.wait_indirect_dma semaphore(%arg15 : memref<!tpu.dma_semaphore, #tpu.memory_space<semaphore_mem>>) src(%dma_wait3A_212 : memref<50048x16xf32, #tpu.memory_space<vmem_shared>>) dst(%arg10 : memref<512x16xf32, #tpu.memory_space<vmem>>)
        %dma_start3A_213 = arith.constant 0 : i32
        %dma_start3A_214 = tpu.memref_slice %arg9[%dma_start3A_213] : memref<2048xi32, #tpu.memory_space<vmem>> -> memref<512xi32, #tpu.memory_space<vmem>>
        %dma_start3A_215 = arith.constant 0 : i32
        %dma_start3A_216 = arith.constant 0 : i32
        %dma_start3A_217 = tpu.memref_slice %arg14[%dma_start3A_215, %dma_start3A_216] : memref<50048x16xf32, #tpu.memory_space<vmem_shared>> -> memref<50048x16xf32, #tpu.memory_space<vmem_shared>>
        tpu.enqueue_indirect_dma source(%arg10 : memref<512x16xf32, #tpu.memory_space<vmem>>) target(%dma_start3A_217 : memref<50048x16xf32, #tpu.memory_space<vmem_shared>>) offsets(%dma_start3A_214 : memref<512xi32, #tpu.memory_space<vmem>>) semaphore(%arg16 : memref<!tpu.dma_semaphore, #tpu.memory_space<semaphore_mem>>) {add = true}
        %dma_start3A_218 = arith.constant 1024 : i32
        %dma_start3A_219 = tpu.memref_slice %arg8[%dma_start3A_218] : memref<2048xi32, #tpu.memory_space<vmem>> -> memref<512xi32, #tpu.memory_space<vmem>>
        %dma_start3A_220 = arith.constant 0 : i32
        %dma_start3A_221 = arith.constant 0 : i32
        %dma_start3A_222 = tpu.memref_slice %arg13[%dma_start3A_220, %dma_start3A_221] : memref<50048x16xf32, #tpu.memory_space<vmem_shared>> -> memref<50048x16xf32, #tpu.memory_space<vmem_shared>>
        tpu.enqueue_indirect_dma source(%dma_start3A_222 : memref<50048x16xf32, #tpu.memory_space<vmem_shared>>) target(%arg12 : memref<512x16xf32, #tpu.memory_space<vmem>>) offsets(%dma_start3A_219 : memref<512xi32, #tpu.memory_space<vmem>>) semaphore(%arg15 : memref<!tpu.dma_semaphore, #tpu.memory_space<semaphore_mem>>)
        %dma_wait3A_223 = arith.constant 512 : i32
        %dma_wait3A_224 = tpu.memref_slice %arg8[%dma_wait3A_223] : memref<2048xi32, #tpu.memory_space<vmem>> -> memref<512xi32, #tpu.memory_space<vmem>>
        %dma_wait3A_225 = arith.constant 0 : i32
        %dma_wait3A_226 = arith.constant 0 : i32
        %dma_wait3A_227 = tpu.memref_slice %arg13[%dma_wait3A_225, %dma_wait3A_226] : memref<50048x16xf32, #tpu.memory_space<vmem_shared>> -> memref<50048x16xf32, #tpu.memory_space<vmem_shared>>
        tpu.wait_indirect_dma semaphore(%arg15 : memref<!tpu.dma_semaphore, #tpu.memory_space<semaphore_mem>>) src(%dma_wait3A_227 : memref<50048x16xf32, #tpu.memory_space<vmem_shared>>) dst(%arg11 : memref<512x16xf32, #tpu.memory_space<vmem>>)
        %dma_start3A_228 = arith.constant 512 : i32
        %dma_start3A_229 = tpu.memref_slice %arg9[%dma_start3A_228] : memref<2048xi32, #tpu.memory_space<vmem>> -> memref<512xi32, #tpu.memory_space<vmem>>
        %dma_start3A_230 = arith.constant 0 : i32
        %dma_start3A_231 = arith.constant 0 : i32
        %dma_start3A_232 = tpu.memref_slice %arg14[%dma_start3A_230, %dma_start3A_231] : memref<50048x16xf32, #tpu.memory_space<vmem_shared>> -> memref<50048x16xf32, #tpu.memory_space<vmem_shared>>
        tpu.enqueue_indirect_dma source(%arg11 : memref<512x16xf32, #tpu.memory_space<vmem>>) target(%dma_start3A_232 : memref<50048x16xf32, #tpu.memory_space<vmem_shared>>) offsets(%dma_start3A_229 : memref<512xi32, #tpu.memory_space<vmem>>) semaphore(%arg16 : memref<!tpu.dma_semaphore, #tpu.memory_space<semaphore_mem>>) {add = true}
        %dma_wait3A_233 = arith.constant 0 : i32
        %dma_wait3A_234 = tpu.memref_slice %arg9[%dma_wait3A_233] : memref<2048xi32, #tpu.memory_space<vmem>> -> memref<512xi32, #tpu.memory_space<vmem>>
        %dma_wait3A_235 = arith.constant 0 : i32
        %dma_wait3A_236 = arith.constant 0 : i32
        %dma_wait3A_237 = tpu.memref_slice %arg14[%dma_wait3A_235, %dma_wait3A_236] : memref<50048x16xf32, #tpu.memory_space<vmem_shared>> -> memref<50048x16xf32, #tpu.memory_space<vmem_shared>>
        tpu.wait_indirect_dma semaphore(%arg16 : memref<!tpu.dma_semaphore, #tpu.memory_space<semaphore_mem>>) src(%arg10 : memref<512x16xf32, #tpu.memory_space<vmem>>) dst(%dma_wait3A_237 : memref<50048x16xf32, #tpu.memory_space<vmem_shared>>)
        %dma_start3A_238 = arith.constant 1536 : i32
        %dma_start3A_239 = tpu.memref_slice %arg8[%dma_start3A_238] : memref<2048xi32, #tpu.memory_space<vmem>> -> memref<512xi32, #tpu.memory_space<vmem>>
        %dma_start3A_240 = arith.constant 0 : i32
        %dma_start3A_241 = arith.constant 0 : i32
        %dma_start3A_242 = tpu.memref_slice %arg13[%dma_start3A_240, %dma_start3A_241] : memref<50048x16xf32, #tpu.memory_space<vmem_shared>> -> memref<50048x16xf32, #tpu.memory_space<vmem_shared>>
        tpu.enqueue_indirect_dma source(%dma_start3A_242 : memref<50048x16xf32, #tpu.memory_space<vmem_shared>>) target(%arg10 : memref<512x16xf32, #tpu.memory_space<vmem>>) offsets(%dma_start3A_239 : memref<512xi32, #tpu.memory_space<vmem>>) semaphore(%arg15 : memref<!tpu.dma_semaphore, #tpu.memory_space<semaphore_mem>>)
        %dma_wait3A_243 = arith.constant 1024 : i32
        %dma_wait3A_244 = tpu.memref_slice %arg8[%dma_wait3A_243] : memref<2048xi32, #tpu.memory_space<vmem>> -> memref<512xi32, #tpu.memory_space<vmem>>
        %dma_wait3A_245 = arith.constant 0 : i32
        %dma_wait3A_246 = arith.constant 0 : i32
        %dma_wait3A_247 = tpu.memref_slice %arg13[%dma_wait3A_245, %dma_wait3A_246] : memref<50048x16xf32, #tpu.memory_space<vmem_shared>> -> memref<50048x16xf32, #tpu.memory_space<vmem_shared>>
        tpu.wait_indirect_dma semaphore(%arg15 : memref<!tpu.dma_semaphore, #tpu.memory_space<semaphore_mem>>) src(%dma_wait3A_247 : memref<50048x16xf32, #tpu.memory_space<vmem_shared>>) dst(%arg12 : memref<512x16xf32, #tpu.memory_space<vmem>>)
        %dma_start3A_248 = arith.constant 1024 : i32
        %dma_start3A_249 = tpu.memref_slice %arg9[%dma_start3A_248] : memref<2048xi32, #tpu.memory_space<vmem>> -> memref<512xi32, #tpu.memory_space<vmem>>
        %dma_start3A_250 = arith.constant 0 : i32
        %dma_start3A_251 = arith.constant 0 : i32
        %dma_start3A_252 = tpu.memref_slice %arg14[%dma_start3A_250, %dma_start3A_251] : memref<50048x16xf32, #tpu.memory_space<vmem_shared>> -> memref<50048x16xf32, #tpu.memory_space<vmem_shared>>
        tpu.enqueue_indirect_dma source(%arg12 : memref<512x16xf32, #tpu.memory_space<vmem>>) target(%dma_start3A_252 : memref<50048x16xf32, #tpu.memory_space<vmem_shared>>) offsets(%dma_start3A_249 : memref<512xi32, #tpu.memory_space<vmem>>) semaphore(%arg16 : memref<!tpu.dma_semaphore, #tpu.memory_space<semaphore_mem>>) {add = true}
        %dma_wait3A_253 = arith.constant 1536 : i32
        %dma_wait3A_254 = tpu.memref_slice %arg8[%dma_wait3A_253] : memref<2048xi32, #tpu.memory_space<vmem>> -> memref<512xi32, #tpu.memory_space<vmem>>
        %dma_wait3A_255 = arith.constant 0 : i32
        %dma_wait3A_256 = arith.constant 0 : i32
        %dma_wait3A_257 = tpu.memref_slice %arg13[%dma_wait3A_255, %dma_wait3A_256] : memref<50048x16xf32, #tpu.memory_space<vmem_shared>> -> memref<50048x16xf32, #tpu.memory_space<vmem_shared>>
        tpu.wait_indirect_dma semaphore(%arg15 : memref<!tpu.dma_semaphore, #tpu.memory_space<semaphore_mem>>) src(%dma_wait3A_257 : memref<50048x16xf32, #tpu.memory_space<vmem_shared>>) dst(%arg10 : memref<512x16xf32, #tpu.memory_space<vmem>>)
        %dma_start3A_258 = arith.constant 1536 : i32
        %dma_start3A_259 = tpu.memref_slice %arg9[%dma_start3A_258] : memref<2048xi32, #tpu.memory_space<vmem>> -> memref<512xi32, #tpu.memory_space<vmem>>
        %dma_start3A_260 = arith.constant 0 : i32
        %dma_start3A_261 = arith.constant 0 : i32
        %dma_start3A_262 = tpu.memref_slice %arg14[%dma_start3A_260, %dma_start3A_261] : memref<50048x16xf32, #tpu.memory_space<vmem_shared>> -> memref<50048x16xf32, #tpu.memory_space<vmem_shared>>
        tpu.enqueue_indirect_dma source(%arg10 : memref<512x16xf32, #tpu.memory_space<vmem>>) target(%dma_start3A_262 : memref<50048x16xf32, #tpu.memory_space<vmem_shared>>) offsets(%dma_start3A_259 : memref<512xi32, #tpu.memory_space<vmem>>) semaphore(%arg16 : memref<!tpu.dma_semaphore, #tpu.memory_space<semaphore_mem>>) {add = true}
        %dma_wait3A_263 = arith.constant 512 : i32
        %dma_wait3A_264 = tpu.memref_slice %arg9[%dma_wait3A_263] : memref<2048xi32, #tpu.memory_space<vmem>> -> memref<512xi32, #tpu.memory_space<vmem>>
        %dma_wait3A_265 = arith.constant 0 : i32
        %dma_wait3A_266 = arith.constant 0 : i32
        %dma_wait3A_267 = tpu.memref_slice %arg14[%dma_wait3A_265, %dma_wait3A_266] : memref<50048x16xf32, #tpu.memory_space<vmem_shared>> -> memref<50048x16xf32, #tpu.memory_space<vmem_shared>>
        tpu.wait_indirect_dma semaphore(%arg16 : memref<!tpu.dma_semaphore, #tpu.memory_space<semaphore_mem>>) src(%arg11 : memref<512x16xf32, #tpu.memory_space<vmem>>) dst(%dma_wait3A_267 : memref<50048x16xf32, #tpu.memory_space<vmem_shared>>)
        %dma_wait3A_268 = arith.constant 1024 : i32
        %dma_wait3A_269 = tpu.memref_slice %arg9[%dma_wait3A_268] : memref<2048xi32, #tpu.memory_space<vmem>> -> memref<512xi32, #tpu.memory_space<vmem>>
        %dma_wait3A_270 = arith.constant 0 : i32
        %dma_wait3A_271 = arith.constant 0 : i32
        %dma_wait3A_272 = tpu.memref_slice %arg14[%dma_wait3A_270, %dma_wait3A_271] : memref<50048x16xf32, #tpu.memory_space<vmem_shared>> -> memref<50048x16xf32, #tpu.memory_space<vmem_shared>>
        tpu.wait_indirect_dma semaphore(%arg16 : memref<!tpu.dma_semaphore, #tpu.memory_space<semaphore_mem>>) src(%arg12 : memref<512x16xf32, #tpu.memory_space<vmem>>) dst(%dma_wait3A_272 : memref<50048x16xf32, #tpu.memory_space<vmem_shared>>)
        %dma_wait3A_273 = arith.constant 1536 : i32
        %dma_wait3A_274 = tpu.memref_slice %arg9[%dma_wait3A_273] : memref<2048xi32, #tpu.memory_space<vmem>> -> memref<512xi32, #tpu.memory_space<vmem>>
        %dma_wait3A_275 = arith.constant 0 : i32
        %dma_wait3A_276 = arith.constant 0 : i32
        %dma_wait3A_277 = tpu.memref_slice %arg14[%dma_wait3A_275, %dma_wait3A_276] : memref<50048x16xf32, #tpu.memory_space<vmem_shared>> -> memref<50048x16xf32, #tpu.memory_space<vmem_shared>>
        tpu.wait_indirect_dma semaphore(%arg16 : memref<!tpu.dma_semaphore, #tpu.memory_space<semaphore_mem>>) src(%arg10 : memref<512x16xf32, #tpu.memory_space<vmem>>) dst(%dma_wait3A_277 : memref<50048x16xf32, #tpu.memory_space<vmem_shared>>)
      }
      %scan3A_111 = arith.constant 25 : i32
      %barrier3A_112 = arith.constant 0 : index
      tpu.barrier barrier_id(%barrier3A_112)
      %lt3A_113 = arith.constant 15 : i32
      %lt3A_114 = arith.cmpi slt, %arg1, %lt3A_113 : i32
      %convert_element_type3A_115 = arith.extui %lt3A_114 : i1 to i32
      %cond3A_116 = arith.constant 0 : i32
      %cond3A_117 = arith.cmpi ne, %convert_element_type3A_115, %cond3A_116 : i32
      scf.if %cond3A_117 {
        %mul3A_194 = arith.constant 3128 : i32
        %mul3A_195 = arith.muli %arg1, %mul3A_194 : i32
        "tpu.region"() ({
          %run_scoped3A = tpu.sem_alloc : memref<!tpu.dma_semaphore, #tpu.memory_space<semaphore_mem>>
          %dma_start3A = arith.constant 96 : i32
          %dma_start3A_196 = tpu.memref_slice %arg7[%mul3A_195, %dma_start3A] : memref<50000x160xf32, #tpu.memory_space<hbm>> -> memref<3128x16xf32, #tpu.memory_space<hbm>>
          %dma_start3A_197 = arith.constant 0 : i32
          %dma_start3A_198 = tpu.memref_slice %arg14[%mul3A_195, %dma_start3A_197] : memref<50048x16xf32, #tpu.memory_space<vmem_shared>> -> memref<3128x16xf32, #tpu.memory_space<vmem_shared>>
          tpu.enqueue_dma source(%dma_start3A_198 : memref<3128x16xf32, #tpu.memory_space<vmem_shared>>) target(%dma_start3A_196 : memref<3128x16xf32, #tpu.memory_space<hbm>>) target_semaphore(%run_scoped3A : memref<!tpu.dma_semaphore, #tpu.memory_space<semaphore_mem>>)
          %dma_wait3A = arith.constant 96 : i32
          %dma_wait3A_199 = tpu.memref_slice %arg7[%mul3A_195, %dma_wait3A] : memref<50000x160xf32, #tpu.memory_space<hbm>> -> memref<3128x16xf32, #tpu.memory_space<hbm>>
          %dma_wait3A_200 = arith.constant 0 : i32
          %dma_wait3A_201 = tpu.memref_slice %arg14[%mul3A_195, %dma_wait3A_200] : memref<50048x16xf32, #tpu.memory_space<vmem_shared>> -> memref<3128x16xf32, #tpu.memory_space<vmem_shared>>
          tpu.wait_dma2 semaphore(%run_scoped3A : memref<!tpu.dma_semaphore, #tpu.memory_space<semaphore_mem>>) src(%dma_wait3A_201 : memref<3128x16xf32, #tpu.memory_space<vmem_shared>>) dst(%dma_wait3A_199 : memref<3128x16xf32, #tpu.memory_space<hbm>>)
          tpu.yield
        }) : () -> ()
      } else {
      }
      %eq3A_118 = arith.constant 15 : i32
      %eq3A_119 = arith.cmpi eq, %arg1, %eq3A_118 : i32
      %convert_element_type3A_120 = arith.extui %eq3A_119 : i1 to i32
      %cond3A_121 = arith.constant 0 : i32
      %cond3A_122 = arith.cmpi ne, %convert_element_type3A_120, %cond3A_121 : i32
      scf.if %cond3A_122 {
        "tpu.region"() ({
          %run_scoped3A = tpu.sem_alloc : memref<!tpu.dma_semaphore, #tpu.memory_space<semaphore_mem>>
          %dma_start3A = arith.constant 46920 : i32
          %dma_start3A_194 = arith.constant 96 : i32
          %dma_start3A_195 = tpu.memref_slice %arg7[%dma_start3A, %dma_start3A_194] : memref<50000x160xf32, #tpu.memory_space<hbm>> -> memref<3080x16xf32, #tpu.memory_space<hbm>>
          %dma_start3A_196 = arith.constant 46920 : i32
          %dma_start3A_197 = arith.constant 0 : i32
          %dma_start3A_198 = tpu.memref_slice %arg14[%dma_start3A_196, %dma_start3A_197] : memref<50048x16xf32, #tpu.memory_space<vmem_shared>> -> memref<3080x16xf32, #tpu.memory_space<vmem_shared>>
          tpu.enqueue_dma source(%dma_start3A_198 : memref<3080x16xf32, #tpu.memory_space<vmem_shared>>) target(%dma_start3A_195 : memref<3080x16xf32, #tpu.memory_space<hbm>>) target_semaphore(%run_scoped3A : memref<!tpu.dma_semaphore, #tpu.memory_space<semaphore_mem>>)
          %dma_wait3A = arith.constant 46920 : i32
          %dma_wait3A_199 = arith.constant 96 : i32
          %dma_wait3A_200 = tpu.memref_slice %arg7[%dma_wait3A, %dma_wait3A_199] : memref<50000x160xf32, #tpu.memory_space<hbm>> -> memref<3080x16xf32, #tpu.memory_space<hbm>>
          %dma_wait3A_201 = arith.constant 46920 : i32
          %dma_wait3A_202 = arith.constant 0 : i32
          %dma_wait3A_203 = tpu.memref_slice %arg14[%dma_wait3A_201, %dma_wait3A_202] : memref<50048x16xf32, #tpu.memory_space<vmem_shared>> -> memref<3080x16xf32, #tpu.memory_space<vmem_shared>>
          tpu.wait_dma2 semaphore(%run_scoped3A : memref<!tpu.dma_semaphore, #tpu.memory_space<semaphore_mem>>) src(%dma_wait3A_203 : memref<3080x16xf32, #tpu.memory_space<vmem_shared>>) dst(%dma_wait3A_200 : memref<3080x16xf32, #tpu.memory_space<hbm>>)
          tpu.yield
        }) : () -> ()
      } else {
      }
      %lt3A_123 = arith.constant 15 : i32
      %lt3A_124 = arith.cmpi slt, %arg1, %lt3A_123 : i32
      %convert_element_type3A_125 = arith.extui %lt3A_124 : i1 to i32
      %cond3A_126 = arith.constant 0 : i32
      %cond3A_127 = arith.cmpi ne, %convert_element_type3A_125, %cond3A_126 : i32
      scf.if %cond3A_127 {
        %mul3A_194 = arith.constant 3128 : i32
        %mul3A_195 = arith.muli %arg1, %mul3A_194 : i32
        "tpu.region"() ({
          %run_scoped3A = tpu.sem_alloc : memref<!tpu.dma_semaphore, #tpu.memory_space<semaphore_mem>>
          %dma_start3A = arith.constant 0 : i32
          %dma_start3A_196 = tpu.memref_slice %arg13[%mul3A_195, %dma_start3A] : memref<50048x16xf32, #tpu.memory_space<vmem_shared>> -> memref<3128x16xf32, #tpu.memory_space<vmem_shared>>
          %dma_start3A_197 = arith.constant 112 : i32
          %dma_start3A_198 = tpu.memref_slice %arg2[%mul3A_195, %dma_start3A_197] : memref<50000x128xf32, #tpu.memory_space<hbm>> -> memref<3128x16xf32, #tpu.memory_space<hbm>>
          tpu.enqueue_dma source(%dma_start3A_198 : memref<3128x16xf32, #tpu.memory_space<hbm>>) target(%dma_start3A_196 : memref<3128x16xf32, #tpu.memory_space<vmem_shared>>) target_semaphore(%run_scoped3A : memref<!tpu.dma_semaphore, #tpu.memory_space<semaphore_mem>>)
          %dma_wait3A = arith.constant 0 : i32
          %dma_wait3A_199 = tpu.memref_slice %arg13[%mul3A_195, %dma_wait3A] : memref<50048x16xf32, #tpu.memory_space<vmem_shared>> -> memref<3128x16xf32, #tpu.memory_space<vmem_shared>>
          %dma_wait3A_200 = arith.constant 112 : i32
          %dma_wait3A_201 = tpu.memref_slice %arg2[%mul3A_195, %dma_wait3A_200] : memref<50000x128xf32, #tpu.memory_space<hbm>> -> memref<3128x16xf32, #tpu.memory_space<hbm>>
          tpu.wait_dma2 semaphore(%run_scoped3A : memref<!tpu.dma_semaphore, #tpu.memory_space<semaphore_mem>>) src(%dma_wait3A_201 : memref<3128x16xf32, #tpu.memory_space<hbm>>) dst(%dma_wait3A_199 : memref<3128x16xf32, #tpu.memory_space<vmem_shared>>)
          tpu.yield
        }) : () -> ()
      } else {
      }
      %eq3A_128 = arith.constant 15 : i32
      %eq3A_129 = arith.cmpi eq, %arg1, %eq3A_128 : i32
      %convert_element_type3A_130 = arith.extui %eq3A_129 : i1 to i32
      %cond3A_131 = arith.constant 0 : i32
      %cond3A_132 = arith.cmpi ne, %convert_element_type3A_130, %cond3A_131 : i32
      scf.if %cond3A_132 {
        "tpu.region"() ({
          %run_scoped3A = tpu.sem_alloc : memref<!tpu.dma_semaphore, #tpu.memory_space<semaphore_mem>>
          %dma_start3A = arith.constant 46920 : i32
          %dma_start3A_194 = arith.constant 0 : i32
          %dma_start3A_195 = tpu.memref_slice %arg13[%dma_start3A, %dma_start3A_194] : memref<50048x16xf32, #tpu.memory_space<vmem_shared>> -> memref<3080x16xf32, #tpu.memory_space<vmem_shared>>
          %dma_start3A_196 = arith.constant 46920 : i32
          %dma_start3A_197 = arith.constant 112 : i32
          %dma_start3A_198 = tpu.memref_slice %arg2[%dma_start3A_196, %dma_start3A_197] : memref<50000x128xf32, #tpu.memory_space<hbm>> -> memref<3080x16xf32, #tpu.memory_space<hbm>>
          tpu.enqueue_dma source(%dma_start3A_198 : memref<3080x16xf32, #tpu.memory_space<hbm>>) target(%dma_start3A_195 : memref<3080x16xf32, #tpu.memory_space<vmem_shared>>) target_semaphore(%run_scoped3A : memref<!tpu.dma_semaphore, #tpu.memory_space<semaphore_mem>>)
          %dma_wait3A = arith.constant 46920 : i32
          %dma_wait3A_199 = arith.constant 0 : i32
          %dma_wait3A_200 = tpu.memref_slice %arg13[%dma_wait3A, %dma_wait3A_199] : memref<50048x16xf32, #tpu.memory_space<vmem_shared>> -> memref<3080x16xf32, #tpu.memory_space<vmem_shared>>
          %dma_wait3A_201 = arith.constant 46920 : i32
          %dma_wait3A_202 = arith.constant 112 : i32
          %dma_wait3A_203 = tpu.memref_slice %arg2[%dma_wait3A_201, %dma_wait3A_202] : memref<50000x128xf32, #tpu.memory_space<hbm>> -> memref<3080x16xf32, #tpu.memory_space<hbm>>
          tpu.wait_dma2 semaphore(%run_scoped3A : memref<!tpu.dma_semaphore, #tpu.memory_space<semaphore_mem>>) src(%dma_wait3A_203 : memref<3080x16xf32, #tpu.memory_space<hbm>>) dst(%dma_wait3A_200 : memref<3080x16xf32, #tpu.memory_space<vmem_shared>>)
          tpu.yield
        }) : () -> ()
      } else {
      }
      %lt3A_133 = arith.constant 15 : i32
      %lt3A_134 = arith.cmpi slt, %arg1, %lt3A_133 : i32
      %convert_element_type3A_135 = arith.extui %lt3A_134 : i1 to i32
      %cond3A_136 = arith.constant 0 : i32
      %cond3A_137 = arith.cmpi ne, %convert_element_type3A_135, %cond3A_136 : i32
      scf.if %cond3A_137 {
        %mul3A_194 = arith.constant 3128 : i32
        %mul3A_195 = arith.muli %arg1, %mul3A_194 : i32
        "tpu.region"() ({
          %run_scoped3A = tpu.sem_alloc : memref<!tpu.dma_semaphore, #tpu.memory_space<semaphore_mem>>
          %dma_start3A = arith.constant 0 : i32
          %dma_start3A_196 = tpu.memref_slice %arg14[%mul3A_195, %dma_start3A] : memref<50048x16xf32, #tpu.memory_space<vmem_shared>> -> memref<3128x16xf32, #tpu.memory_space<vmem_shared>>
          %dma_start3A_197 = arith.constant 0 : i32
          %dma_start3A_198 = arith.constant 0 : i32
          %dma_start3A_199 = tpu.memref_slice %arg5[%dma_start3A_197, %dma_start3A_198] : memref<3128x16xf32, #tpu.memory_space<hbm>> -> memref<3128x16xf32, #tpu.memory_space<hbm>>
          tpu.enqueue_dma source(%dma_start3A_199 : memref<3128x16xf32, #tpu.memory_space<hbm>>) target(%dma_start3A_196 : memref<3128x16xf32, #tpu.memory_space<vmem_shared>>) target_semaphore(%run_scoped3A : memref<!tpu.dma_semaphore, #tpu.memory_space<semaphore_mem>>)
          %dma_wait3A = arith.constant 0 : i32
          %dma_wait3A_200 = tpu.memref_slice %arg14[%mul3A_195, %dma_wait3A] : memref<50048x16xf32, #tpu.memory_space<vmem_shared>> -> memref<3128x16xf32, #tpu.memory_space<vmem_shared>>
          %dma_wait3A_201 = arith.constant 0 : i32
          %dma_wait3A_202 = arith.constant 0 : i32
          %dma_wait3A_203 = tpu.memref_slice %arg5[%dma_wait3A_201, %dma_wait3A_202] : memref<3128x16xf32, #tpu.memory_space<hbm>> -> memref<3128x16xf32, #tpu.memory_space<hbm>>
          tpu.wait_dma2 semaphore(%run_scoped3A : memref<!tpu.dma_semaphore, #tpu.memory_space<semaphore_mem>>) src(%dma_wait3A_203 : memref<3128x16xf32, #tpu.memory_space<hbm>>) dst(%dma_wait3A_200 : memref<3128x16xf32, #tpu.memory_space<vmem_shared>>)
          tpu.yield
        }) : () -> ()
      } else {
      }
      %eq3A_138 = arith.constant 15 : i32
      %eq3A_139 = arith.cmpi eq, %arg1, %eq3A_138 : i32
      %convert_element_type3A_140 = arith.extui %eq3A_139 : i1 to i32
      %cond3A_141 = arith.constant 0 : i32
      %cond3A_142 = arith.cmpi ne, %convert_element_type3A_140, %cond3A_141 : i32
      scf.if %cond3A_142 {
        "tpu.region"() ({
          %run_scoped3A = tpu.sem_alloc : memref<!tpu.dma_semaphore, #tpu.memory_space<semaphore_mem>>
          %dma_start3A = arith.constant 46920 : i32
          %dma_start3A_194 = arith.constant 0 : i32
          %dma_start3A_195 = tpu.memref_slice %arg14[%dma_start3A, %dma_start3A_194] : memref<50048x16xf32, #tpu.memory_space<vmem_shared>> -> memref<3080x16xf32, #tpu.memory_space<vmem_shared>>
          %dma_start3A_196 = arith.constant 0 : i32
          %dma_start3A_197 = arith.constant 0 : i32
          %dma_start3A_198 = tpu.memref_slice %arg5[%dma_start3A_196, %dma_start3A_197] : memref<3128x16xf32, #tpu.memory_space<hbm>> -> memref<3080x16xf32, #tpu.memory_space<hbm>>
          tpu.enqueue_dma source(%dma_start3A_198 : memref<3080x16xf32, #tpu.memory_space<hbm>>) target(%dma_start3A_195 : memref<3080x16xf32, #tpu.memory_space<vmem_shared>>) target_semaphore(%run_scoped3A : memref<!tpu.dma_semaphore, #tpu.memory_space<semaphore_mem>>)
          %dma_wait3A = arith.constant 46920 : i32
          %dma_wait3A_199 = arith.constant 0 : i32
          %dma_wait3A_200 = tpu.memref_slice %arg14[%dma_wait3A, %dma_wait3A_199] : memref<50048x16xf32, #tpu.memory_space<vmem_shared>> -> memref<3080x16xf32, #tpu.memory_space<vmem_shared>>
          %dma_wait3A_201 = arith.constant 0 : i32
          %dma_wait3A_202 = arith.constant 0 : i32
          %dma_wait3A_203 = tpu.memref_slice %arg5[%dma_wait3A_201, %dma_wait3A_202] : memref<3128x16xf32, #tpu.memory_space<hbm>> -> memref<3080x16xf32, #tpu.memory_space<hbm>>
          tpu.wait_dma2 semaphore(%run_scoped3A : memref<!tpu.dma_semaphore, #tpu.memory_space<semaphore_mem>>) src(%dma_wait3A_203 : memref<3080x16xf32, #tpu.memory_space<hbm>>) dst(%dma_wait3A_200 : memref<3080x16xf32, #tpu.memory_space<vmem_shared>>)
          tpu.yield
        }) : () -> ()
      } else {
      }
      %barrier3A_143 = arith.constant 0 : index
      tpu.barrier barrier_id(%barrier3A_143)
      %mul3A_144 = arith.constant 400 : i32
      %mul3A_145 = arith.muli %arg1, %mul3A_144 : i32
      %scan3A_146 = arith.constant 0 : i32
      %scan3A_147 = arith.constant 0 : i32
      %scan3A_148 = arith.constant 25 : i32
      %scan3A_149 = arith.addi %scan3A_147, %scan3A_148 : i32
      %scan3A_150 = arith.constant 1 : i32
      scf.for %scan3A_194 = %scan3A_147 to %scan3A_149 step %scan3A_150  : i32 {
        %mul3A_195 = arith.constant 16 : i32
        %mul3A_196 = arith.muli %scan3A_194, %mul3A_195 : i32
        %add3A_197 = arith.addi %mul3A_145, %mul3A_196 : i32
        %mul3A_198 = arith.constant 128 : i32
        %mul3A_199 = arith.muli %add3A_197, %mul3A_198 : i32
        "tpu.region"() ({
          %run_scoped3A = tpu.sem_alloc : memref<!tpu.dma_semaphore, #tpu.memory_space<semaphore_mem>>
          %dma_start3A_278 = tpu.memref_slice %arg3[%mul3A_199] : memref<819200xi32, #tpu.memory_space<hbm>> -> memref<2048xi32, #tpu.memory_space<hbm>>
          %dma_start3A_279 = tpu.memref_slice %arg3[%mul3A_199] : memref<819200xi32, #tpu.memory_space<hbm>> -> memref<2048xi32, #tpu.memory_space<hbm>>
          tpu.enqueue_dma source(%dma_start3A_279 : memref<2048xi32, #tpu.memory_space<hbm>>) target(%arg8 : memref<2048xi32, #tpu.memory_space<vmem>>) target_semaphore(%run_scoped3A : memref<!tpu.dma_semaphore, #tpu.memory_space<semaphore_mem>>)
          %dma_wait3A_280 = tpu.memref_slice %arg3[%mul3A_199] : memref<819200xi32, #tpu.memory_space<hbm>> -> memref<2048xi32, #tpu.memory_space<hbm>>
          %dma_wait3A_281 = tpu.memref_slice %arg3[%mul3A_199] : memref<819200xi32, #tpu.memory_space<hbm>> -> memref<2048xi32, #tpu.memory_space<hbm>>
          tpu.wait_dma2 semaphore(%run_scoped3A : memref<!tpu.dma_semaphore, #tpu.memory_space<semaphore_mem>>) src(%dma_wait3A_281 : memref<2048xi32, #tpu.memory_space<hbm>>) dst(%arg8 : memref<2048xi32, #tpu.memory_space<vmem>>)
          tpu.yield
        }) : () -> ()
        "tpu.region"() ({
          %run_scoped3A = tpu.sem_alloc : memref<!tpu.dma_semaphore, #tpu.memory_space<semaphore_mem>>
          %dma_start3A_278 = tpu.memref_slice %arg4[%mul3A_199] : memref<819200xi32, #tpu.memory_space<hbm>> -> memref<2048xi32, #tpu.memory_space<hbm>>
          %dma_start3A_279 = tpu.memref_slice %arg4[%mul3A_199] : memref<819200xi32, #tpu.memory_space<hbm>> -> memref<2048xi32, #tpu.memory_space<hbm>>
          tpu.enqueue_dma source(%dma_start3A_279 : memref<2048xi32, #tpu.memory_space<hbm>>) target(%arg9 : memref<2048xi32, #tpu.memory_space<vmem>>) target_semaphore(%run_scoped3A : memref<!tpu.dma_semaphore, #tpu.memory_space<semaphore_mem>>)
          %dma_wait3A_280 = tpu.memref_slice %arg4[%mul3A_199] : memref<819200xi32, #tpu.memory_space<hbm>> -> memref<2048xi32, #tpu.memory_space<hbm>>
          %dma_wait3A_281 = tpu.memref_slice %arg4[%mul3A_199] : memref<819200xi32, #tpu.memory_space<hbm>> -> memref<2048xi32, #tpu.memory_space<hbm>>
          tpu.wait_dma2 semaphore(%run_scoped3A : memref<!tpu.dma_semaphore, #tpu.memory_space<semaphore_mem>>) src(%dma_wait3A_281 : memref<2048xi32, #tpu.memory_space<hbm>>) dst(%arg9 : memref<2048xi32, #tpu.memory_space<vmem>>)
          tpu.yield
        }) : () -> ()
        %dma_start3A = arith.constant 0 : i32
        %dma_start3A_200 = tpu.memref_slice %arg8[%dma_start3A] : memref<2048xi32, #tpu.memory_space<vmem>> -> memref<512xi32, #tpu.memory_space<vmem>>
        %dma_start3A_201 = arith.constant 0 : i32
        %dma_start3A_202 = arith.constant 0 : i32
        %dma_start3A_203 = tpu.memref_slice %arg13[%dma_start3A_201, %dma_start3A_202] : memref<50048x16xf32, #tpu.memory_space<vmem_shared>> -> memref<50048x16xf32, #tpu.memory_space<vmem_shared>>
        tpu.enqueue_indirect_dma source(%dma_start3A_203 : memref<50048x16xf32, #tpu.memory_space<vmem_shared>>) target(%arg10 : memref<512x16xf32, #tpu.memory_space<vmem>>) offsets(%dma_start3A_200 : memref<512xi32, #tpu.memory_space<vmem>>) semaphore(%arg15 : memref<!tpu.dma_semaphore, #tpu.memory_space<semaphore_mem>>)
        %dma_start3A_204 = arith.constant 512 : i32
        %dma_start3A_205 = tpu.memref_slice %arg8[%dma_start3A_204] : memref<2048xi32, #tpu.memory_space<vmem>> -> memref<512xi32, #tpu.memory_space<vmem>>
        %dma_start3A_206 = arith.constant 0 : i32
        %dma_start3A_207 = arith.constant 0 : i32
        %dma_start3A_208 = tpu.memref_slice %arg13[%dma_start3A_206, %dma_start3A_207] : memref<50048x16xf32, #tpu.memory_space<vmem_shared>> -> memref<50048x16xf32, #tpu.memory_space<vmem_shared>>
        tpu.enqueue_indirect_dma source(%dma_start3A_208 : memref<50048x16xf32, #tpu.memory_space<vmem_shared>>) target(%arg11 : memref<512x16xf32, #tpu.memory_space<vmem>>) offsets(%dma_start3A_205 : memref<512xi32, #tpu.memory_space<vmem>>) semaphore(%arg15 : memref<!tpu.dma_semaphore, #tpu.memory_space<semaphore_mem>>)
        %dma_wait3A = arith.constant 0 : i32
        %dma_wait3A_209 = tpu.memref_slice %arg8[%dma_wait3A] : memref<2048xi32, #tpu.memory_space<vmem>> -> memref<512xi32, #tpu.memory_space<vmem>>
        %dma_wait3A_210 = arith.constant 0 : i32
        %dma_wait3A_211 = arith.constant 0 : i32
        %dma_wait3A_212 = tpu.memref_slice %arg13[%dma_wait3A_210, %dma_wait3A_211] : memref<50048x16xf32, #tpu.memory_space<vmem_shared>> -> memref<50048x16xf32, #tpu.memory_space<vmem_shared>>
        tpu.wait_indirect_dma semaphore(%arg15 : memref<!tpu.dma_semaphore, #tpu.memory_space<semaphore_mem>>) src(%dma_wait3A_212 : memref<50048x16xf32, #tpu.memory_space<vmem_shared>>) dst(%arg10 : memref<512x16xf32, #tpu.memory_space<vmem>>)
        %dma_start3A_213 = arith.constant 0 : i32
        %dma_start3A_214 = tpu.memref_slice %arg9[%dma_start3A_213] : memref<2048xi32, #tpu.memory_space<vmem>> -> memref<512xi32, #tpu.memory_space<vmem>>
        %dma_start3A_215 = arith.constant 0 : i32
        %dma_start3A_216 = arith.constant 0 : i32
        %dma_start3A_217 = tpu.memref_slice %arg14[%dma_start3A_215, %dma_start3A_216] : memref<50048x16xf32, #tpu.memory_space<vmem_shared>> -> memref<50048x16xf32, #tpu.memory_space<vmem_shared>>
        tpu.enqueue_indirect_dma source(%arg10 : memref<512x16xf32, #tpu.memory_space<vmem>>) target(%dma_start3A_217 : memref<50048x16xf32, #tpu.memory_space<vmem_shared>>) offsets(%dma_start3A_214 : memref<512xi32, #tpu.memory_space<vmem>>) semaphore(%arg16 : memref<!tpu.dma_semaphore, #tpu.memory_space<semaphore_mem>>) {add = true}
        %dma_start3A_218 = arith.constant 1024 : i32
        %dma_start3A_219 = tpu.memref_slice %arg8[%dma_start3A_218] : memref<2048xi32, #tpu.memory_space<vmem>> -> memref<512xi32, #tpu.memory_space<vmem>>
        %dma_start3A_220 = arith.constant 0 : i32
        %dma_start3A_221 = arith.constant 0 : i32
        %dma_start3A_222 = tpu.memref_slice %arg13[%dma_start3A_220, %dma_start3A_221] : memref<50048x16xf32, #tpu.memory_space<vmem_shared>> -> memref<50048x16xf32, #tpu.memory_space<vmem_shared>>
        tpu.enqueue_indirect_dma source(%dma_start3A_222 : memref<50048x16xf32, #tpu.memory_space<vmem_shared>>) target(%arg12 : memref<512x16xf32, #tpu.memory_space<vmem>>) offsets(%dma_start3A_219 : memref<512xi32, #tpu.memory_space<vmem>>) semaphore(%arg15 : memref<!tpu.dma_semaphore, #tpu.memory_space<semaphore_mem>>)
        %dma_wait3A_223 = arith.constant 512 : i32
        %dma_wait3A_224 = tpu.memref_slice %arg8[%dma_wait3A_223] : memref<2048xi32, #tpu.memory_space<vmem>> -> memref<512xi32, #tpu.memory_space<vmem>>
        %dma_wait3A_225 = arith.constant 0 : i32
        %dma_wait3A_226 = arith.constant 0 : i32
        %dma_wait3A_227 = tpu.memref_slice %arg13[%dma_wait3A_225, %dma_wait3A_226] : memref<50048x16xf32, #tpu.memory_space<vmem_shared>> -> memref<50048x16xf32, #tpu.memory_space<vmem_shared>>
        tpu.wait_indirect_dma semaphore(%arg15 : memref<!tpu.dma_semaphore, #tpu.memory_space<semaphore_mem>>) src(%dma_wait3A_227 : memref<50048x16xf32, #tpu.memory_space<vmem_shared>>) dst(%arg11 : memref<512x16xf32, #tpu.memory_space<vmem>>)
        %dma_start3A_228 = arith.constant 512 : i32
        %dma_start3A_229 = tpu.memref_slice %arg9[%dma_start3A_228] : memref<2048xi32, #tpu.memory_space<vmem>> -> memref<512xi32, #tpu.memory_space<vmem>>
        %dma_start3A_230 = arith.constant 0 : i32
        %dma_start3A_231 = arith.constant 0 : i32
        %dma_start3A_232 = tpu.memref_slice %arg14[%dma_start3A_230, %dma_start3A_231] : memref<50048x16xf32, #tpu.memory_space<vmem_shared>> -> memref<50048x16xf32, #tpu.memory_space<vmem_shared>>
        tpu.enqueue_indirect_dma source(%arg11 : memref<512x16xf32, #tpu.memory_space<vmem>>) target(%dma_start3A_232 : memref<50048x16xf32, #tpu.memory_space<vmem_shared>>) offsets(%dma_start3A_229 : memref<512xi32, #tpu.memory_space<vmem>>) semaphore(%arg16 : memref<!tpu.dma_semaphore, #tpu.memory_space<semaphore_mem>>) {add = true}
        %dma_wait3A_233 = arith.constant 0 : i32
        %dma_wait3A_234 = tpu.memref_slice %arg9[%dma_wait3A_233] : memref<2048xi32, #tpu.memory_space<vmem>> -> memref<512xi32, #tpu.memory_space<vmem>>
        %dma_wait3A_235 = arith.constant 0 : i32
        %dma_wait3A_236 = arith.constant 0 : i32
        %dma_wait3A_237 = tpu.memref_slice %arg14[%dma_wait3A_235, %dma_wait3A_236] : memref<50048x16xf32, #tpu.memory_space<vmem_shared>> -> memref<50048x16xf32, #tpu.memory_space<vmem_shared>>
        tpu.wait_indirect_dma semaphore(%arg16 : memref<!tpu.dma_semaphore, #tpu.memory_space<semaphore_mem>>) src(%arg10 : memref<512x16xf32, #tpu.memory_space<vmem>>) dst(%dma_wait3A_237 : memref<50048x16xf32, #tpu.memory_space<vmem_shared>>)
        %dma_start3A_238 = arith.constant 1536 : i32
        %dma_start3A_239 = tpu.memref_slice %arg8[%dma_start3A_238] : memref<2048xi32, #tpu.memory_space<vmem>> -> memref<512xi32, #tpu.memory_space<vmem>>
        %dma_start3A_240 = arith.constant 0 : i32
        %dma_start3A_241 = arith.constant 0 : i32
        %dma_start3A_242 = tpu.memref_slice %arg13[%dma_start3A_240, %dma_start3A_241] : memref<50048x16xf32, #tpu.memory_space<vmem_shared>> -> memref<50048x16xf32, #tpu.memory_space<vmem_shared>>
        tpu.enqueue_indirect_dma source(%dma_start3A_242 : memref<50048x16xf32, #tpu.memory_space<vmem_shared>>) target(%arg10 : memref<512x16xf32, #tpu.memory_space<vmem>>) offsets(%dma_start3A_239 : memref<512xi32, #tpu.memory_space<vmem>>) semaphore(%arg15 : memref<!tpu.dma_semaphore, #tpu.memory_space<semaphore_mem>>)
        %dma_wait3A_243 = arith.constant 1024 : i32
        %dma_wait3A_244 = tpu.memref_slice %arg8[%dma_wait3A_243] : memref<2048xi32, #tpu.memory_space<vmem>> -> memref<512xi32, #tpu.memory_space<vmem>>
        %dma_wait3A_245 = arith.constant 0 : i32
        %dma_wait3A_246 = arith.constant 0 : i32
        %dma_wait3A_247 = tpu.memref_slice %arg13[%dma_wait3A_245, %dma_wait3A_246] : memref<50048x16xf32, #tpu.memory_space<vmem_shared>> -> memref<50048x16xf32, #tpu.memory_space<vmem_shared>>
        tpu.wait_indirect_dma semaphore(%arg15 : memref<!tpu.dma_semaphore, #tpu.memory_space<semaphore_mem>>) src(%dma_wait3A_247 : memref<50048x16xf32, #tpu.memory_space<vmem_shared>>) dst(%arg12 : memref<512x16xf32, #tpu.memory_space<vmem>>)
        %dma_start3A_248 = arith.constant 1024 : i32
        %dma_start3A_249 = tpu.memref_slice %arg9[%dma_start3A_248] : memref<2048xi32, #tpu.memory_space<vmem>> -> memref<512xi32, #tpu.memory_space<vmem>>
        %dma_start3A_250 = arith.constant 0 : i32
        %dma_start3A_251 = arith.constant 0 : i32
        %dma_start3A_252 = tpu.memref_slice %arg14[%dma_start3A_250, %dma_start3A_251] : memref<50048x16xf32, #tpu.memory_space<vmem_shared>> -> memref<50048x16xf32, #tpu.memory_space<vmem_shared>>
        tpu.enqueue_indirect_dma source(%arg12 : memref<512x16xf32, #tpu.memory_space<vmem>>) target(%dma_start3A_252 : memref<50048x16xf32, #tpu.memory_space<vmem_shared>>) offsets(%dma_start3A_249 : memref<512xi32, #tpu.memory_space<vmem>>) semaphore(%arg16 : memref<!tpu.dma_semaphore, #tpu.memory_space<semaphore_mem>>) {add = true}
        %dma_wait3A_253 = arith.constant 1536 : i32
        %dma_wait3A_254 = tpu.memref_slice %arg8[%dma_wait3A_253] : memref<2048xi32, #tpu.memory_space<vmem>> -> memref<512xi32, #tpu.memory_space<vmem>>
        %dma_wait3A_255 = arith.constant 0 : i32
        %dma_wait3A_256 = arith.constant 0 : i32
        %dma_wait3A_257 = tpu.memref_slice %arg13[%dma_wait3A_255, %dma_wait3A_256] : memref<50048x16xf32, #tpu.memory_space<vmem_shared>> -> memref<50048x16xf32, #tpu.memory_space<vmem_shared>>
        tpu.wait_indirect_dma semaphore(%arg15 : memref<!tpu.dma_semaphore, #tpu.memory_space<semaphore_mem>>) src(%dma_wait3A_257 : memref<50048x16xf32, #tpu.memory_space<vmem_shared>>) dst(%arg10 : memref<512x16xf32, #tpu.memory_space<vmem>>)
        %dma_start3A_258 = arith.constant 1536 : i32
        %dma_start3A_259 = tpu.memref_slice %arg9[%dma_start3A_258] : memref<2048xi32, #tpu.memory_space<vmem>> -> memref<512xi32, #tpu.memory_space<vmem>>
        %dma_start3A_260 = arith.constant 0 : i32
        %dma_start3A_261 = arith.constant 0 : i32
        %dma_start3A_262 = tpu.memref_slice %arg14[%dma_start3A_260, %dma_start3A_261] : memref<50048x16xf32, #tpu.memory_space<vmem_shared>> -> memref<50048x16xf32, #tpu.memory_space<vmem_shared>>
        tpu.enqueue_indirect_dma source(%arg10 : memref<512x16xf32, #tpu.memory_space<vmem>>) target(%dma_start3A_262 : memref<50048x16xf32, #tpu.memory_space<vmem_shared>>) offsets(%dma_start3A_259 : memref<512xi32, #tpu.memory_space<vmem>>) semaphore(%arg16 : memref<!tpu.dma_semaphore, #tpu.memory_space<semaphore_mem>>) {add = true}
        %dma_wait3A_263 = arith.constant 512 : i32
        %dma_wait3A_264 = tpu.memref_slice %arg9[%dma_wait3A_263] : memref<2048xi32, #tpu.memory_space<vmem>> -> memref<512xi32, #tpu.memory_space<vmem>>
        %dma_wait3A_265 = arith.constant 0 : i32
        %dma_wait3A_266 = arith.constant 0 : i32
        %dma_wait3A_267 = tpu.memref_slice %arg14[%dma_wait3A_265, %dma_wait3A_266] : memref<50048x16xf32, #tpu.memory_space<vmem_shared>> -> memref<50048x16xf32, #tpu.memory_space<vmem_shared>>
        tpu.wait_indirect_dma semaphore(%arg16 : memref<!tpu.dma_semaphore, #tpu.memory_space<semaphore_mem>>) src(%arg11 : memref<512x16xf32, #tpu.memory_space<vmem>>) dst(%dma_wait3A_267 : memref<50048x16xf32, #tpu.memory_space<vmem_shared>>)
        %dma_wait3A_268 = arith.constant 1024 : i32
        %dma_wait3A_269 = tpu.memref_slice %arg9[%dma_wait3A_268] : memref<2048xi32, #tpu.memory_space<vmem>> -> memref<512xi32, #tpu.memory_space<vmem>>
        %dma_wait3A_270 = arith.constant 0 : i32
        %dma_wait3A_271 = arith.constant 0 : i32
        %dma_wait3A_272 = tpu.memref_slice %arg14[%dma_wait3A_270, %dma_wait3A_271] : memref<50048x16xf32, #tpu.memory_space<vmem_shared>> -> memref<50048x16xf32, #tpu.memory_space<vmem_shared>>
        tpu.wait_indirect_dma semaphore(%arg16 : memref<!tpu.dma_semaphore, #tpu.memory_space<semaphore_mem>>) src(%arg12 : memref<512x16xf32, #tpu.memory_space<vmem>>) dst(%dma_wait3A_272 : memref<50048x16xf32, #tpu.memory_space<vmem_shared>>)
        %dma_wait3A_273 = arith.constant 1536 : i32
        %dma_wait3A_274 = tpu.memref_slice %arg9[%dma_wait3A_273] : memref<2048xi32, #tpu.memory_space<vmem>> -> memref<512xi32, #tpu.memory_space<vmem>>
        %dma_wait3A_275 = arith.constant 0 : i32
        %dma_wait3A_276 = arith.constant 0 : i32
        %dma_wait3A_277 = tpu.memref_slice %arg14[%dma_wait3A_275, %dma_wait3A_276] : memref<50048x16xf32, #tpu.memory_space<vmem_shared>> -> memref<50048x16xf32, #tpu.memory_space<vmem_shared>>
        tpu.wait_indirect_dma semaphore(%arg16 : memref<!tpu.dma_semaphore, #tpu.memory_space<semaphore_mem>>) src(%arg10 : memref<512x16xf32, #tpu.memory_space<vmem>>) dst(%dma_wait3A_277 : memref<50048x16xf32, #tpu.memory_space<vmem_shared>>)
      }
      %scan3A_151 = arith.constant 25 : i32
      %barrier3A_152 = arith.constant 0 : index
      tpu.barrier barrier_id(%barrier3A_152)
      %lt3A_153 = arith.constant 15 : i32
      %lt3A_154 = arith.cmpi slt, %arg1, %lt3A_153 : i32
      %convert_element_type3A_155 = arith.extui %lt3A_154 : i1 to i32
      %cond3A_156 = arith.constant 0 : i32
      %cond3A_157 = arith.cmpi ne, %convert_element_type3A_155, %cond3A_156 : i32
      scf.if %cond3A_157 {
        %mul3A_194 = arith.constant 3128 : i32
        %mul3A_195 = arith.muli %arg1, %mul3A_194 : i32
        "tpu.region"() ({
          %run_scoped3A = tpu.sem_alloc : memref<!tpu.dma_semaphore, #tpu.memory_space<semaphore_mem>>
          %dma_start3A = arith.constant 112 : i32
          %dma_start3A_196 = tpu.memref_slice %arg7[%mul3A_195, %dma_start3A] : memref<50000x160xf32, #tpu.memory_space<hbm>> -> memref<3128x16xf32, #tpu.memory_space<hbm>>
          %dma_start3A_197 = arith.constant 0 : i32
          %dma_start3A_198 = tpu.memref_slice %arg14[%mul3A_195, %dma_start3A_197] : memref<50048x16xf32, #tpu.memory_space<vmem_shared>> -> memref<3128x16xf32, #tpu.memory_space<vmem_shared>>
          tpu.enqueue_dma source(%dma_start3A_198 : memref<3128x16xf32, #tpu.memory_space<vmem_shared>>) target(%dma_start3A_196 : memref<3128x16xf32, #tpu.memory_space<hbm>>) target_semaphore(%run_scoped3A : memref<!tpu.dma_semaphore, #tpu.memory_space<semaphore_mem>>)
          %dma_wait3A = arith.constant 112 : i32
          %dma_wait3A_199 = tpu.memref_slice %arg7[%mul3A_195, %dma_wait3A] : memref<50000x160xf32, #tpu.memory_space<hbm>> -> memref<3128x16xf32, #tpu.memory_space<hbm>>
          %dma_wait3A_200 = arith.constant 0 : i32
          %dma_wait3A_201 = tpu.memref_slice %arg14[%mul3A_195, %dma_wait3A_200] : memref<50048x16xf32, #tpu.memory_space<vmem_shared>> -> memref<3128x16xf32, #tpu.memory_space<vmem_shared>>
          tpu.wait_dma2 semaphore(%run_scoped3A : memref<!tpu.dma_semaphore, #tpu.memory_space<semaphore_mem>>) src(%dma_wait3A_201 : memref<3128x16xf32, #tpu.memory_space<vmem_shared>>) dst(%dma_wait3A_199 : memref<3128x16xf32, #tpu.memory_space<hbm>>)
          tpu.yield
        }) : () -> ()
      } else {
      }
      %eq3A_158 = arith.constant 15 : i32
      %eq3A_159 = arith.cmpi eq, %arg1, %eq3A_158 : i32
      %convert_element_type3A_160 = arith.extui %eq3A_159 : i1 to i32
      %cond3A_161 = arith.constant 0 : i32
      %cond3A_162 = arith.cmpi ne, %convert_element_type3A_160, %cond3A_161 : i32
      scf.if %cond3A_162 {
        "tpu.region"() ({
          %run_scoped3A = tpu.sem_alloc : memref<!tpu.dma_semaphore, #tpu.memory_space<semaphore_mem>>
          %dma_start3A = arith.constant 46920 : i32
          %dma_start3A_194 = arith.constant 112 : i32
          %dma_start3A_195 = tpu.memref_slice %arg7[%dma_start3A, %dma_start3A_194] : memref<50000x160xf32, #tpu.memory_space<hbm>> -> memref<3080x16xf32, #tpu.memory_space<hbm>>
          %dma_start3A_196 = arith.constant 46920 : i32
          %dma_start3A_197 = arith.constant 0 : i32
          %dma_start3A_198 = tpu.memref_slice %arg14[%dma_start3A_196, %dma_start3A_197] : memref<50048x16xf32, #tpu.memory_space<vmem_shared>> -> memref<3080x16xf32, #tpu.memory_space<vmem_shared>>
          tpu.enqueue_dma source(%dma_start3A_198 : memref<3080x16xf32, #tpu.memory_space<vmem_shared>>) target(%dma_start3A_195 : memref<3080x16xf32, #tpu.memory_space<hbm>>) target_semaphore(%run_scoped3A : memref<!tpu.dma_semaphore, #tpu.memory_space<semaphore_mem>>)
          %dma_wait3A = arith.constant 46920 : i32
          %dma_wait3A_199 = arith.constant 112 : i32
          %dma_wait3A_200 = tpu.memref_slice %arg7[%dma_wait3A, %dma_wait3A_199] : memref<50000x160xf32, #tpu.memory_space<hbm>> -> memref<3080x16xf32, #tpu.memory_space<hbm>>
          %dma_wait3A_201 = arith.constant 46920 : i32
          %dma_wait3A_202 = arith.constant 0 : i32
          %dma_wait3A_203 = tpu.memref_slice %arg14[%dma_wait3A_201, %dma_wait3A_202] : memref<50048x16xf32, #tpu.memory_space<vmem_shared>> -> memref<3080x16xf32, #tpu.memory_space<vmem_shared>>
          tpu.wait_dma2 semaphore(%run_scoped3A : memref<!tpu.dma_semaphore, #tpu.memory_space<semaphore_mem>>) src(%dma_wait3A_203 : memref<3080x16xf32, #tpu.memory_space<vmem_shared>>) dst(%dma_wait3A_200 : memref<3080x16xf32, #tpu.memory_space<hbm>>)
          tpu.yield
        }) : () -> ()
      } else {
      }
      %lt3A_163 = arith.constant 15 : i32
      %lt3A_164 = arith.cmpi slt, %arg1, %lt3A_163 : i32
      %convert_element_type3A_165 = arith.extui %lt3A_164 : i1 to i32
      %cond3A_166 = arith.constant 0 : i32
      %cond3A_167 = arith.cmpi ne, %convert_element_type3A_165, %cond3A_166 : i32
      scf.if %cond3A_167 {
        %mul3A_194 = arith.constant 3128 : i32
        %mul3A_195 = arith.muli %arg1, %mul3A_194 : i32
        "tpu.region"() ({
          %run_scoped3A = tpu.sem_alloc : memref<!tpu.dma_semaphore, #tpu.memory_space<semaphore_mem>>
          %dma_start3A = arith.constant 0 : i32
          %dma_start3A_196 = tpu.memref_slice %arg14[%mul3A_195, %dma_start3A] : memref<50048x16xf32, #tpu.memory_space<vmem_shared>> -> memref<3128x16xf32, #tpu.memory_space<vmem_shared>>
          %dma_start3A_197 = arith.constant 0 : i32
          %dma_start3A_198 = arith.constant 0 : i32
          %dma_start3A_199 = tpu.memref_slice %arg5[%dma_start3A_197, %dma_start3A_198] : memref<3128x16xf32, #tpu.memory_space<hbm>> -> memref<3128x16xf32, #tpu.memory_space<hbm>>
          tpu.enqueue_dma source(%dma_start3A_199 : memref<3128x16xf32, #tpu.memory_space<hbm>>) target(%dma_start3A_196 : memref<3128x16xf32, #tpu.memory_space<vmem_shared>>) target_semaphore(%run_scoped3A : memref<!tpu.dma_semaphore, #tpu.memory_space<semaphore_mem>>)
          %dma_wait3A = arith.constant 0 : i32
          %dma_wait3A_200 = tpu.memref_slice %arg14[%mul3A_195, %dma_wait3A] : memref<50048x16xf32, #tpu.memory_space<vmem_shared>> -> memref<3128x16xf32, #tpu.memory_space<vmem_shared>>
          %dma_wait3A_201 = arith.constant 0 : i32
          %dma_wait3A_202 = arith.constant 0 : i32
          %dma_wait3A_203 = tpu.memref_slice %arg5[%dma_wait3A_201, %dma_wait3A_202] : memref<3128x16xf32, #tpu.memory_space<hbm>> -> memref<3128x16xf32, #tpu.memory_space<hbm>>
          tpu.wait_dma2 semaphore(%run_scoped3A : memref<!tpu.dma_semaphore, #tpu.memory_space<semaphore_mem>>) src(%dma_wait3A_203 : memref<3128x16xf32, #tpu.memory_space<hbm>>) dst(%dma_wait3A_200 : memref<3128x16xf32, #tpu.memory_space<vmem_shared>>)
          tpu.yield
        }) : () -> ()
      } else {
      }
      %eq3A_168 = arith.constant 15 : i32
      %eq3A_169 = arith.cmpi eq, %arg1, %eq3A_168 : i32
      %convert_element_type3A_170 = arith.extui %eq3A_169 : i1 to i32
      %cond3A_171 = arith.constant 0 : i32
      %cond3A_172 = arith.cmpi ne, %convert_element_type3A_170, %cond3A_171 : i32
      scf.if %cond3A_172 {
        "tpu.region"() ({
          %run_scoped3A = tpu.sem_alloc : memref<!tpu.dma_semaphore, #tpu.memory_space<semaphore_mem>>
          %dma_start3A = arith.constant 46920 : i32
          %dma_start3A_194 = arith.constant 0 : i32
          %dma_start3A_195 = tpu.memref_slice %arg14[%dma_start3A, %dma_start3A_194] : memref<50048x16xf32, #tpu.memory_space<vmem_shared>> -> memref<3080x16xf32, #tpu.memory_space<vmem_shared>>
          %dma_start3A_196 = arith.constant 0 : i32
          %dma_start3A_197 = arith.constant 0 : i32
          %dma_start3A_198 = tpu.memref_slice %arg5[%dma_start3A_196, %dma_start3A_197] : memref<3128x16xf32, #tpu.memory_space<hbm>> -> memref<3080x16xf32, #tpu.memory_space<hbm>>
          tpu.enqueue_dma source(%dma_start3A_198 : memref<3080x16xf32, #tpu.memory_space<hbm>>) target(%dma_start3A_195 : memref<3080x16xf32, #tpu.memory_space<vmem_shared>>) target_semaphore(%run_scoped3A : memref<!tpu.dma_semaphore, #tpu.memory_space<semaphore_mem>>)
          %dma_wait3A = arith.constant 46920 : i32
          %dma_wait3A_199 = arith.constant 0 : i32
          %dma_wait3A_200 = tpu.memref_slice %arg14[%dma_wait3A, %dma_wait3A_199] : memref<50048x16xf32, #tpu.memory_space<vmem_shared>> -> memref<3080x16xf32, #tpu.memory_space<vmem_shared>>
          %dma_wait3A_201 = arith.constant 0 : i32
          %dma_wait3A_202 = arith.constant 0 : i32
          %dma_wait3A_203 = tpu.memref_slice %arg5[%dma_wait3A_201, %dma_wait3A_202] : memref<3128x16xf32, #tpu.memory_space<hbm>> -> memref<3080x16xf32, #tpu.memory_space<hbm>>
          tpu.wait_dma2 semaphore(%run_scoped3A : memref<!tpu.dma_semaphore, #tpu.memory_space<semaphore_mem>>) src(%dma_wait3A_203 : memref<3080x16xf32, #tpu.memory_space<hbm>>) dst(%dma_wait3A_200 : memref<3080x16xf32, #tpu.memory_space<vmem_shared>>)
          tpu.yield
        }) : () -> ()
      } else {
      }
      "tpu.region"() ({
        %run_scoped3A = tpu.sem_alloc : memref<!tpu.dma_semaphore, #tpu.memory_space<semaphore_mem>>
        tpu.enqueue_dma source(%arg6 : memref<512x16xf32, #tpu.memory_space<hbm>>) target(%arg10 : memref<512x16xf32, #tpu.memory_space<vmem>>) target_semaphore(%run_scoped3A : memref<!tpu.dma_semaphore, #tpu.memory_space<semaphore_mem>>)
        tpu.wait_dma2 semaphore(%run_scoped3A : memref<!tpu.dma_semaphore, #tpu.memory_space<semaphore_mem>>) src(%arg6 : memref<512x16xf32, #tpu.memory_space<hbm>>) dst(%arg10 : memref<512x16xf32, #tpu.memory_space<vmem>>)
        tpu.yield
      }) : () -> ()
      %barrier3A_173 = arith.constant 0 : index
      tpu.barrier barrier_id(%barrier3A_173)
      %mul3A_174 = arith.constant 200 : i32
      %mul3A_175 = arith.muli %arg1, %mul3A_174 : i32
      %add3A = arith.constant 3200 : i32
      %add3A_176 = arith.addi %add3A, %mul3A_175 : i32
      %scan3A_177 = arith.constant 0 : i32
      %scan3A_178 = arith.constant 0 : i32
      %scan3A_179 = arith.constant 25 : i32
      %scan3A_180 = arith.addi %scan3A_178, %scan3A_179 : i32
      %scan3A_181 = arith.constant 1 : i32
      scf.for %scan3A_194 = %scan3A_178 to %scan3A_180 step %scan3A_181  : i32 {
        %mul3A_195 = arith.constant 8 : i32
        %mul3A_196 = arith.muli %scan3A_194, %mul3A_195 : i32
        %add3A_197 = arith.addi %add3A_176, %mul3A_196 : i32
        %mul3A_198 = arith.constant 128 : i32
        %mul3A_199 = arith.muli %add3A_197, %mul3A_198 : i32
        "tpu.region"() ({
          %run_scoped3A = tpu.sem_alloc : memref<!tpu.dma_semaphore, #tpu.memory_space<semaphore_mem>>
          %dma_start3A_218 = arith.constant 0 : i32
          %dma_start3A_219 = tpu.memref_slice %arg9[%dma_start3A_218] : memref<2048xi32, #tpu.memory_space<vmem>> -> memref<1024xi32, #tpu.memory_space<vmem>>
          %dma_start3A_220 = tpu.memref_slice %arg4[%mul3A_199] : memref<819200xi32, #tpu.memory_space<hbm>> -> memref<1024xi32, #tpu.memory_space<hbm>>
          %dma_start3A_221 = arith.constant 0 : i32
          %dma_start3A_222 = tpu.memref_slice %arg9[%dma_start3A_221] : memref<2048xi32, #tpu.memory_space<vmem>> -> memref<1024xi32, #tpu.memory_space<vmem>>
          %dma_start3A_223 = tpu.memref_slice %arg4[%mul3A_199] : memref<819200xi32, #tpu.memory_space<hbm>> -> memref<1024xi32, #tpu.memory_space<hbm>>
          tpu.enqueue_dma source(%dma_start3A_223 : memref<1024xi32, #tpu.memory_space<hbm>>) target(%dma_start3A_222 : memref<1024xi32, #tpu.memory_space<vmem>>) target_semaphore(%run_scoped3A : memref<!tpu.dma_semaphore, #tpu.memory_space<semaphore_mem>>)
          %dma_wait3A_224 = arith.constant 0 : i32
          %dma_wait3A_225 = tpu.memref_slice %arg9[%dma_wait3A_224] : memref<2048xi32, #tpu.memory_space<vmem>> -> memref<1024xi32, #tpu.memory_space<vmem>>
          %dma_wait3A_226 = tpu.memref_slice %arg4[%mul3A_199] : memref<819200xi32, #tpu.memory_space<hbm>> -> memref<1024xi32, #tpu.memory_space<hbm>>
          %dma_wait3A_227 = arith.constant 0 : i32
          %dma_wait3A_228 = tpu.memref_slice %arg9[%dma_wait3A_227] : memref<2048xi32, #tpu.memory_space<vmem>> -> memref<1024xi32, #tpu.memory_space<vmem>>
          %dma_wait3A_229 = tpu.memref_slice %arg4[%mul3A_199] : memref<819200xi32, #tpu.memory_space<hbm>> -> memref<1024xi32, #tpu.memory_space<hbm>>
          tpu.wait_dma2 semaphore(%run_scoped3A : memref<!tpu.dma_semaphore, #tpu.memory_space<semaphore_mem>>) src(%dma_wait3A_229 : memref<1024xi32, #tpu.memory_space<hbm>>) dst(%dma_wait3A_228 : memref<1024xi32, #tpu.memory_space<vmem>>)
          tpu.yield
        }) : () -> ()
        %dma_start3A = arith.constant 0 : i32
        %dma_start3A_200 = tpu.memref_slice %arg9[%dma_start3A] : memref<2048xi32, #tpu.memory_space<vmem>> -> memref<512xi32, #tpu.memory_space<vmem>>
        %dma_start3A_201 = arith.constant 0 : i32
        %dma_start3A_202 = arith.constant 0 : i32
        %dma_start3A_203 = tpu.memref_slice %arg14[%dma_start3A_201, %dma_start3A_202] : memref<50048x16xf32, #tpu.memory_space<vmem_shared>> -> memref<50048x16xf32, #tpu.memory_space<vmem_shared>>
        tpu.enqueue_indirect_dma source(%arg10 : memref<512x16xf32, #tpu.memory_space<vmem>>) target(%dma_start3A_203 : memref<50048x16xf32, #tpu.memory_space<vmem_shared>>) offsets(%dma_start3A_200 : memref<512xi32, #tpu.memory_space<vmem>>) semaphore(%arg16 : memref<!tpu.dma_semaphore, #tpu.memory_space<semaphore_mem>>) {add = true}
        %dma_start3A_204 = arith.constant 512 : i32
        %dma_start3A_205 = tpu.memref_slice %arg9[%dma_start3A_204] : memref<2048xi32, #tpu.memory_space<vmem>> -> memref<512xi32, #tpu.memory_space<vmem>>
        %dma_start3A_206 = arith.constant 0 : i32
        %dma_start3A_207 = arith.constant 0 : i32
        %dma_start3A_208 = tpu.memref_slice %arg14[%dma_start3A_206, %dma_start3A_207] : memref<50048x16xf32, #tpu.memory_space<vmem_shared>> -> memref<50048x16xf32, #tpu.memory_space<vmem_shared>>
        tpu.enqueue_indirect_dma source(%arg10 : memref<512x16xf32, #tpu.memory_space<vmem>>) target(%dma_start3A_208 : memref<50048x16xf32, #tpu.memory_space<vmem_shared>>) offsets(%dma_start3A_205 : memref<512xi32, #tpu.memory_space<vmem>>) semaphore(%arg16 : memref<!tpu.dma_semaphore, #tpu.memory_space<semaphore_mem>>) {add = true}
        %dma_wait3A = arith.constant 0 : i32
        %dma_wait3A_209 = tpu.memref_slice %arg9[%dma_wait3A] : memref<2048xi32, #tpu.memory_space<vmem>> -> memref<512xi32, #tpu.memory_space<vmem>>
        %dma_wait3A_210 = arith.constant 0 : i32
        %dma_wait3A_211 = arith.constant 0 : i32
        %dma_wait3A_212 = tpu.memref_slice %arg14[%dma_wait3A_210, %dma_wait3A_211] : memref<50048x16xf32, #tpu.memory_space<vmem_shared>> -> memref<50048x16xf32, #tpu.memory_space<vmem_shared>>
        tpu.wait_indirect_dma semaphore(%arg16 : memref<!tpu.dma_semaphore, #tpu.memory_space<semaphore_mem>>) src(%arg10 : memref<512x16xf32, #tpu.memory_space<vmem>>) dst(%dma_wait3A_212 : memref<50048x16xf32, #tpu.memory_space<vmem_shared>>)
        %dma_wait3A_213 = arith.constant 512 : i32
        %dma_wait3A_214 = tpu.memref_slice %arg9[%dma_wait3A_213] : memref<2048xi32, #tpu.memory_space<vmem>> -> memref<512xi32, #tpu.memory_space<vmem>>
        %dma_wait3A_215 = arith.constant 0 : i32
        %dma_wait3A_216 = arith.constant 0 : i32
        %dma_wait3A_217 = tpu.memref_slice %arg14[%dma_wait3A_215, %dma_wait3A_216] : memref<50048x16xf32, #tpu.memory_space<vmem_shared>> -> memref<50048x16xf32, #tpu.memory_space<vmem_shared>>
        tpu.wait_indirect_dma semaphore(%arg16 : memref<!tpu.dma_semaphore, #tpu.memory_space<semaphore_mem>>) src(%arg10 : memref<512x16xf32, #tpu.memory_space<vmem>>) dst(%dma_wait3A_217 : memref<50048x16xf32, #tpu.memory_space<vmem_shared>>)
      }
      %scan3A_182 = arith.constant 25 : i32
      %barrier3A_183 = arith.constant 0 : index
      tpu.barrier barrier_id(%barrier3A_183)
      %lt3A_184 = arith.constant 15 : i32
      %lt3A_185 = arith.cmpi slt, %arg1, %lt3A_184 : i32
      %convert_element_type3A_186 = arith.extui %lt3A_185 : i1 to i32
      %cond3A_187 = arith.constant 0 : i32
      %cond3A_188 = arith.cmpi ne, %convert_element_type3A_186, %cond3A_187 : i32
      scf.if %cond3A_188 {
        %mul3A_194 = arith.constant 3128 : i32
        %mul3A_195 = arith.muli %arg1, %mul3A_194 : i32
        "tpu.region"() ({
          %run_scoped3A = tpu.sem_alloc : memref<!tpu.dma_semaphore, #tpu.memory_space<semaphore_mem>>
          %dma_start3A = arith.constant 144 : i32
          %dma_start3A_196 = tpu.memref_slice %arg7[%mul3A_195, %dma_start3A] : memref<50000x160xf32, #tpu.memory_space<hbm>> -> memref<3128x16xf32, #tpu.memory_space<hbm>>
          %dma_start3A_197 = arith.constant 0 : i32
          %dma_start3A_198 = tpu.memref_slice %arg14[%mul3A_195, %dma_start3A_197] : memref<50048x16xf32, #tpu.memory_space<vmem_shared>> -> memref<3128x16xf32, #tpu.memory_space<vmem_shared>>
          tpu.enqueue_dma source(%dma_start3A_198 : memref<3128x16xf32, #tpu.memory_space<vmem_shared>>) target(%dma_start3A_196 : memref<3128x16xf32, #tpu.memory_space<hbm>>) target_semaphore(%run_scoped3A : memref<!tpu.dma_semaphore, #tpu.memory_space<semaphore_mem>>)
          %dma_wait3A = arith.constant 144 : i32
          %dma_wait3A_199 = tpu.memref_slice %arg7[%mul3A_195, %dma_wait3A] : memref<50000x160xf32, #tpu.memory_space<hbm>> -> memref<3128x16xf32, #tpu.memory_space<hbm>>
          %dma_wait3A_200 = arith.constant 0 : i32
          %dma_wait3A_201 = tpu.memref_slice %arg14[%mul3A_195, %dma_wait3A_200] : memref<50048x16xf32, #tpu.memory_space<vmem_shared>> -> memref<3128x16xf32, #tpu.memory_space<vmem_shared>>
          tpu.wait_dma2 semaphore(%run_scoped3A : memref<!tpu.dma_semaphore, #tpu.memory_space<semaphore_mem>>) src(%dma_wait3A_201 : memref<3128x16xf32, #tpu.memory_space<vmem_shared>>) dst(%dma_wait3A_199 : memref<3128x16xf32, #tpu.memory_space<hbm>>)
          tpu.yield
        }) : () -> ()
      } else {
      }
      %eq3A_189 = arith.constant 15 : i32
      %eq3A_190 = arith.cmpi eq, %arg1, %eq3A_189 : i32
      %convert_element_type3A_191 = arith.extui %eq3A_190 : i1 to i32
      %cond3A_192 = arith.constant 0 : i32
      %cond3A_193 = arith.cmpi ne, %convert_element_type3A_191, %cond3A_192 : i32
      scf.if %cond3A_193 {
        "tpu.region"() ({
          %run_scoped3A = tpu.sem_alloc : memref<!tpu.dma_semaphore, #tpu.memory_space<semaphore_mem>>
          %dma_start3A = arith.constant 46920 : i32
          %dma_start3A_194 = arith.constant 144 : i32
          %dma_start3A_195 = tpu.memref_slice %arg7[%dma_start3A, %dma_start3A_194] : memref<50000x160xf32, #tpu.memory_space<hbm>> -> memref<3080x16xf32, #tpu.memory_space<hbm>>
          %dma_start3A_196 = arith.constant 46920 : i32
          %dma_start3A_197 = arith.constant 0 : i32
          %dma_start3A_198 = tpu.memref_slice %arg14[%dma_start3A_196, %dma_start3A_197] : memref<50048x16xf32, #tpu.memory_space<vmem_shared>> -> memref<3080x16xf32, #tpu.memory_space<vmem_shared>>
          tpu.enqueue_dma source(%dma_start3A_198 : memref<3080x16xf32, #tpu.memory_space<vmem_shared>>) target(%dma_start3A_195 : memref<3080x16xf32, #tpu.memory_space<hbm>>) target_semaphore(%run_scoped3A : memref<!tpu.dma_semaphore, #tpu.memory_space<semaphore_mem>>)
          %dma_wait3A = arith.constant 46920 : i32
          %dma_wait3A_199 = arith.constant 144 : i32
          %dma_wait3A_200 = tpu.memref_slice %arg7[%dma_wait3A, %dma_wait3A_199] : memref<50000x160xf32, #tpu.memory_space<hbm>> -> memref<3080x16xf32, #tpu.memory_space<hbm>>
          %dma_wait3A_201 = arith.constant 46920 : i32
          %dma_wait3A_202 = arith.constant 0 : i32
          %dma_wait3A_203 = tpu.memref_slice %arg14[%dma_wait3A_201, %dma_wait3A_202] : memref<50048x16xf32, #tpu.memory_space<vmem_shared>> -> memref<3080x16xf32, #tpu.memory_space<vmem_shared>>
          tpu.wait_dma2 semaphore(%run_scoped3A : memref<!tpu.dma_semaphore, #tpu.memory_space<semaphore_mem>>) src(%dma_wait3A_203 : memref<3080x16xf32, #tpu.memory_space<vmem_shared>>) dst(%dma_wait3A_200 : memref<3080x16xf32, #tpu.memory_space<hbm>>)
          tpu.yield
        }) : () -> ()
      } else {
      }
    } else {
    }
    return
  }
}

module attributes {stable_mosaic.version = 14 : i64} {
  func.func @_build_body(%arg0: i32, %arg1: memref<2000x128xf32, #tpu.memory_space<vmem>>, %arg2: memref<2000x128xf32, #tpu.memory_space<vmem>>, %arg3: memref<2000x64xf32, #tpu.memory_space<vmem>>, %arg4: memref<2000x64xf32, #tpu.memory_space<vmem>>, %arg5: memref<128x64xf32, #tpu.memory_space<vmem>>, %arg6: memref<1x64xf32, #tpu.memory_space<vmem>>, %arg7: memref<128x64xf32, #tpu.memory_space<vmem>>, %arg8: memref<1x64xf32, #tpu.memory_space<vmem>>, %arg9: memref<2000x128xf32, #tpu.memory_space<vmem>>, %arg10: memref<2x2000x64xf32, #tpu.memory_space<vmem>>) attributes {dimension_semantics = [#tpu.dimension_semantics<arbitrary>], iteration_bounds = array<i64: 25>, scalar_prefetch = 0 : i64, scratch_operands = 0 : i64, tpu.core_type = #tpu.core_type<tc>, window_params = [{transform_indices = @transform_0, window_bounds = array<i64: 2000, 128>}, {transform_indices = @transform_1, window_bounds = array<i64: 2000, 128>}, {transform_indices = @transform_2, window_bounds = array<i64: 2000, 64>}, {transform_indices = @transform_3, window_bounds = array<i64: 2000, 64>}, {pipeline_mode = #tpu.pipeline_mode<synchronous>, transform_indices = @transform_4, window_bounds = array<i64: 128, 64>}, {pipeline_mode = #tpu.pipeline_mode<synchronous>, transform_indices = @transform_5, window_bounds = array<i64: 1, 64>}, {pipeline_mode = #tpu.pipeline_mode<synchronous>, transform_indices = @transform_6, window_bounds = array<i64: 128, 64>}, {pipeline_mode = #tpu.pipeline_mode<synchronous>, transform_indices = @transform_7, window_bounds = array<i64: 1, 64>}, {transform_indices = @transform_8, window_bounds = array<i64: 2000, 128>}, {transform_indices = @transform_9, window_bounds = array<i64: 2, 2000, 64>}]} {
    %lt3A = arith.constant 5 : i32
    %lt3A_0 = arith.cmpi slt, %arg0, %lt3A : i32
    %convert_element_type3A = arith.extui %lt3A_0 : i1 to i32
    %cond3A = arith.constant 0 : i32
    %cond3A_1 = arith.cmpi ne, %convert_element_type3A, %cond3A : i32
    scf.if %cond3A_1 {
      %get3A = arith.constant 0 : index
      %get3A_6 = arith.constant 0 : index
      %get3A_7 = vector.load %arg3[%get3A, %get3A_6] : memref<2000x64xf32, #tpu.memory_space<vmem>>, vector<2000x64xf32>
      %get3A_8 = arith.constant 0 : index
      %get3A_9 = arith.constant 0 : index
      %get3A_10 = vector.load %arg4[%get3A_8, %get3A_9] : memref<2000x64xf32, #tpu.memory_space<vmem>>, vector<2000x64xf32>
      %concatenate3A = tpu.concatenate %get3A_7, %get3A_10 in 1 : vector<2000x64xf32>, vector<2000x64xf32> -> vector<2000x128xf32>
      %swap3A = arith.constant 0 : index
      %swap3A_11 = arith.constant 0 : index
      %swap3A_12 = vector.load %arg9[%swap3A, %swap3A_11] : memref<2000x128xf32, #tpu.memory_space<vmem>>, vector<2000x128xf32>
      tpu.vector_store %arg9[%swap3A, %swap3A_11], %concatenate3A {strides = array<i32>} : memref<2000x128xf32, #tpu.memory_space<vmem>>, vector<2000x128xf32>,
      %swap3A_13 = arith.constant 0 : index
      %swap3A_14 = arith.constant 0 : index
      %swap3A_15 = arith.constant 0 : index
      %swap3A_16 = vector.load %arg10[%swap3A_13, %swap3A_14, %swap3A_15] : memref<2x2000x64xf32, #tpu.memory_space<vmem>>, vector<1x2000x64xf32>
      %swap3A_17 = vector.shape_cast %swap3A_16 : vector<1x2000x64xf32> to vector<2000x64xf32>
      %swap3A_18 = vector.shape_cast %get3A_7 : vector<2000x64xf32> to vector<1x2000x64xf32>
      tpu.vector_store %arg10[%swap3A_13, %swap3A_14, %swap3A_15], %swap3A_18 {strides = array<i32>} : memref<2x2000x64xf32, #tpu.memory_space<vmem>>, vector<1x2000x64xf32>,
      %swap3A_19 = arith.constant 1 : index
      %swap3A_20 = arith.constant 0 : index
      %swap3A_21 = arith.constant 0 : index
      %swap3A_22 = vector.load %arg10[%swap3A_19, %swap3A_20, %swap3A_21] : memref<2x2000x64xf32, #tpu.memory_space<vmem>>, vector<1x2000x64xf32>
      %swap3A_23 = vector.shape_cast %swap3A_22 : vector<1x2000x64xf32> to vector<2000x64xf32>
      %swap3A_24 = vector.shape_cast %get3A_10 : vector<2000x64xf32> to vector<1x2000x64xf32>
      tpu.vector_store %arg10[%swap3A_19, %swap3A_20, %swap3A_21], %swap3A_24 {strides = array<i32>} : memref<2x2000x64xf32, #tpu.memory_space<vmem>>, vector<1x2000x64xf32>,
    } else {
    }
    %ge3A = arith.constant 5 : i32
    %ge3A_2 = arith.cmpi sge, %arg0, %ge3A : i32
    %convert_element_type3A_3 = arith.extui %ge3A_2 : i1 to i32
    %cond3A_4 = arith.constant 0 : i32
    %cond3A_5 = arith.cmpi ne, %convert_element_type3A_3, %cond3A_4 : i32
    scf.if %cond3A_5 {
      %get3A = arith.constant 0 : index
      %get3A_6 = arith.constant 0 : index
      %get3A_7 = vector.load %arg1[%get3A, %get3A_6] : memref<2000x128xf32, #tpu.memory_space<vmem>>, vector<2000x128xf32>
      %get3A_8 = arith.constant 0 : index
      %get3A_9 = arith.constant 0 : index
      %get3A_10 = vector.load %arg5[%get3A_8, %get3A_9] : memref<128x64xf32, #tpu.memory_space<vmem>>, vector<128x64xf32>
      %dot_general3A = arith.constant dense<0.000000e+00> : vector<2000x64xf32>
      %dot_general3A_11 = tpu.matmul %get3A_7, %get3A_10, %dot_general3A {dimension_numbers = #tpu.dot_dimension_numbers<[1], [0], [0], [1], [0, 0, 1, 1], [], []>, transpose_lhs_hint = false} : vector<2000x128xf32>, vector<128x64xf32>, vector<2000x64xf32> -> vector<2000x64xf32>
      %get3A_12 = arith.constant 0 : index
      %get3A_13 = arith.constant 0 : index
      %get3A_14 = vector.load %arg6[%get3A_12, %get3A_13] : memref<1x64xf32, #tpu.memory_space<vmem>>, vector<1x64xf32>
      %add3A = vector.broadcast %get3A_14 : vector<1x64xf32> to vector<2000x64xf32>
      %add3A_15 = arith.addf %dot_general3A_11, %add3A : vector<2000x64xf32>
      %ge3A_16 = arith.constant 0.000000e+00 : f32
      %ge3A_17 = vector.broadcast %ge3A_16 : f32 to vector<2000x64xf32>
      %ge3A_18 = arith.cmpf oge, %add3A_15, %ge3A_17 : vector<2000x64xf32>
      %mul3A = arith.constant 0.00999999977 : f32
      %mul3A_19 = vector.broadcast %mul3A : f32 to vector<2000x64xf32>
      %mul3A_20 = arith.mulf %mul3A_19, %add3A_15 : vector<2000x64xf32>
      %select_n3A = arith.select %ge3A_18, %add3A_15, %mul3A_20 : vector<2000x64xi1>, vector<2000x64xf32>
      %get3A_21 = arith.constant 0 : index
      %get3A_22 = arith.constant 0 : index
      %get3A_23 = vector.load %arg2[%get3A_21, %get3A_22] : memref<2000x128xf32, #tpu.memory_space<vmem>>, vector<2000x128xf32>
      %get3A_24 = arith.constant 0 : index
      %get3A_25 = arith.constant 0 : index
      %get3A_26 = vector.load %arg7[%get3A_24, %get3A_25] : memref<128x64xf32, #tpu.memory_space<vmem>>, vector<128x64xf32>
      %dot_general3A_27 = arith.constant dense<0.000000e+00> : vector<2000x64xf32>
      %dot_general3A_28 = tpu.matmul %get3A_23, %get3A_26, %dot_general3A_27 {dimension_numbers = #tpu.dot_dimension_numbers<[1], [0], [0], [1], [0, 0, 1, 1], [], []>, transpose_lhs_hint = false} : vector<2000x128xf32>, vector<128x64xf32>, vector<2000x64xf32> -> vector<2000x64xf32>
      %get3A_29 = arith.constant 0 : index
      %get3A_30 = arith.constant 0 : index
      %get3A_31 = vector.load %arg8[%get3A_29, %get3A_30] : memref<1x64xf32, #tpu.memory_space<vmem>>, vector<1x64xf32>
      %add3A_32 = vector.broadcast %get3A_31 : vector<1x64xf32> to vector<2000x64xf32>
      %add3A_33 = arith.addf %dot_general3A_28, %add3A_32 : vector<2000x64xf32>
      %ge3A_34 = arith.constant 0.000000e+00 : f32
      %ge3A_35 = vector.broadcast %ge3A_34 : f32 to vector<2000x64xf32>
      %ge3A_36 = arith.cmpf oge, %add3A_33, %ge3A_35 : vector<2000x64xf32>
      %mul3A_37 = arith.constant 0.00999999977 : f32
      %mul3A_38 = vector.broadcast %mul3A_37 : f32 to vector<2000x64xf32>
      %mul3A_39 = arith.mulf %mul3A_38, %add3A_33 : vector<2000x64xf32>
      %select_n3A_40 = arith.select %ge3A_36, %add3A_33, %mul3A_39 : vector<2000x64xi1>, vector<2000x64xf32>
      %concatenate3A = tpu.concatenate %select_n3A, %select_n3A_40 in 1 : vector<2000x64xf32>, vector<2000x64xf32> -> vector<2000x128xf32>
      %swap3A = arith.constant 0 : index
      %swap3A_41 = arith.constant 0 : index
      %swap3A_42 = vector.load %arg9[%swap3A, %swap3A_41] : memref<2000x128xf32, #tpu.memory_space<vmem>>, vector<2000x128xf32>
      tpu.vector_store %arg9[%swap3A, %swap3A_41], %concatenate3A {strides = array<i32>} : memref<2000x128xf32, #tpu.memory_space<vmem>>, vector<2000x128xf32>,
      %swap3A_43 = arith.constant 0 : index
      %swap3A_44 = arith.constant 0 : index
      %swap3A_45 = arith.constant 0 : index
      %swap3A_46 = vector.load %arg10[%swap3A_43, %swap3A_44, %swap3A_45] : memref<2x2000x64xf32, #tpu.memory_space<vmem>>, vector<1x2000x64xf32>
      %swap3A_47 = vector.shape_cast %swap3A_46 : vector<1x2000x64xf32> to vector<2000x64xf32>
      %swap3A_48 = vector.shape_cast %select_n3A : vector<2000x64xf32> to vector<1x2000x64xf32>
      tpu.vector_store %arg10[%swap3A_43, %swap3A_44, %swap3A_45], %swap3A_48 {strides = array<i32>} : memref<2x2000x64xf32, #tpu.memory_space<vmem>>, vector<1x2000x64xf32>,
      %swap3A_49 = arith.constant 1 : index
      %swap3A_50 = arith.constant 0 : index
      %swap3A_51 = arith.constant 0 : index
      %swap3A_52 = vector.load %arg10[%swap3A_49, %swap3A_50, %swap3A_51] : memref<2x2000x64xf32, #tpu.memory_space<vmem>>, vector<1x2000x64xf32>
      %swap3A_53 = vector.shape_cast %swap3A_52 : vector<1x2000x64xf32> to vector<2000x64xf32>
      %swap3A_54 = vector.shape_cast %select_n3A_40 : vector<2000x64xf32> to vector<1x2000x64xf32>
      tpu.vector_store %arg10[%swap3A_49, %swap3A_50, %swap3A_51], %swap3A_54 {strides = array<i32>} : memref<2x2000x64xf32, #tpu.memory_space<vmem>>, vector<1x2000x64xf32>,
    } else {
    }
    return
  }
  func.func @transform_0(%arg0: i32) -> (i32, i32) {
    %sub3A = arith.constant 5 : i32
    %sub3A_0 = arith.subi %arg0, %sub3A : i32
    %max3A = arith.constant 0 : i32
    %max3A_1 = arith.maxsi %sub3A_0, %max3A : i32
    %c0_i32 = arith.constant 0 : i32
    %c0_i32_2 = arith.constant 0 : i32
    return %max3A_1, %c0_i32 : i32, i32
  }
  func.func @transform_1(%arg0: i32) -> (i32, i32) {
    %sub3A = arith.constant 5 : i32
    %sub3A_0 = arith.subi %arg0, %sub3A : i32
    %max3A = arith.constant 0 : i32
    %max3A_1 = arith.maxsi %sub3A_0, %max3A : i32
    %c0_i32 = arith.constant 0 : i32
    %c0_i32_2 = arith.constant 0 : i32
    return %max3A_1, %c0_i32 : i32, i32
  }
  func.func @transform_2(%arg0: i32) -> (i32, i32) {
    %min3A = arith.constant 4 : i32
    %min3A_0 = arith.minsi %arg0, %min3A : i32
    %c0_i32 = arith.constant 0 : i32
    %c0_i32_1 = arith.constant 0 : i32
    return %min3A_0, %c0_i32 : i32, i32
  }
  func.func @transform_3(%arg0: i32) -> (i32, i32) {
    %min3A = arith.constant 4 : i32
    %min3A_0 = arith.minsi %arg0, %min3A : i32
    %c0_i32 = arith.constant 0 : i32
    %c0_i32_1 = arith.constant 0 : i32
    return %min3A_0, %c0_i32 : i32, i32
  }
  func.func @transform_4(%arg0: i32) -> (i32, i32) {
    %c0_i32 = arith.constant 0 : i32
    %c0_i32_0 = arith.constant 0 : i32
    %c0_i32_1 = arith.constant 0 : i32
    return %c0_i32, %c0_i32_0 : i32, i32
  }
  func.func @transform_5(%arg0: i32) -> (i32, i32) {
    %c0_i32 = arith.constant 0 : i32
    %c0_i32_0 = arith.constant 0 : i32
    %c0_i32_1 = arith.constant 0 : i32
    return %c0_i32, %c0_i32_0 : i32, i32
  }
  func.func @transform_6(%arg0: i32) -> (i32, i32) {
    %c0_i32 = arith.constant 0 : i32
    %c0_i32_0 = arith.constant 0 : i32
    %c0_i32_1 = arith.constant 0 : i32
    return %c0_i32, %c0_i32_0 : i32, i32
  }
  func.func @transform_7(%arg0: i32) -> (i32, i32) {
    %c0_i32 = arith.constant 0 : i32
    %c0_i32_0 = arith.constant 0 : i32
    %c0_i32_1 = arith.constant 0 : i32
    return %c0_i32, %c0_i32_0 : i32, i32
  }
  func.func @transform_8(%arg0: i32) -> (i32, i32) {
    %c0_i32 = arith.constant 0 : i32
    %c0_i32_0 = arith.constant 0 : i32
    return %arg0, %c0_i32 : i32, i32
  }
  func.func @transform_9(%arg0: i32) -> (i32, i32, i32) {
    %c0_i32 = arith.constant 0 : i32
    %c0_i32_0 = arith.constant 0 : i32
    %c0_i32_1 = arith.constant 0 : i32
    return %c0_i32, %arg0, %c0_i32_0 : i32, i32, i32
  }
}

module attributes {stable_mosaic.version = 14 : i64} {
  func.func @_comb_body(%arg0: i32, %arg1: memref<2000x160xf32, #tpu.memory_space<vmem>>, %arg2: memref<2000x64xf32, #tpu.memory_space<vmem>>, %arg3: memref<64x64xf32, #tpu.memory_space<vmem>>, %arg4: memref<64x64xf32, #tpu.memory_space<vmem>>, %arg5: memref<64x64xf32, #tpu.memory_space<vmem>>, %arg6: memref<2000x64xf32, #tpu.memory_space<vmem>>) attributes {dimension_semantics = [#tpu.dimension_semantics<arbitrary>], iteration_bounds = array<i64: 25>, scalar_prefetch = 0 : i64, scratch_operands = 0 : i64, tpu.core_type = #tpu.core_type<tc>, window_params = [{transform_indices = @transform_0, window_bounds = array<i64: 2000, 160>}, {transform_indices = @transform_1, window_bounds = array<i64: 2000, 64>}, {pipeline_mode = #tpu.pipeline_mode<synchronous>, transform_indices = @transform_2, window_bounds = array<i64: 64, 64>}, {pipeline_mode = #tpu.pipeline_mode<synchronous>, transform_indices = @transform_3, window_bounds = array<i64: 64, 64>}, {pipeline_mode = #tpu.pipeline_mode<synchronous>, transform_indices = @transform_4, window_bounds = array<i64: 64, 64>}, {transform_indices = @transform_5, window_bounds = array<i64: 2000, 64>}]} {
    %get3A = arith.constant 0 : index
    %get3A_0 = arith.constant 0 : index
    %get3A_1 = vector.load %arg1[%get3A, %get3A_0] : memref<2000x160xf32, #tpu.memory_space<vmem>>, vector<2000x160xf32>
    %slice3A = vector.extract_strided_slice %get3A_1 {offsets = [0, 128], sizes = [2000, 1], strides = [1, 1]} : vector<2000x160xf32> to vector<2000x1xf32>
    %slice3A_2 = vector.extract_strided_slice %get3A_1 {offsets = [0, 144], sizes = [2000, 1], strides = [1, 1]} : vector<2000x160xf32> to vector<2000x1xf32>
    %add3A = arith.addf %slice3A, %slice3A_2 : vector<2000x1xf32>
    %max3A = arith.constant 1.000000e+00 : f32
    %max3A_3 = vector.broadcast %max3A : f32 to vector<2000x1xf32>
    %max3A_4 = arith.maximumf %add3A, %max3A_3 : vector<2000x1xf32>
    %slice3A_5 = vector.extract_strided_slice %get3A_1 {offsets = [0, 0], sizes = [2000, 64], strides = [1, 1]} : vector<2000x160xf32> to vector<2000x64xf32>
    %div3A = vector.broadcast %max3A_4 : vector<2000x1xf32> to vector<2000x64xf32>
    %div3A_6 = arith.divf %slice3A_5, %div3A : vector<2000x64xf32>
    %slice3A_7 = vector.extract_strided_slice %get3A_1 {offsets = [0, 64], sizes = [2000, 64], strides = [1, 1]} : vector<2000x160xf32> to vector<2000x64xf32>
    %div3A_8 = vector.broadcast %max3A_4 : vector<2000x1xf32> to vector<2000x64xf32>
    %div3A_9 = arith.divf %slice3A_7, %div3A_8 : vector<2000x64xf32>
    %get3A_10 = arith.constant 0 : index
    %get3A_11 = arith.constant 0 : index
    %get3A_12 = vector.load %arg2[%get3A_10, %get3A_11] : memref<2000x64xf32, #tpu.memory_space<vmem>>, vector<2000x64xf32>
    %get3A_13 = arith.constant 0 : index
    %get3A_14 = arith.constant 0 : index
    %get3A_15 = vector.load %arg5[%get3A_13, %get3A_14] : memref<64x64xf32, #tpu.memory_space<vmem>>, vector<64x64xf32>
    %dot_general3A = arith.constant dense<0.000000e+00> : vector<2000x64xf32>
    %dot_general3A_16 = tpu.matmul %get3A_12, %get3A_15, %dot_general3A {dimension_numbers = #tpu.dot_dimension_numbers<[1], [0], [0], [1], [0, 0, 1, 1], [], []>, transpose_lhs_hint = false} : vector<2000x64xf32>, vector<64x64xf32>, vector<2000x64xf32> -> vector<2000x64xf32>
    %get3A_17 = arith.constant 0 : index
    %get3A_18 = arith.constant 0 : index
    %get3A_19 = vector.load %arg3[%get3A_17, %get3A_18] : memref<64x64xf32, #tpu.memory_space<vmem>>, vector<64x64xf32>
    %dot_general3A_20 = arith.constant dense<0.000000e+00> : vector<2000x64xf32>
    %dot_general3A_21 = tpu.matmul %div3A_6, %get3A_19, %dot_general3A_20 {dimension_numbers = #tpu.dot_dimension_numbers<[1], [0], [0], [1], [0, 0, 1, 1], [], []>, transpose_lhs_hint = false} : vector<2000x64xf32>, vector<64x64xf32>, vector<2000x64xf32> -> vector<2000x64xf32>
    %add3A_22 = arith.addf %dot_general3A_21, %dot_general3A_16 : vector<2000x64xf32>
    %ge3A = arith.constant 0.000000e+00 : f32
    %ge3A_23 = vector.broadcast %ge3A : f32 to vector<2000x64xf32>
    %ge3A_24 = arith.cmpf oge, %add3A_22, %ge3A_23 : vector<2000x64xf32>
    %mul3A = arith.constant 0.00999999977 : f32
    %mul3A_25 = vector.broadcast %mul3A : f32 to vector<2000x64xf32>
    %mul3A_26 = arith.mulf %mul3A_25, %add3A_22 : vector<2000x64xf32>
    %select_n3A = arith.select %ge3A_24, %add3A_22, %mul3A_26 : vector<2000x64xi1>, vector<2000x64xf32>
    %get3A_27 = arith.constant 0 : index
    %get3A_28 = arith.constant 0 : index
    %get3A_29 = vector.load %arg4[%get3A_27, %get3A_28] : memref<64x64xf32, #tpu.memory_space<vmem>>, vector<64x64xf32>
    %dot_general3A_30 = arith.constant dense<0.000000e+00> : vector<2000x64xf32>
    %dot_general3A_31 = tpu.matmul %div3A_9, %get3A_29, %dot_general3A_30 {dimension_numbers = #tpu.dot_dimension_numbers<[1], [0], [0], [1], [0, 0, 1, 1], [], []>, transpose_lhs_hint = false} : vector<2000x64xf32>, vector<64x64xf32>, vector<2000x64xf32> -> vector<2000x64xf32>
    %add3A_32 = arith.addf %dot_general3A_31, %dot_general3A_16 : vector<2000x64xf32>
    %ge3A_33 = arith.constant 0.000000e+00 : f32
    %ge3A_34 = vector.broadcast %ge3A_33 : f32 to vector<2000x64xf32>
    %ge3A_35 = arith.cmpf oge, %add3A_32, %ge3A_34 : vector<2000x64xf32>
    %mul3A_36 = arith.constant 0.00999999977 : f32
    %mul3A_37 = vector.broadcast %mul3A_36 : f32 to vector<2000x64xf32>
    %mul3A_38 = arith.mulf %mul3A_37, %add3A_32 : vector<2000x64xf32>
    %select_n3A_39 = arith.select %ge3A_35, %add3A_32, %mul3A_38 : vector<2000x64xi1>, vector<2000x64xf32>
    %add3A_40 = arith.addf %select_n3A, %select_n3A_39 : vector<2000x64xf32>
    %add3A_41 = arith.addf %add3A_40, %get3A_12 : vector<2000x64xf32>
    %swap3A = arith.constant 0 : index
    %swap3A_42 = arith.constant 0 : index
    %swap3A_43 = vector.load %arg6[%swap3A, %swap3A_42] : memref<2000x64xf32, #tpu.memory_space<vmem>>, vector<2000x64xf32>
    tpu.vector_store %arg6[%swap3A, %swap3A_42], %add3A_41 {strides = array<i32>} : memref<2000x64xf32, #tpu.memory_space<vmem>>, vector<2000x64xf32>,
    return
  }
  func.func @transform_0(%arg0: i32) -> (i32, i32) {
    %c0_i32 = arith.constant 0 : i32
    %c0_i32_0 = arith.constant 0 : i32
    return %arg0, %c0_i32 : i32, i32
  }
  func.func @transform_1(%arg0: i32) -> (i32, i32) {
    %c0_i32 = arith.constant 0 : i32
    %c0_i32_0 = arith.constant 0 : i32
    return %arg0, %c0_i32 : i32, i32
  }
  func.func @transform_2(%arg0: i32) -> (i32, i32) {
    %c0_i32 = arith.constant 0 : i32
    %c0_i32_0 = arith.constant 0 : i32
    %c0_i32_1 = arith.constant 0 : i32
    return %c0_i32, %c0_i32_0 : i32, i32
  }
  func.func @transform_3(%arg0: i32) -> (i32, i32) {
    %c0_i32 = arith.constant 0 : i32
    %c0_i32_0 = arith.constant 0 : i32
    %c0_i32_1 = arith.constant 0 : i32
    return %c0_i32, %c0_i32_0 : i32, i32
  }
  func.func @transform_4(%arg0: i32) -> (i32, i32) {
    %c0_i32 = arith.constant 0 : i32
    %c0_i32_0 = arith.constant 0 : i32
    %c0_i32_1 = arith.constant 0 : i32
    return %c0_i32, %c0_i32_0 : i32, i32
  }
  func.func @transform_5(%arg0: i32) -> (i32, i32) {
    %c0_i32 = arith.constant 0 : i32
    %c0_i32_0 = arith.constant 0 : i32
    return %arg0, %c0_i32 : i32, i32
  }
}

</mosaic_0001>

<sc_bundles>
// kernel: kernel.5.cloned.1.call-start
scs
__scs_entry_jumppad:
0x0: {  	(pc) =	sbr.rel $0x88, $3  }
0x1: {  	(tag) =	ssettag $0x0;
	lr =	simm.s32 $0x1  }
0x2: {  	[smem:$0x3F94] =	sst lr;
	_ =	strace $0xD0000000  }
0x3: {  	_ = 	snop  }
0x4: {  	_ = 	snop  }
0x5: {  	_ = 	snop  }
0x6: {  	_ = 	snop  }
0x7: {  	_ = 	snop  }
__scs_overlays_trampoline_lowered:
0x8: {  	[smem:$0x3FA3] =	sst s0  }
0x9: {  	[smem:$0x3FA4] =	sst s1  }
0xa: {  	[smem:$0x3FA5] =	sst s2  }
0xb: {  	[smem:$0x3FA6] =	sst s3  }
0xc: {  	[smem:$0x3FA7] =	sst s4  }
0xd: {  	[smem:$0x3FA8] =	sst s5  }
0xe: {  	[smem:$0x3FA9] =	sst s6  }
0xf: {  	[smem:$0x3FAA] =	sst s7  }
0x10: {  	[smem:$0x3FAB] =	sst s8  }
0x11: {  	[smem:$0x3FAC] =	sst s9;
	s0 =	simm.s32 @!p0 $0x0  }
0x12: {  	s1 =	sld [smem:$0x3F92];
	s0 =	simm.s32 @p0 $0x1  }
0x13: {  	[smem:$0x3FAD] =	sst s0;
	s0 =	simm.s32 @!p1 $0x0  }
0x14: {  	s2 =	sld [smem:$0x3F91];
	s0 =	simm.s32 @p1 $0x1  }
0x15: {  	[smem:$0x3FAE] =	sst s0;
	s0 =	simm.s32 @!p2 $0x0  }
0x16: {  	s3 =	sld [smem:$0x3FDB];
	s0 =	simm.s32 @p2 $0x1  }
0x17: {  	s4 =	simm.s32 $0x1BF5;
	[smem:$0x3FB0] =	sst s0  }
0x18: {  	s0 =	sld [smem:$0x3F93];
	_ =	swait.ge [sflag:s4], $0x0  }
0x19: {  	s7 =	sld [smem:$0x3F94]  }
0x1a: {  	s8 =	sadd.s32 $0xFFFFE003, lr  }
0x1b: {  	s9 =	sadd.s32 $0xFFFFFEF7, lr;
	s5 =	simm.s32 $0xFFFFFFFF;
	p2 =	slt.u32 s8, $0xFFFFF086  }
0x1c: {  	p1 =	slt.u32 s9, $0xF7A;
	s5 =	simm.s32 @!p2 $0x0  }
0x1d: {  	s5 =	simm.s32 @p1 $0x1;
	p0 =	seq.s32 s7, s2  }
0x1e: {  	s7 =	smul.u32 @!p0 $0xF7A, s2;
	p2 =	seq.s32 @!p0 s5, $0x0  }
0x1f: {  	s9 =	smul.u32 $0xF7A, s1;
	s8 =	simm.s32 @!p0 $0x1BF5;
	p2 =	por !p2, p0  }
0x20: {  	[sflag:s8] =	ssyncset.s32 @!p0 $0xFFFFF086;
	s6 =	sadd.s32 @!p0 s3, s7;
	s7 =	simm.s32 @!p0 $0x108  }
0x21: {  	s3 =	sadd.s32 s3, s9;
	s6 =	sadd.s32 @!p0 $0x88, s6;
	s7 =	simm.s32 @p2 $0x1082  }
0x22: {  	[simem:s7], [sflag:s8] =	dma.local @!p0 [hbm:s6], $0xF7A  }
0x23: {  	s9 =	sor.u32 $0xD0000000, s2;
	s6 =	simm.s32 $0x108;
	_ =	swait.ge @!p0 [sflag:s8], $0x0  }
0x24: {  	s3 =	sadd.s32 $0x88, s3;
	s6 =	simm.s32 @!p1 $0x1082;
	[sflag:s4] =	ssyncset.s32 $0xFFFFF086  }
0x25: {  	[simem:s6], [sflag:s4] =	dma.local [hbm:s3], $0xF7A  }
0x26: {  	[smem:$0x3F94] =	sst s1;
	(tag) =	ssettag s2;
	_ =	strace s9  }
0x27: {  	s1 =	sld [smem:$0x3FA4]  }
0x28: {  	s2 =	sld [smem:$0x3FA5]  }
0x29: {  	s4 =	sld [smem:$0x3FA7]  }
0x2a: {  	p0 =	seq.s32 s5, $0x0;
	s5 =	sld [smem:$0x3FA8]  }
0x2b: {  	s6 =	sld [smem:$0x3FA9]  }
0x2c: {  	s7 =	sld [smem:$0x3FAA]  }
0x2d: {  	s3 =	simm.s32 $0x108;
	s8 =	sld [smem:$0x3FAB]  }
0x2e: {  	s3 =	simm.s32 @!p0 $0x1082;
	s9 =	sld [smem:$0x3FAC]  }
0x2f: {  	lr =	sadd.s32 s0, s3;
	s0 =	sld [smem:$0x3FA3]  }
0x30: {  	s3 =	sld [smem:$0x3FA6]  }
0x31: {  	[smem:$0x3FAF] =	sst s10  }
0x32: {  	s10 =	sld [smem:$0x3FAD];
	_ =	sdelay $0x3  }
0x33: {  	p0 =	seq.s32 s10, $0x1;
	s10 =	sld [smem:$0x3FAF];
	_ =	sdelay $0x3  }
0x34: {  	[smem:$0x3FAF] =	sst s10  }
0x35: {  	s10 =	sld [smem:$0x3FAE];
	_ =	sdelay $0x3  }
0x36: {  	p1 =	seq.s32 s10, $0x1;
	s10 =	sld [smem:$0x3FAF];
	_ =	sdelay $0x3  }
0x37: {  	[smem:$0x3FAF] =	sst s10  }
0x38: {  	s10 =	sld [smem:$0x3FB0]  }
0x39: {  	_ = 	snop;
	(pc) =	sbr.ind lr, $3  }
0x3a: {  	_ = 	snop  }
0x3b: {  	_ = 	snop  }
0x3c: {  	p2 =	seq.s32 s10, $0x1;
	s10 =	sld [smem:$0x3FAF]  }
0x3d: {  	_ =	shalt  }
0x3e: {  	_ =	shalt  }
0x3f: {  	_ =	shalt  }
0x40: {  	_ =	shalt  }
0x41: {  	_ =	shalt  }
0x42: {  	_ =	shalt  }
0x43: {  	_ =	shalt  }
0x44: {  	_ =	shalt  }
0x45: {  	_ =	shalt  }
0x46: {  	_ =	shalt  }
0x47: {  	_ =	shalt  }
0x48: {  	_ =	shalt  }
0x49: {  	_ =	shalt  }
0x4a: {  	_ =	shalt  }
0x4b: {  	_ =	shalt  }
0x4c: {  	_ =	shalt  }
0x4d: {  	_ =	shalt  }
0x4e: {  	_ =	shalt  }
0x4f: {  	_ =	shalt  }
0x50: {  	_ =	shalt  }
0x51: {  	_ =	shalt  }
0x52: {  	_ =	shalt  }
0x53: {  	_ =	shalt  }
0x54: {  	_ =	shalt  }
0x55: {  	_ =	shalt  }
0x56: {  	_ =	shalt  }
0x57: {  	_ =	shalt  }
0x58: {  	_ =	shalt  }
0x59: {  	_ =	shalt  }
0x5a: {  	_ =	shalt  }
0x5b: {  	_ =	shalt  }
0x5c: {  	_ =	shalt  }
0x5d: {  	_ =	shalt  }
0x5e: {  	_ =	shalt  }
0x5f: {  	_ =	shalt  }
0x60: {  	_ =	shalt  }
0x61: {  	_ =	shalt  }
0x62: {  	_ =	shalt  }
0x63: {  	_ =	shalt  }
0x64: {  	_ =	shalt  }
0x65: {  	_ =	shalt  }
0x66: {  	_ =	shalt  }
0x67: {  	_ =	shalt  }
0x68: {  	_ =	shalt  }
0x69: {  	_ =	shalt  }
0x6a: {  	_ =	shalt  }
0x6b: {  	_ =	shalt  }
0x6c: {  	_ =	shalt  }
0x6d: {  	_ =	shalt  }
0x6e: {  	_ =	shalt  }
0x6f: {  	_ =	shalt  }
0x70: {  	_ =	shalt  }
0x71: {  	_ =	shalt  }
0x72: {  	_ =	shalt  }
0x73: {  	_ =	shalt  }
0x74: {  	_ =	shalt  }
0x75: {  	_ =	shalt  }
0x76: {  	_ =	shalt  }
0x77: {  	_ =	shalt  }
0x78: {  	_ =	shalt  }
0x79: {  	_ =	shalt  }
0x7a: {  	_ =	shalt  }
0x7b: {  	_ =	shalt  }
0x7c: {  	_ =	shalt  }
0x7d: {  	_ =	shalt  }
0x7e: {  	_ =	shalt  }
0x7f: {  	_ =	shalt  }
0x80: {  	_ =	shalt  }
0x81: {  	_ =	shalt  }
0x82: {  	_ =	shalt  }
0x83: {  	_ =	shalt  }
0x84: {  	_ =	shalt  }
0x85: {  	_ =	shalt  }
0x86: {  	_ =	shalt  }
0x87: {  	_ =	shalt  }
.Lfunc_end0:
.L_simem_size_0:
called_computation_lowered:
.L_overlay_start_0:
0x88: {  	s2 =	sld [smem:$0x3FD9]  }
0x89: {  	s3 =	sld [smem:$0x3FFE];
	_ =	sdelay $0x1  }
0x8a: {  	s1 =	srdreg.scid  }
0x8b: {  	s0 =	sand.u32 $0x1, s1  }
0x8c: {  	s14 =	sshll.u32 s0, $0xA;
	s2 =	sadd.s32 s3, s2  }
0x8d: {  	s2 =	sadd.s32 s2, s14  }
0x8e: {  	[smem:$0x3FBB] =	sst s2  }
0x8f: {  	_ = 	snop  }
0x90: {  	s2 =	sld [smem:$0x3FD0];
	_ =	sdelay $0x2  }
0x91: {  	s15 =	simm.s32 $0xA;
	s4 =	simm.s32 $0x10  }
0x92: {  	[smem:s4], [sflag:s15] =	dma.local [hbm:s2], $0x1  }
0x93: {  	_ =	swait.eq [sflag:s15], $0x1  }
0x94: {  	s16 =	sld [smem:$0x10];
	[sflag:s15] =	ssyncset.done $0x0  }
0x95: {  	s17 =	sld [smem:$0x11];
	[sflag:s15] =	ssyncadd.s32 $0xFFFFFFFF  }
0x96: {  	s18 =	sld [smem:$0x12];
	(tm) =	ssettm $0x1  }
0x97: {  	s5 =	sld [smem:$0x3FFB];
	_ =	sdelay $0x3  }
0x98: {  	_ =	strace s5  }
0x99: {  	s5 =	sld [smem:$0x3FFC];
	_ =	sdelay $0x3  }
0x9a: {  	_ =	strace s5  }
0x9b: {  	s5 =	sld [smem:$0x3FFD];
	_ =	sdelay $0x3  }
0x9c: {  	_ =	strace s5  }
0x9d: {  	_ =	strace $0x8FFFFFFF  }
0x9e: {  	s19 =	sld [smem:$0x3FDB];
	_ =	sdelay $0x1  }
0x9f: {  	s6 =	simm.s32 $_scs_section_size  }
0xa0: {  	s7 =	simm.s32 $_size__tile_overlayer_lowered;
	s8 =	simm.s32 $_tile_overlayer_lowered  }
0xa1: {  	s22 =	simm.s32 $0x1BFF;
	s21 =	sshll.u32 s8, $0x1;
	s5 =	sadd.s32 s6, s19  }
0xa2: {  	s9 =	simm.s32 $0x0;
	s20 =	sshll.u32 s7, $0x1;
	s7 =	sadd.s32 s21, s5  }
0xa3: {  	[timem:s9], [sflag:s22] =	dma.local [hbm:s7], s20  }
0xa4: {  	_ =	swait.ge [sflag:s22], s20  }
0xa5: {  	s6 =	ssub.s32 $0x0, s20;
	[sflag:s22] =	ssyncset.done $0x0  }
0xa6: {  	[sflag:s22] =	ssyncadd.s32 s6;
	_ =	sdelay $0x1  }
0xa7: {  	s23 =	simm.s32 $0x1B8B  }
0xa8: {  	_ =	swait.ge [sflag:s23], $0x1  }
0xa9: {  	[sflag:s23] =	ssyncset.done $0x0  }
0xaa: {  	s25 =	simm.s32 $0x1B8E;
	s24 =	sld [smem:$0x3FFE];
	[sflag:s23] =	ssyncadd.s32 $0xFFFFFFFF  }
0xab: {  	s26 =	simm.s32 $execute0_lowered;
	[smem:$0x3FD2] =	sst s25  }
0xac: {  	s7 =	sshll.u32 s26, $0x1;
	_ =	strace $0x80000046;
	[dreg:$0x1] =	wrdreg $0xFFFFFFFF  }
0xad: {  	s28 =	simm.s32 $_size_execute0_lowered;
	s5 =	sadd.s32 s5, s7;
	[dreg:$0x0] =	wrdreg $0x0  }
0xae: {  	s7 =	sshll.u32 s28, $0x1;
	[dreg:$0x2] =	wrdreg s5  }
0xaf: {  	[dreg:$0x3] =	wrdreg s7  }
0xb0: {  	[dreg:$0x4] =	wrdreg $0xC0  }
0xb1: {  	_ =	task [dreg:s9], $0x5FFFF  }
0xb2: {  	[dreg:$0x1] =	wrdreg $0xFFFFFFFF  }
0xb3: {  	[dreg:$0x0] =	wrdreg $0x60  }
0xb4: {  	[dreg:$0x2] =	wrdreg s24  }
0xb5: {  	[dreg:$0x3] =	wrdreg s17  }
0xb6: {  	[dreg:$0x4] =	wrdreg s18  }
0xb7: {  	[dreg:$0x5] =	wrdreg s16  }
0xb8: {  	[dreg:$0x6] =	wrdreg $0x70000  }
0xb9: {  	[dreg:$0x7] =	wrdreg $0x133800  }
0xba: {  	[dreg:$0x8] =	wrdreg $0x9  }
0xbb: {  	_ =	task.clear_ibuf [dreg:s9], $0x9FFFF;
	_ =	strace $0x90000046  }
0xbc: {  	s29 =	simm.s32 $0x9;
	_ =	strace $0x80000048  }
0xbd: {  	_ =	swait.ge [sflag:s29], $0x1  }
0xbe: {  	[sflag:s29] =	ssyncadd.s32 $0xFFFFFFFF  }
0xbf: {  	_ =	strace $0x90000048  }
0xc0: {  	_ =	sfence  }
0xc1: {  	s30 =	sld [smem:$0x0];
	_ =	sdelay $0x2  }
0xc2: {  	s31 =	sshll.u32 s1, $0xD;
	s1 =	sshrl.u32 s1, $0x2  }
0xc3: {  	s3 =	sand.u32 $0x4000, s31;
	s1 =	sadd.s32 s1, s30  }
0xc4: {  	s0 =	sor.u32 s3, s0;
	s1 =	sshll.u32 s1, $0x11  }
0xc5: {  	s0 =	sor.u32 s1, s0  }
0xc6: {  	s0 =	sadd.s32 $0x8F2B, s0  }
0xc7: {  	[sflag:s0] =	ssyncadd.remote.s32 $0x1  }
0xc8: {  	_ =	sfence.sel $0xFFFF  }
0xc9: {  	[dreg:$0x0] =	wrdreg $0xFFFFFFFF;
	(pc) =	sbr.abs _section_cstart, $3  }
0xca: {  	[dreg:$0x1] =	wrdreg $0xFFFFFFFF  }
0xcb: {  	_ =	task.clear_ibuf [dreg:s9], $0x2FFFF;
	_ =	strace $0x9FFFFFFF  }
0xcc: {  	(tm) =	ssettm $0x7FFFFFFF  }
0xcd: {  	_ =	shalt  }
tec
execute0_lowered:
.L_overlay_start_1:
0x0: {  	(tag) =	ssettag $0x1  }
0x1: {  	s0 =	rddreg [dreg:$0x0]  }
0x2: {  	s1 =	rddreg [dreg:$0x1]  }
0x3: {  	s7 =	rddreg [dreg:$0x2]  }
0x4: {  	s3 =	rddreg [dreg:$0x4]  }
0x5: {  	s2 =	stileid.u32;
	s4 =	rddreg [dreg:$0x5]  }
0x6: {  	s5 =	simm.s32 $0x0;
	s13 =	srdreg.scid;
	s6 =	smul.u32 $0xC380, s2  }
0x7: {  	s8 =	smul.u32 $0xF460, s2;
	[smem:$0x7FF] =	sst s5;
	s15 =	sand.u32 $0x1, s13  }
0x8: {  	s13 =	sadd.s32 $0x331FB0, s0;
	_ =	strace $0x80000047;
	s6 =	sadd.s32 s6, s0  }
0x9: {  	[smem:$0x7EF] =	sst s13;
	s8 =	sadd.s32 s8, s0;
	s9 =	sadd.s32 $0x189400, s6  }
0xa: {  	s17 =	sadd.s32 $0x24CE00, s8;
	[dreg:$0x7] =	wrdreg s9  }
0xb: {  	s18 =	sadd.s32 $0x189402, s6;
	[dreg:$0x8] =	wrdreg s17  }
0xc: {  	s19 =	sadd.s32 $0x24CE02, s8;
	[dreg:$0x9] =	wrdreg s18  }
0xd: {  	s20 =	sadd.s32 $0x189404, s6;
	[dreg:$0xa] =	wrdreg s19  }
0xe: {  	s21 =	sadd.s32 $0x24CE04, s8;
	[dreg:$0xb] =	wrdreg s20  }
0xf: {  	s22 =	sadd.s32 $0x189406, s6;
	[dreg:$0xc] =	wrdreg s21  }
0x10: {  	s23 =	sadd.s32 $0x24CE06, s8;
	[dreg:$0xd] =	wrdreg s22  }
0x11: {  	s24 =	sadd.s32 $0x24CE10, s8;
	[dreg:$0xe] =	wrdreg s23  }
0x12: {  	s25 =	sadd.s32 $0x189408, s6;
	[dreg:$0xf] =	wrdreg s24  }
0x13: {  	s26 =	sadd.s32 $0x24CE08, s8;
	[dreg:$0x10] =	wrdreg s25  }
0x14: {  	s10 =	sadd.s32 $0x18940A, s6;
	[dreg:$0x11] =	wrdreg s26  }
0x15: {  	s11 =	sadd.s32 $0x24CE0A, s8;
	[dreg:$0x12] =	wrdreg s10  }
0x16: {  	s12 =	sadd.s32 $0x18940C, s6;
	[dreg:$0x13] =	wrdreg s11  }
0x17: {  	s6 =	sadd.s32 $0x18940E, s6;
	[dreg:$0x14] =	wrdreg s12  }
0x18: {  	s28 =	simm.s32 $0x3;
	s14 =	sadd.s32 $0x24CE0C, s8;
	[dreg:$0x15] =	wrdreg s6  }
0x19: {  	s29 =	simm.s32 $0x800;
	s16 =	sadd.s32 $0x24CE0E, s8;
	[dreg:$0x16] =	wrdreg s14  }
0x1a: {  	s30 =	simm.s32 $0x200;
	s8 =	sadd.s32 $0x24CE12, s8;
	[dreg:$0x17] =	wrdreg s16  }
0x1b: {  	p1 =	seq.s32 s2, $0xF;
	[dreg:$0x18] =	wrdreg s8;
	s17 =	sadd.s32 $0x24CA00, s0  }
0x1c: {  	p0 =	seq.s32 s15, $0x1;
	s11 =	sadd.s32 $0x240880, s0;
	[dreg:$0x19] =	wrdreg s17  }
0x1d: {  	s13 =	simm.s32 $0x2;
	s20 =	sadd.s32 $0x331FA0, s0;
	[dreg:$0x1a] =	wrdreg s11  }
0x1e: {  	s18 =	ssub.s32 $0x2, s15;
	s21 =	sadd.s32 $0x240882, s0;
	[dreg:$0x1b] =	wrdreg s20  }
0x1f: {  	s10 =	smul.u32 $0x30E00, s2;
	s23 =	sadd.s32 $0x331FA2, s0;
	[dreg:$0x1c] =	wrdreg s21  }
0x20: {  	s24 =	sadd.s32 $0x240884, s0;
	s25 =	sadd.s32 $0x331FA4, s0;
	[dreg:$0x1d] =	wrdreg s23  }
0x21: {  	s12 =	sadd.s32 $0x331FA6, s0;
	s14 =	sadd.s32 $0x240888, s0;
	[dreg:$0x1e] =	wrdreg s24  }
0x22: {  	s22 =	smul.u32 $0x1900, s2;
	s16 =	sadd.s32 $0x331FA8, s0;
	[smem:$0x7EE] =	sst s12  }
0x23: {  	s26 =	smul.u32 $0xC80, s2;
	s11 =	sadd.s32 $0x240886, s0;
	[smem:$0x7F0] =	sst s14  }
0x24: {  	s2 =	simm.s32 $0x0;
	[smem:$0x7F1] =	sst s16;
	s17 =	sadd.s32 $0x24088A, s0  }
0x25: {  	[dreg:$0x1f] =	wrdreg s25;
	s20 =	sadd.s32 $0x24088C, s0;
	s21 =	sadd.s32 $0x331FAC, s0  }
0x26: {  	s19 =	sshrl.u32 s18, $0x1;
	s23 =	sadd.s32 $0x331FAE, s0;
	[smem:$0x7ED] =	sst s11  }
0x27: {  	s25 =	sadd.s32 $0xB7480, s3;
	s12 =	simm.s32 $0xA00;
	[smem:$0x7F2] =	sst s17  }
0x28: {  	s16 =	simm.s32 $0xC00;
	s8 =	ssub.s32 s18, s19;
	[smem:$0x7F5] =	sst s20  }
0x29: {  	s31 =	sadd.s32 s22, s1;
	s6 =	sadd.s32 s22, s7;
	[smem:$0x7F7] =	sst s21  }
0x2a: {  	s9 =	sadd.s32 s26, s7;
	s19 =	sadd.s32 $0x331FAA, s0;
	[smem:$0x7F9] =	sst s23  }
0x2b: {  	s15 =	sshrl.u32 s10, $0x2;
	s22 =	sadd.s32 $0x24088E, s0;
	[smem:$0x7FC] =	sst s25  }
0x2c: {  	s0 =	sadd.s32 $0x331FB2, s0;
	s26 =	sadd.s32 $0xB7480, s4;
	[smem:$0x7F4] =	sst s19  }
0x2d: {  	s7 =	simm.s32 $0x3000;
	s10 =	simm.s32 $0x400;
	[smem:$0x7F8] =	sst s22  }
.Ltmp0:
0x2e: {  	s11 =	simm.s32 $0x5000;
	[smem:$0x7FA] =	sst s0;
	(pc) =	sbr.rel .LBB2_1-.Ltmp0, $4  }
0x2f: {  	s18 =	sadd.s32 s15, s3;
	s1 =	sadd.s32 s15, s4;
	[smem:$0x7FD] =	sst s26  }
0x30: {  	s24 =	smax.u32 s8, $0x1;
	s26 =	sadd.s32 $0xC800, s9;
	[smem:$0x7F3] =	sst s18  }
0x31: {  	s8 =	simm.s32 $0x1;
	s15 =	simm.s32 $0x600;
	[smem:$0x7F6] =	sst s1  }
0x32: {  	[smem:$0x7FB] =	sst s24;
	s1 =	simm.s32 $0x1000;
	s18 =	simm.s32 $0xE00  }
.LBB2_23:
0x33: {  	s2 =	sadd.s32 s14, s26;
	[sflag:s13] =	ssyncadd.s32 $0xFFFFE000  }
0x34: {  	[tilespmem:s29], [sflag:$0x3] =	stream.linear.gather [hbm4b:s2+s5], $0x400, $0x38;
	[tilespmem:$0x1F700] =	vst v63  }
0x35: {  	_ =	swait.ge [sflag:s28], $0x400  }
0x36: {  	[sflag:s28] =	ssyncset.done $0x0  }
0x37: {  	[sflag:s28] =	ssyncadd.s32 $0xFFFFFC00  }
0x38: {  	[spmem:s4] =	stream.indirect.scatter.add.f32 [tilespmem:s1], [sflag:$0x2], $0x10, s29, s30, $0xb8;
	[tilespmem:$0x1F700] =	vst v63  }
0x39: {  	_ = 	snop  }
0x3a: {  	[spmem:s4] =	stream.indirect.scatter.add.f32 [tilespmem:s1], [sflag:$0x2], $0x10, s12, s30, $0xb8;
	[tilespmem:$0x1F700] =	vst v63  }
0x3b: {  	_ =	swait.ge [sflag:s13], $0x2000  }
0x3c: {  	[sflag:s13] =	ssyncset.done $0x0  }
0x3d: {  	[sflag:s13] =	ssyncadd.s32 $0xFFFFE000  }
0x3e: {  	_ =	swait.ge [sflag:s13], $0x2000  }
0x3f: {  	[sflag:s13] =	ssyncset.done $0x0  }
0x40: {  	[sflag:s13] =	ssyncadd.s32 $0xFFFFE000  }
0x41: {  	[bflag:$0x0] =	sbarrier.arrive $0xFFFF  }
0x42: {  	s19 =	sld [smem:$0x7FA]  }
0x43: {  	s14 =	simm.s32 @p1 $0x14  }
0x44: {  	s17 =	simm.s32 @p1 $0x2;
	s22 =	simm.s32 @p1 $0x1FC3;
	s2 =	simm.s32 @p1 $0x1  }
0x45: {  	[hbm:s19@s14], [sflag:s22] =	dma.strided @p1 [spmem:s0@s17], $0x1810, s2, $0x2   }
0x46: {  	s0 =	simm.s32 @p1 $0x3  }
0x47: {  	_ =	swait.ge @p1 [sflag:s0], $0x1810  }
0x48: {  	s2 =	simm.s32 @!p1 $0x14;
	s14 =	simm.s32 @!p1 $0x2;
	[sflag:s0] =	ssyncset.done @p1 $0x0  }
0x49: {  	s17 =	rddreg [dreg:$0x18];
	[sflag:s0] =	ssyncadd.s32 @p1 $0xFFFFE7F0;
	s0 =	simm.s32 @!p1 $0x1  }
0x4a: {  	[hbm:s17@s2], [sflag:s21] =	dma.strided @!p1 [spmem:s20@s14], $0x1870, s0, $0x2   }
0x4b: {  	s0 =	simm.s32 @!p1 $0x3  }
0x4c: {  	_ =	swait.ge @!p1 [sflag:s0], $0x1870  }
0x4d: {  	[sflag:s0] =	ssyncset.done @!p1 $0x0  }
0x4e: {  	s2 =	sld [smem:$0x7EC];
	[sflag:s0] =	ssyncadd.s32 @!p1 $0xFFFFE790  }
.LBB2_24:
0x4f: {  	s0 =	sld [smem:$0x7FB];
	_ =	sdelay $0x1  }
0x50: {  	s2 =	sadd.s32 $0x1, s2  }
0x51: {  	p2 =	sne.s32 s2, s0  }
.Ltmp1:
0x52: {  	_ = 	snop;
	(pc) =	sbr.rel @!p2 .LBB2_25-.Ltmp1, $1  }
0x53: {  	_ =	sdelay $0x3  }
.LBB2_1:
0x54: {  	[smem:$0x7EC] =	sst s2  }
0x55: {  	s0 =	sld [smem:$0x7FC];
	s2 =	stileid.u32  }
0x56: {  	s17 =	sshll.u32 @!p1 s2, $0x6;
	s2 =	sld [smem:$0x7F3];
	_ =	sdelay $0x1  }
.Ltmp2:
0x57: {  	s14 =	sshrl.u32 @p1 s0, $0x3;
	s0 =	sld [smem:$0x7FD];
	(pc) =	sbr.rel @!p0 .LBB2_2-.Ltmp2, $2  }
0x58: {  	s24 =	sshrl.u32 @!p1 s2, $0x3;
	s2 =	sld [smem:$0x7F6];
	_ =	sdelay $0x2  }
0x59: {  	s21 =	sor.u32 @!p1 $0x1C03, s17;
	s0 =	sshrl.u32 @p1 s0, $0x3;
	s20 =	sshrl.u32 @!p1 s2, $0x3  }
0x5a: {  	s19 =	sld [smem:$0x7F0]  }
0x5b: {  	s2 =	simm.s32 @p1 $0x1  }
0x5c: {  	s17 =	simm.s32 @p1 $0x2;
	s22 =	simm.s32 @p1 $0x10;
	s23 =	simm.s32 @p1 $0x1FC3  }
0x5d: {  	[spmem:s14@s17], [sflag:s23] =	dma.strided @p1 [hbm:s19@s22], $0x1810, s2, $0x2   }
0x5e: {  	s2 =	simm.s32 @p1 $0x3  }
0x5f: {  	_ =	swait.ge @p1 [sflag:s2], $0x1810  }
0x60: {  	[sflag:s2] =	ssyncset.done @p1 $0x0  }
0x61: {  	[sflag:s2] =	ssyncadd.s32 @p1 $0xFFFFE7F0  }
0x62: {  	s25 =	rddreg [dreg:$0x3]  }
0x63: {  	[spmem:s0], [sflag:s23] =	dma.local @p1 [hbm:s25], $0x1810  }
0x64: {  	_ =	swait.ge @p1 [sflag:s2], $0x1810  }
0x65: {  	s17 =	simm.s32 @!p1 $0x2;
	s22 =	simm.s32 @!p1 $0x10;
	[sflag:s2] =	ssyncset.done @p1 $0x0  }
0x66: {  	s19 =	rddreg [dreg:$0x10];
	[sflag:s2] =	ssyncadd.s32 @p1 $0xFFFFE7F0;
	s2 =	simm.s32 @!p1 $0x1  }
0x67: {  	[spmem:s24@s17], [sflag:s21] =	dma.strided @!p1 [hbm:s19@s22], $0x1870, s2, $0x2   }
0x68: {  	s2 =	simm.s32 @!p1 $0x3  }
0x69: {  	_ =	swait.ge @!p1 [sflag:s2], $0x1870  }
0x6a: {  	[sflag:s2] =	ssyncset.done @!p1 $0x0  }
0x6b: {  	[sflag:s2] =	ssyncadd.s32 @!p1 $0xFFFFE790  }
0x6c: {  	[spmem:s20], [sflag:s21] =	dma.local @!p1 [hbm:s25], $0x1870  }
0x6d: {  	_ =	swait.ge @!p1 [sflag:s2], $0x1870  }
0x6e: {  	[sflag:s2] =	ssyncset.done @!p1 $0x0  }
0x6f: {  	[sflag:s2] =	ssyncadd.s32 @!p1 $0xFFFFE790  }
0x70: {  	s23 =	sadd.s32 $0x0, s31;
	[bflag:$0x0] =	sbarrier.arrive $0xFFFF  }
0x71: {  	[tilespmem:s5], [sflag:$0x3] =	stream.linear.gather [hbm4b:s23+s5], $0x800, $0x38;
	[tilespmem:$0x1F700] =	vst v63  }
0x72: {  	_ =	swait.ge [sflag:s28], $0x800  }
0x73: {  	[sflag:s28] =	ssyncset.done $0x0  }
0x74: {  	s25 =	sadd.s32 $0x0, s6;
	[sflag:s28] =	ssyncadd.s32 $0xFFFFF800  }
0x75: {  	[tilespmem:s29], [sflag:$0x3] =	stream.linear.gather [hbm4b:s25+s5], $0x800, $0x38;
	[tilespmem:$0x1F700] =	vst v63  }
0x76: {  	_ =	swait.ge [sflag:s28], $0x800  }
0x77: {  	[sflag:s28] =	ssyncset.done $0x0  }
0x78: {  	[sflag:s28] =	ssyncadd.s32 $0xFFFFF800  }
0x79: {  	[tilespmem:s1], [sflag:$0x1] =	stream.indirect.gather [spmem:s3], $0x10, s5, s30, $0xb8;
	[tilespmem:$0x1F700] =	vst v63  }
0x7a: {  	_ = 	snop  }
0x7b: {  	[tilespmem:s7], [sflag:$0x1] =	stream.indirect.gather [spmem:s3], $0x10, s30, s30, $0xb8;
	[tilespmem:$0x1F700] =	vst v63  }
0x7c: {  	_ =	swait.ge [sflag:s8], $0x2000  }
0x7d: {  	[sflag:s8] =	ssyncset.done $0x0  }
0x7e: {  	[sflag:s8] =	ssyncadd.s32 $0xFFFFE000  }
0x7f: {  	[spmem:s4] =	stream.indirect.scatter.add.f32 [tilespmem:s1], [sflag:$0x2], $0x10, s29, s30, $0xb8;
	[tilespmem:$0x1F700] =	vst v63  }
0x80: {  	_ = 	snop  }
0x81: {  	[tilespmem:s11], [sflag:$0x1] =	stream.indirect.gather [spmem:s3], $0x10, s10, s30, $0xb8;
	[tilespmem:$0x1F700] =	vst v63  }
0x82: {  	_ =	swait.ge [sflag:s8], $0x2000  }
0x83: {  	[sflag:s8] =	ssyncset.done $0x0  }
0x84: {  	[sflag:s8] =	ssyncadd.s32 $0xFFFFE000  }
0x85: {  	[spmem:s4] =	stream.indirect.scatter.add.f32 [tilespmem:s7], [sflag:$0x2], $0x10, s12, s30, $0xb8;
	[tilespmem:$0x1F700] =	vst v63  }
0x86: {  	_ =	swait.ge [sflag:s13], $0x2000  }
0x87: {  	[sflag:s13] =	ssyncset.done $0x0  }
0x88: {  	[sflag:s13] =	ssyncadd.s32 $0xFFFFE000  }
0x89: {  	[tilespmem:s1], [sflag:$0x1] =	stream.indirect.gather [spmem:s3], $0x10, s15, s30, $0xb8;
	[tilespmem:$0x1F700] =	vst v63  }
0x8a: {  	_ =	swait.ge [sflag:s8], $0x2000  }
0x8b: {  	[sflag:s8] =	ssyncset.done $0x0  }
0x8c: {  	[sflag:s8] =	ssyncadd.s32 $0xFFFFE000  }
0x8d: {  	[spmem:s4] =	stream.indirect.scatter.add.f32 [tilespmem:s11], [sflag:$0x2], $0x10, s16, s30, $0xb8;
	[tilespmem:$0x1F700] =	vst v63  }
0x8e: {  	_ =	swait.ge [sflag:s8], $0x2000  }
0x8f: {  	[sflag:s8] =	ssyncset.done $0x0  }
0x90: {  	[sflag:s8] =	ssyncadd.s32 $0xFFFFE000  }
0x91: {  	[spmem:s4] =	stream.indirect.scatter.add.f32 [tilespmem:s1], [sflag:$0x2], $0x10, s18, s30, $0xb8;
	[tilespmem:$0x1F700] =	vst v63  }
0x92: {  	_ =	swait.ge [sflag:s13], $0x2000  }
0x93: {  	[sflag:s13] =	ssyncset.done $0x0  }
0x94: {  	[sflag:s13] =	ssyncadd.s32 $0xFFFFE000  }
0x95: {  	_ =	swait.ge [sflag:s13], $0x2000  }
0x96: {  	[sflag:s13] =	ssyncset.done $0x0  }
0x97: {  	[sflag:s13] =	ssyncadd.s32 $0xFFFFE000  }
0x98: {  	_ =	swait.ge [sflag:s13], $0x2000  }
0x99: {  	s17 =	simm.s32 $0x100;
	s23 =	simm.s32 $0x200;
	[sflag:s13] =	ssyncset.done $0x0  }
.LBB2_14:
0x9a: {  	s2 =	sadd.s32 s17, s31  }
0x9b: {  	[sflag:s13] =	ssyncadd.s32 $0xFFFFE000;
	s25 =	smov.u32 s23;
	s22 =	sadd.s32 $0x100, s23  }
0x9c: {  	[tilespmem:s5], [sflag:$0x3] =	stream.linear.gather [hbm4b:s2+s5], $0x800, $0x38;
	[tilespmem:$0x1F700] =	vst v63  }
0x9d: {  	p2 =	sne.s32 s23, $0x1800;
	_ =	swait.ge [sflag:s28], $0x800  }
0x9e: {  	[sflag:s28] =	ssyncset.done $0x0  }
0x9f: {  	s2 =	sadd.s32 s17, s6;
	s17 =	smov.u32 s25;
	[sflag:s28] =	ssyncadd.s32 $0xFFFFF800  }
0xa0: {  	[tilespmem:s29], [sflag:$0x3] =	stream.linear.gather [hbm4b:s2+s5], $0x800, $0x38;
	[tilespmem:$0x1F700] =	vst v63  }
0xa1: {  	_ =	swait.ge [sflag:s28], $0x800  }
0xa2: {  	[sflag:s28] =	ssyncset.done $0x0  }
0xa3: {  	[sflag:s28] =	ssyncadd.s32 $0xFFFFF800  }
0xa4: {  	[tilespmem:s1], [sflag:$0x1] =	stream.indirect.gather [spmem:s3], $0x10, s5, s30, $0xb8;
	[tilespmem:$0x1F700] =	vst v63  }
0xa5: {  	_ = 	snop  }
0xa6: {  	[tilespmem:s7], [sflag:$0x1] =	stream.indirect.gather [spmem:s3], $0x10, s30, s30, $0xb8;
	[tilespmem:$0x1F700] =	vst v63  }
0xa7: {  	_ =	swait.ge [sflag:s8], $0x2000  }
0xa8: {  	[sflag:s8] =	ssyncset.done $0x0  }
0xa9: {  	[sflag:s8] =	ssyncadd.s32 $0xFFFFE000  }
0xaa: {  	[spmem:s4] =	stream.indirect.scatter.add.f32 [tilespmem:s1], [sflag:$0x2], $0x10, s29, s30, $0xb8;
	[tilespmem:$0x1F700] =	vst v63  }
0xab: {  	_ = 	snop  }
0xac: {  	[tilespmem:s11], [sflag:$0x1] =	stream.indirect.gather [spmem:s3], $0x10, s10, s30, $0xb8;
	[tilespmem:$0x1F700] =	vst v63  }
0xad: {  	_ =	swait.ge [sflag:s8], $0x2000  }
0xae: {  	[sflag:s8] =	ssyncset.done $0x0  }
0xaf: {  	[sflag:s8] =	ssyncadd.s32 $0xFFFFE000  }
0xb0: {  	[spmem:s4] =	stream.indirect.scatter.add.f32 [tilespmem:s7], [sflag:$0x2], $0x10, s12, s30, $0xb8;
	[tilespmem:$0x1F700] =	vst v63  }
0xb1: {  	_ =	swait.ge [sflag:s13], $0x2000  }
0xb2: {  	[sflag:s13] =	ssyncset.done $0x0  }
0xb3: {  	[sflag:s13] =	ssyncadd.s32 $0xFFFFE000  }
0xb4: {  	[tilespmem:s1], [sflag:$0x1] =	stream.indirect.gather [spmem:s3], $0x10, s15, s30, $0xb8;
	[tilespmem:$0x1F700] =	vst v63  }
0xb5: {  	_ =	swait.ge [sflag:s8], $0x2000  }
0xb6: {  	[sflag:s8] =	ssyncset.done $0x0  }
0xb7: {  	[sflag:s8] =	ssyncadd.s32 $0xFFFFE000  }
0xb8: {  	[spmem:s4] =	stream.indirect.scatter.add.f32 [tilespmem:s11], [sflag:$0x2], $0x10, s16, s30, $0xb8;
	[tilespmem:$0x1F700] =	vst v63  }
0xb9: {  	_ =	swait.ge [sflag:s8], $0x2000  }
0xba: {  	[sflag:s8] =	ssyncset.done $0x0  }
0xbb: {  	[sflag:s8] =	ssyncadd.s32 $0xFFFFE000  }
0xbc: {  	[spmem:s4] =	stream.indirect.scatter.add.f32 [tilespmem:s1], [sflag:$0x2], $0x10, s18, s30, $0xb8;
	[tilespmem:$0x1F700] =	vst v63  }
0xbd: {  	_ =	swait.ge [sflag:s13], $0x2000  }
0xbe: {  	[sflag:s13] =	ssyncset.done $0x0  }
0xbf: {  	[sflag:s13] =	ssyncadd.s32 $0xFFFFE000  }
.Ltmp3:
0xc0: {  	_ =	swait.ge [sflag:s13], $0x2000;
	(pc) =	sbr.rel @p2 .LBB2_14-.Ltmp3, $4  }
0xc1: {  	[sflag:s13] =	ssyncset.done $0x0  }
0xc2: {  	[sflag:s13] =	ssyncadd.s32 $0xFFFFE000  }
0xc3: {  	_ =	swait.ge [sflag:s13], $0x2000  }
0xc4: {  	s23 =	smov.u32 s22;
	[sflag:s13] =	ssyncset.done $0x0  }
0xc5: {  	s2 =	sadd.s32 s17, s31;
	[sflag:s13] =	ssyncadd.s32 $0xFFFFE000  }
0xc6: {  	[tilespmem:s5], [sflag:$0x3] =	stream.linear.gather [hbm4b:s2+s5], $0x800, $0x38;
	[tilespmem:$0x1F700] =	vst v63  }
0xc7: {  	_ =	swait.ge [sflag:s28], $0x800  }
0xc8: {  	[sflag:s28] =	ssyncset.done $0x0  }
0xc9: {  	s22 =	sadd.s32 s17, s6;
	[sflag:s28] =	ssyncadd.s32 $0xFFFFF800  }
0xca: {  	[tilespmem:s29], [sflag:$0x3] =	stream.linear.gather [hbm4b:s22+s5], $0x800, $0x38;
	[tilespmem:$0x1F700] =	vst v63  }
0xcb: {  	_ =	swait.ge [sflag:s28], $0x800  }
0xcc: {  	[sflag:s28] =	ssyncset.done $0x0  }
0xcd: {  	[sflag:s28] =	ssyncadd.s32 $0xFFFFF800  }
0xce: {  	[tilespmem:s1], [sflag:$0x1] =	stream.indirect.gather [spmem:s3], $0x10, s5, s30, $0xb8;
	[tilespmem:$0x1F700] =	vst v63  }
0xcf: {  	_ = 	snop  }
0xd0: {  	[tilespmem:s7], [sflag:$0x1] =	stream.indirect.gather [spmem:s3], $0x10, s30, s30, $0xb8;
	[tilespmem:$0x1F700] =	vst v63  }
0xd1: {  	_ =	swait.ge [sflag:s8], $0x2000  }
0xd2: {  	[sflag:s8] =	ssyncset.done $0x0  }
0xd3: {  	[sflag:s8] =	ssyncadd.s32 $0xFFFFE000  }
0xd4: {  	[spmem:s4] =	stream.indirect.scatter.add.f32 [tilespmem:s1], [sflag:$0x2], $0x10, s29, s30, $0xb8;
	[tilespmem:$0x1F700] =	vst v63  }
0xd5: {  	_ = 	snop  }
0xd6: {  	[tilespmem:s11], [sflag:$0x1] =	stream.indirect.gather [spmem:s3], $0x10, s10, s30, $0xb8;
	[tilespmem:$0x1F700] =	vst v63  }
0xd7: {  	_ =	swait.ge [sflag:s8], $0x2000  }
0xd8: {  	[sflag:s8] =	ssyncset.done $0x0  }
0xd9: {  	[sflag:s8] =	ssyncadd.s32 $0xFFFFE000  }
0xda: {  	[spmem:s4] =	stream.indirect.scatter.add.f32 [tilespmem:s7], [sflag:$0x2], $0x10, s12, s30, $0xb8;
	[tilespmem:$0x1F700] =	vst v63  }
0xdb: {  	_ =	swait.ge [sflag:s13], $0x2000  }
0xdc: {  	[sflag:s13] =	ssyncset.done $0x0  }
0xdd: {  	[sflag:s13] =	ssyncadd.s32 $0xFFFFE000  }
0xde: {  	[tilespmem:s1], [sflag:$0x1] =	stream.indirect.gather [spmem:s3], $0x10, s15, s30, $0xb8;
	[tilespmem:$0x1F700] =	vst v63  }
0xdf: {  	_ =	swait.ge [sflag:s8], $0x2000  }
0xe0: {  	[sflag:s8] =	ssyncset.done $0x0  }
0xe1: {  	[sflag:s8] =	ssyncadd.s32 $0xFFFFE000  }
0xe2: {  	[spmem:s4] =	stream.indirect.scatter.add.f32 [tilespmem:s11], [sflag:$0x2], $0x10, s16, s30, $0xb8;
	[tilespmem:$0x1F700] =	vst v63  }
0xe3: {  	_ =	swait.ge [sflag:s8], $0x2000  }
0xe4: {  	[sflag:s8] =	ssyncset.done $0x0  }
0xe5: {  	[sflag:s8] =	ssyncadd.s32 $0xFFFFE000  }
0xe6: {  	[spmem:s4] =	stream.indirect.scatter.add.f32 [tilespmem:s1], [sflag:$0x2], $0x10, s18, s30, $0xb8;
	[tilespmem:$0x1F700] =	vst v63  }
0xe7: {  	_ =	swait.ge [sflag:s13], $0x2000  }
0xe8: {  	[sflag:s13] =	ssyncset.done $0x0  }
0xe9: {  	[sflag:s13] =	ssyncadd.s32 $0xFFFFE000  }
0xea: {  	_ =	swait.ge [sflag:s13], $0x2000  }
0xeb: {  	[sflag:s13] =	ssyncset.done $0x0  }
0xec: {  	[sflag:s13] =	ssyncadd.s32 $0xFFFFE000  }
0xed: {  	_ =	swait.ge [sflag:s13], $0x2000  }
0xee: {  	[sflag:s13] =	ssyncset.done $0x0  }
0xef: {  	[sflag:s13] =	ssyncadd.s32 $0xFFFFE000  }
0xf0: {  	[bflag:$0x0] =	sbarrier.arrive $0xFFFF  }
0xf1: {  	s19 =	sld [smem:$0x7F1]  }
0xf2: {  	s17 =	simm.s32 @p1 $0x14  }
0xf3: {  	s23 =	simm.s32 @p1 $0x1FC3;
	s2 =	simm.s32 @p1 $0x1;
	s22 =	simm.s32 @p1 $0x2  }
0xf4: {  	[hbm:s19@s17], [sflag:s23] =	dma.strided @p1 [spmem:s0@s22], $0x1810, s2, $0x2   }
0xf5: {  	s17 =	simm.s32 @p1 $0x3  }
0xf6: {  	_ =	swait.ge @p1 [sflag:s17], $0x1810  }
0xf7: {  	s19 =	sld [smem:$0x7F2]  }
0xf8: {  	[sflag:s17] =	ssyncset.done @p1 $0x0  }
0xf9: {  	s25 =	simm.s32 @p1 $0x10;
	[sflag:s17] =	ssyncadd.s32 @p1 $0xFFFFE7F0  }
0xfa: {  	[spmem:s14@s22], [sflag:s23] =	dma.strided @p1 [hbm:s19@s25], $0x1810, s2, $0x2   }
0xfb: {  	_ =	swait.ge @p1 [sflag:s17], $0x1810  }
0xfc: {  	[sflag:s17] =	ssyncset.done @p1 $0x0  }
0xfd: {  	[sflag:s17] =	ssyncadd.s32 @p1 $0xFFFFE7F0  }
0xfe: {  	s25 =	rddreg [dreg:$0x3]  }
0xff: {  	[spmem:s0], [sflag:s23] =	dma.local @p1 [hbm:s25], $0x1810  }
0x100: {  	_ =	swait.ge @p1 [sflag:s17], $0x1810  }
0x101: {  	s2 =	simm.s32 @!p1 $0x1;
	s22 =	simm.s32 @!p1 $0x2;
	[sflag:s17] =	ssyncset.done @p1 $0x0  }
0x102: {  	s19 =	rddreg [dreg:$0x11];
	[sflag:s17] =	ssyncadd.s32 @p1 $0xFFFFE7F0;
	s17 =	simm.s32 @!p1 $0x14  }
0x103: {  	[hbm:s19@s17], [sflag:s21] =	dma.strided @!p1 [spmem:s20@s22], $0x1870, s2, $0x2   }
0x104: {  	s17 =	simm.s32 @!p1 $0x3  }
0x105: {  	_ =	swait.ge @!p1 [sflag:s17], $0x1870  }
0x106: {  	[sflag:s17] =	ssyncset.done @!p1 $0x0  }
0x107: {  	s23 =	simm.s32 @!p1 $0x10;
	s19 =	rddreg [dreg:$0x12];
	[sflag:s17] =	ssyncadd.s32 @!p1 $0xFFFFE790  }
0x108: {  	[spmem:s24@s22], [sflag:s21] =	dma.strided @!p1 [hbm:s19@s23], $0x1870, s2, $0x2   }
0x109: {  	_ =	swait.ge @!p1 [sflag:s17], $0x1870  }
0x10a: {  	[sflag:s17] =	ssyncset.done @!p1 $0x0  }
0x10b: {  	[sflag:s17] =	ssyncadd.s32 @!p1 $0xFFFFE790  }
0x10c: {  	[spmem:s20], [sflag:s21] =	dma.local @!p1 [hbm:s25], $0x1870  }
0x10d: {  	_ =	swait.ge @!p1 [sflag:s17], $0x1870  }
0x10e: {  	[sflag:s17] =	ssyncset.done @!p1 $0x0  }
0x10f: {  	[sflag:s17] =	ssyncadd.s32 @!p1 $0xFFFFE790  }
0x110: {  	s23 =	sadd.s32 $0x0, s31;
	[bflag:$0x0] =	sbarrier.arrive $0xFFFF  }
0x111: {  	[tilespmem:s5], [sflag:$0x3] =	stream.linear.gather [hbm4b:s23+s5], $0x800, $0x38;
	[tilespmem:$0x1F700] =	vst v63  }
0x112: {  	_ =	swait.ge [sflag:s28], $0x800  }
0x113: {  	[sflag:s28] =	ssyncset.done $0x0  }
0x114: {  	s25 =	sadd.s32 $0x0, s6;
	[sflag:s28] =	ssyncadd.s32 $0xFFFFF800  }
0x115: {  	[tilespmem:s29], [sflag:$0x3] =	stream.linear.gather [hbm4b:s25+s5], $0x800, $0x38;
	[tilespmem:$0x1F700] =	vst v63  }
0x116: {  	_ =	swait.ge [sflag:s28], $0x800  }
0x117: {  	[sflag:s28] =	ssyncset.done $0x0  }
0x118: {  	[sflag:s28] =	ssyncadd.s32 $0xFFFFF800  }
0x119: {  	[tilespmem:s1], [sflag:$0x1] =	stream.indirect.gather [spmem:s3], $0x10, s5, s30, $0xb8;
	[tilespmem:$0x1F700] =	vst v63  }
0x11a: {  	_ = 	snop  }
0x11b: {  	[tilespmem:s7], [sflag:$0x1] =	stream.indirect.gather [spmem:s3], $0x10, s30, s30, $0xb8;
	[tilespmem:$0x1F700] =	vst v63  }
0x11c: {  	_ =	swait.ge [sflag:s8], $0x2000  }
0x11d: {  	[sflag:s8] =	ssyncset.done $0x0  }
0x11e: {  	[sflag:s8] =	ssyncadd.s32 $0xFFFFE000  }
0x11f: {  	[spmem:s4] =	stream.indirect.scatter.add.f32 [tilespmem:s1], [sflag:$0x2], $0x10, s29, s30, $0xb8;
	[tilespmem:$0x1F700] =	vst v63  }
0x120: {  	_ = 	snop  }
0x121: {  	[tilespmem:s11], [sflag:$0x1] =	stream.indirect.gather [spmem:s3], $0x10, s10, s30, $0xb8;
	[tilespmem:$0x1F700] =	vst v63  }
0x122: {  	_ =	swait.ge [sflag:s8], $0x2000  }
0x123: {  	[sflag:s8] =	ssyncset.done $0x0  }
0x124: {  	[sflag:s8] =	ssyncadd.s32 $0xFFFFE000  }
0x125: {  	[spmem:s4] =	stream.indirect.scatter.add.f32 [tilespmem:s7], [sflag:$0x2], $0x10, s12, s30, $0xb8;
	[tilespmem:$0x1F700] =	vst v63  }
0x126: {  	_ =	swait.ge [sflag:s13], $0x2000  }
0x127: {  	[sflag:s13] =	ssyncset.done $0x0  }
0x128: {  	[sflag:s13] =	ssyncadd.s32 $0xFFFFE000  }
0x129: {  	[tilespmem:s1], [sflag:$0x1] =	stream.indirect.gather [spmem:s3], $0x10, s15, s30, $0xb8;
	[tilespmem:$0x1F700] =	vst v63  }
0x12a: {  	_ =	swait.ge [sflag:s8], $0x2000  }
0x12b: {  	[sflag:s8] =	ssyncset.done $0x0  }
0x12c: {  	[sflag:s8] =	ssyncadd.s32 $0xFFFFE000  }
0x12d: {  	[spmem:s4] =	stream.indirect.scatter.add.f32 [tilespmem:s11], [sflag:$0x2], $0x10, s16, s30, $0xb8;
	[tilespmem:$0x1F700] =	vst v63  }
0x12e: {  	_ =	swait.ge [sflag:s8], $0x2000  }
0x12f: {  	[sflag:s8] =	ssyncset.done $0x0  }
0x130: {  	[sflag:s8] =	ssyncadd.s32 $0xFFFFE000  }
0x131: {  	[spmem:s4] =	stream.indirect.scatter.add.f32 [tilespmem:s1], [sflag:$0x2], $0x10, s18, s30, $0xb8;
	[tilespmem:$0x1F700] =	vst v63  }
0x132: {  	_ =	swait.ge [sflag:s13], $0x2000  }
0x133: {  	[sflag:s13] =	ssyncset.done $0x0  }
0x134: {  	[sflag:s13] =	ssyncadd.s32 $0xFFFFE000  }
0x135: {  	_ =	swait.ge [sflag:s13], $0x2000  }
0x136: {  	[sflag:s13] =	ssyncset.done $0x0  }
0x137: {  	[sflag:s13] =	ssyncadd.s32 $0xFFFFE000  }
0x138: {  	_ =	swait.ge [sflag:s13], $0x2000  }
0x139: {  	s17 =	simm.s32 $0x100;
	s23 =	simm.s32 $0x200;
	[sflag:s13] =	ssyncset.done $0x0  }
.LBB2_16:
0x13a: {  	s2 =	sadd.s32 s17, s31  }
0x13b: {  	[sflag:s13] =	ssyncadd.s32 $0xFFFFE000;
	s25 =	smov.u32 s23;
	s22 =	sadd.s32 $0x100, s23  }
0x13c: {  	[tilespmem:s5], [sflag:$0x3] =	stream.linear.gather [hbm4b:s2+s5], $0x800, $0x38;
	[tilespmem:$0x1F700] =	vst v63  }
0x13d: {  	p2 =	sne.s32 s23, $0x1800;
	_ =	swait.ge [sflag:s28], $0x800  }
0x13e: {  	[sflag:s28] =	ssyncset.done $0x0  }
0x13f: {  	s2 =	sadd.s32 s17, s6;
	s17 =	smov.u32 s25;
	[sflag:s28] =	ssyncadd.s32 $0xFFFFF800  }
0x140: {  	[tilespmem:s29], [sflag:$0x3] =	stream.linear.gather [hbm4b:s2+s5], $0x800, $0x38;
	[tilespmem:$0x1F700] =	vst v63  }
0x141: {  	_ =	swait.ge [sflag:s28], $0x800  }
0x142: {  	[sflag:s28] =	ssyncset.done $0x0  }
0x143: {  	[sflag:s28] =	ssyncadd.s32 $0xFFFFF800  }
0x144: {  	[tilespmem:s1], [sflag:$0x1] =	stream.indirect.gather [spmem:s3], $0x10, s5, s30, $0xb8;
	[tilespmem:$0x1F700] =	vst v63  }
0x145: {  	_ = 	snop  }
0x146: {  	[tilespmem:s7], [sflag:$0x1] =	stream.indirect.gather [spmem:s3], $0x10, s30, s30, $0xb8;
	[tilespmem:$0x1F700] =	vst v63  }
0x147: {  	_ =	swait.ge [sflag:s8], $0x2000  }
0x148: {  	[sflag:s8] =	ssyncset.done $0x0  }
0x149: {  	[sflag:s8] =	ssyncadd.s32 $0xFFFFE000  }
0x14a: {  	[spmem:s4] =	stream.indirect.scatter.add.f32 [tilespmem:s1], [sflag:$0x2], $0x10, s29, s30, $0xb8;
	[tilespmem:$0x1F700] =	vst v63  }
0x14b: {  	_ = 	snop  }
0x14c: {  	[tilespmem:s11], [sflag:$0x1] =	stream.indirect.gather [spmem:s3], $0x10, s10, s30, $0xb8;
	[tilespmem:$0x1F700] =	vst v63  }
0x14d: {  	_ =	swait.ge [sflag:s8], $0x2000  }
0x14e: {  	[sflag:s8] =	ssyncset.done $0x0  }
0x14f: {  	[sflag:s8] =	ssyncadd.s32 $0xFFFFE000  }
0x150: {  	[spmem:s4] =	stream.indirect.scatter.add.f32 [tilespmem:s7], [sflag:$0x2], $0x10, s12, s30, $0xb8;
	[tilespmem:$0x1F700] =	vst v63  }
0x151: {  	_ =	swait.ge [sflag:s13], $0x2000  }
0x152: {  	[sflag:s13] =	ssyncset.done $0x0  }
0x153: {  	[sflag:s13] =	ssyncadd.s32 $0xFFFFE000  }
0x154: {  	[tilespmem:s1], [sflag:$0x1] =	stream.indirect.gather [spmem:s3], $0x10, s15, s30, $0xb8;
	[tilespmem:$0x1F700] =	vst v63  }
0x155: {  	_ =	swait.ge [sflag:s8], $0x2000  }
0x156: {  	[sflag:s8] =	ssyncset.done $0x0  }
0x157: {  	[sflag:s8] =	ssyncadd.s32 $0xFFFFE000  }
0x158: {  	[spmem:s4] =	stream.indirect.scatter.add.f32 [tilespmem:s11], [sflag:$0x2], $0x10, s16, s30, $0xb8;
	[tilespmem:$0x1F700] =	vst v63  }
0x159: {  	_ =	swait.ge [sflag:s8], $0x2000  }
0x15a: {  	[sflag:s8] =	ssyncset.done $0x0  }
0x15b: {  	[sflag:s8] =	ssyncadd.s32 $0xFFFFE000  }
0x15c: {  	[spmem:s4] =	stream.indirect.scatter.add.f32 [tilespmem:s1], [sflag:$0x2], $0x10, s18, s30, $0xb8;
	[tilespmem:$0x1F700] =	vst v63  }
0x15d: {  	_ =	swait.ge [sflag:s13], $0x2000  }
0x15e: {  	[sflag:s13] =	ssyncset.done $0x0  }
0x15f: {  	[sflag:s13] =	ssyncadd.s32 $0xFFFFE000  }
.Ltmp4:
0x160: {  	_ =	swait.ge [sflag:s13], $0x2000;
	(pc) =	sbr.rel @p2 .LBB2_16-.Ltmp4, $4  }
0x161: {  	[sflag:s13] =	ssyncset.done $0x0  }
0x162: {  	[sflag:s13] =	ssyncadd.s32 $0xFFFFE000  }
0x163: {  	_ =	swait.ge [sflag:s13], $0x2000  }
0x164: {  	s23 =	smov.u32 s22;
	[sflag:s13] =	ssyncset.done $0x0  }
0x165: {  	s2 =	sadd.s32 s17, s31;
	[sflag:s13] =	ssyncadd.s32 $0xFFFFE000  }
0x166: {  	[tilespmem:s5], [sflag:$0x3] =	stream.linear.gather [hbm4b:s2+s5], $0x800, $0x38;
	[tilespmem:$0x1F700] =	vst v63  }
0x167: {  	_ =	swait.ge [sflag:s28], $0x800  }
0x168: {  	[sflag:s28] =	ssyncset.done $0x0  }
0x169: {  	s22 =	sadd.s32 s17, s6;
	[sflag:s28] =	ssyncadd.s32 $0xFFFFF800  }
0x16a: {  	[tilespmem:s29], [sflag:$0x3] =	stream.linear.gather [hbm4b:s22+s5], $0x800, $0x38;
	[tilespmem:$0x1F700] =	vst v63  }
0x16b: {  	_ =	swait.ge [sflag:s28], $0x800  }
0x16c: {  	[sflag:s28] =	ssyncset.done $0x0  }
0x16d: {  	[sflag:s28] =	ssyncadd.s32 $0xFFFFF800  }
0x16e: {  	[tilespmem:s1], [sflag:$0x1] =	stream.indirect.gather [spmem:s3], $0x10, s5, s30, $0xb8;
	[tilespmem:$0x1F700] =	vst v63  }
0x16f: {  	_ = 	snop  }
0x170: {  	[tilespmem:s7], [sflag:$0x1] =	stream.indirect.gather [spmem:s3], $0x10, s30, s30, $0xb8;
	[tilespmem:$0x1F700] =	vst v63  }
0x171: {  	_ =	swait.ge [sflag:s8], $0x2000  }
0x172: {  	[sflag:s8] =	ssyncset.done $0x0  }
0x173: {  	[sflag:s8] =	ssyncadd.s32 $0xFFFFE000  }
0x174: {  	[spmem:s4] =	stream.indirect.scatter.add.f32 [tilespmem:s1], [sflag:$0x2], $0x10, s29, s30, $0xb8;
	[tilespmem:$0x1F700] =	vst v63  }
0x175: {  	_ = 	snop  }
0x176: {  	[tilespmem:s11], [sflag:$0x1] =	stream.indirect.gather [spmem:s3], $0x10, s10, s30, $0xb8;
	[tilespmem:$0x1F700] =	vst v63  }
0x177: {  	_ =	swait.ge [sflag:s8], $0x2000  }
0x178: {  	[sflag:s8] =	ssyncset.done $0x0  }
0x179: {  	[sflag:s8] =	ssyncadd.s32 $0xFFFFE000  }
0x17a: {  	[spmem:s4] =	stream.indirect.scatter.add.f32 [tilespmem:s7], [sflag:$0x2], $0x10, s12, s30, $0xb8;
	[tilespmem:$0x1F700] =	vst v63  }
0x17b: {  	_ =	swait.ge [sflag:s13], $0x2000  }
0x17c: {  	[sflag:s13] =	ssyncset.done $0x0  }
0x17d: {  	[sflag:s13] =	ssyncadd.s32 $0xFFFFE000  }
0x17e: {  	[tilespmem:s1], [sflag:$0x1] =	stream.indirect.gather [spmem:s3], $0x10, s15, s30, $0xb8;
	[tilespmem:$0x1F700] =	vst v63  }
0x17f: {  	_ =	swait.ge [sflag:s8], $0x2000  }
0x180: {  	[sflag:s8] =	ssyncset.done $0x0  }
0x181: {  	[sflag:s8] =	ssyncadd.s32 $0xFFFFE000  }
0x182: {  	[spmem:s4] =	stream.indirect.scatter.add.f32 [tilespmem:s11], [sflag:$0x2], $0x10, s16, s30, $0xb8;
	[tilespmem:$0x1F700] =	vst v63  }
0x183: {  	_ =	swait.ge [sflag:s8], $0x2000  }
0x184: {  	[sflag:s8] =	ssyncset.done $0x0  }
0x185: {  	[sflag:s8] =	ssyncadd.s32 $0xFFFFE000  }
0x186: {  	[spmem:s4] =	stream.indirect.scatter.add.f32 [tilespmem:s1], [sflag:$0x2], $0x10, s18, s30, $0xb8;
	[tilespmem:$0x1F700] =	vst v63  }
0x187: {  	_ =	swait.ge [sflag:s13], $0x2000  }
0x188: {  	[sflag:s13] =	ssyncset.done $0x0  }
0x189: {  	[sflag:s13] =	ssyncadd.s32 $0xFFFFE000  }
0x18a: {  	_ =	swait.ge [sflag:s13], $0x2000  }
0x18b: {  	[sflag:s13] =	ssyncset.done $0x0  }
0x18c: {  	[sflag:s13] =	ssyncadd.s32 $0xFFFFE000  }
0x18d: {  	_ =	swait.ge [sflag:s13], $0x2000  }
0x18e: {  	[sflag:s13] =	ssyncset.done $0x0  }
0x18f: {  	[sflag:s13] =	ssyncadd.s32 $0xFFFFE000  }
0x190: {  	[bflag:$0x0] =	sbarrier.arrive $0xFFFF  }
0x191: {  	s19 =	sld [smem:$0x7F4]  }
0x192: {  	s17 =	simm.s32 @p1 $0x14  }
0x193: {  	s23 =	simm.s32 @p1 $0x1FC3;
	s2 =	simm.s32 @p1 $0x1;
	s22 =	simm.s32 @p1 $0x2  }
0x194: {  	[hbm:s19@s17], [sflag:s23] =	dma.strided @p1 [spmem:s0@s22], $0x1810, s2, $0x2   }
0x195: {  	s17 =	simm.s32 @p1 $0x3  }
0x196: {  	_ =	swait.ge @p1 [sflag:s17], $0x1810  }
0x197: {  	s19 =	sld [smem:$0x7F5]  }
0x198: {  	[sflag:s17] =	ssyncset.done @p1 $0x0  }
0x199: {  	s25 =	simm.s32 @p1 $0x10;
	[sflag:s17] =	ssyncadd.s32 @p1 $0xFFFFE7F0  }
0x19a: {  	[spmem:s14@s22], [sflag:s23] =	dma.strided @p1 [hbm:s19@s25], $0x1810, s2, $0x2   }
0x19b: {  	_ =	swait.ge @p1 [sflag:s17], $0x1810  }
0x19c: {  	[sflag:s17] =	ssyncset.done @p1 $0x0  }
0x19d: {  	[sflag:s17] =	ssyncadd.s32 @p1 $0xFFFFE7F0  }
0x19e: {  	s25 =	rddreg [dreg:$0x3]  }
0x19f: {  	[spmem:s0], [sflag:s23] =	dma.local @p1 [hbm:s25], $0x1810  }
0x1a0: {  	_ =	swait.ge @p1 [sflag:s17], $0x1810  }
0x1a1: {  	s2 =	simm.s32 @!p1 $0x1;
	s22 =	simm.s32 @!p1 $0x2;
	[sflag:s17] =	ssyncset.done @p1 $0x0  }
0x1a2: {  	s19 =	rddreg [dreg:$0x13];
	[sflag:s17] =	ssyncadd.s32 @p1 $0xFFFFE7F0;
	s17 =	simm.s32 @!p1 $0x14  }
0x1a3: {  	[hbm:s19@s17], [sflag:s21] =	dma.strided @!p1 [spmem:s20@s22], $0x1870, s2, $0x2   }
0x1a4: {  	s17 =	simm.s32 @!p1 $0x3  }
0x1a5: {  	_ =	swait.ge @!p1 [sflag:s17], $0x1870  }
0x1a6: {  	[sflag:s17] =	ssyncset.done @!p1 $0x0  }
0x1a7: {  	s23 =	simm.s32 @!p1 $0x10;
	s19 =	rddreg [dreg:$0x14];
	[sflag:s17] =	ssyncadd.s32 @!p1 $0xFFFFE790  }
0x1a8: {  	[spmem:s24@s22], [sflag:s21] =	dma.strided @!p1 [hbm:s19@s23], $0x1870, s2, $0x2   }
0x1a9: {  	_ =	swait.ge @!p1 [sflag:s17], $0x1870  }
0x1aa: {  	[sflag:s17] =	ssyncset.done @!p1 $0x0  }
0x1ab: {  	[sflag:s17] =	ssyncadd.s32 @!p1 $0xFFFFE790  }
0x1ac: {  	[spmem:s20], [sflag:s21] =	dma.local @!p1 [hbm:s25], $0x1870  }
0x1ad: {  	_ =	swait.ge @!p1 [sflag:s17], $0x1870  }
0x1ae: {  	[sflag:s17] =	ssyncset.done @!p1 $0x0  }
0x1af: {  	[sflag:s17] =	ssyncadd.s32 @!p1 $0xFFFFE790  }
0x1b0: {  	s23 =	sadd.s32 $0x0, s31;
	[bflag:$0x0] =	sbarrier.arrive $0xFFFF  }
0x1b1: {  	[tilespmem:s5], [sflag:$0x3] =	stream.linear.gather [hbm4b:s23+s5], $0x800, $0x38;
	[tilespmem:$0x1F700] =	vst v63  }
0x1b2: {  	_ =	swait.ge [sflag:s28], $0x800  }
0x1b3: {  	[sflag:s28] =	ssyncset.done $0x0  }
0x1b4: {  	s25 =	sadd.s32 $0x0, s6;
	[sflag:s28] =	ssyncadd.s32 $0xFFFFF800  }
0x1b5: {  	[tilespmem:s29], [sflag:$0x3] =	stream.linear.gather [hbm4b:s25+s5], $0x800, $0x38;
	[tilespmem:$0x1F700] =	vst v63  }
0x1b6: {  	_ =	swait.ge [sflag:s28], $0x800  }
0x1b7: {  	[sflag:s28] =	ssyncset.done $0x0  }
0x1b8: {  	[sflag:s28] =	ssyncadd.s32 $0xFFFFF800  }
0x1b9: {  	[tilespmem:s1], [sflag:$0x1] =	stream.indirect.gather [spmem:s3], $0x10, s5, s30, $0xb8;
	[tilespmem:$0x1F700] =	vst v63  }
0x1ba: {  	_ = 	snop  }
0x1bb: {  	[tilespmem:s7], [sflag:$0x1] =	stream.indirect.gather [spmem:s3], $0x10, s30, s30, $0xb8;
	[tilespmem:$0x1F700] =	vst v63  }
0x1bc: {  	_ =	swait.ge [sflag:s8], $0x2000  }
0x1bd: {  	[sflag:s8] =	ssyncset.done $0x0  }
0x1be: {  	[sflag:s8] =	ssyncadd.s32 $0xFFFFE000  }
0x1bf: {  	[spmem:s4] =	stream.indirect.scatter.add.f32 [tilespmem:s1], [sflag:$0x2], $0x10, s29, s30, $0xb8;
	[tilespmem:$0x1F700] =	vst v63  }
0x1c0: {  	_ = 	snop  }
0x1c1: {  	[tilespmem:s11], [sflag:$0x1] =	stream.indirect.gather [spmem:s3], $0x10, s10, s30, $0xb8;
	[tilespmem:$0x1F700] =	vst v63  }
0x1c2: {  	_ =	swait.ge [sflag:s8], $0x2000  }
0x1c3: {  	[sflag:s8] =	ssyncset.done $0x0  }
0x1c4: {  	[sflag:s8] =	ssyncadd.s32 $0xFFFFE000  }
0x1c5: {  	[spmem:s4] =	stream.indirect.scatter.add.f32 [tilespmem:s7], [sflag:$0x2], $0x10, s12, s30, $0xb8;
	[tilespmem:$0x1F700] =	vst v63  }
0x1c6: {  	_ =	swait.ge [sflag:s13], $0x2000  }
0x1c7: {  	[sflag:s13] =	ssyncset.done $0x0  }
0x1c8: {  	[sflag:s13] =	ssyncadd.s32 $0xFFFFE000  }
0x1c9: {  	[tilespmem:s1], [sflag:$0x1] =	stream.indirect.gather [spmem:s3], $0x10, s15, s30, $0xb8;
	[tilespmem:$0x1F700] =	vst v63  }
0x1ca: {  	_ =	swait.ge [sflag:s8], $0x2000  }
0x1cb: {  	[sflag:s8] =	ssyncset.done $0x0  }
0x1cc: {  	[sflag:s8] =	ssyncadd.s32 $0xFFFFE000  }
0x1cd: {  	[spmem:s4] =	stream.indirect.scatter.add.f32 [tilespmem:s11], [sflag:$0x2], $0x10, s16, s30, $0xb8;
	[tilespmem:$0x1F700] =	vst v63  }
0x1ce: {  	_ =	swait.ge [sflag:s8], $0x2000  }
0x1cf: {  	[sflag:s8] =	ssyncset.done $0x0  }
0x1d0: {  	[sflag:s8] =	ssyncadd.s32 $0xFFFFE000  }
0x1d1: {  	[spmem:s4] =	stream.indirect.scatter.add.f32 [tilespmem:s1], [sflag:$0x2], $0x10, s18, s30, $0xb8;
	[tilespmem:$0x1F700] =	vst v63  }
0x1d2: {  	_ =	swait.ge [sflag:s13], $0x2000  }
0x1d3: {  	[sflag:s13] =	ssyncset.done $0x0  }
0x1d4: {  	[sflag:s13] =	ssyncadd.s32 $0xFFFFE000  }
0x1d5: {  	_ =	swait.ge [sflag:s13], $0x2000  }
0x1d6: {  	[sflag:s13] =	ssyncset.done $0x0  }
0x1d7: {  	[sflag:s13] =	ssyncadd.s32 $0xFFFFE000  }
0x1d8: {  	_ =	swait.ge [sflag:s13], $0x2000  }
0x1d9: {  	s17 =	simm.s32 $0x100;
	s23 =	simm.s32 $0x200;
	[sflag:s13] =	ssyncset.done $0x0  }
.LBB2_18:
0x1da: {  	s2 =	sadd.s32 s17, s31  }
0x1db: {  	[sflag:s13] =	ssyncadd.s32 $0xFFFFE000;
	s25 =	smov.u32 s23;
	s22 =	sadd.s32 $0x100, s23  }
0x1dc: {  	[tilespmem:s5], [sflag:$0x3] =	stream.linear.gather [hbm4b:s2+s5], $0x800, $0x38;
	[tilespmem:$0x1F700] =	vst v63  }
0x1dd: {  	p2 =	sne.s32 s23, $0x1800;
	_ =	swait.ge [sflag:s28], $0x800  }
0x1de: {  	[sflag:s28] =	ssyncset.done $0x0  }
0x1df: {  	s2 =	sadd.s32 s17, s6;
	s17 =	smov.u32 s25;
	[sflag:s28] =	ssyncadd.s32 $0xFFFFF800  }
0x1e0: {  	[tilespmem:s29], [sflag:$0x3] =	stream.linear.gather [hbm4b:s2+s5], $0x800, $0x38;
	[tilespmem:$0x1F700] =	vst v63  }
0x1e1: {  	_ =	swait.ge [sflag:s28], $0x800  }
0x1e2: {  	[sflag:s28] =	ssyncset.done $0x0  }
0x1e3: {  	[sflag:s28] =	ssyncadd.s32 $0xFFFFF800  }
0x1e4: {  	[tilespmem:s1], [sflag:$0x1] =	stream.indirect.gather [spmem:s3], $0x10, s5, s30, $0xb8;
	[tilespmem:$0x1F700] =	vst v63  }
0x1e5: {  	_ = 	snop  }
0x1e6: {  	[tilespmem:s7], [sflag:$0x1] =	stream.indirect.gather [spmem:s3], $0x10, s30, s30, $0xb8;
	[tilespmem:$0x1F700] =	vst v63  }
0x1e7: {  	_ =	swait.ge [sflag:s8], $0x2000  }
0x1e8: {  	[sflag:s8] =	ssyncset.done $0x0  }
0x1e9: {  	[sflag:s8] =	ssyncadd.s32 $0xFFFFE000  }
0x1ea: {  	[spmem:s4] =	stream.indirect.scatter.add.f32 [tilespmem:s1], [sflag:$0x2], $0x10, s29, s30, $0xb8;
	[tilespmem:$0x1F700] =	vst v63  }
0x1eb: {  	_ = 	snop  }
0x1ec: {  	[tilespmem:s11], [sflag:$0x1] =	stream.indirect.gather [spmem:s3], $0x10, s10, s30, $0xb8;
	[tilespmem:$0x1F700] =	vst v63  }
0x1ed: {  	_ =	swait.ge [sflag:s8], $0x2000  }
0x1ee: {  	[sflag:s8] =	ssyncset.done $0x0  }
0x1ef: {  	[sflag:s8] =	ssyncadd.s32 $0xFFFFE000  }
0x1f0: {  	[spmem:s4] =	stream.indirect.scatter.add.f32 [tilespmem:s7], [sflag:$0x2], $0x10, s12, s30, $0xb8;
	[tilespmem:$0x1F700] =	vst v63  }
0x1f1: {  	_ =	swait.ge [sflag:s13], $0x2000  }
0x1f2: {  	[sflag:s13] =	ssyncset.done $0x0  }
0x1f3: {  	[sflag:s13] =	ssyncadd.s32 $0xFFFFE000  }
0x1f4: {  	[tilespmem:s1], [sflag:$0x1] =	stream.indirect.gather [spmem:s3], $0x10, s15, s30, $0xb8;
	[tilespmem:$0x1F700] =	vst v63  }
0x1f5: {  	_ =	swait.ge [sflag:s8], $0x2000  }
0x1f6: {  	[sflag:s8] =	ssyncset.done $0x0  }
0x1f7: {  	[sflag:s8] =	ssyncadd.s32 $0xFFFFE000  }
0x1f8: {  	[spmem:s4] =	stream.indirect.scatter.add.f32 [tilespmem:s11], [sflag:$0x2], $0x10, s16, s30, $0xb8;
	[tilespmem:$0x1F700] =	vst v63  }
0x1f9: {  	_ =	swait.ge [sflag:s8], $0x2000  }
0x1fa: {  	[sflag:s8] =	ssyncset.done $0x0  }
0x1fb: {  	[sflag:s8] =	ssyncadd.s32 $0xFFFFE000  }
0x1fc: {  	[spmem:s4] =	stream.indirect.scatter.add.f32 [tilespmem:s1], [sflag:$0x2], $0x10, s18, s30, $0xb8;
	[tilespmem:$0x1F700] =	vst v63  }
0x1fd: {  	_ =	swait.ge [sflag:s13], $0x2000  }
0x1fe: {  	[sflag:s13] =	ssyncset.done $0x0  }
0x1ff: {  	[sflag:s13] =	ssyncadd.s32 $0xFFFFE000  }
.Ltmp5:
0x200: {  	_ =	swait.ge [sflag:s13], $0x2000;
	(pc) =	sbr.rel @p2 .LBB2_18-.Ltmp5, $4  }
0x201: {  	[sflag:s13] =	ssyncset.done $0x0  }
0x202: {  	[sflag:s13] =	ssyncadd.s32 $0xFFFFE000  }
0x203: {  	_ =	swait.ge [sflag:s13], $0x2000  }
0x204: {  	s23 =	smov.u32 s22;
	[sflag:s13] =	ssyncset.done $0x0  }
0x205: {  	s2 =	sadd.s32 s17, s31;
	[sflag:s13] =	ssyncadd.s32 $0xFFFFE000  }
0x206: {  	[tilespmem:s5], [sflag:$0x3] =	stream.linear.gather [hbm4b:s2+s5], $0x800, $0x38;
	[tilespmem:$0x1F700] =	vst v63  }
0x207: {  	_ =	swait.ge [sflag:s28], $0x800  }
0x208: {  	[sflag:s28] =	ssyncset.done $0x0  }
0x209: {  	s23 =	sadd.s32 s17, s6;
	[sflag:s28] =	ssyncadd.s32 $0xFFFFF800  }
0x20a: {  	[tilespmem:s29], [sflag:$0x3] =	stream.linear.gather [hbm4b:s23+s5], $0x800, $0x38;
	[tilespmem:$0x1F700] =	vst v63  }
0x20b: {  	_ =	swait.ge [sflag:s28], $0x800  }
0x20c: {  	[sflag:s28] =	ssyncset.done $0x0  }
0x20d: {  	[sflag:s28] =	ssyncadd.s32 $0xFFFFF800  }
0x20e: {  	[tilespmem:s1], [sflag:$0x1] =	stream.indirect.gather [spmem:s3], $0x10, s5, s30, $0xb8;
	[tilespmem:$0x1F700] =	vst v63  }
0x20f: {  	_ = 	snop  }
0x210: {  	[tilespmem:s7], [sflag:$0x1] =	stream.indirect.gather [spmem:s3], $0x10, s30, s30, $0xb8;
	[tilespmem:$0x1F700] =	vst v63  }
0x211: {  	_ =	swait.ge [sflag:s8], $0x2000  }
0x212: {  	[sflag:s8] =	ssyncset.done $0x0  }
0x213: {  	[sflag:s8] =	ssyncadd.s32 $0xFFFFE000  }
0x214: {  	[spmem:s4] =	stream.indirect.scatter.add.f32 [tilespmem:s1], [sflag:$0x2], $0x10, s29, s30, $0xb8;
	[tilespmem:$0x1F700] =	vst v63  }
0x215: {  	_ = 	snop  }
0x216: {  	[tilespmem:s11], [sflag:$0x1] =	stream.indirect.gather [spmem:s3], $0x10, s10, s30, $0xb8;
	[tilespmem:$0x1F700] =	vst v63  }
0x217: {  	_ =	swait.ge [sflag:s8], $0x2000  }
0x218: {  	[sflag:s8] =	ssyncset.done $0x0  }
0x219: {  	[sflag:s8] =	ssyncadd.s32 $0xFFFFE000  }
0x21a: {  	[spmem:s4] =	stream.indirect.scatter.add.f32 [tilespmem:s7], [sflag:$0x2], $0x10, s12, s30, $0xb8;
	[tilespmem:$0x1F700] =	vst v63  }
0x21b: {  	_ =	swait.ge [sflag:s13], $0x2000  }
0x21c: {  	[sflag:s13] =	ssyncset.done $0x0  }
0x21d: {  	[sflag:s13] =	ssyncadd.s32 $0xFFFFE000  }
0x21e: {  	[tilespmem:s1], [sflag:$0x1] =	stream.indirect.gather [spmem:s3], $0x10, s15, s30, $0xb8;
	[tilespmem:$0x1F700] =	vst v63  }
0x21f: {  	_ =	swait.ge [sflag:s8], $0x2000  }
0x220: {  	[sflag:s8] =	ssyncset.done $0x0  }
0x221: {  	[sflag:s8] =	ssyncadd.s32 $0xFFFFE000  }
0x222: {  	[spmem:s4] =	stream.indirect.scatter.add.f32 [tilespmem:s11], [sflag:$0x2], $0x10, s16, s30, $0xb8;
	[tilespmem:$0x1F700] =	vst v63  }
0x223: {  	_ =	swait.ge [sflag:s8], $0x2000  }
0x224: {  	[sflag:s8] =	ssyncset.done $0x0  }
0x225: {  	[sflag:s8] =	ssyncadd.s32 $0xFFFFE000  }
0x226: {  	[spmem:s4] =	stream.indirect.scatter.add.f32 [tilespmem:s1], [sflag:$0x2], $0x10, s18, s30, $0xb8;
	[tilespmem:$0x1F700] =	vst v63  }
0x227: {  	_ =	swait.ge [sflag:s13], $0x2000  }
0x228: {  	[sflag:s13] =	ssyncset.done $0x0  }
0x229: {  	[sflag:s13] =	ssyncadd.s32 $0xFFFFE000  }
0x22a: {  	_ =	swait.ge [sflag:s13], $0x2000  }
0x22b: {  	[sflag:s13] =	ssyncset.done $0x0  }
0x22c: {  	[sflag:s13] =	ssyncadd.s32 $0xFFFFE000  }
0x22d: {  	_ =	swait.ge [sflag:s13], $0x2000  }
0x22e: {  	[sflag:s13] =	ssyncset.done $0x0  }
0x22f: {  	[sflag:s13] =	ssyncadd.s32 $0xFFFFE000  }
0x230: {  	[bflag:$0x0] =	sbarrier.arrive $0xFFFF  }
0x231: {  	s19 =	sld [smem:$0x7F7]  }
0x232: {  	s17 =	simm.s32 @p1 $0x14  }
0x233: {  	s22 =	simm.s32 @p1 $0x2;
	s2 =	simm.s32 @p1 $0x1;
	s23 =	simm.s32 @p1 $0x1FC3  }
0x234: {  	[hbm:s19@s17], [sflag:s23] =	dma.strided @p1 [spmem:s0@s22], $0x1810, s2, $0x2   }
0x235: {  	s17 =	simm.s32 @p1 $0x3  }
0x236: {  	_ =	swait.ge @p1 [sflag:s17], $0x1810  }
0x237: {  	s19 =	sld [smem:$0x7F8]  }
0x238: {  	[sflag:s17] =	ssyncset.done @p1 $0x0  }
0x239: {  	s25 =	simm.s32 @p1 $0x10;
	[sflag:s17] =	ssyncadd.s32 @p1 $0xFFFFE7F0  }
0x23a: {  	[spmem:s14@s22], [sflag:s23] =	dma.strided @p1 [hbm:s19@s25], $0x1810, s2, $0x2   }
0x23b: {  	_ =	swait.ge @p1 [sflag:s17], $0x1810  }
0x23c: {  	[sflag:s17] =	ssyncset.done @p1 $0x0  }
0x23d: {  	[sflag:s17] =	ssyncadd.s32 @p1 $0xFFFFE7F0  }
0x23e: {  	s25 =	rddreg [dreg:$0x3]  }
0x23f: {  	[spmem:s0], [sflag:s23] =	dma.local @p1 [hbm:s25], $0x1810  }
0x240: {  	_ =	swait.ge @p1 [sflag:s17], $0x1810  }
0x241: {  	s2 =	simm.s32 @!p1 $0x1;
	s14 =	simm.s32 @!p1 $0x14;
	[sflag:s17] =	ssyncset.done @p1 $0x0  }
0x242: {  	s19 =	rddreg [dreg:$0x16];
	[sflag:s17] =	ssyncadd.s32 @p1 $0xFFFFE7F0;
	s17 =	simm.s32 @!p1 $0x2  }
0x243: {  	[hbm:s19@s14], [sflag:s21] =	dma.strided @!p1 [spmem:s20@s17], $0x1870, s2, $0x2   }
0x244: {  	s14 =	simm.s32 @!p1 $0x3  }
0x245: {  	_ =	swait.ge @!p1 [sflag:s14], $0x1870  }
0x246: {  	[sflag:s14] =	ssyncset.done @!p1 $0x0  }
0x247: {  	s22 =	simm.s32 @!p1 $0x10;
	s19 =	rddreg [dreg:$0x15];
	[sflag:s14] =	ssyncadd.s32 @!p1 $0xFFFFE790  }
0x248: {  	[spmem:s24@s17], [sflag:s21] =	dma.strided @!p1 [hbm:s19@s22], $0x1870, s2, $0x2   }
0x249: {  	_ =	swait.ge @!p1 [sflag:s14], $0x1870  }
0x24a: {  	[sflag:s14] =	ssyncset.done @!p1 $0x0  }
0x24b: {  	[sflag:s14] =	ssyncadd.s32 @!p1 $0xFFFFE790  }
0x24c: {  	[spmem:s20], [sflag:s21] =	dma.local @!p1 [hbm:s25], $0x1870  }
0x24d: {  	_ =	swait.ge @!p1 [sflag:s14], $0x1870  }
0x24e: {  	[sflag:s14] =	ssyncset.done @!p1 $0x0  }
0x24f: {  	[sflag:s14] =	ssyncadd.s32 @!p1 $0xFFFFE790  }
0x250: {  	s24 =	sadd.s32 $0x0, s31;
	[bflag:$0x0] =	sbarrier.arrive $0xFFFF  }
0x251: {  	[tilespmem:s5], [sflag:$0x3] =	stream.linear.gather [hbm4b:s24+s5], $0x800, $0x38;
	[tilespmem:$0x1F700] =	vst v63  }
0x252: {  	_ =	swait.ge [sflag:s28], $0x800  }
0x253: {  	[sflag:s28] =	ssyncset.done $0x0  }
0x254: {  	s25 =	sadd.s32 $0x0, s6;
	[sflag:s28] =	ssyncadd.s32 $0xFFFFF800  }
0x255: {  	[tilespmem:s29], [sflag:$0x3] =	stream.linear.gather [hbm4b:s25+s5], $0x800, $0x38;
	[tilespmem:$0x1F700] =	vst v63  }
0x256: {  	_ =	swait.ge [sflag:s28], $0x800  }
0x257: {  	[sflag:s28] =	ssyncset.done $0x0  }
0x258: {  	[sflag:s28] =	ssyncadd.s32 $0xFFFFF800  }
0x259: {  	[tilespmem:s1], [sflag:$0x1] =	stream.indirect.gather [spmem:s3], $0x10, s5, s30, $0xb8;
	[tilespmem:$0x1F700] =	vst v63  }
0x25a: {  	_ = 	snop  }
0x25b: {  	[tilespmem:s7], [sflag:$0x1] =	stream.indirect.gather [spmem:s3], $0x10, s30, s30, $0xb8;
	[tilespmem:$0x1F700] =	vst v63  }
0x25c: {  	_ =	swait.ge [sflag:s8], $0x2000  }
0x25d: {  	[sflag:s8] =	ssyncset.done $0x0  }
0x25e: {  	[sflag:s8] =	ssyncadd.s32 $0xFFFFE000  }
0x25f: {  	[spmem:s4] =	stream.indirect.scatter.add.f32 [tilespmem:s1], [sflag:$0x2], $0x10, s29, s30, $0xb8;
	[tilespmem:$0x1F700] =	vst v63  }
0x260: {  	_ = 	snop  }
0x261: {  	[tilespmem:s11], [sflag:$0x1] =	stream.indirect.gather [spmem:s3], $0x10, s10, s30, $0xb8;
	[tilespmem:$0x1F700] =	vst v63  }
0x262: {  	_ =	swait.ge [sflag:s8], $0x2000  }
0x263: {  	[sflag:s8] =	ssyncset.done $0x0  }
0x264: {  	[sflag:s8] =	ssyncadd.s32 $0xFFFFE000  }
0x265: {  	[spmem:s4] =	stream.indirect.scatter.add.f32 [tilespmem:s7], [sflag:$0x2], $0x10, s12, s30, $0xb8;
	[tilespmem:$0x1F700] =	vst v63  }
0x266: {  	_ =	swait.ge [sflag:s13], $0x2000  }
0x267: {  	[sflag:s13] =	ssyncset.done $0x0  }
0x268: {  	[sflag:s13] =	ssyncadd.s32 $0xFFFFE000  }
0x269: {  	[tilespmem:s1], [sflag:$0x1] =	stream.indirect.gather [spmem:s3], $0x10, s15, s30, $0xb8;
	[tilespmem:$0x1F700] =	vst v63  }
0x26a: {  	_ =	swait.ge [sflag:s8], $0x2000  }
0x26b: {  	[sflag:s8] =	ssyncset.done $0x0  }
0x26c: {  	[sflag:s8] =	ssyncadd.s32 $0xFFFFE000  }
0x26d: {  	[spmem:s4] =	stream.indirect.scatter.add.f32 [tilespmem:s11], [sflag:$0x2], $0x10, s16, s30, $0xb8;
	[tilespmem:$0x1F700] =	vst v63  }
0x26e: {  	_ =	swait.ge [sflag:s8], $0x2000  }
0x26f: {  	[sflag:s8] =	ssyncset.done $0x0  }
0x270: {  	[sflag:s8] =	ssyncadd.s32 $0xFFFFE000  }
0x271: {  	[spmem:s4] =	stream.indirect.scatter.add.f32 [tilespmem:s1], [sflag:$0x2], $0x10, s18, s30, $0xb8;
	[tilespmem:$0x1F700] =	vst v63  }
0x272: {  	_ =	swait.ge [sflag:s13], $0x2000  }
0x273: {  	[sflag:s13] =	ssyncset.done $0x0  }
0x274: {  	[sflag:s13] =	ssyncadd.s32 $0xFFFFE000  }
0x275: {  	_ =	swait.ge [sflag:s13], $0x2000  }
0x276: {  	[sflag:s13] =	ssyncset.done $0x0  }
0x277: {  	[sflag:s13] =	ssyncadd.s32 $0xFFFFE000  }
0x278: {  	_ =	swait.ge [sflag:s13], $0x2000  }
0x279: {  	s22 =	simm.s32 $0x200;
	s14 =	simm.s32 $0x100;
	[sflag:s13] =	ssyncset.done $0x0  }
.LBB2_20:
0x27a: {  	s2 =	sadd.s32 s14, s31  }
0x27b: {  	[sflag:s13] =	ssyncadd.s32 $0xFFFFE000;
	s23 =	smov.u32 s22;
	s17 =	sadd.s32 $0x100, s22  }
0x27c: {  	[tilespmem:s5], [sflag:$0x3] =	stream.linear.gather [hbm4b:s2+s5], $0x800, $0x38;
	[tilespmem:$0x1F700] =	vst v63  }
0x27d: {  	p2 =	sne.s32 s22, $0x1800;
	_ =	swait.ge [sflag:s28], $0x800  }
0x27e: {  	[sflag:s28] =	ssyncset.done $0x0  }
0x27f: {  	s2 =	sadd.s32 s14, s6;
	s14 =	smov.u32 s23;
	[sflag:s28] =	ssyncadd.s32 $0xFFFFF800  }
0x280: {  	[tilespmem:s29], [sflag:$0x3] =	stream.linear.gather [hbm4b:s2+s5], $0x800, $0x38;
	[tilespmem:$0x1F700] =	vst v63  }
0x281: {  	_ =	swait.ge [sflag:s28], $0x800  }
0x282: {  	[sflag:s28] =	ssyncset.done $0x0  }
0x283: {  	[sflag:s28] =	ssyncadd.s32 $0xFFFFF800  }
0x284: {  	[tilespmem:s1], [sflag:$0x1] =	stream.indirect.gather [spmem:s3], $0x10, s5, s30, $0xb8;
	[tilespmem:$0x1F700] =	vst v63  }
0x285: {  	_ = 	snop  }
0x286: {  	[tilespmem:s7], [sflag:$0x1] =	stream.indirect.gather [spmem:s3], $0x10, s30, s30, $0xb8;
	[tilespmem:$0x1F700] =	vst v63  }
0x287: {  	_ =	swait.ge [sflag:s8], $0x2000  }
0x288: {  	[sflag:s8] =	ssyncset.done $0x0  }
0x289: {  	[sflag:s8] =	ssyncadd.s32 $0xFFFFE000  }
0x28a: {  	[spmem:s4] =	stream.indirect.scatter.add.f32 [tilespmem:s1], [sflag:$0x2], $0x10, s29, s30, $0xb8;
	[tilespmem:$0x1F700] =	vst v63  }
0x28b: {  	_ = 	snop  }
0x28c: {  	[tilespmem:s11], [sflag:$0x1] =	stream.indirect.gather [spmem:s3], $0x10, s10, s30, $0xb8;
	[tilespmem:$0x1F700] =	vst v63  }
0x28d: {  	_ =	swait.ge [sflag:s8], $0x2000  }
0x28e: {  	[sflag:s8] =	ssyncset.done $0x0  }
0x28f: {  	[sflag:s8] =	ssyncadd.s32 $0xFFFFE000  }
0x290: {  	[spmem:s4] =	stream.indirect.scatter.add.f32 [tilespmem:s7], [sflag:$0x2], $0x10, s12, s30, $0xb8;
	[tilespmem:$0x1F700] =	vst v63  }
0x291: {  	_ =	swait.ge [sflag:s13], $0x2000  }
0x292: {  	[sflag:s13] =	ssyncset.done $0x0  }
0x293: {  	[sflag:s13] =	ssyncadd.s32 $0xFFFFE000  }
0x294: {  	[tilespmem:s1], [sflag:$0x1] =	stream.indirect.gather [spmem:s3], $0x10, s15, s30, $0xb8;
	[tilespmem:$0x1F700] =	vst v63  }
0x295: {  	_ =	swait.ge [sflag:s8], $0x2000  }
0x296: {  	[sflag:s8] =	ssyncset.done $0x0  }
0x297: {  	[sflag:s8] =	ssyncadd.s32 $0xFFFFE000  }
0x298: {  	[spmem:s4] =	stream.indirect.scatter.add.f32 [tilespmem:s11], [sflag:$0x2], $0x10, s16, s30, $0xb8;
	[tilespmem:$0x1F700] =	vst v63  }
0x299: {  	_ =	swait.ge [sflag:s8], $0x2000  }
0x29a: {  	[sflag:s8] =	ssyncset.done $0x0  }
0x29b: {  	[sflag:s8] =	ssyncadd.s32 $0xFFFFE000  }
0x29c: {  	[spmem:s4] =	stream.indirect.scatter.add.f32 [tilespmem:s1], [sflag:$0x2], $0x10, s18, s30, $0xb8;
	[tilespmem:$0x1F700] =	vst v63  }
0x29d: {  	_ =	swait.ge [sflag:s13], $0x2000  }
0x29e: {  	[sflag:s13] =	ssyncset.done $0x0  }
0x29f: {  	[sflag:s13] =	ssyncadd.s32 $0xFFFFE000  }
.Ltmp6:
0x2a0: {  	_ =	swait.ge [sflag:s13], $0x2000;
	(pc) =	sbr.rel @p2 .LBB2_20-.Ltmp6, $4  }
0x2a1: {  	[sflag:s13] =	ssyncset.done $0x0  }
0x2a2: {  	[sflag:s13] =	ssyncadd.s32 $0xFFFFE000  }
0x2a3: {  	_ =	swait.ge [sflag:s13], $0x2000  }
0x2a4: {  	s22 =	smov.u32 s17;
	[sflag:s13] =	ssyncset.done $0x0  }
0x2a5: {  	s2 =	sadd.s32 s14, s31;
	[sflag:s13] =	ssyncadd.s32 $0xFFFFE000  }
0x2a6: {  	[tilespmem:s5], [sflag:$0x3] =	stream.linear.gather [hbm4b:s2+s5], $0x800, $0x38;
	[tilespmem:$0x1F700] =	vst v63  }
0x2a7: {  	_ =	swait.ge [sflag:s28], $0x800  }
0x2a8: {  	[sflag:s28] =	ssyncset.done $0x0  }
0x2a9: {  	s22 =	sadd.s32 s14, s6;
	[sflag:s28] =	ssyncadd.s32 $0xFFFFF800  }
0x2aa: {  	[tilespmem:s29], [sflag:$0x3] =	stream.linear.gather [hbm4b:s22+s5], $0x800, $0x38;
	[tilespmem:$0x1F700] =	vst v63  }
0x2ab: {  	_ =	swait.ge [sflag:s28], $0x800  }
0x2ac: {  	[sflag:s28] =	ssyncset.done $0x0  }
0x2ad: {  	[sflag:s28] =	ssyncadd.s32 $0xFFFFF800  }
0x2ae: {  	[tilespmem:s1], [sflag:$0x1] =	stream.indirect.gather [spmem:s3], $0x10, s5, s30, $0xb8;
	[tilespmem:$0x1F700] =	vst v63  }
0x2af: {  	_ = 	snop  }
0x2b0: {  	[tilespmem:s7], [sflag:$0x1] =	stream.indirect.gather [spmem:s3], $0x10, s30, s30, $0xb8;
	[tilespmem:$0x1F700] =	vst v63  }
0x2b1: {  	_ =	swait.ge [sflag:s8], $0x2000  }
0x2b2: {  	[sflag:s8] =	ssyncset.done $0x0  }
0x2b3: {  	[sflag:s8] =	ssyncadd.s32 $0xFFFFE000  }
0x2b4: {  	[spmem:s4] =	stream.indirect.scatter.add.f32 [tilespmem:s1], [sflag:$0x2], $0x10, s29, s30, $0xb8;
	[tilespmem:$0x1F700] =	vst v63  }
0x2b5: {  	_ = 	snop  }
0x2b6: {  	[tilespmem:s11], [sflag:$0x1] =	stream.indirect.gather [spmem:s3], $0x10, s10, s30, $0xb8;
	[tilespmem:$0x1F700] =	vst v63  }
0x2b7: {  	_ =	swait.ge [sflag:s8], $0x2000  }
0x2b8: {  	[sflag:s8] =	ssyncset.done $0x0  }
0x2b9: {  	[sflag:s8] =	ssyncadd.s32 $0xFFFFE000  }
0x2ba: {  	[spmem:s4] =	stream.indirect.scatter.add.f32 [tilespmem:s7], [sflag:$0x2], $0x10, s12, s30, $0xb8;
	[tilespmem:$0x1F700] =	vst v63  }
0x2bb: {  	_ =	swait.ge [sflag:s13], $0x2000  }
0x2bc: {  	[sflag:s13] =	ssyncset.done $0x0  }
0x2bd: {  	[sflag:s13] =	ssyncadd.s32 $0xFFFFE000  }
0x2be: {  	[tilespmem:s1], [sflag:$0x1] =	stream.indirect.gather [spmem:s3], $0x10, s15, s30, $0xb8;
	[tilespmem:$0x1F700] =	vst v63  }
0x2bf: {  	_ =	swait.ge [sflag:s8], $0x2000  }
0x2c0: {  	[sflag:s8] =	ssyncset.done $0x0  }
0x2c1: {  	[sflag:s8] =	ssyncadd.s32 $0xFFFFE000  }
0x2c2: {  	[spmem:s4] =	stream.indirect.scatter.add.f32 [tilespmem:s11], [sflag:$0x2], $0x10, s16, s30, $0xb8;
	[tilespmem:$0x1F700] =	vst v63  }
0x2c3: {  	_ =	swait.ge [sflag:s8], $0x2000  }
0x2c4: {  	[sflag:s8] =	ssyncset.done $0x0  }
0x2c5: {  	[sflag:s8] =	ssyncadd.s32 $0xFFFFE000  }
0x2c6: {  	[spmem:s4] =	stream.indirect.scatter.add.f32 [tilespmem:s1], [sflag:$0x2], $0x10, s18, s30, $0xb8;
	[tilespmem:$0x1F700] =	vst v63  }
0x2c7: {  	_ =	swait.ge [sflag:s13], $0x2000  }
0x2c8: {  	[sflag:s13] =	ssyncset.done $0x0  }
0x2c9: {  	[sflag:s13] =	ssyncadd.s32 $0xFFFFE000  }
0x2ca: {  	_ =	swait.ge [sflag:s13], $0x2000  }
0x2cb: {  	[sflag:s13] =	ssyncset.done $0x0  }
0x2cc: {  	[sflag:s13] =	ssyncadd.s32 $0xFFFFE000  }
0x2cd: {  	_ =	swait.ge [sflag:s13], $0x2000  }
0x2ce: {  	[sflag:s13] =	ssyncset.done $0x0  }
0x2cf: {  	[sflag:s13] =	ssyncadd.s32 $0xFFFFE000  }
0x2d0: {  	[bflag:$0x0] =	sbarrier.arrive $0xFFFF  }
0x2d1: {  	s19 =	sld [smem:$0x7F9]  }
0x2d2: {  	s14 =	simm.s32 @p1 $0x14  }
0x2d3: {  	s17 =	simm.s32 @p1 $0x2;
	s2 =	simm.s32 @p1 $0x1;
	s22 =	simm.s32 @p1 $0x1FC3  }
0x2d4: {  	[hbm:s19@s14], [sflag:s22] =	dma.strided @p1 [spmem:s0@s17], $0x1810, s2, $0x2   }
0x2d5: {  	s2 =	simm.s32 @p1 $0x3  }
0x2d6: {  	_ =	swait.ge @p1 [sflag:s2], $0x1810  }
0x2d7: {  	[sflag:s2] =	ssyncset.done @p1 $0x0  }
0x2d8: {  	[sflag:s2] =	ssyncadd.s32 @p1 $0xFFFFE7F0  }
0x2d9: {  	s23 =	rddreg [dreg:$0x3]  }
0x2da: {  	[spmem:s0], [sflag:s22] =	dma.local @p1 [hbm:s23], $0x1810  }
0x2db: {  	_ =	swait.ge @p1 [sflag:s2], $0x1810  }
0x2dc: {  	s14 =	simm.s32 @!p1 $0x14;
	s17 =	simm.s32 @!p1 $0x2;
	[sflag:s2] =	ssyncset.done @p1 $0x0  }
0x2dd: {  	s19 =	rddreg [dreg:$0x17];
	[sflag:s2] =	ssyncadd.s32 @p1 $0xFFFFE7F0;
	s2 =	simm.s32 @!p1 $0x1  }
0x2de: {  	[hbm:s19@s14], [sflag:s21] =	dma.strided @!p1 [spmem:s20@s17], $0x1870, s2, $0x2   }
0x2df: {  	s2 =	simm.s32 @!p1 $0x3  }
0x2e0: {  	_ =	swait.ge @!p1 [sflag:s2], $0x1870  }
0x2e1: {  	[sflag:s2] =	ssyncset.done @!p1 $0x0  }
0x2e2: {  	[sflag:s2] =	ssyncadd.s32 @!p1 $0xFFFFE790  }
0x2e3: {  	[spmem:s20], [sflag:s21] =	dma.local @!p1 [hbm:s23], $0x1870  }
0x2e4: {  	_ =	swait.ge @!p1 [sflag:s2], $0x1870  }
0x2e5: {  	[sflag:s2] =	ssyncset.done @!p1 $0x0  }
0x2e6: {  	s23 =	simm.s32 $0x0;
	s24 =	rddreg [dreg:$0x19];
	[sflag:s2] =	ssyncadd.s32 @!p1 $0xFFFFE790  }
0x2e7: {  	[tilespmem:s1], [sflag:$0x3] =	stream.linear.gather [hbm4b:s24+s23], $0x2000, $0x38;
	[tilespmem:$0x1F700] =	vst v63  }
0x2e8: {  	_ =	swait.ge [sflag:s28], $0x2000  }
0x2e9: {  	[sflag:s28] =	ssyncset.done $0x0  }
0x2ea: {  	[sflag:s28] =	ssyncadd.s32 $0xFFFFE000  }
0x2eb: {  	s25 =	sadd.s32 $0x0, s26;
	[bflag:$0x0] =	sbarrier.arrive $0xFFFF  }
0x2ec: {  	[tilespmem:s29], [sflag:$0x3] =	stream.linear.gather [hbm4b:s25+s5], $0x400, $0x38;
	[tilespmem:$0x1F700] =	vst v63  }
0x2ed: {  	_ =	swait.ge [sflag:s28], $0x400  }
0x2ee: {  	[sflag:s28] =	ssyncset.done $0x0  }
0x2ef: {  	[sflag:s28] =	ssyncadd.s32 $0xFFFFFC00  }
0x2f0: {  	[spmem:s4] =	stream.indirect.scatter.add.f32 [tilespmem:s1], [sflag:$0x2], $0x10, s29, s30, $0xb8;
	[tilespmem:$0x1F700] =	vst v63  }
0x2f1: {  	_ = 	snop  }
0x2f2: {  	[spmem:s4] =	stream.indirect.scatter.add.f32 [tilespmem:s1], [sflag:$0x2], $0x10, s12, s30, $0xb8;
	[tilespmem:$0x1F700] =	vst v63  }
0x2f3: {  	_ =	swait.ge [sflag:s13], $0x2000  }
0x2f4: {  	[sflag:s13] =	ssyncset.done $0x0  }
0x2f5: {  	[sflag:s13] =	ssyncadd.s32 $0xFFFFE000  }
0x2f6: {  	_ =	swait.ge [sflag:s13], $0x2000  }
0x2f7: {  	s14 =	simm.s32 $0x80;
	s17 =	simm.s32 $0x100;
	[sflag:s13] =	ssyncset.done $0x0  }
.LBB2_22:
0x2f8: {  	s2 =	sadd.s32 s14, s26  }
0x2f9: {  	[sflag:s13] =	ssyncadd.s32 $0xFFFFE000;
	s14 =	smov.u32 s17;
	s22 =	sadd.s32 $0x80, s17  }
0x2fa: {  	[tilespmem:s29], [sflag:$0x3] =	stream.linear.gather [hbm4b:s2+s5], $0x400, $0x38;
	[tilespmem:$0x1F700] =	vst v63  }
0x2fb: {  	p2 =	sne.s32 s17, $0xC00;
	_ =	swait.ge [sflag:s28], $0x400  }
0x2fc: {  	[sflag:s28] =	ssyncset.done $0x0  }
0x2fd: {  	[sflag:s28] =	ssyncadd.s32 $0xFFFFFC00  }
0x2fe: {  	[spmem:s4] =	stream.indirect.scatter.add.f32 [tilespmem:s1], [sflag:$0x2], $0x10, s29, s30, $0xb8;
	[tilespmem:$0x1F700] =	vst v63  }
0x2ff: {  	_ = 	snop  }
0x300: {  	[spmem:s4] =	stream.indirect.scatter.add.f32 [tilespmem:s1], [sflag:$0x2], $0x10, s12, s30, $0xb8;
	[tilespmem:$0x1F700] =	vst v63  }
.Ltmp7:
0x301: {  	_ =	swait.ge [sflag:s13], $0x2000;
	(pc) =	sbr.rel @p2 .LBB2_22-.Ltmp7, $4  }
0x302: {  	[sflag:s13] =	ssyncset.done $0x0  }
0x303: {  	[sflag:s13] =	ssyncadd.s32 $0xFFFFE000  }
0x304: {  	_ =	swait.ge [sflag:s13], $0x2000  }
0x305: {  	s17 =	smov.u32 s22;
	[sflag:s13] =	ssyncset.done $0x0  }
.Ltmp8:
0x306: {  	_ = 	snop;
	(pc) =	sbr.rel .LBB2_23-.Ltmp8, $1  }
0x307: {  	_ =	sdelay $0x3  }
.LBB2_2:
0x308: {  	s17 =	simm.s32 @p1 $0x1;
	s22 =	simm.s32 @p1 $0x2  }
0x309: {  	s23 =	simm.s32 @p1 $0x10;
	s25 =	simm.s32 @p1 $0x1FC3;
	s2 =	rddreg [dreg:$0x1a]  }
0x30a: {  	[spmem:s14@s22], [sflag:s25] =	dma.strided @p1 [hbm:s2@s23], $0x1810, s17, $0x2   }
0x30b: {  	s17 =	simm.s32 @p1 $0x3  }
0x30c: {  	_ =	swait.ge @p1 [sflag:s17], $0x1810  }
0x30d: {  	[sflag:s17] =	ssyncset.done @p1 $0x0  }
0x30e: {  	[sflag:s17] =	ssyncadd.s32 @p1 $0xFFFFE7F0  }
0x30f: {  	s2 =	rddreg [dreg:$0x3]  }
0x310: {  	[spmem:s0], [sflag:s25] =	dma.local @p1 [hbm:s2], $0x1810  }
0x311: {  	_ =	swait.ge @p1 [sflag:s17], $0x1810  }
0x312: {  	s22 =	simm.s32 @!p1 $0x2;
	s23 =	simm.s32 @!p1 $0x10;
	[sflag:s17] =	ssyncset.done @p1 $0x0  }
0x313: {  	s25 =	rddreg [dreg:$0x7];
	[sflag:s17] =	ssyncadd.s32 @p1 $0xFFFFE7F0;
	s17 =	simm.s32 @!p1 $0x1  }
0x314: {  	[spmem:s24@s22], [sflag:s21] =	dma.strided @!p1 [hbm:s25@s23], $0x1870, s17, $0x2   }
0x315: {  	s17 =	simm.s32 @!p1 $0x3  }
0x316: {  	_ =	swait.ge @!p1 [sflag:s17], $0x1870  }
0x317: {  	[sflag:s17] =	ssyncset.done @!p1 $0x0  }
0x318: {  	[sflag:s17] =	ssyncadd.s32 @!p1 $0xFFFFE790  }
0x319: {  	[spmem:s20], [sflag:s21] =	dma.local @!p1 [hbm:s2], $0x1870  }
0x31a: {  	_ =	swait.ge @!p1 [sflag:s17], $0x1870  }
0x31b: {  	[sflag:s17] =	ssyncset.done @!p1 $0x0  }
0x31c: {  	[sflag:s17] =	ssyncadd.s32 @!p1 $0xFFFFE790  }
0x31d: {  	s23 =	sadd.s32 $0x0, s31;
	[bflag:$0x0] =	sbarrier.arrive $0xFFFF  }
0x31e: {  	[tilespmem:s5], [sflag:$0x3] =	stream.linear.gather [hbm4b:s23+s5], $0x800, $0x38;
	[tilespmem:$0x1F700] =	vst v63  }
0x31f: {  	_ =	swait.ge [sflag:s28], $0x800  }
0x320: {  	[sflag:s28] =	ssyncset.done $0x0  }
0x321: {  	s25 =	sadd.s32 $0x0, s6;
	[sflag:s28] =	ssyncadd.s32 $0xFFFFF800  }
0x322: {  	[tilespmem:s29], [sflag:$0x3] =	stream.linear.gather [hbm4b:s25+s5], $0x800, $0x38;
	[tilespmem:$0x1F700] =	vst v63  }
0x323: {  	_ =	swait.ge [sflag:s28], $0x800  }
0x324: {  	[sflag:s28] =	ssyncset.done $0x0  }
0x325: {  	[sflag:s28] =	ssyncadd.s32 $0xFFFFF800  }
0x326: {  	[tilespmem:s1], [sflag:$0x1] =	stream.indirect.gather [spmem:s3], $0x10, s5, s30, $0xb8;
	[tilespmem:$0x1F700] =	vst v63  }
0x327: {  	_ = 	snop  }
0x328: {  	[tilespmem:s7], [sflag:$0x1] =	stream.indirect.gather [spmem:s3], $0x10, s30, s30, $0xb8;
	[tilespmem:$0x1F700] =	vst v63  }
0x329: {  	_ =	swait.ge [sflag:s8], $0x2000  }
0x32a: {  	[sflag:s8] =	ssyncset.done $0x0  }
0x32b: {  	[sflag:s8] =	ssyncadd.s32 $0xFFFFE000  }
0x32c: {  	[spmem:s4] =	stream.indirect.scatter.add.f32 [tilespmem:s1], [sflag:$0x2], $0x10, s29, s30, $0xb8;
	[tilespmem:$0x1F700] =	vst v63  }
0x32d: {  	_ = 	snop  }
0x32e: {  	[tilespmem:s11], [sflag:$0x1] =	stream.indirect.gather [spmem:s3], $0x10, s10, s30, $0xb8;
	[tilespmem:$0x1F700] =	vst v63  }
0x32f: {  	_ =	swait.ge [sflag:s8], $0x2000  }
0x330: {  	[sflag:s8] =	ssyncset.done $0x0  }
0x331: {  	[sflag:s8] =	ssyncadd.s32 $0xFFFFE000  }
0x332: {  	[spmem:s4] =	stream.indirect.scatter.add.f32 [tilespmem:s7], [sflag:$0x2], $0x10, s12, s30, $0xb8;
	[tilespmem:$0x1F700] =	vst v63  }
0x333: {  	_ =	swait.ge [sflag:s13], $0x2000  }
0x334: {  	[sflag:s13] =	ssyncset.done $0x0  }
0x335: {  	[sflag:s13] =	ssyncadd.s32 $0xFFFFE000  }
0x336: {  	[tilespmem:s1], [sflag:$0x1] =	stream.indirect.gather [spmem:s3], $0x10, s15, s30, $0xb8;
	[tilespmem:$0x1F700] =	vst v63  }
0x337: {  	_ =	swait.ge [sflag:s8], $0x2000  }
0x338: {  	[sflag:s8] =	ssyncset.done $0x0  }
0x339: {  	[sflag:s8] =	ssyncadd.s32 $0xFFFFE000  }
0x33a: {  	[spmem:s4] =	stream.indirect.scatter.add.f32 [tilespmem:s11], [sflag:$0x2], $0x10, s16, s30, $0xb8;
	[tilespmem:$0x1F700] =	vst v63  }
0x33b: {  	_ =	swait.ge [sflag:s8], $0x2000  }
0x33c: {  	[sflag:s8] =	ssyncset.done $0x0  }
0x33d: {  	[sflag:s8] =	ssyncadd.s32 $0xFFFFE000  }
0x33e: {  	[spmem:s4] =	stream.indirect.scatter.add.f32 [tilespmem:s1], [sflag:$0x2], $0x10, s18, s30, $0xb8;
	[tilespmem:$0x1F700] =	vst v63  }
0x33f: {  	_ =	swait.ge [sflag:s13], $0x2000  }
0x340: {  	[sflag:s13] =	ssyncset.done $0x0  }
0x341: {  	[sflag:s13] =	ssyncadd.s32 $0xFFFFE000  }
0x342: {  	_ =	swait.ge [sflag:s13], $0x2000  }
0x343: {  	[sflag:s13] =	ssyncset.done $0x0  }
0x344: {  	[sflag:s13] =	ssyncadd.s32 $0xFFFFE000  }
0x345: {  	_ =	swait.ge [sflag:s13], $0x2000  }
0x346: {  	s22 =	simm.s32 $0x200;
	s17 =	simm.s32 $0x100;
	[sflag:s13] =	ssyncset.done $0x0  }
.LBB2_3:
0x347: {  	s25 =	sadd.s32 s17, s31  }
0x348: {  	[sflag:s13] =	ssyncadd.s32 $0xFFFFE000;
	s2 =	smov.u32 s22;
	s23 =	sadd.s32 $0x100, s22  }
0x349: {  	[tilespmem:s5], [sflag:$0x3] =	stream.linear.gather [hbm4b:s25+s5], $0x800, $0x38;
	[tilespmem:$0x1F700] =	vst v63  }
0x34a: {  	p2 =	sne.s32 s22, $0x1800;
	_ =	swait.ge [sflag:s28], $0x800  }
0x34b: {  	[sflag:s28] =	ssyncset.done $0x0  }
0x34c: {  	s22 =	sadd.s32 s17, s6;
	s17 =	smov.u32 s2;
	[sflag:s28] =	ssyncadd.s32 $0xFFFFF800  }
0x34d: {  	[tilespmem:s29], [sflag:$0x3] =	stream.linear.gather [hbm4b:s22+s5], $0x800, $0x38;
	[tilespmem:$0x1F700] =	vst v63  }
0x34e: {  	_ =	swait.ge [sflag:s28], $0x800  }
0x34f: {  	[sflag:s28] =	ssyncset.done $0x0  }
0x350: {  	[sflag:s28] =	ssyncadd.s32 $0xFFFFF800  }
0x351: {  	[tilespmem:s1], [sflag:$0x1] =	stream.indirect.gather [spmem:s3], $0x10, s5, s30, $0xb8;
	[tilespmem:$0x1F700] =	vst v63  }
0x352: {  	_ = 	snop  }
0x353: {  	[tilespmem:s7], [sflag:$0x1] =	stream.indirect.gather [spmem:s3], $0x10, s30, s30, $0xb8;
	[tilespmem:$0x1F700] =	vst v63  }
0x354: {  	_ =	swait.ge [sflag:s8], $0x2000  }
0x355: {  	[sflag:s8] =	ssyncset.done $0x0  }
0x356: {  	[sflag:s8] =	ssyncadd.s32 $0xFFFFE000  }
0x357: {  	[spmem:s4] =	stream.indirect.scatter.add.f32 [tilespmem:s1], [sflag:$0x2], $0x10, s29, s30, $0xb8;
	[tilespmem:$0x1F700] =	vst v63  }
0x358: {  	_ = 	snop  }
0x359: {  	[tilespmem:s11], [sflag:$0x1] =	stream.indirect.gather [spmem:s3], $0x10, s10, s30, $0xb8;
	[tilespmem:$0x1F700] =	vst v63  }
0x35a: {  	_ =	swait.ge [sflag:s8], $0x2000  }
0x35b: {  	[sflag:s8] =	ssyncset.done $0x0  }
0x35c: {  	[sflag:s8] =	ssyncadd.s32 $0xFFFFE000  }
0x35d: {  	[spmem:s4] =	stream.indirect.scatter.add.f32 [tilespmem:s7], [sflag:$0x2], $0x10, s12, s30, $0xb8;
	[tilespmem:$0x1F700] =	vst v63  }
0x35e: {  	_ =	swait.ge [sflag:s13], $0x2000  }
0x35f: {  	[sflag:s13] =	ssyncset.done $0x0  }
0x360: {  	[sflag:s13] =	ssyncadd.s32 $0xFFFFE000  }
0x361: {  	[tilespmem:s1], [sflag:$0x1] =	stream.indirect.gather [spmem:s3], $0x10, s15, s30, $0xb8;
	[tilespmem:$0x1F700] =	vst v63  }
0x362: {  	_ =	swait.ge [sflag:s8], $0x2000  }
0x363: {  	[sflag:s8] =	ssyncset.done $0x0  }
0x364: {  	[sflag:s8] =	ssyncadd.s32 $0xFFFFE000  }
0x365: {  	[spmem:s4] =	stream.indirect.scatter.add.f32 [tilespmem:s11], [sflag:$0x2], $0x10, s16, s30, $0xb8;
	[tilespmem:$0x1F700] =	vst v63  }
0x366: {  	_ =	swait.ge [sflag:s8], $0x2000  }
0x367: {  	[sflag:s8] =	ssyncset.done $0x0  }
0x368: {  	[sflag:s8] =	ssyncadd.s32 $0xFFFFE000  }
0x369: {  	[spmem:s4] =	stream.indirect.scatter.add.f32 [tilespmem:s1], [sflag:$0x2], $0x10, s18, s30, $0xb8;
	[tilespmem:$0x1F700] =	vst v63  }
0x36a: {  	_ =	swait.ge [sflag:s13], $0x2000  }
0x36b: {  	[sflag:s13] =	ssyncset.done $0x0  }
0x36c: {  	[sflag:s13] =	ssyncadd.s32 $0xFFFFE000  }
.Ltmp9:
0x36d: {  	_ =	swait.ge [sflag:s13], $0x2000;
	(pc) =	sbr.rel @p2 .LBB2_3-.Ltmp9, $4  }
0x36e: {  	[sflag:s13] =	ssyncset.done $0x0  }
0x36f: {  	[sflag:s13] =	ssyncadd.s32 $0xFFFFE000  }
0x370: {  	_ =	swait.ge [sflag:s13], $0x2000  }
0x371: {  	s22 =	smov.u32 s23;
	[sflag:s13] =	ssyncset.done $0x0  }
0x372: {  	s2 =	sadd.s32 s17, s31;
	[sflag:s13] =	ssyncadd.s32 $0xFFFFE000  }
0x373: {  	[tilespmem:s5], [sflag:$0x3] =	stream.linear.gather [hbm4b:s2+s5], $0x800, $0x38;
	[tilespmem:$0x1F700] =	vst v63  }
0x374: {  	_ =	swait.ge [sflag:s28], $0x800  }
0x375: {  	[sflag:s28] =	ssyncset.done $0x0  }
0x376: {  	s22 =	sadd.s32 s17, s6;
	[sflag:s28] =	ssyncadd.s32 $0xFFFFF800  }
0x377: {  	[tilespmem:s29], [sflag:$0x3] =	stream.linear.gather [hbm4b:s22+s5], $0x800, $0x38;
	[tilespmem:$0x1F700] =	vst v63  }
0x378: {  	_ =	swait.ge [sflag:s28], $0x800  }
0x379: {  	[sflag:s28] =	ssyncset.done $0x0  }
0x37a: {  	[sflag:s28] =	ssyncadd.s32 $0xFFFFF800  }
0x37b: {  	[tilespmem:s1], [sflag:$0x1] =	stream.indirect.gather [spmem:s3], $0x10, s5, s30, $0xb8;
	[tilespmem:$0x1F700] =	vst v63  }
0x37c: {  	_ = 	snop  }
0x37d: {  	[tilespmem:s7], [sflag:$0x1] =	stream.indirect.gather [spmem:s3], $0x10, s30, s30, $0xb8;
	[tilespmem:$0x1F700] =	vst v63  }
0x37e: {  	_ =	swait.ge [sflag:s8], $0x2000  }
0x37f: {  	[sflag:s8] =	ssyncset.done $0x0  }
0x380: {  	[sflag:s8] =	ssyncadd.s32 $0xFFFFE000  }
0x381: {  	[spmem:s4] =	stream.indirect.scatter.add.f32 [tilespmem:s1], [sflag:$0x2], $0x10, s29, s30, $0xb8;
	[tilespmem:$0x1F700] =	vst v63  }
0x382: {  	_ = 	snop  }
0x383: {  	[tilespmem:s11], [sflag:$0x1] =	stream.indirect.gather [spmem:s3], $0x10, s10, s30, $0xb8;
	[tilespmem:$0x1F700] =	vst v63  }
0x384: {  	_ =	swait.ge [sflag:s8], $0x2000  }
0x385: {  	[sflag:s8] =	ssyncset.done $0x0  }
0x386: {  	[sflag:s8] =	ssyncadd.s32 $0xFFFFE000  }
0x387: {  	[spmem:s4] =	stream.indirect.scatter.add.f32 [tilespmem:s7], [sflag:$0x2], $0x10, s12, s30, $0xb8;
	[tilespmem:$0x1F700] =	vst v63  }
0x388: {  	_ =	swait.ge [sflag:s13], $0x2000  }
0x389: {  	[sflag:s13] =	ssyncset.done $0x0  }
0x38a: {  	[sflag:s13] =	ssyncadd.s32 $0xFFFFE000  }
0x38b: {  	[tilespmem:s1], [sflag:$0x1] =	stream.indirect.gather [spmem:s3], $0x10, s15, s30, $0xb8;
	[tilespmem:$0x1F700] =	vst v63  }
0x38c: {  	_ =	swait.ge [sflag:s8], $0x2000  }
0x38d: {  	[sflag:s8] =	ssyncset.done $0x0  }
0x38e: {  	[sflag:s8] =	ssyncadd.s32 $0xFFFFE000  }
0x38f: {  	[spmem:s4] =	stream.indirect.scatter.add.f32 [tilespmem:s11], [sflag:$0x2], $0x10, s16, s30, $0xb8;
	[tilespmem:$0x1F700] =	vst v63  }
0x390: {  	_ =	swait.ge [sflag:s8], $0x2000  }
0x391: {  	[sflag:s8] =	ssyncset.done $0x0  }
0x392: {  	[sflag:s8] =	ssyncadd.s32 $0xFFFFE000  }
0x393: {  	[spmem:s4] =	stream.indirect.scatter.add.f32 [tilespmem:s1], [sflag:$0x2], $0x10, s18, s30, $0xb8;
	[tilespmem:$0x1F700] =	vst v63  }
0x394: {  	_ =	swait.ge [sflag:s13], $0x2000  }
0x395: {  	[sflag:s13] =	ssyncset.done $0x0  }
0x396: {  	[sflag:s13] =	ssyncadd.s32 $0xFFFFE000  }
0x397: {  	_ =	swait.ge [sflag:s13], $0x2000  }
0x398: {  	[sflag:s13] =	ssyncset.done $0x0  }
0x399: {  	[sflag:s13] =	ssyncadd.s32 $0xFFFFE000  }
0x39a: {  	_ =	swait.ge [sflag:s13], $0x2000  }
0x39b: {  	[sflag:s13] =	ssyncset.done $0x0  }
0x39c: {  	[sflag:s13] =	ssyncadd.s32 $0xFFFFE000  }
0x39d: {  	s17 =	simm.s32 @p1 $0x14;
	s23 =	simm.s32 @p1 $0x1FC3;
	[bflag:$0x0] =	sbarrier.arrive $0xFFFF  }
0x39e: {  	s2 =	simm.s32 @p1 $0x1;
	s22 =	simm.s32 @p1 $0x2;
	s19 =	rddreg [dreg:$0x1b]  }
0x39f: {  	[hbm:s19@s17], [sflag:s23] =	dma.strided @p1 [spmem:s0@s22], $0x1810, s2, $0x2   }
0x3a0: {  	s17 =	simm.s32 @p1 $0x3  }
0x3a1: {  	_ =	swait.ge @p1 [sflag:s17], $0x1810  }
0x3a2: {  	[sflag:s17] =	ssyncset.done @p1 $0x0  }
0x3a3: {  	s25 =	simm.s32 @p1 $0x10;
	s19 =	rddreg [dreg:$0x1c];
	[sflag:s17] =	ssyncadd.s32 @p1 $0xFFFFE7F0  }
0x3a4: {  	[spmem:s14@s22], [sflag:s23] =	dma.strided @p1 [hbm:s19@s25], $0x1810, s2, $0x2   }
0x3a5: {  	_ =	swait.ge @p1 [sflag:s17], $0x1810  }
0x3a6: {  	[sflag:s17] =	ssyncset.done @p1 $0x0  }
0x3a7: {  	[sflag:s17] =	ssyncadd.s32 @p1 $0xFFFFE7F0  }
0x3a8: {  	s25 =	rddreg [dreg:$0x3]  }
0x3a9: {  	[spmem:s0], [sflag:s23] =	dma.local @p1 [hbm:s25], $0x1810  }
0x3aa: {  	_ =	swait.ge @p1 [sflag:s17], $0x1810  }
0x3ab: {  	s2 =	simm.s32 @!p1 $0x1;
	s22 =	simm.s32 @!p1 $0x2;
	[sflag:s17] =	ssyncset.done @p1 $0x0  }
0x3ac: {  	s23 =	rddreg [dreg:$0x8];
	[sflag:s17] =	ssyncadd.s32 @p1 $0xFFFFE7F0;
	s17 =	simm.s32 @!p1 $0x14  }
0x3ad: {  	[hbm:s23@s17], [sflag:s21] =	dma.strided @!p1 [spmem:s20@s22], $0x1870, s2, $0x2   }
0x3ae: {  	s17 =	simm.s32 @!p1 $0x3  }
0x3af: {  	_ =	swait.ge @!p1 [sflag:s17], $0x1870  }
0x3b0: {  	[sflag:s17] =	ssyncset.done @!p1 $0x0  }
0x3b1: {  	s23 =	simm.s32 @!p1 $0x10;
	s19 =	rddreg [dreg:$0x9];
	[sflag:s17] =	ssyncadd.s32 @!p1 $0xFFFFE790  }
0x3b2: {  	[spmem:s24@s22], [sflag:s21] =	dma.strided @!p1 [hbm:s19@s23], $0x1870, s2, $0x2   }
0x3b3: {  	_ =	swait.ge @!p1 [sflag:s17], $0x1870  }
0x3b4: {  	[sflag:s17] =	ssyncset.done @!p1 $0x0  }
0x3b5: {  	[sflag:s17] =	ssyncadd.s32 @!p1 $0xFFFFE790  }
0x3b6: {  	[spmem:s20], [sflag:s21] =	dma.local @!p1 [hbm:s25], $0x1870  }
0x3b7: {  	_ =	swait.ge @!p1 [sflag:s17], $0x1870  }
0x3b8: {  	[sflag:s17] =	ssyncset.done @!p1 $0x0  }
0x3b9: {  	[sflag:s17] =	ssyncadd.s32 @!p1 $0xFFFFE790  }
0x3ba: {  	s23 =	sadd.s32 $0x0, s31;
	[bflag:$0x0] =	sbarrier.arrive $0xFFFF  }
0x3bb: {  	[tilespmem:s5], [sflag:$0x3] =	stream.linear.gather [hbm4b:s23+s5], $0x800, $0x38;
	[tilespmem:$0x1F700] =	vst v63  }
0x3bc: {  	_ =	swait.ge [sflag:s28], $0x800  }
0x3bd: {  	[sflag:s28] =	ssyncset.done $0x0  }
0x3be: {  	s25 =	sadd.s32 $0x0, s6;
	[sflag:s28] =	ssyncadd.s32 $0xFFFFF800  }
0x3bf: {  	[tilespmem:s29], [sflag:$0x3] =	stream.linear.gather [hbm4b:s25+s5], $0x800, $0x38;
	[tilespmem:$0x1F700] =	vst v63  }
0x3c0: {  	_ =	swait.ge [sflag:s28], $0x800  }
0x3c1: {  	[sflag:s28] =	ssyncset.done $0x0  }
0x3c2: {  	[sflag:s28] =	ssyncadd.s32 $0xFFFFF800  }
0x3c3: {  	[tilespmem:s1], [sflag:$0x1] =	stream.indirect.gather [spmem:s3], $0x10, s5, s30, $0xb8;
	[tilespmem:$0x1F700] =	vst v63  }
0x3c4: {  	_ = 	snop  }
0x3c5: {  	[tilespmem:s7], [sflag:$0x1] =	stream.indirect.gather [spmem:s3], $0x10, s30, s30, $0xb8;
	[tilespmem:$0x1F700] =	vst v63  }
0x3c6: {  	_ =	swait.ge [sflag:s8], $0x2000  }
0x3c7: {  	[sflag:s8] =	ssyncset.done $0x0  }
0x3c8: {  	[sflag:s8] =	ssyncadd.s32 $0xFFFFE000  }
0x3c9: {  	[spmem:s4] =	stream.indirect.scatter.add.f32 [tilespmem:s1], [sflag:$0x2], $0x10, s29, s30, $0xb8;
	[tilespmem:$0x1F700] =	vst v63  }
0x3ca: {  	_ = 	snop  }
0x3cb: {  	[tilespmem:s11], [sflag:$0x1] =	stream.indirect.gather [spmem:s3], $0x10, s10, s30, $0xb8;
	[tilespmem:$0x1F700] =	vst v63  }
0x3cc: {  	_ =	swait.ge [sflag:s8], $0x2000  }
0x3cd: {  	[sflag:s8] =	ssyncset.done $0x0  }
0x3ce: {  	[sflag:s8] =	ssyncadd.s32 $0xFFFFE000  }
0x3cf: {  	[spmem:s4] =	stream.indirect.scatter.add.f32 [tilespmem:s7], [sflag:$0x2], $0x10, s12, s30, $0xb8;
	[tilespmem:$0x1F700] =	vst v63  }
0x3d0: {  	_ =	swait.ge [sflag:s13], $0x2000  }
0x3d1: {  	[sflag:s13] =	ssyncset.done $0x0  }
0x3d2: {  	[sflag:s13] =	ssyncadd.s32 $0xFFFFE000  }
0x3d3: {  	[tilespmem:s1], [sflag:$0x1] =	stream.indirect.gather [spmem:s3], $0x10, s15, s30, $0xb8;
	[tilespmem:$0x1F700] =	vst v63  }
0x3d4: {  	_ =	swait.ge [sflag:s8], $0x2000  }
0x3d5: {  	[sflag:s8] =	ssyncset.done $0x0  }
0x3d6: {  	[sflag:s8] =	ssyncadd.s32 $0xFFFFE000  }
0x3d7: {  	[spmem:s4] =	stream.indirect.scatter.add.f32 [tilespmem:s11], [sflag:$0x2], $0x10, s16, s30, $0xb8;
	[tilespmem:$0x1F700] =	vst v63  }
0x3d8: {  	_ =	swait.ge [sflag:s8], $0x2000  }
0x3d9: {  	[sflag:s8] =	ssyncset.done $0x0  }
0x3da: {  	[sflag:s8] =	ssyncadd.s32 $0xFFFFE000  }
0x3db: {  	[spmem:s4] =	stream.indirect.scatter.add.f32 [tilespmem:s1], [sflag:$0x2], $0x10, s18, s30, $0xb8;
	[tilespmem:$0x1F700] =	vst v63  }
0x3dc: {  	_ =	swait.ge [sflag:s13], $0x2000  }
0x3dd: {  	[sflag:s13] =	ssyncset.done $0x0  }
0x3de: {  	[sflag:s13] =	ssyncadd.s32 $0xFFFFE000  }
0x3df: {  	_ =	swait.ge [sflag:s13], $0x2000  }
0x3e0: {  	[sflag:s13] =	ssyncset.done $0x0  }
0x3e1: {  	[sflag:s13] =	ssyncadd.s32 $0xFFFFE000  }
0x3e2: {  	_ =	swait.ge [sflag:s13], $0x2000  }
0x3e3: {  	s17 =	simm.s32 $0x100;
	s23 =	simm.s32 $0x200;
	[sflag:s13] =	ssyncset.done $0x0  }
.LBB2_5:
0x3e4: {  	s2 =	sadd.s32 s17, s31  }
0x3e5: {  	[sflag:s13] =	ssyncadd.s32 $0xFFFFE000;
	s25 =	smov.u32 s23;
	s22 =	sadd.s32 $0x100, s23  }
0x3e6: {  	[tilespmem:s5], [sflag:$0x3] =	stream.linear.gather [hbm4b:s2+s5], $0x800, $0x38;
	[tilespmem:$0x1F700] =	vst v63  }
0x3e7: {  	p2 =	sne.s32 s23, $0x1800;
	_ =	swait.ge [sflag:s28], $0x800  }
0x3e8: {  	[sflag:s28] =	ssyncset.done $0x0  }
0x3e9: {  	s2 =	sadd.s32 s17, s6;
	s17 =	smov.u32 s25;
	[sflag:s28] =	ssyncadd.s32 $0xFFFFF800  }
0x3ea: {  	[tilespmem:s29], [sflag:$0x3] =	stream.linear.gather [hbm4b:s2+s5], $0x800, $0x38;
	[tilespmem:$0x1F700] =	vst v63  }
0x3eb: {  	_ =	swait.ge [sflag:s28], $0x800  }
0x3ec: {  	[sflag:s28] =	ssyncset.done $0x0  }
0x3ed: {  	[sflag:s28] =	ssyncadd.s32 $0xFFFFF800  }
0x3ee: {  	[tilespmem:s1], [sflag:$0x1] =	stream.indirect.gather [spmem:s3], $0x10, s5, s30, $0xb8;
	[tilespmem:$0x1F700] =	vst v63  }
0x3ef: {  	_ = 	snop  }
0x3f0: {  	[tilespmem:s7], [sflag:$0x1] =	stream.indirect.gather [spmem:s3], $0x10, s30, s30, $0xb8;
	[tilespmem:$0x1F700] =	vst v63  }
0x3f1: {  	_ =	swait.ge [sflag:s8], $0x2000  }
0x3f2: {  	[sflag:s8] =	ssyncset.done $0x0  }
0x3f3: {  	[sflag:s8] =	ssyncadd.s32 $0xFFFFE000  }
0x3f4: {  	[spmem:s4] =	stream.indirect.scatter.add.f32 [tilespmem:s1], [sflag:$0x2], $0x10, s29, s30, $0xb8;
	[tilespmem:$0x1F700] =	vst v63  }
0x3f5: {  	_ = 	snop  }
0x3f6: {  	[tilespmem:s11], [sflag:$0x1] =	stream.indirect.gather [spmem:s3], $0x10, s10, s30, $0xb8;
	[tilespmem:$0x1F700] =	vst v63  }
0x3f7: {  	_ =	swait.ge [sflag:s8], $0x2000  }
0x3f8: {  	[sflag:s8] =	ssyncset.done $0x0  }
0x3f9: {  	[sflag:s8] =	ssyncadd.s32 $0xFFFFE000  }
0x3fa: {  	[spmem:s4] =	stream.indirect.scatter.add.f32 [tilespmem:s7], [sflag:$0x2], $0x10, s12, s30, $0xb8;
	[tilespmem:$0x1F700] =	vst v63  }
0x3fb: {  	_ =	swait.ge [sflag:s13], $0x2000  }
0x3fc: {  	[sflag:s13] =	ssyncset.done $0x0  }
0x3fd: {  	[sflag:s13] =	ssyncadd.s32 $0xFFFFE000  }
0x3fe: {  	[tilespmem:s1], [sflag:$0x1] =	stream.indirect.gather [spmem:s3], $0x10, s15, s30, $0xb8;
	[tilespmem:$0x1F700] =	vst v63  }
0x3ff: {  	_ =	swait.ge [sflag:s8], $0x2000  }
0x400: {  	[sflag:s8] =	ssyncset.done $0x0  }
0x401: {  	[sflag:s8] =	ssyncadd.s32 $0xFFFFE000  }
0x402: {  	[spmem:s4] =	stream.indirect.scatter.add.f32 [tilespmem:s11], [sflag:$0x2], $0x10, s16, s30, $0xb8;
	[tilespmem:$0x1F700] =	vst v63  }
0x403: {  	_ =	swait.ge [sflag:s8], $0x2000  }
0x404: {  	[sflag:s8] =	ssyncset.done $0x0  }
0x405: {  	[sflag:s8] =	ssyncadd.s32 $0xFFFFE000  }
0x406: {  	[spmem:s4] =	stream.indirect.scatter.add.f32 [tilespmem:s1], [sflag:$0x2], $0x10, s18, s30, $0xb8;
	[tilespmem:$0x1F700] =	vst v63  }
0x407: {  	_ =	swait.ge [sflag:s13], $0x2000  }
0x408: {  	[sflag:s13] =	ssyncset.done $0x0  }
0x409: {  	[sflag:s13] =	ssyncadd.s32 $0xFFFFE000  }
.Ltmp10:
0x40a: {  	_ =	swait.ge [sflag:s13], $0x2000;
	(pc) =	sbr.rel @p2 .LBB2_5-.Ltmp10, $4  }
0x40b: {  	[sflag:s13] =	ssyncset.done $0x0  }
0x40c: {  	[sflag:s13] =	ssyncadd.s32 $0xFFFFE000  }
0x40d: {  	_ =	swait.ge [sflag:s13], $0x2000  }
0x40e: {  	s23 =	smov.u32 s22;
	[sflag:s13] =	ssyncset.done $0x0  }
0x40f: {  	s2 =	sadd.s32 s17, s31;
	[sflag:s13] =	ssyncadd.s32 $0xFFFFE000  }
0x410: {  	[tilespmem:s5], [sflag:$0x3] =	stream.linear.gather [hbm4b:s2+s5], $0x800, $0x38;
	[tilespmem:$0x1F700] =	vst v63  }
0x411: {  	_ =	swait.ge [sflag:s28], $0x800  }
0x412: {  	[sflag:s28] =	ssyncset.done $0x0  }
0x413: {  	s22 =	sadd.s32 s17, s6;
	[sflag:s28] =	ssyncadd.s32 $0xFFFFF800  }
0x414: {  	[tilespmem:s29], [sflag:$0x3] =	stream.linear.gather [hbm4b:s22+s5], $0x800, $0x38;
	[tilespmem:$0x1F700] =	vst v63  }
0x415: {  	_ =	swait.ge [sflag:s28], $0x800  }
0x416: {  	[sflag:s28] =	ssyncset.done $0x0  }
0x417: {  	[sflag:s28] =	ssyncadd.s32 $0xFFFFF800  }
0x418: {  	[tilespmem:s1], [sflag:$0x1] =	stream.indirect.gather [spmem:s3], $0x10, s5, s30, $0xb8;
	[tilespmem:$0x1F700] =	vst v63  }
0x419: {  	_ = 	snop  }
0x41a: {  	[tilespmem:s7], [sflag:$0x1] =	stream.indirect.gather [spmem:s3], $0x10, s30, s30, $0xb8;
	[tilespmem:$0x1F700] =	vst v63  }
0x41b: {  	_ =	swait.ge [sflag:s8], $0x2000  }
0x41c: {  	[sflag:s8] =	ssyncset.done $0x0  }
0x41d: {  	[sflag:s8] =	ssyncadd.s32 $0xFFFFE000  }
0x41e: {  	[spmem:s4] =	stream.indirect.scatter.add.f32 [tilespmem:s1], [sflag:$0x2], $0x10, s29, s30, $0xb8;
	[tilespmem:$0x1F700] =	vst v63  }
0x41f: {  	_ = 	snop  }
0x420: {  	[tilespmem:s11], [sflag:$0x1] =	stream.indirect.gather [spmem:s3], $0x10, s10, s30, $0xb8;
	[tilespmem:$0x1F700] =	vst v63  }
0x421: {  	_ =	swait.ge [sflag:s8], $0x2000  }
0x422: {  	[sflag:s8] =	ssyncset.done $0x0  }
0x423: {  	[sflag:s8] =	ssyncadd.s32 $0xFFFFE000  }
0x424: {  	[spmem:s4] =	stream.indirect.scatter.add.f32 [tilespmem:s7], [sflag:$0x2], $0x10, s12, s30, $0xb8;
	[tilespmem:$0x1F700] =	vst v63  }
0x425: {  	_ =	swait.ge [sflag:s13], $0x2000  }
0x426: {  	[sflag:s13] =	ssyncset.done $0x0  }
0x427: {  	[sflag:s13] =	ssyncadd.s32 $0xFFFFE000  }
0x428: {  	[tilespmem:s1], [sflag:$0x1] =	stream.indirect.gather [spmem:s3], $0x10, s15, s30, $0xb8;
	[tilespmem:$0x1F700] =	vst v63  }
0x429: {  	_ =	swait.ge [sflag:s8], $0x2000  }
0x42a: {  	[sflag:s8] =	ssyncset.done $0x0  }
0x42b: {  	[sflag:s8] =	ssyncadd.s32 $0xFFFFE000  }
0x42c: {  	[spmem:s4] =	stream.indirect.scatter.add.f32 [tilespmem:s11], [sflag:$0x2], $0x10, s16, s30, $0xb8;
	[tilespmem:$0x1F700] =	vst v63  }
0x42d: {  	_ =	swait.ge [sflag:s8], $0x2000  }
0x42e: {  	[sflag:s8] =	ssyncset.done $0x0  }
0x42f: {  	[sflag:s8] =	ssyncadd.s32 $0xFFFFE000  }
0x430: {  	[spmem:s4] =	stream.indirect.scatter.add.f32 [tilespmem:s1], [sflag:$0x2], $0x10, s18, s30, $0xb8;
	[tilespmem:$0x1F700] =	vst v63  }
0x431: {  	_ =	swait.ge [sflag:s13], $0x2000  }
0x432: {  	[sflag:s13] =	ssyncset.done $0x0  }
0x433: {  	[sflag:s13] =	ssyncadd.s32 $0xFFFFE000  }
0x434: {  	_ =	swait.ge [sflag:s13], $0x2000  }
0x435: {  	[sflag:s13] =	ssyncset.done $0x0  }
0x436: {  	[sflag:s13] =	ssyncadd.s32 $0xFFFFE000  }
0x437: {  	_ =	swait.ge [sflag:s13], $0x2000  }
0x438: {  	[sflag:s13] =	ssyncset.done $0x0  }
0x439: {  	[sflag:s13] =	ssyncadd.s32 $0xFFFFE000  }
0x43a: {  	s17 =	simm.s32 @p1 $0x14;
	s23 =	simm.s32 @p1 $0x1FC3;
	[bflag:$0x0] =	sbarrier.arrive $0xFFFF  }
0x43b: {  	s2 =	simm.s32 @p1 $0x1;
	s22 =	simm.s32 @p1 $0x2;
	s19 =	rddreg [dreg:$0x1d]  }
0x43c: {  	[hbm:s19@s17], [sflag:s23] =	dma.strided @p1 [spmem:s0@s22], $0x1810, s2, $0x2   }
0x43d: {  	s17 =	simm.s32 @p1 $0x3  }
0x43e: {  	_ =	swait.ge @p1 [sflag:s17], $0x1810  }
0x43f: {  	[sflag:s17] =	ssyncset.done @p1 $0x0  }
0x440: {  	s25 =	simm.s32 @p1 $0x10;
	s19 =	rddreg [dreg:$0x1e];
	[sflag:s17] =	ssyncadd.s32 @p1 $0xFFFFE7F0  }
0x441: {  	[spmem:s14@s22], [sflag:s23] =	dma.strided @p1 [hbm:s19@s25], $0x1810, s2, $0x2   }
0x442: {  	_ =	swait.ge @p1 [sflag:s17], $0x1810  }
0x443: {  	[sflag:s17] =	ssyncset.done @p1 $0x0  }
0x444: {  	[sflag:s17] =	ssyncadd.s32 @p1 $0xFFFFE7F0  }
0x445: {  	s25 =	rddreg [dreg:$0x3]  }
0x446: {  	[spmem:s0], [sflag:s23] =	dma.local @p1 [hbm:s25], $0x1810  }
0x447: {  	_ =	swait.ge @p1 [sflag:s17], $0x1810  }
0x448: {  	s2 =	simm.s32 @!p1 $0x1;
	s22 =	simm.s32 @!p1 $0x2;
	[sflag:s17] =	ssyncset.done @p1 $0x0  }
0x449: {  	s19 =	rddreg [dreg:$0xa];
	[sflag:s17] =	ssyncadd.s32 @p1 $0xFFFFE7F0;
	s17 =	simm.s32 @!p1 $0x14  }
0x44a: {  	[hbm:s19@s17], [sflag:s21] =	dma.strided @!p1 [spmem:s20@s22], $0x1870, s2, $0x2   }
0x44b: {  	s17 =	simm.s32 @!p1 $0x3  }
0x44c: {  	_ =	swait.ge @!p1 [sflag:s17], $0x1870  }
0x44d: {  	[sflag:s17] =	ssyncset.done @!p1 $0x0  }
0x44e: {  	s23 =	simm.s32 @!p1 $0x10;
	s19 =	rddreg [dreg:$0xb];
	[sflag:s17] =	ssyncadd.s32 @!p1 $0xFFFFE790  }
0x44f: {  	[spmem:s24@s22], [sflag:s21] =	dma.strided @!p1 [hbm:s19@s23], $0x1870, s2, $0x2   }
0x450: {  	_ =	swait.ge @!p1 [sflag:s17], $0x1870  }
0x451: {  	[sflag:s17] =	ssyncset.done @!p1 $0x0  }
0x452: {  	[sflag:s17] =	ssyncadd.s32 @!p1 $0xFFFFE790  }
0x453: {  	[spmem:s20], [sflag:s21] =	dma.local @!p1 [hbm:s25], $0x1870  }
0x454: {  	_ =	swait.ge @!p1 [sflag:s17], $0x1870  }
0x455: {  	[sflag:s17] =	ssyncset.done @!p1 $0x0  }
0x456: {  	[sflag:s17] =	ssyncadd.s32 @!p1 $0xFFFFE790  }
0x457: {  	s23 =	sadd.s32 $0x0, s31;
	[bflag:$0x0] =	sbarrier.arrive $0xFFFF  }
0x458: {  	[tilespmem:s5], [sflag:$0x3] =	stream.linear.gather [hbm4b:s23+s5], $0x800, $0x38;
	[tilespmem:$0x1F700] =	vst v63  }
0x459: {  	_ =	swait.ge [sflag:s28], $0x800  }
0x45a: {  	[sflag:s28] =	ssyncset.done $0x0  }
0x45b: {  	s25 =	sadd.s32 $0x0, s6;
	[sflag:s28] =	ssyncadd.s32 $0xFFFFF800  }
0x45c: {  	[tilespmem:s29], [sflag:$0x3] =	stream.linear.gather [hbm4b:s25+s5], $0x800, $0x38;
	[tilespmem:$0x1F700] =	vst v63  }
0x45d: {  	_ =	swait.ge [sflag:s28], $0x800  }
0x45e: {  	[sflag:s28] =	ssyncset.done $0x0  }
0x45f: {  	[sflag:s28] =	ssyncadd.s32 $0xFFFFF800  }
0x460: {  	[tilespmem:s1], [sflag:$0x1] =	stream.indirect.gather [spmem:s3], $0x10, s5, s30, $0xb8;
	[tilespmem:$0x1F700] =	vst v63  }
0x461: {  	_ = 	snop  }
0x462: {  	[tilespmem:s7], [sflag:$0x1] =	stream.indirect.gather [spmem:s3], $0x10, s30, s30, $0xb8;
	[tilespmem:$0x1F700] =	vst v63  }
0x463: {  	_ =	swait.ge [sflag:s8], $0x2000  }
0x464: {  	[sflag:s8] =	ssyncset.done $0x0  }
0x465: {  	[sflag:s8] =	ssyncadd.s32 $0xFFFFE000  }
0x466: {  	[spmem:s4] =	stream.indirect.scatter.add.f32 [tilespmem:s1], [sflag:$0x2], $0x10, s29, s30, $0xb8;
	[tilespmem:$0x1F700] =	vst v63  }
0x467: {  	_ = 	snop  }
0x468: {  	[tilespmem:s11], [sflag:$0x1] =	stream.indirect.gather [spmem:s3], $0x10, s10, s30, $0xb8;
	[tilespmem:$0x1F700] =	vst v63  }
0x469: {  	_ =	swait.ge [sflag:s8], $0x2000  }
0x46a: {  	[sflag:s8] =	ssyncset.done $0x0  }
0x46b: {  	[sflag:s8] =	ssyncadd.s32 $0xFFFFE000  }
0x46c: {  	[spmem:s4] =	stream.indirect.scatter.add.f32 [tilespmem:s7], [sflag:$0x2], $0x10, s12, s30, $0xb8;
	[tilespmem:$0x1F700] =	vst v63  }
0x46d: {  	_ =	swait.ge [sflag:s13], $0x2000  }
0x46e: {  	[sflag:s13] =	ssyncset.done $0x0  }
0x46f: {  	[sflag:s13] =	ssyncadd.s32 $0xFFFFE000  }
0x470: {  	[tilespmem:s1], [sflag:$0x1] =	stream.indirect.gather [spmem:s3], $0x10, s15, s30, $0xb8;
	[tilespmem:$0x1F700] =	vst v63  }
0x471: {  	_ =	swait.ge [sflag:s8], $0x2000  }
0x472: {  	[sflag:s8] =	ssyncset.done $0x0  }
0x473: {  	[sflag:s8] =	ssyncadd.s32 $0xFFFFE000  }
0x474: {  	[spmem:s4] =	stream.indirect.scatter.add.f32 [tilespmem:s11], [sflag:$0x2], $0x10, s16, s30, $0xb8;
	[tilespmem:$0x1F700] =	vst v63  }
0x475: {  	_ =	swait.ge [sflag:s8], $0x2000  }
0x476: {  	[sflag:s8] =	ssyncset.done $0x0  }
0x477: {  	[sflag:s8] =	ssyncadd.s32 $0xFFFFE000  }
0x478: {  	[spmem:s4] =	stream.indirect.scatter.add.f32 [tilespmem:s1], [sflag:$0x2], $0x10, s18, s30, $0xb8;
	[tilespmem:$0x1F700] =	vst v63  }
0x479: {  	_ =	swait.ge [sflag:s13], $0x2000  }
0x47a: {  	[sflag:s13] =	ssyncset.done $0x0  }
0x47b: {  	[sflag:s13] =	ssyncadd.s32 $0xFFFFE000  }
0x47c: {  	_ =	swait.ge [sflag:s13], $0x2000  }
0x47d: {  	[sflag:s13] =	ssyncset.done $0x0  }
0x47e: {  	[sflag:s13] =	ssyncadd.s32 $0xFFFFE000  }
0x47f: {  	_ =	swait.ge [sflag:s13], $0x2000  }
0x480: {  	s17 =	simm.s32 $0x100;
	s23 =	simm.s32 $0x200;
	[sflag:s13] =	ssyncset.done $0x0  }
.LBB2_7:
0x481: {  	s2 =	sadd.s32 s17, s31  }
0x482: {  	[sflag:s13] =	ssyncadd.s32 $0xFFFFE000;
	s25 =	smov.u32 s23;
	s22 =	sadd.s32 $0x100, s23  }
0x483: {  	[tilespmem:s5], [sflag:$0x3] =	stream.linear.gather [hbm4b:s2+s5], $0x800, $0x38;
	[tilespmem:$0x1F700] =	vst v63  }
0x484: {  	p2 =	sne.s32 s23, $0x1800;
	_ =	swait.ge [sflag:s28], $0x800  }
0x485: {  	[sflag:s28] =	ssyncset.done $0x0  }
0x486: {  	s2 =	sadd.s32 s17, s6;
	s17 =	smov.u32 s25;
	[sflag:s28] =	ssyncadd.s32 $0xFFFFF800  }
0x487: {  	[tilespmem:s29], [sflag:$0x3] =	stream.linear.gather [hbm4b:s2+s5], $0x800, $0x38;
	[tilespmem:$0x1F700] =	vst v63  }
0x488: {  	_ =	swait.ge [sflag:s28], $0x800  }
0x489: {  	[sflag:s28] =	ssyncset.done $0x0  }
0x48a: {  	[sflag:s28] =	ssyncadd.s32 $0xFFFFF800  }
0x48b: {  	[tilespmem:s1], [sflag:$0x1] =	stream.indirect.gather [spmem:s3], $0x10, s5, s30, $0xb8;
	[tilespmem:$0x1F700] =	vst v63  }
0x48c: {  	_ = 	snop  }
0x48d: {  	[tilespmem:s7], [sflag:$0x1] =	stream.indirect.gather [spmem:s3], $0x10, s30, s30, $0xb8;
	[tilespmem:$0x1F700] =	vst v63  }
0x48e: {  	_ =	swait.ge [sflag:s8], $0x2000  }
0x48f: {  	[sflag:s8] =	ssyncset.done $0x0  }
0x490: {  	[sflag:s8] =	ssyncadd.s32 $0xFFFFE000  }
0x491: {  	[spmem:s4] =	stream.indirect.scatter.add.f32 [tilespmem:s1], [sflag:$0x2], $0x10, s29, s30, $0xb8;
	[tilespmem:$0x1F700] =	vst v63  }
0x492: {  	_ = 	snop  }
0x493: {  	[tilespmem:s11], [sflag:$0x1] =	stream.indirect.gather [spmem:s3], $0x10, s10, s30, $0xb8;
	[tilespmem:$0x1F700] =	vst v63  }
0x494: {  	_ =	swait.ge [sflag:s8], $0x2000  }
0x495: {  	[sflag:s8] =	ssyncset.done $0x0  }
0x496: {  	[sflag:s8] =	ssyncadd.s32 $0xFFFFE000  }
0x497: {  	[spmem:s4] =	stream.indirect.scatter.add.f32 [tilespmem:s7], [sflag:$0x2], $0x10, s12, s30, $0xb8;
	[tilespmem:$0x1F700] =	vst v63  }
0x498: {  	_ =	swait.ge [sflag:s13], $0x2000  }
0x499: {  	[sflag:s13] =	ssyncset.done $0x0  }
0x49a: {  	[sflag:s13] =	ssyncadd.s32 $0xFFFFE000  }
0x49b: {  	[tilespmem:s1], [sflag:$0x1] =	stream.indirect.gather [spmem:s3], $0x10, s15, s30, $0xb8;
	[tilespmem:$0x1F700] =	vst v63  }
0x49c: {  	_ =	swait.ge [sflag:s8], $0x2000  }
0x49d: {  	[sflag:s8] =	ssyncset.done $0x0  }
0x49e: {  	[sflag:s8] =	ssyncadd.s32 $0xFFFFE000  }
0x49f: {  	[spmem:s4] =	stream.indirect.scatter.add.f32 [tilespmem:s11], [sflag:$0x2], $0x10, s16, s30, $0xb8;
	[tilespmem:$0x1F700] =	vst v63  }
0x4a0: {  	_ =	swait.ge [sflag:s8], $0x2000  }
0x4a1: {  	[sflag:s8] =	ssyncset.done $0x0  }
0x4a2: {  	[sflag:s8] =	ssyncadd.s32 $0xFFFFE000  }
0x4a3: {  	[spmem:s4] =	stream.indirect.scatter.add.f32 [tilespmem:s1], [sflag:$0x2], $0x10, s18, s30, $0xb8;
	[tilespmem:$0x1F700] =	vst v63  }
0x4a4: {  	_ =	swait.ge [sflag:s13], $0x2000  }
0x4a5: {  	[sflag:s13] =	ssyncset.done $0x0  }
0x4a6: {  	[sflag:s13] =	ssyncadd.s32 $0xFFFFE000  }
.Ltmp11:
0x4a7: {  	_ =	swait.ge [sflag:s13], $0x2000;
	(pc) =	sbr.rel @p2 .LBB2_7-.Ltmp11, $4  }
0x4a8: {  	[sflag:s13] =	ssyncset.done $0x0  }
0x4a9: {  	[sflag:s13] =	ssyncadd.s32 $0xFFFFE000  }
0x4aa: {  	_ =	swait.ge [sflag:s13], $0x2000  }
0x4ab: {  	s23 =	smov.u32 s22;
	[sflag:s13] =	ssyncset.done $0x0  }
0x4ac: {  	s2 =	sadd.s32 s17, s31;
	[sflag:s13] =	ssyncadd.s32 $0xFFFFE000  }
0x4ad: {  	[tilespmem:s5], [sflag:$0x3] =	stream.linear.gather [hbm4b:s2+s5], $0x800, $0x38;
	[tilespmem:$0x1F700] =	vst v63  }
0x4ae: {  	_ =	swait.ge [sflag:s28], $0x800  }
0x4af: {  	[sflag:s28] =	ssyncset.done $0x0  }
0x4b0: {  	s23 =	sadd.s32 s17, s6;
	[sflag:s28] =	ssyncadd.s32 $0xFFFFF800  }
0x4b1: {  	[tilespmem:s29], [sflag:$0x3] =	stream.linear.gather [hbm4b:s23+s5], $0x800, $0x38;
	[tilespmem:$0x1F700] =	vst v63  }
0x4b2: {  	_ =	swait.ge [sflag:s28], $0x800  }
0x4b3: {  	[sflag:s28] =	ssyncset.done $0x0  }
0x4b4: {  	[sflag:s28] =	ssyncadd.s32 $0xFFFFF800  }
0x4b5: {  	[tilespmem:s1], [sflag:$0x1] =	stream.indirect.gather [spmem:s3], $0x10, s5, s30, $0xb8;
	[tilespmem:$0x1F700] =	vst v63  }
0x4b6: {  	_ = 	snop  }
0x4b7: {  	[tilespmem:s7], [sflag:$0x1] =	stream.indirect.gather [spmem:s3], $0x10, s30, s30, $0xb8;
	[tilespmem:$0x1F700] =	vst v63  }
0x4b8: {  	_ =	swait.ge [sflag:s8], $0x2000  }
0x4b9: {  	[sflag:s8] =	ssyncset.done $0x0  }
0x4ba: {  	[sflag:s8] =	ssyncadd.s32 $0xFFFFE000  }
0x4bb: {  	[spmem:s4] =	stream.indirect.scatter.add.f32 [tilespmem:s1], [sflag:$0x2], $0x10, s29, s30, $0xb8;
	[tilespmem:$0x1F700] =	vst v63  }
0x4bc: {  	_ = 	snop  }
0x4bd: {  	[tilespmem:s11], [sflag:$0x1] =	stream.indirect.gather [spmem:s3], $0x10, s10, s30, $0xb8;
	[tilespmem:$0x1F700] =	vst v63  }
0x4be: {  	_ =	swait.ge [sflag:s8], $0x2000  }
0x4bf: {  	[sflag:s8] =	ssyncset.done $0x0  }
0x4c0: {  	[sflag:s8] =	ssyncadd.s32 $0xFFFFE000  }
0x4c1: {  	[spmem:s4] =	stream.indirect.scatter.add.f32 [tilespmem:s7], [sflag:$0x2], $0x10, s12, s30, $0xb8;
	[tilespmem:$0x1F700] =	vst v63  }
0x4c2: {  	_ =	swait.ge [sflag:s13], $0x2000  }
0x4c3: {  	[sflag:s13] =	ssyncset.done $0x0  }
0x4c4: {  	[sflag:s13] =	ssyncadd.s32 $0xFFFFE000  }
0x4c5: {  	[tilespmem:s1], [sflag:$0x1] =	stream.indirect.gather [spmem:s3], $0x10, s15, s30, $0xb8;
	[tilespmem:$0x1F700] =	vst v63  }
0x4c6: {  	_ =	swait.ge [sflag:s8], $0x2000  }
0x4c7: {  	[sflag:s8] =	ssyncset.done $0x0  }
0x4c8: {  	[sflag:s8] =	ssyncadd.s32 $0xFFFFE000  }
0x4c9: {  	[spmem:s4] =	stream.indirect.scatter.add.f32 [tilespmem:s11], [sflag:$0x2], $0x10, s16, s30, $0xb8;
	[tilespmem:$0x1F700] =	vst v63  }
0x4ca: {  	_ =	swait.ge [sflag:s8], $0x2000  }
0x4cb: {  	[sflag:s8] =	ssyncset.done $0x0  }
0x4cc: {  	[sflag:s8] =	ssyncadd.s32 $0xFFFFE000  }
0x4cd: {  	[spmem:s4] =	stream.indirect.scatter.add.f32 [tilespmem:s1], [sflag:$0x2], $0x10, s18, s30, $0xb8;
	[tilespmem:$0x1F700] =	vst v63  }
0x4ce: {  	_ =	swait.ge [sflag:s13], $0x2000  }
0x4cf: {  	[sflag:s13] =	ssyncset.done $0x0  }
0x4d0: {  	[sflag:s13] =	ssyncadd.s32 $0xFFFFE000  }
0x4d1: {  	_ =	swait.ge [sflag:s13], $0x2000  }
0x4d2: {  	[sflag:s13] =	ssyncset.done $0x0  }
0x4d3: {  	[sflag:s13] =	ssyncadd.s32 $0xFFFFE000  }
0x4d4: {  	_ =	swait.ge [sflag:s13], $0x2000  }
0x4d5: {  	[sflag:s13] =	ssyncset.done $0x0  }
0x4d6: {  	[sflag:s13] =	ssyncadd.s32 $0xFFFFE000  }
0x4d7: {  	s17 =	simm.s32 @p1 $0x14;
	s22 =	simm.s32 @p1 $0x2;
	[bflag:$0x0] =	sbarrier.arrive $0xFFFF  }
0x4d8: {  	s2 =	simm.s32 @p1 $0x1;
	s23 =	simm.s32 @p1 $0x1FC3;
	s19 =	rddreg [dreg:$0x1f]  }
0x4d9: {  	[hbm:s19@s17], [sflag:s23] =	dma.strided @p1 [spmem:s0@s22], $0x1810, s2, $0x2   }
0x4da: {  	s17 =	simm.s32 @p1 $0x3  }
0x4db: {  	_ =	swait.ge @p1 [sflag:s17], $0x1810  }
0x4dc: {  	s19 =	sld [smem:$0x7ED]  }
0x4dd: {  	[sflag:s17] =	ssyncset.done @p1 $0x0  }
0x4de: {  	s25 =	simm.s32 @p1 $0x10;
	[sflag:s17] =	ssyncadd.s32 @p1 $0xFFFFE7F0  }
0x4df: {  	[spmem:s14@s22], [sflag:s23] =	dma.strided @p1 [hbm:s19@s25], $0x1810, s2, $0x2   }
0x4e0: {  	_ =	swait.ge @p1 [sflag:s17], $0x1810  }
0x4e1: {  	[sflag:s17] =	ssyncset.done @p1 $0x0  }
0x4e2: {  	[sflag:s17] =	ssyncadd.s32 @p1 $0xFFFFE7F0  }
0x4e3: {  	s25 =	rddreg [dreg:$0x3]  }
0x4e4: {  	[spmem:s0], [sflag:s23] =	dma.local @p1 [hbm:s25], $0x1810  }
0x4e5: {  	_ =	swait.ge @p1 [sflag:s17], $0x1810  }
0x4e6: {  	s2 =	simm.s32 @!p1 $0x1;
	s14 =	simm.s32 @!p1 $0x14;
	[sflag:s17] =	ssyncset.done @p1 $0x0  }
0x4e7: {  	s19 =	rddreg [dreg:$0xc];
	[sflag:s17] =	ssyncadd.s32 @p1 $0xFFFFE7F0;
	s17 =	simm.s32 @!p1 $0x2  }
0x4e8: {  	[hbm:s19@s14], [sflag:s21] =	dma.strided @!p1 [spmem:s20@s17], $0x1870, s2, $0x2   }
0x4e9: {  	s14 =	simm.s32 @!p1 $0x3  }
0x4ea: {  	_ =	swait.ge @!p1 [sflag:s14], $0x1870  }
0x4eb: {  	[sflag:s14] =	ssyncset.done @!p1 $0x0  }
0x4ec: {  	s22 =	simm.s32 @!p1 $0x10;
	s19 =	rddreg [dreg:$0xd];
	[sflag:s14] =	ssyncadd.s32 @!p1 $0xFFFFE790  }
0x4ed: {  	[spmem:s24@s17], [sflag:s21] =	dma.strided @!p1 [hbm:s19@s22], $0x1870, s2, $0x2   }
0x4ee: {  	_ =	swait.ge @!p1 [sflag:s14], $0x1870  }
0x4ef: {  	[sflag:s14] =	ssyncset.done @!p1 $0x0  }
0x4f0: {  	[sflag:s14] =	ssyncadd.s32 @!p1 $0xFFFFE790  }
0x4f1: {  	[spmem:s20], [sflag:s21] =	dma.local @!p1 [hbm:s25], $0x1870  }
0x4f2: {  	_ =	swait.ge @!p1 [sflag:s14], $0x1870  }
0x4f3: {  	[sflag:s14] =	ssyncset.done @!p1 $0x0  }
0x4f4: {  	[sflag:s14] =	ssyncadd.s32 @!p1 $0xFFFFE790  }
0x4f5: {  	s24 =	sadd.s32 $0x0, s31;
	[bflag:$0x0] =	sbarrier.arrive $0xFFFF  }
0x4f6: {  	[tilespmem:s5], [sflag:$0x3] =	stream.linear.gather [hbm4b:s24+s5], $0x800, $0x38;
	[tilespmem:$0x1F700] =	vst v63  }
0x4f7: {  	_ =	swait.ge [sflag:s28], $0x800  }
0x4f8: {  	[sflag:s28] =	ssyncset.done $0x0  }
0x4f9: {  	s25 =	sadd.s32 $0x0, s6;
	[sflag:s28] =	ssyncadd.s32 $0xFFFFF800  }
0x4fa: {  	[tilespmem:s29], [sflag:$0x3] =	stream.linear.gather [hbm4b:s25+s5], $0x800, $0x38;
	[tilespmem:$0x1F700] =	vst v63  }
0x4fb: {  	_ =	swait.ge [sflag:s28], $0x800  }
0x4fc: {  	[sflag:s28] =	ssyncset.done $0x0  }
0x4fd: {  	[sflag:s28] =	ssyncadd.s32 $0xFFFFF800  }
0x4fe: {  	[tilespmem:s1], [sflag:$0x1] =	stream.indirect.gather [spmem:s3], $0x10, s5, s30, $0xb8;
	[tilespmem:$0x1F700] =	vst v63  }
0x4ff: {  	_ = 	snop  }
0x500: {  	[tilespmem:s7], [sflag:$0x1] =	stream.indirect.gather [spmem:s3], $0x10, s30, s30, $0xb8;
	[tilespmem:$0x1F700] =	vst v63  }
0x501: {  	_ =	swait.ge [sflag:s8], $0x2000  }
0x502: {  	[sflag:s8] =	ssyncset.done $0x0  }
0x503: {  	[sflag:s8] =	ssyncadd.s32 $0xFFFFE000  }
0x504: {  	[spmem:s4] =	stream.indirect.scatter.add.f32 [tilespmem:s1], [sflag:$0x2], $0x10, s29, s30, $0xb8;
	[tilespmem:$0x1F700] =	vst v63  }
0x505: {  	_ = 	snop  }
0x506: {  	[tilespmem:s11], [sflag:$0x1] =	stream.indirect.gather [spmem:s3], $0x10, s10, s30, $0xb8;
	[tilespmem:$0x1F700] =	vst v63  }
0x507: {  	_ =	swait.ge [sflag:s8], $0x2000  }
0x508: {  	[sflag:s8] =	ssyncset.done $0x0  }
0x509: {  	[sflag:s8] =	ssyncadd.s32 $0xFFFFE000  }
0x50a: {  	[spmem:s4] =	stream.indirect.scatter.add.f32 [tilespmem:s7], [sflag:$0x2], $0x10, s12, s30, $0xb8;
	[tilespmem:$0x1F700] =	vst v63  }
0x50b: {  	_ =	swait.ge [sflag:s13], $0x2000  }
0x50c: {  	[sflag:s13] =	ssyncset.done $0x0  }
0x50d: {  	[sflag:s13] =	ssyncadd.s32 $0xFFFFE000  }
0x50e: {  	[tilespmem:s1], [sflag:$0x1] =	stream.indirect.gather [spmem:s3], $0x10, s15, s30, $0xb8;
	[tilespmem:$0x1F700] =	vst v63  }
0x50f: {  	_ =	swait.ge [sflag:s8], $0x2000  }
0x510: {  	[sflag:s8] =	ssyncset.done $0x0  }
0x511: {  	[sflag:s8] =	ssyncadd.s32 $0xFFFFE000  }
0x512: {  	[spmem:s4] =	stream.indirect.scatter.add.f32 [tilespmem:s11], [sflag:$0x2], $0x10, s16, s30, $0xb8;
	[tilespmem:$0x1F700] =	vst v63  }
0x513: {  	_ =	swait.ge [sflag:s8], $0x2000  }
0x514: {  	[sflag:s8] =	ssyncset.done $0x0  }
0x515: {  	[sflag:s8] =	ssyncadd.s32 $0xFFFFE000  }
0x516: {  	[spmem:s4] =	stream.indirect.scatter.add.f32 [tilespmem:s1], [sflag:$0x2], $0x10, s18, s30, $0xb8;
	[tilespmem:$0x1F700] =	vst v63  }
0x517: {  	_ =	swait.ge [sflag:s13], $0x2000  }
0x518: {  	[sflag:s13] =	ssyncset.done $0x0  }
0x519: {  	[sflag:s13] =	ssyncadd.s32 $0xFFFFE000  }
0x51a: {  	_ =	swait.ge [sflag:s13], $0x2000  }
0x51b: {  	[sflag:s13] =	ssyncset.done $0x0  }
0x51c: {  	[sflag:s13] =	ssyncadd.s32 $0xFFFFE000  }
0x51d: {  	_ =	swait.ge [sflag:s13], $0x2000  }
0x51e: {  	s22 =	simm.s32 $0x200;
	s14 =	simm.s32 $0x100;
	[sflag:s13] =	ssyncset.done $0x0  }
.LBB2_9:
0x51f: {  	s2 =	sadd.s32 s14, s31  }
0x520: {  	[sflag:s13] =	ssyncadd.s32 $0xFFFFE000;
	s23 =	smov.u32 s22;
	s17 =	sadd.s32 $0x100, s22  }
0x521: {  	[tilespmem:s5], [sflag:$0x3] =	stream.linear.gather [hbm4b:s2+s5], $0x800, $0x38;
	[tilespmem:$0x1F700] =	vst v63  }
0x522: {  	p2 =	sne.s32 s22, $0x1800;
	_ =	swait.ge [sflag:s28], $0x800  }
0x523: {  	[sflag:s28] =	ssyncset.done $0x0  }
0x524: {  	s2 =	sadd.s32 s14, s6;
	s14 =	smov.u32 s23;
	[sflag:s28] =	ssyncadd.s32 $0xFFFFF800  }
0x525: {  	[tilespmem:s29], [sflag:$0x3] =	stream.linear.gather [hbm4b:s2+s5], $0x800, $0x38;
	[tilespmem:$0x1F700] =	vst v63  }
0x526: {  	_ =	swait.ge [sflag:s28], $0x800  }
0x527: {  	[sflag:s28] =	ssyncset.done $0x0  }
0x528: {  	[sflag:s28] =	ssyncadd.s32 $0xFFFFF800  }
0x529: {  	[tilespmem:s1], [sflag:$0x1] =	stream.indirect.gather [spmem:s3], $0x10, s5, s30, $0xb8;
	[tilespmem:$0x1F700] =	vst v63  }
0x52a: {  	_ = 	snop  }
0x52b: {  	[tilespmem:s7], [sflag:$0x1] =	stream.indirect.gather [spmem:s3], $0x10, s30, s30, $0xb8;
	[tilespmem:$0x1F700] =	vst v63  }
0x52c: {  	_ =	swait.ge [sflag:s8], $0x2000  }
0x52d: {  	[sflag:s8] =	ssyncset.done $0x0  }
0x52e: {  	[sflag:s8] =	ssyncadd.s32 $0xFFFFE000  }
0x52f: {  	[spmem:s4] =	stream.indirect.scatter.add.f32 [tilespmem:s1], [sflag:$0x2], $0x10, s29, s30, $0xb8;
	[tilespmem:$0x1F700] =	vst v63  }
0x530: {  	_ = 	snop  }
0x531: {  	[tilespmem:s11], [sflag:$0x1] =	stream.indirect.gather [spmem:s3], $0x10, s10, s30, $0xb8;
	[tilespmem:$0x1F700] =	vst v63  }
0x532: {  	_ =	swait.ge [sflag:s8], $0x2000  }
0x533: {  	[sflag:s8] =	ssyncset.done $0x0  }
0x534: {  	[sflag:s8] =	ssyncadd.s32 $0xFFFFE000  }
0x535: {  	[spmem:s4] =	stream.indirect.scatter.add.f32 [tilespmem:s7], [sflag:$0x2], $0x10, s12, s30, $0xb8;
	[tilespmem:$0x1F700] =	vst v63  }
0x536: {  	_ =	swait.ge [sflag:s13], $0x2000  }
0x537: {  	[sflag:s13] =	ssyncset.done $0x0  }
0x538: {  	[sflag:s13] =	ssyncadd.s32 $0xFFFFE000  }
0x539: {  	[tilespmem:s1], [sflag:$0x1] =	stream.indirect.gather [spmem:s3], $0x10, s15, s30, $0xb8;
	[tilespmem:$0x1F700] =	vst v63  }
0x53a: {  	_ =	swait.ge [sflag:s8], $0x2000  }
0x53b: {  	[sflag:s8] =	ssyncset.done $0x0  }
0x53c: {  	[sflag:s8] =	ssyncadd.s32 $0xFFFFE000  }
0x53d: {  	[spmem:s4] =	stream.indirect.scatter.add.f32 [tilespmem:s11], [sflag:$0x2], $0x10, s16, s30, $0xb8;
	[tilespmem:$0x1F700] =	vst v63  }
0x53e: {  	_ =	swait.ge [sflag:s8], $0x2000  }
0x53f: {  	[sflag:s8] =	ssyncset.done $0x0  }
0x540: {  	[sflag:s8] =	ssyncadd.s32 $0xFFFFE000  }
0x541: {  	[spmem:s4] =	stream.indirect.scatter.add.f32 [tilespmem:s1], [sflag:$0x2], $0x10, s18, s30, $0xb8;
	[tilespmem:$0x1F700] =	vst v63  }
0x542: {  	_ =	swait.ge [sflag:s13], $0x2000  }
0x543: {  	[sflag:s13] =	ssyncset.done $0x0  }
0x544: {  	[sflag:s13] =	ssyncadd.s32 $0xFFFFE000  }
.Ltmp12:
0x545: {  	_ =	swait.ge [sflag:s13], $0x2000;
	(pc) =	sbr.rel @p2 .LBB2_9-.Ltmp12, $4  }
0x546: {  	[sflag:s13] =	ssyncset.done $0x0  }
0x547: {  	[sflag:s13] =	ssyncadd.s32 $0xFFFFE000  }
0x548: {  	_ =	swait.ge [sflag:s13], $0x2000  }
0x549: {  	s22 =	smov.u32 s17;
	[sflag:s13] =	ssyncset.done $0x0  }
0x54a: {  	s2 =	sadd.s32 s14, s31;
	[sflag:s13] =	ssyncadd.s32 $0xFFFFE000  }
0x54b: {  	[tilespmem:s5], [sflag:$0x3] =	stream.linear.gather [hbm4b:s2+s5], $0x800, $0x38;
	[tilespmem:$0x1F700] =	vst v63  }
0x54c: {  	_ =	swait.ge [sflag:s28], $0x800  }
0x54d: {  	[sflag:s28] =	ssyncset.done $0x0  }
0x54e: {  	s22 =	sadd.s32 s14, s6;
	[sflag:s28] =	ssyncadd.s32 $0xFFFFF800  }
0x54f: {  	[tilespmem:s29], [sflag:$0x3] =	stream.linear.gather [hbm4b:s22+s5], $0x800, $0x38;
	[tilespmem:$0x1F700] =	vst v63  }
0x550: {  	_ =	swait.ge [sflag:s28], $0x800  }
0x551: {  	[sflag:s28] =	ssyncset.done $0x0  }
0x552: {  	[sflag:s28] =	ssyncadd.s32 $0xFFFFF800  }
0x553: {  	[tilespmem:s1], [sflag:$0x1] =	stream.indirect.gather [spmem:s3], $0x10, s5, s30, $0xb8;
	[tilespmem:$0x1F700] =	vst v63  }
0x554: {  	_ = 	snop  }
0x555: {  	[tilespmem:s7], [sflag:$0x1] =	stream.indirect.gather [spmem:s3], $0x10, s30, s30, $0xb8;
	[tilespmem:$0x1F700] =	vst v63  }
0x556: {  	_ =	swait.ge [sflag:s8], $0x2000  }
0x557: {  	[sflag:s8] =	ssyncset.done $0x0  }
0x558: {  	[sflag:s8] =	ssyncadd.s32 $0xFFFFE000  }
0x559: {  	[spmem:s4] =	stream.indirect.scatter.add.f32 [tilespmem:s1], [sflag:$0x2], $0x10, s29, s30, $0xb8;
	[tilespmem:$0x1F700] =	vst v63  }
0x55a: {  	_ = 	snop  }
0x55b: {  	[tilespmem:s11], [sflag:$0x1] =	stream.indirect.gather [spmem:s3], $0x10, s10, s30, $0xb8;
	[tilespmem:$0x1F700] =	vst v63  }
0x55c: {  	_ =	swait.ge [sflag:s8], $0x2000  }
0x55d: {  	[sflag:s8] =	ssyncset.done $0x0  }
0x55e: {  	[sflag:s8] =	ssyncadd.s32 $0xFFFFE000  }
0x55f: {  	[spmem:s4] =	stream.indirect.scatter.add.f32 [tilespmem:s7], [sflag:$0x2], $0x10, s12, s30, $0xb8;
	[tilespmem:$0x1F700] =	vst v63  }
0x560: {  	_ =	swait.ge [sflag:s13], $0x2000  }
0x561: {  	[sflag:s13] =	ssyncset.done $0x0  }
0x562: {  	[sflag:s13] =	ssyncadd.s32 $0xFFFFE000  }
0x563: {  	[tilespmem:s1], [sflag:$0x1] =	stream.indirect.gather [spmem:s3], $0x10, s15, s30, $0xb8;
	[tilespmem:$0x1F700] =	vst v63  }
0x564: {  	_ =	swait.ge [sflag:s8], $0x2000  }
0x565: {  	[sflag:s8] =	ssyncset.done $0x0  }
0x566: {  	[sflag:s8] =	ssyncadd.s32 $0xFFFFE000  }
0x567: {  	[spmem:s4] =	stream.indirect.scatter.add.f32 [tilespmem:s11], [sflag:$0x2], $0x10, s16, s30, $0xb8;
	[tilespmem:$0x1F700] =	vst v63  }
0x568: {  	_ =	swait.ge [sflag:s8], $0x2000  }
0x569: {  	[sflag:s8] =	ssyncset.done $0x0  }
0x56a: {  	[sflag:s8] =	ssyncadd.s32 $0xFFFFE000  }
0x56b: {  	[spmem:s4] =	stream.indirect.scatter.add.f32 [tilespmem:s1], [sflag:$0x2], $0x10, s18, s30, $0xb8;
	[tilespmem:$0x1F700] =	vst v63  }
0x56c: {  	_ =	swait.ge [sflag:s13], $0x2000  }
0x56d: {  	[sflag:s13] =	ssyncset.done $0x0  }
0x56e: {  	[sflag:s13] =	ssyncadd.s32 $0xFFFFE000  }
0x56f: {  	_ =	swait.ge [sflag:s13], $0x2000  }
0x570: {  	[sflag:s13] =	ssyncset.done $0x0  }
0x571: {  	[sflag:s13] =	ssyncadd.s32 $0xFFFFE000  }
0x572: {  	_ =	swait.ge [sflag:s13], $0x2000  }
0x573: {  	[sflag:s13] =	ssyncset.done $0x0  }
0x574: {  	[sflag:s13] =	ssyncadd.s32 $0xFFFFE000  }
0x575: {  	[bflag:$0x0] =	sbarrier.arrive $0xFFFF  }
0x576: {  	s19 =	sld [smem:$0x7EE]  }
0x577: {  	s14 =	simm.s32 @p1 $0x14  }
0x578: {  	s17 =	simm.s32 @p1 $0x2;
	s2 =	simm.s32 @p1 $0x1;
	s22 =	simm.s32 @p1 $0x1FC3  }
0x579: {  	[hbm:s19@s14], [sflag:s22] =	dma.strided @p1 [spmem:s0@s17], $0x1810, s2, $0x2   }
0x57a: {  	s2 =	simm.s32 @p1 $0x3  }
0x57b: {  	_ =	swait.ge @p1 [sflag:s2], $0x1810  }
0x57c: {  	[sflag:s2] =	ssyncset.done @p1 $0x0  }
0x57d: {  	[sflag:s2] =	ssyncadd.s32 @p1 $0xFFFFE7F0  }
0x57e: {  	s23 =	rddreg [dreg:$0x3]  }
0x57f: {  	[spmem:s0], [sflag:s22] =	dma.local @p1 [hbm:s23], $0x1810  }
0x580: {  	_ =	swait.ge @p1 [sflag:s2], $0x1810  }
0x581: {  	s14 =	simm.s32 @!p1 $0x14;
	s17 =	simm.s32 @!p1 $0x2;
	[sflag:s2] =	ssyncset.done @p1 $0x0  }
0x582: {  	s19 =	rddreg [dreg:$0xe];
	[sflag:s2] =	ssyncadd.s32 @p1 $0xFFFFE7F0;
	s2 =	simm.s32 @!p1 $0x1  }
0x583: {  	[hbm:s19@s14], [sflag:s21] =	dma.strided @!p1 [spmem:s20@s17], $0x1870, s2, $0x2   }
0x584: {  	s2 =	simm.s32 @!p1 $0x3  }
0x585: {  	_ =	swait.ge @!p1 [sflag:s2], $0x1870  }
0x586: {  	[sflag:s2] =	ssyncset.done @!p1 $0x0  }
0x587: {  	[sflag:s2] =	ssyncadd.s32 @!p1 $0xFFFFE790  }
0x588: {  	[spmem:s20], [sflag:s21] =	dma.local @!p1 [hbm:s23], $0x1870  }
0x589: {  	_ =	swait.ge @!p1 [sflag:s2], $0x1870  }
0x58a: {  	[sflag:s2] =	ssyncset.done @!p1 $0x0  }
0x58b: {  	s23 =	simm.s32 $0x0;
	s24 =	rddreg [dreg:$0x19];
	[sflag:s2] =	ssyncadd.s32 @!p1 $0xFFFFE790  }
0x58c: {  	[tilespmem:s1], [sflag:$0x3] =	stream.linear.gather [hbm4b:s24+s23], $0x2000, $0x38;
	[tilespmem:$0x1F700] =	vst v63  }
0x58d: {  	_ =	swait.ge [sflag:s28], $0x2000  }
0x58e: {  	[sflag:s28] =	ssyncset.done $0x0  }
0x58f: {  	[sflag:s28] =	ssyncadd.s32 $0xFFFFE000  }
0x590: {  	s25 =	sadd.s32 $0x0, s9;
	[bflag:$0x0] =	sbarrier.arrive $0xFFFF  }
0x591: {  	[tilespmem:s29], [sflag:$0x3] =	stream.linear.gather [hbm4b:s25+s5], $0x400, $0x38;
	[tilespmem:$0x1F700] =	vst v63  }
0x592: {  	_ =	swait.ge [sflag:s28], $0x400  }
0x593: {  	[sflag:s28] =	ssyncset.done $0x0  }
0x594: {  	[sflag:s28] =	ssyncadd.s32 $0xFFFFFC00  }
0x595: {  	[spmem:s4] =	stream.indirect.scatter.add.f32 [tilespmem:s1], [sflag:$0x2], $0x10, s29, s30, $0xb8;
	[tilespmem:$0x1F700] =	vst v63  }
0x596: {  	_ = 	snop  }
0x597: {  	[spmem:s4] =	stream.indirect.scatter.add.f32 [tilespmem:s1], [sflag:$0x2], $0x10, s12, s30, $0xb8;
	[tilespmem:$0x1F700] =	vst v63  }
0x598: {  	_ =	swait.ge [sflag:s13], $0x2000  }
0x599: {  	[sflag:s13] =	ssyncset.done $0x0  }
0x59a: {  	[sflag:s13] =	ssyncadd.s32 $0xFFFFE000  }
0x59b: {  	_ =	swait.ge [sflag:s13], $0x2000  }
0x59c: {  	s14 =	simm.s32 $0x80;
	s17 =	simm.s32 $0x100;
	[sflag:s13] =	ssyncset.done $0x0  }
.LBB2_11:
0x59d: {  	s2 =	sadd.s32 s14, s9  }
0x59e: {  	[sflag:s13] =	ssyncadd.s32 $0xFFFFE000;
	s14 =	smov.u32 s17;
	s22 =	sadd.s32 $0x80, s17  }
0x59f: {  	[tilespmem:s29], [sflag:$0x3] =	stream.linear.gather [hbm4b:s2+s5], $0x400, $0x38;
	[tilespmem:$0x1F700] =	vst v63  }
0x5a0: {  	p2 =	sne.s32 s17, $0xC00;
	_ =	swait.ge [sflag:s28], $0x400  }
0x5a1: {  	[sflag:s28] =	ssyncset.done $0x0  }
0x5a2: {  	[sflag:s28] =	ssyncadd.s32 $0xFFFFFC00  }
0x5a3: {  	[spmem:s4] =	stream.indirect.scatter.add.f32 [tilespmem:s1], [sflag:$0x2], $0x10, s29, s30, $0xb8;
	[tilespmem:$0x1F700] =	vst v63  }
0x5a4: {  	_ = 	snop  }
0x5a5: {  	[spmem:s4] =	stream.indirect.scatter.add.f32 [tilespmem:s1], [sflag:$0x2], $0x10, s12, s30, $0xb8;
	[tilespmem:$0x1F700] =	vst v63  }
.Ltmp13:
0x5a6: {  	_ =	swait.ge [sflag:s13], $0x2000;
	(pc) =	sbr.rel @p2 .LBB2_11-.Ltmp13, $4  }
0x5a7: {  	[sflag:s13] =	ssyncset.done $0x0  }
0x5a8: {  	[sflag:s13] =	ssyncadd.s32 $0xFFFFE000  }
0x5a9: {  	_ =	swait.ge [sflag:s13], $0x2000  }
0x5aa: {  	s17 =	smov.u32 s22;
	[sflag:s13] =	ssyncset.done $0x0  }
0x5ab: {  	s2 =	sadd.s32 s14, s9;
	[sflag:s13] =	ssyncadd.s32 $0xFFFFE000  }
0x5ac: {  	[tilespmem:s29], [sflag:$0x3] =	stream.linear.gather [hbm4b:s2+s5], $0x400, $0x38;
	[tilespmem:$0x1F700] =	vst v63  }
0x5ad: {  	_ =	swait.ge [sflag:s28], $0x400  }
0x5ae: {  	[sflag:s28] =	ssyncset.done $0x0  }
0x5af: {  	[sflag:s28] =	ssyncadd.s32 $0xFFFFFC00  }
0x5b0: {  	[spmem:s4] =	stream.indirect.scatter.add.f32 [tilespmem:s1], [sflag:$0x2], $0x10, s29, s30, $0xb8;
	[tilespmem:$0x1F700] =	vst v63  }
0x5b1: {  	_ = 	snop  }
0x5b2: {  	[spmem:s4] =	stream.indirect.scatter.add.f32 [tilespmem:s1], [sflag:$0x2], $0x10, s12, s30, $0xb8;
	[tilespmem:$0x1F700] =	vst v63  }
0x5b3: {  	_ =	swait.ge [sflag:s13], $0x2000  }
0x5b4: {  	[sflag:s13] =	ssyncset.done $0x0  }
0x5b5: {  	[sflag:s13] =	ssyncadd.s32 $0xFFFFE000  }
0x5b6: {  	_ =	swait.ge [sflag:s13], $0x2000  }
0x5b7: {  	[sflag:s13] =	ssyncset.done $0x0  }
0x5b8: {  	[sflag:s13] =	ssyncadd.s32 $0xFFFFE000  }
0x5b9: {  	[bflag:$0x0] =	sbarrier.arrive $0xFFFF  }
0x5ba: {  	s19 =	sld [smem:$0x7EF]  }
0x5bb: {  	s14 =	simm.s32 @p1 $0x14  }
0x5bc: {  	s17 =	simm.s32 @p1 $0x2;
	s22 =	simm.s32 @p1 $0x1FC3;
	s2 =	simm.s32 @p1 $0x1  }
0x5bd: {  	[hbm:s19@s14], [sflag:s22] =	dma.strided @p1 [spmem:s0@s17], $0x1810, s2, $0x2   }
0x5be: {  	s0 =	simm.s32 @p1 $0x3  }
0x5bf: {  	_ =	swait.ge @p1 [sflag:s0], $0x1810  }
0x5c0: {  	s2 =	simm.s32 @!p1 $0x14;
	s14 =	simm.s32 @!p1 $0x2;
	[sflag:s0] =	ssyncset.done @p1 $0x0  }
0x5c1: {  	s17 =	rddreg [dreg:$0xf];
	[sflag:s0] =	ssyncadd.s32 @p1 $0xFFFFE7F0;
	s0 =	simm.s32 @!p1 $0x1  }
0x5c2: {  	[hbm:s17@s2], [sflag:s21] =	dma.strided @!p1 [spmem:s20@s14], $0x1870, s0, $0x2   }
.Ltmp14:
0x5c3: {  	_ = 	snop;
	(pc) =	sbr.rel .LBB2_24-.Ltmp14, $4  }
0x5c4: {  	s0 =	simm.s32 @!p1 $0x3  }
0x5c5: {  	_ =	swait.ge @!p1 [sflag:s0], $0x1870  }
0x5c6: {  	[sflag:s0] =	ssyncset.done @!p1 $0x0  }
0x5c7: {  	s2 =	sld [smem:$0x7EC];
	[sflag:s0] =	ssyncadd.s32 @!p1 $0xFFFFE790  }
.LBB2_25:
0x5c8: {  	_ =	sfence.sel $0x180000  }
0x5c9: {  	[bflag:$0x0] =	sbarrier.arrive $0xFFFF  }
0x5ca: {  	_ =	strace $0x90000047  }
0x5cb: {  	s0 =	stileid.u32;
	[bflag:$0x2] =	sbarrier.arrive $0xFFFF  }
0x5cc: {  	p0 =	sne.s32 s0, $0x0;
	s0 =	rddreg [dreg:$0x6]  }
0x5cd: {  	s0 =	sadd.s32 @!p0 $0x100000, s0  }
0x5ce: {  	[sflag:s0] =	ssyncadd.tile.s32 @!p0 $0x1;
	_ =	shalt  }
.Lfunc_end2:
_tile_overlayer_lowered:
.L_overlay_start_2:
0x5cf: {  	(tag) =	ssettag $0x2  }
0x5d0: {  	s0 =	rddreg [dreg:$0x0];
	s2 =	stileid.u32  }
0x5d1: {  	s1 =	rddreg [dreg:$0x1];
	p0 =	sne.s32 s2, $0x0  }
0x5d2: {  	s3 =	rddreg [dreg:$0x2];
	[bflag:$0x3] =	sbarrier.arrive $0xFFFF;
	s2 =	simm.s32 @!p0 $0x1C03  }
0x5d3: {  	[timem:s3], [sflag:s2] =	dma.local @!p0 [hbm:s0], s1  }
0x5d4: {  	s0 =	simm.s32 @!p0 $0x3  }
0x5d5: {  	_ =	swait.ge @!p0 [sflag:s0], s1  }
0x5d6: {  	s1 =	ssub.s32 @!p0 $0x0, s1;
	[sflag:s0] =	ssyncset.done @!p0 $0x0  }
0x5d7: {  	[sflag:s0] =	ssyncadd.s32 @!p0 s1  }
0x5d8: {  	[bflag:$0x3] =	sbarrier.arrive $0xFFFF  }
0x5d9: {  	_ =	shalt  }

</sc_bundles>
